<compile_context>
chip_gen: v7x
topology: tpu7x:2x2x1
jax: 0.10.2.dev20260603
libtpu: 0.0.44.dev20260713+nightly
codegen_flags: <defaults>
</compile_context>

<pallas_src>
import functools

import jax
import jax.numpy as jnp
from jax import lax
from jax.experimental import pallas as pl
from jax.experimental.pallas import tpu as pltpu
from jax.experimental.pallas import tpu_sc as plsc

N_HEADS = 16
MAX_DIST = 128
NREL = 2 * MAX_DIST + 1
SEQ = 2048
NSHIFT = 128
WW = SEQ + (NSHIFT // 8 - 1) * NSHIFT
EPAD = 4352


def _build_e(relative_bias):
    t = relative_bias
    left = jnp.broadcast_to(t[:, :1], (N_HEADS, SEQ - 1 - MAX_DIST))
    right = jnp.broadcast_to(t[:, -1:], (N_HEADS, EPAD - (SEQ - 1 - MAX_DIST) - NREL))
    return jnp.concatenate([left, t, right], axis=1)[:, None, :]


def _tc_build_w(e_ref, w_ref):
    row = e_ref[0, 0, :]
    bc = jnp.broadcast_to(row[None, :], (8, EPAD))
    for a in range(NSHIFT // 8):
        w_ref[0, 8 * a : 8 * a + 8, :] = pltpu.roll(
            bc, (EPAD - 127) + 8 * a, 1, stride=1, stride_axis=0
        )[:, :WW]


def _sc_emit(w_hbm, out_hbm, buf0, buf1, rsem, wsem0, wsem1):
    c = lax.axis_index("c")
    s = lax.axis_index("s")
    wid = s * 2 + c
    h = wid // 2
    p0 = 4 * (wid % 2)

    def read_cp(u, buf):
        return pltpu.make_async_copy(
            w_hbm.at[h, pl.ds(16 * (p0 + u), 16), :], buf, rsem
        )

    def write_cps(u, buf, wsem):
        return [
            pltpu.make_async_copy(
                buf.at[:, pl.ds(NSHIFT * (15 - b), SEQ)],
                out_hbm.at[h, pl.ds(NSHIFT * b + 16 * (p0 + u), 16)],
                wsem,
            )
            for b in range(16)
        ]

    read_cp(0, buf0).start()
    for u in range(4):
        buf, nbuf = (buf0, buf1) if u % 2 == 0 else (buf1, buf0)
        wsem = wsem0 if u % 2 == 0 else wsem1
        read_cp(u, buf).wait()
        for cp in write_cps(u, buf, wsem):
            cp.start()
        if u >= 1:
            for cp in write_cps(u - 1, nbuf, wsem0 if u % 2 == 1 else wsem1):
                cp.wait()
        if u < 3:
            read_cp(u + 1, nbuf).start()
    for cp in write_cps(3, buf1, wsem1):
        cp.wait()


def kernel(seq_len, relative_bias):
    del seq_len
    e = _build_e(relative_bias)

    w = pl.pallas_call(
        _tc_build_w,
        out_shape=jax.ShapeDtypeStruct((N_HEADS, NSHIFT, WW), jnp.float32),
        grid=(N_HEADS,),
        in_specs=[pl.BlockSpec((1, 1, EPAD), lambda h: (h, 0, 0))],
        out_specs=pl.BlockSpec((1, NSHIFT, WW), lambda h: (h, 0, 0)),
        compiler_params=pltpu.CompilerParams(
            dimension_semantics=("parallel",),
        ),
    )(e)

    mesh = plsc.VectorSubcoreMesh(core_axis_name="c", subcore_axis_name="s")
    run = functools.partial(
        pl.kernel,
        mesh=mesh,
        out_type=jax.ShapeDtypeStruct((N_HEADS, SEQ, SEQ), jnp.float32),
        scratch_types=[
            pltpu.VMEM((16, WW), jnp.float32),
            pltpu.VMEM((16, WW), jnp.float32),
            pltpu.SemaphoreType.DMA,
            pltpu.SemaphoreType.DMA,
            pltpu.SemaphoreType.DMA,
        ],
    )(_sc_emit)
    return run(w)

# --- scband reference (transcript-rebuilt; emitter-appended) ---
"""Pipeline reference for scband-relative-position-bias-35510789603974 (READ-ONLY COPY).

The authoritative reference and input builder live on the scoring server;
editing this copy changes nothing except your own understanding.
"""

import jax, jax.numpy as jnp
import numpy as np

N_HEADS = 16
MAX_DIST = 128
L = 2 * MAX_DIST + 1
SEQ_LEN = 2048

def setup_inputs(seed: int = 0) -> dict:
    key = jax.random.key(seed)
    relative_bias = jax.random.normal(key, (N_HEADS, L), dtype=jnp.float32) * 0.02
    return {"seq_len": 2048, "relative_bias": relative_bias}

def reference(seq_len, relative_bias):
    positions = jnp.arange(SEQ_LEN) + (seq_len - SEQ_LEN)
    rel = positions[None, :] - positions[:, None]
    clipped = jnp.clip(rel, -MAX_DIST, MAX_DIST) + MAX_DIST
    # table[..., clipped] -> gather along last axis; output [n_heads, seq_len, seq_len]
    bias = jnp.take(relative_bias, clipped, axis=-1)
    return bias

if __name__ == "__main__":
    import jax
    _d = setup_inputs()
    print(jax.jit(kernel)(*tuple(_d.values())))

</pallas_src>

<mosaic_0001>
#map = affine_map<(d0, d1) -> (0, 0, 0)>
module attributes {stable_mosaic.version = 14 : i64} {
  func.func @_sc_emit(%arg0: i32, %arg1: i32, %arg2: memref<16x128x3968xf32, #tpu.memory_space<hbm>>, %arg3: memref<16x2048x2048xf32, #tpu.memory_space<hbm>>, %arg4: memref<16x3968xf32, #tpu.memory_space<vmem>>, %arg5: memref<16x3968xf32, #tpu.memory_space<vmem>>, %arg6: memref<!tpu.dma_semaphore, #tpu.memory_space<semaphore_mem>>, %arg7: memref<!tpu.dma_semaphore, #tpu.memory_space<semaphore_mem>>, %arg8: memref<!tpu.dma_semaphore, #tpu.memory_space<semaphore_mem>>) attributes {dimension_semantics = [#tpu.dimension_semantics<core_parallel>, #tpu.dimension_semantics<subcore_parallel>], iteration_bounds = array<i64: 2, 16>, scalar_prefetch = 0 : i64, scratch_operands = 5 : i64, tpu.core_type = #tpu.core_type<sc_vector_subcore>, window_params = [{transform_indices = #map}, {transform_indices = #map}]} {
    %mul3A = arith.constant 2 : i32
    %mul3A_0 = arith.muli %arg1, %mul3A : i32
    %add3A = arith.addi %mul3A_0, %arg0 : i32
    %jit3A = arith.constant 2 : i32
    %div3A = arith.divsi %add3A, %jit3A : i32
    %sign3A = arith.constant 0 : i32
    %sign3A_1 = arith.cmpi sgt, %add3A, %sign3A : i32
    %sign3A_2 = arith.extui %sign3A_1 : i1 to i32
    %sign3A_3 = arith.constant 0 : i32
    %sign3A_4 = arith.cmpi slt, %add3A, %sign3A_3 : i32
    %sign3A_5 = arith.extui %sign3A_4 : i1 to i32
    %sign3A_6 = arith.subi %sign3A_2, %sign3A_5 : i32
    %sign3A_7 = arith.constant 0 : i32
    %sign3A_8 = arith.cmpi sgt, %jit3A, %sign3A_7 : i32
    %sign3A_9 = arith.extui %sign3A_8 : i1 to i32
    %sign3A_10 = arith.constant 0 : i32
    %sign3A_11 = arith.cmpi slt, %jit3A, %sign3A_10 : i32
    %sign3A_12 = arith.extui %sign3A_11 : i1 to i32
    %sign3A_13 = arith.subi %sign3A_9, %sign3A_12 : i32
    %ne3A = arith.cmpi ne, %sign3A_6, %sign3A_13 : i32
    %rem3A = arith.remsi %add3A, %jit3A : i32
    %ne3A_14 = arith.constant 0 : i32
    %ne3A_15 = arith.cmpi ne, %rem3A, %ne3A_14 : i32
    %and3A = arith.andi %ne3A, %ne3A_15 : i1
    %sub3A = arith.constant 1 : i32
    %sub3A_16 = arith.subi %div3A, %sub3A : i32
    %select_n3A = arith.select %and3A, %sub3A_16, %div3A : i32
    %jit3A_17 = arith.constant 2 : i32
    %eq3A = arith.constant 0 : i32
    %eq3A_18 = arith.cmpi eq, %jit3A_17, %eq3A : i32
    %jit3A_19 = arith.constant 1 : i32
    %select_n3A_20 = arith.select %eq3A_18, %jit3A_19, %jit3A_17 : i32
    %rem3A_21 = arith.remsi %add3A, %select_n3A_20 : i32
    %ne3A_22 = arith.constant 0 : i32
    %ne3A_23 = arith.cmpi ne, %rem3A_21, %ne3A_22 : i32
    %lt3A = arith.constant 0 : i32
    %lt3A_24 = arith.cmpi slt, %rem3A_21, %lt3A : i32
    %lt3A_25 = arith.constant 0 : i32
    %lt3A_26 = arith.cmpi slt, %select_n3A_20, %lt3A_25 : i32
    %ne3A_27 = arith.xori %lt3A_24, %lt3A_26 : i1
    %and3A_28 = arith.andi %ne3A_27, %ne3A_23 : i1
    %add3A_29 = arith.addi %rem3A_21, %select_n3A_20 : i32
    %select_n3A_30 = arith.select %and3A_28, %add3A_29, %rem3A_21 : i32
    %mul3A_31 = arith.constant 4 : i32
    %mul3A_32 = arith.muli %mul3A_31, %select_n3A_30 : i32
    %add3A_33 = arith.constant 0 : i32
    %add3A_34 = arith.addi %mul3A_32, %add3A_33 : i32
    %mul3A_35 = arith.constant 16 : i32
    %mul3A_36 = arith.muli %mul3A_35, %add3A_34 : i32
    %dma_start3A = arith.constant 0 : i32
    %dma_start3A_37 = tpu.memref_slice %arg2[%select_n3A, %mul3A_36, %dma_start3A] : memref<16x128x3968xf32, #tpu.memory_space<hbm>> -> memref<1x16x3968xf32, #tpu.memory_space<hbm>>
    %dma_start3A_38 = tpu.memref_squeeze %dma_start3A_37 : memref<1x16x3968xf32, #tpu.memory_space<hbm>> -> memref<16x3968xf32, #tpu.memory_space<hbm>>
    %dma_start3A_39 = arith.constant 0 : i32
    %dma_start3A_40 = tpu.memref_slice %arg2[%select_n3A, %mul3A_36, %dma_start3A_39] : memref<16x128x3968xf32, #tpu.memory_space<hbm>> -> memref<1x16x3968xf32, #tpu.memory_space<hbm>>
    %dma_start3A_41 = tpu.memref_squeeze %dma_start3A_40 : memref<1x16x3968xf32, #tpu.memory_space<hbm>> -> memref<16x3968xf32, #tpu.memory_space<hbm>>
    tpu.enqueue_dma source(%dma_start3A_41 : memref<16x3968xf32, #tpu.memory_space<hbm>>) target(%arg4 : memref<16x3968xf32, #tpu.memory_space<vmem>>) target_semaphore(%arg6 : memref<!tpu.dma_semaphore, #tpu.memory_space<semaphore_mem>>)
    %add3A_42 = arith.constant 0 : i32
    %add3A_43 = arith.addi %mul3A_32, %add3A_42 : i32
    %mul3A_44 = arith.constant 16 : i32
    %mul3A_45 = arith.muli %mul3A_44, %add3A_43 : i32
    %dma_wait3A = arith.constant 0 : i32
    %dma_wait3A_46 = tpu.memref_slice %arg2[%select_n3A, %mul3A_45, %dma_wait3A] : memref<16x128x3968xf32, #tpu.memory_space<hbm>> -> memref<1x16x3968xf32, #tpu.memory_space<hbm>>
    %dma_wait3A_47 = tpu.memref_squeeze %dma_wait3A_46 : memref<1x16x3968xf32, #tpu.memory_space<hbm>> -> memref<16x3968xf32, #tpu.memory_space<hbm>>
    %dma_wait3A_48 = arith.constant 0 : i32
    %dma_wait3A_49 = tpu.memref_slice %arg2[%select_n3A, %mul3A_45, %dma_wait3A_48] : memref<16x128x3968xf32, #tpu.memory_space<hbm>> -> memref<1x16x3968xf32, #tpu.memory_space<hbm>>
    %dma_wait3A_50 = tpu.memref_squeeze %dma_wait3A_49 : memref<1x16x3968xf32, #tpu.memory_space<hbm>> -> memref<16x3968xf32, #tpu.memory_space<hbm>>
    tpu.wait_dma2 semaphore(%arg6 : memref<!tpu.dma_semaphore, #tpu.memory_space<semaphore_mem>>) src(%dma_wait3A_50 : memref<16x3968xf32, #tpu.memory_space<hbm>>) dst(%arg4 : memref<16x3968xf32, #tpu.memory_space<vmem>>)
    %add3A_51 = arith.constant 0 : i32
    %add3A_52 = arith.addi %mul3A_32, %add3A_51 : i32
    %mul3A_53 = arith.constant 16 : i32
    %mul3A_54 = arith.muli %mul3A_53, %add3A_52 : i32
    %add3A_55 = arith.constant 0 : i32
    %add3A_56 = arith.addi %add3A_55, %mul3A_54 : i32
    %add3A_57 = arith.constant 0 : i32
    %add3A_58 = arith.addi %mul3A_32, %add3A_57 : i32
    %mul3A_59 = arith.constant 16 : i32
    %mul3A_60 = arith.muli %mul3A_59, %add3A_58 : i32
    %add3A_61 = arith.constant 128 : i32
    %add3A_62 = arith.addi %add3A_61, %mul3A_60 : i32
    %add3A_63 = arith.constant 0 : i32
    %add3A_64 = arith.addi %mul3A_32, %add3A_63 : i32
    %mul3A_65 = arith.constant 16 : i32
    %mul3A_66 = arith.muli %mul3A_65, %add3A_64 : i32
    %add3A_67 = arith.constant 256 : i32
    %add3A_68 = arith.addi %add3A_67, %mul3A_66 : i32
    %add3A_69 = arith.constant 0 : i32
    %add3A_70 = arith.addi %mul3A_32, %add3A_69 : i32
    %mul3A_71 = arith.constant 16 : i32
    %mul3A_72 = arith.muli %mul3A_71, %add3A_70 : i32
    %add3A_73 = arith.constant 384 : i32
    %add3A_74 = arith.addi %add3A_73, %mul3A_72 : i32
    %add3A_75 = arith.constant 0 : i32
    %add3A_76 = arith.addi %mul3A_32, %add3A_75 : i32
    %mul3A_77 = arith.constant 16 : i32
    %mul3A_78 = arith.muli %mul3A_77, %add3A_76 : i32
    %add3A_79 = arith.constant 512 : i32
    %add3A_80 = arith.addi %add3A_79, %mul3A_78 : i32
    %add3A_81 = arith.constant 0 : i32
    %add3A_82 = arith.addi %mul3A_32, %add3A_81 : i32
    %mul3A_83 = arith.constant 16 : i32
    %mul3A_84 = arith.muli %mul3A_83, %add3A_82 : i32
    %add3A_85 = arith.constant 640 : i32
    %add3A_86 = arith.addi %add3A_85, %mul3A_84 : i32
    %add3A_87 = arith.constant 0 : i32
    %add3A_88 = arith.addi %mul3A_32, %add3A_87 : i32
    %mul3A_89 = arith.constant 16 : i32
    %mul3A_90 = arith.muli %mul3A_89, %add3A_88 : i32
    %add3A_91 = arith.constant 768 : i32
    %add3A_92 = arith.addi %add3A_91, %mul3A_90 : i32
    %add3A_93 = arith.constant 0 : i32
    %add3A_94 = arith.addi %mul3A_32, %add3A_93 : i32
    %mul3A_95 = arith.constant 16 : i32
    %mul3A_96 = arith.muli %mul3A_95, %add3A_94 : i32
    %add3A_97 = arith.constant 896 : i32
    %add3A_98 = arith.addi %add3A_97, %mul3A_96 : i32
    %add3A_99 = arith.constant 0 : i32
    %add3A_100 = arith.addi %mul3A_32, %add3A_99 : i32
    %mul3A_101 = arith.constant 16 : i32
    %mul3A_102 = arith.muli %mul3A_101, %add3A_100 : i32
    %add3A_103 = arith.constant 1024 : i32
    %add3A_104 = arith.addi %add3A_103, %mul3A_102 : i32
    %add3A_105 = arith.constant 0 : i32
    %add3A_106 = arith.addi %mul3A_32, %add3A_105 : i32
    %mul3A_107 = arith.constant 16 : i32
    %mul3A_108 = arith.muli %mul3A_107, %add3A_106 : i32
    %add3A_109 = arith.constant 1152 : i32
    %add3A_110 = arith.addi %add3A_109, %mul3A_108 : i32
    %add3A_111 = arith.constant 0 : i32
    %add3A_112 = arith.addi %mul3A_32, %add3A_111 : i32
    %mul3A_113 = arith.constant 16 : i32
    %mul3A_114 = arith.muli %mul3A_113, %add3A_112 : i32
    %add3A_115 = arith.constant 1280 : i32
    %add3A_116 = arith.addi %add3A_115, %mul3A_114 : i32
    %add3A_117 = arith.constant 0 : i32
    %add3A_118 = arith.addi %mul3A_32, %add3A_117 : i32
    %mul3A_119 = arith.constant 16 : i32
    %mul3A_120 = arith.muli %mul3A_119, %add3A_118 : i32
    %add3A_121 = arith.constant 1408 : i32
    %add3A_122 = arith.addi %add3A_121, %mul3A_120 : i32
    %add3A_123 = arith.constant 0 : i32
    %add3A_124 = arith.addi %mul3A_32, %add3A_123 : i32
    %mul3A_125 = arith.constant 16 : i32
    %mul3A_126 = arith.muli %mul3A_125, %add3A_124 : i32
    %add3A_127 = arith.constant 1536 : i32
    %add3A_128 = arith.addi %add3A_127, %mul3A_126 : i32
    %add3A_129 = arith.constant 0 : i32
    %add3A_130 = arith.addi %mul3A_32, %add3A_129 : i32
    %mul3A_131 = arith.constant 16 : i32
    %mul3A_132 = arith.muli %mul3A_131, %add3A_130 : i32
    %add3A_133 = arith.constant 1664 : i32
    %add3A_134 = arith.addi %add3A_133, %mul3A_132 : i32
    %add3A_135 = arith.constant 0 : i32
    %add3A_136 = arith.addi %mul3A_32, %add3A_135 : i32
    %mul3A_137 = arith.constant 16 : i32
    %mul3A_138 = arith.muli %mul3A_137, %add3A_136 : i32
    %add3A_139 = arith.constant 1792 : i32
    %add3A_140 = arith.addi %add3A_139, %mul3A_138 : i32
    %add3A_141 = arith.constant 0 : i32
    %add3A_142 = arith.addi %mul3A_32, %add3A_141 : i32
    %mul3A_143 = arith.constant 16 : i32
    %mul3A_144 = arith.muli %mul3A_143, %add3A_142 : i32
    %add3A_145 = arith.constant 1920 : i32
    %add3A_146 = arith.addi %add3A_145, %mul3A_144 : i32
    %dma_start3A_147 = arith.constant 0 : i32
    %dma_start3A_148 = arith.constant 1920 : i32
    %dma_start3A_149 = tpu.memref_slice %arg4[%dma_start3A_147, %dma_start3A_148] : memref<16x3968xf32, #tpu.memory_space<vmem>> -> memref<16x2048xf32, #tpu.memory_space<vmem>>
    %dma_start3A_150 = arith.constant 0 : i32
    %dma_start3A_151 = tpu.memref_slice %arg3[%select_n3A, %add3A_56, %dma_start3A_150] : memref<16x2048x2048xf32, #tpu.memory_space<hbm>> -> memref<1x16x2048xf32, #tpu.memory_space<hbm>>
    %dma_start3A_152 = tpu.memref_squeeze %dma_start3A_151 : memref<1x16x2048xf32, #tpu.memory_space<hbm>> -> memref<16x2048xf32, #tpu.memory_space<hbm>>
    %dma_start3A_153 = arith.constant 0 : i32
    %dma_start3A_154 = tpu.memref_slice %arg3[%select_n3A, %add3A_56, %dma_start3A_153] : memref<16x2048x2048xf32, #tpu.memory_space<hbm>> -> memref<1x16x2048xf32, #tpu.memory_space<hbm>>
    %dma_start3A_155 = tpu.memref_squeeze %dma_start3A_154 : memref<1x16x2048xf32, #tpu.memory_space<hbm>> -> memref<16x2048xf32, #tpu.memory_space<hbm>>
    %dma_start3A_156 = arith.constant 0 : i32
    %dma_start3A_157 = arith.constant 1920 : i32
    %dma_start3A_158 = tpu.memref_slice %arg4[%dma_start3A_156, %dma_start3A_157] : memref<16x3968xf32, #tpu.memory_space<vmem>> -> memref<16x2048xf32, #tpu.memory_space<vmem>>
    tpu.enqueue_dma source(%dma_start3A_158 : memref<16x2048xf32, #tpu.memory_space<vmem>>) target(%dma_start3A_155 : memref<16x2048xf32, #tpu.memory_space<hbm>>) target_semaphore(%arg7 : memref<!tpu.dma_semaphore, #tpu.memory_space<semaphore_mem>>)
    %dma_start3A_159 = arith.constant 0 : i32
    %dma_start3A_160 = arith.constant 1792 : i32
    %dma_start3A_161 = tpu.memref_slice %arg4[%dma_start3A_159, %dma_start3A_160] : memref<16x3968xf32, #tpu.memory_space<vmem>> -> memref<16x2048xf32, #tpu.memory_space<vmem>>
    %dma_start3A_162 = arith.constant 0 : i32
    %dma_start3A_163 = tpu.memref_slice %arg3[%select_n3A, %add3A_62, %dma_start3A_162] : memref<16x2048x2048xf32, #tpu.memory_space<hbm>> -> memref<1x16x2048xf32, #tpu.memory_space<hbm>>
    %dma_start3A_164 = tpu.memref_squeeze %dma_start3A_163 : memref<1x16x2048xf32, #tpu.memory_space<hbm>> -> memref<16x2048xf32, #tpu.memory_space<hbm>>
    %dma_start3A_165 = arith.constant 0 : i32
    %dma_start3A_166 = tpu.memref_slice %arg3[%select_n3A, %add3A_62, %dma_start3A_165] : memref<16x2048x2048xf32, #tpu.memory_space<hbm>> -> memref<1x16x2048xf32, #tpu.memory_space<hbm>>
    %dma_start3A_167 = tpu.memref_squeeze %dma_start3A_166 : memref<1x16x2048xf32, #tpu.memory_space<hbm>> -> memref<16x2048xf32, #tpu.memory_space<hbm>>
    %dma_start3A_168 = arith.constant 0 : i32
    %dma_start3A_169 = arith.constant 1792 : i32
    %dma_start3A_170 = tpu.memref_slice %arg4[%dma_start3A_168, %dma_start3A_169] : memref<16x3968xf32, #tpu.memory_space<vmem>> -> memref<16x2048xf32, #tpu.memory_space<vmem>>
    tpu.enqueue_dma source(%dma_start3A_170 : memref<16x2048xf32, #tpu.memory_space<vmem>>) target(%dma_start3A_167 : memref<16x2048xf32, #tpu.memory_space<hbm>>) target_semaphore(%arg7 : memref<!tpu.dma_semaphore, #tpu.memory_space<semaphore_mem>>)
    %dma_start3A_171 = arith.constant 0 : i32
    %dma_start3A_172 = arith.constant 1664 : i32
    %dma_start3A_173 = tpu.memref_slice %arg4[%dma_start3A_171, %dma_start3A_172] : memref<16x3968xf32, #tpu.memory_space<vmem>> -> memref<16x2048xf32, #tpu.memory_space<vmem>>
    %dma_start3A_174 = arith.constant 0 : i32
    %dma_start3A_175 = tpu.memref_slice %arg3[%select_n3A, %add3A_68, %dma_start3A_174] : memref<16x2048x2048xf32, #tpu.memory_space<hbm>> -> memref<1x16x2048xf32, #tpu.memory_space<hbm>>
    %dma_start3A_176 = tpu.memref_squeeze %dma_start3A_175 : memref<1x16x2048xf32, #tpu.memory_space<hbm>> -> memref<16x2048xf32, #tpu.memory_space<hbm>>
    %dma_start3A_177 = arith.constant 0 : i32
    %dma_start3A_178 = tpu.memref_slice %arg3[%select_n3A, %add3A_68, %dma_start3A_177] : memref<16x2048x2048xf32, #tpu.memory_space<hbm>> -> memref<1x16x2048xf32, #tpu.memory_space<hbm>>
    %dma_start3A_179 = tpu.memref_squeeze %dma_start3A_178 : memref<1x16x2048xf32, #tpu.memory_space<hbm>> -> memref<16x2048xf32, #tpu.memory_space<hbm>>
    %dma_start3A_180 = arith.constant 0 : i32
    %dma_start3A_181 = arith.constant 1664 : i32
    %dma_start3A_182 = tpu.memref_slice %arg4[%dma_start3A_180, %dma_start3A_181] : memref<16x3968xf32, #tpu.memory_space<vmem>> -> memref<16x2048xf32, #tpu.memory_space<vmem>>
    tpu.enqueue_dma source(%dma_start3A_182 : memref<16x2048xf32, #tpu.memory_space<vmem>>) target(%dma_start3A_179 : memref<16x2048xf32, #tpu.memory_space<hbm>>) target_semaphore(%arg7 : memref<!tpu.dma_semaphore, #tpu.memory_space<semaphore_mem>>)
    %dma_start3A_183 = arith.constant 0 : i32
    %dma_start3A_184 = arith.constant 1536 : i32
    %dma_start3A_185 = tpu.memref_slice %arg4[%dma_start3A_183, %dma_start3A_184] : memref<16x3968xf32, #tpu.memory_space<vmem>> -> memref<16x2048xf32, #tpu.memory_space<vmem>>
    %dma_start3A_186 = arith.constant 0 : i32
    %dma_start3A_187 = tpu.memref_slice %arg3[%select_n3A, %add3A_74, %dma_start3A_186] : memref<16x2048x2048xf32, #tpu.memory_space<hbm>> -> memref<1x16x2048xf32, #tpu.memory_space<hbm>>
    %dma_start3A_188 = tpu.memref_squeeze %dma_start3A_187 : memref<1x16x2048xf32, #tpu.memory_space<hbm>> -> memref<16x2048xf32, #tpu.memory_space<hbm>>
    %dma_start3A_189 = arith.constant 0 : i32
    %dma_start3A_190 = tpu.memref_slice %arg3[%select_n3A, %add3A_74, %dma_start3A_189] : memref<16x2048x2048xf32, #tpu.memory_space<hbm>> -> memref<1x16x2048xf32, #tpu.memory_space<hbm>>
    %dma_start3A_191 = tpu.memref_squeeze %dma_start3A_190 : memref<1x16x2048xf32, #tpu.memory_space<hbm>> -> memref<16x2048xf32, #tpu.memory_space<hbm>>
    %dma_start3A_192 = arith.constant 0 : i32
    %dma_start3A_193 = arith.constant 1536 : i32
    %dma_start3A_194 = tpu.memref_slice %arg4[%dma_start3A_192, %dma_start3A_193] : memref<16x3968xf32, #tpu.memory_space<vmem>> -> memref<16x2048xf32, #tpu.memory_space<vmem>>
    tpu.enqueue_dma source(%dma_start3A_194 : memref<16x2048xf32, #tpu.memory_space<vmem>>) target(%dma_start3A_191 : memref<16x2048xf32, #tpu.memory_space<hbm>>) target_semaphore(%arg7 : memref<!tpu.dma_semaphore, #tpu.memory_space<semaphore_mem>>)
    %dma_start3A_195 = arith.constant 0 : i32
    %dma_start3A_196 = arith.constant 1408 : i32
    %dma_start3A_197 = tpu.memref_slice %arg4[%dma_start3A_195, %dma_start3A_196] : memref<16x3968xf32, #tpu.memory_space<vmem>> -> memref<16x2048xf32, #tpu.memory_space<vmem>>
    %dma_start3A_198 = arith.constant 0 : i32
    %dma_start3A_199 = tpu.memref_slice %arg3[%select_n3A, %add3A_80, %dma_start3A_198] : memref<16x2048x2048xf32, #tpu.memory_space<hbm>> -> memref<1x16x2048xf32, #tpu.memory_space<hbm>>
    %dma_start3A_200 = tpu.memref_squeeze %dma_start3A_199 : memref<1x16x2048xf32, #tpu.memory_space<hbm>> -> memref<16x2048xf32, #tpu.memory_space<hbm>>
    %dma_start3A_201 = arith.constant 0 : i32
    %dma_start3A_202 = tpu.memref_slice %arg3[%select_n3A, %add3A_80, %dma_start3A_201] : memref<16x2048x2048xf32, #tpu.memory_space<hbm>> -> memref<1x16x2048xf32, #tpu.memory_space<hbm>>
    %dma_start3A_203 = tpu.memref_squeeze %dma_start3A_202 : memref<1x16x2048xf32, #tpu.memory_space<hbm>> -> memref<16x2048xf32, #tpu.memory_space<hbm>>
    %dma_start3A_204 = arith.constant 0 : i32
    %dma_start3A_205 = arith.constant 1408 : i32
    %dma_start3A_206 = tpu.memref_slice %arg4[%dma_start3A_204, %dma_start3A_205] : memref<16x3968xf32, #tpu.memory_space<vmem>> -> memref<16x2048xf32, #tpu.memory_space<vmem>>
    tpu.enqueue_dma source(%dma_start3A_206 : memref<16x2048xf32, #tpu.memory_space<vmem>>) target(%dma_start3A_203 : memref<16x2048xf32, #tpu.memory_space<hbm>>) target_semaphore(%arg7 : memref<!tpu.dma_semaphore, #tpu.memory_space<semaphore_mem>>)
    %dma_start3A_207 = arith.constant 0 : i32
    %dma_start3A_208 = arith.constant 1280 : i32
    %dma_start3A_209 = tpu.memref_slice %arg4[%dma_start3A_207, %dma_start3A_208] : memref<16x3968xf32, #tpu.memory_space<vmem>> -> memref<16x2048xf32, #tpu.memory_space<vmem>>
    %dma_start3A_210 = arith.constant 0 : i32
    %dma_start3A_211 = tpu.memref_slice %arg3[%select_n3A, %add3A_86, %dma_start3A_210] : memref<16x2048x2048xf32, #tpu.memory_space<hbm>> -> memref<1x16x2048xf32, #tpu.memory_space<hbm>>
    %dma_start3A_212 = tpu.memref_squeeze %dma_start3A_211 : memref<1x16x2048xf32, #tpu.memory_space<hbm>> -> memref<16x2048xf32, #tpu.memory_space<hbm>>
    %dma_start3A_213 = arith.constant 0 : i32
    %dma_start3A_214 = tpu.memref_slice %arg3[%select_n3A, %add3A_86, %dma_start3A_213] : memref<16x2048x2048xf32, #tpu.memory_space<hbm>> -> memref<1x16x2048xf32, #tpu.memory_space<hbm>>
    %dma_start3A_215 = tpu.memref_squeeze %dma_start3A_214 : memref<1x16x2048xf32, #tpu.memory_space<hbm>> -> memref<16x2048xf32, #tpu.memory_space<hbm>>
    %dma_start3A_216 = arith.constant 0 : i32
    %dma_start3A_217 = arith.constant 1280 : i32
    %dma_start3A_218 = tpu.memref_slice %arg4[%dma_start3A_216, %dma_start3A_217] : memref<16x3968xf32, #tpu.memory_space<vmem>> -> memref<16x2048xf32, #tpu.memory_space<vmem>>
    tpu.enqueue_dma source(%dma_start3A_218 : memref<16x2048xf32, #tpu.memory_space<vmem>>) target(%dma_start3A_215 : memref<16x2048xf32, #tpu.memory_space<hbm>>) target_semaphore(%arg7 : memref<!tpu.dma_semaphore, #tpu.memory_space<semaphore_mem>>)
    %dma_start3A_219 = arith.constant 0 : i32
    %dma_start3A_220 = arith.constant 1152 : i32
    %dma_start3A_221 = tpu.memref_slice %arg4[%dma_start3A_219, %dma_start3A_220] : memref<16x3968xf32, #tpu.memory_space<vmem>> -> memref<16x2048xf32, #tpu.memory_space<vmem>>
    %dma_start3A_222 = arith.constant 0 : i32
    %dma_start3A_223 = tpu.memref_slice %arg3[%select_n3A, %add3A_92, %dma_start3A_222] : memref<16x2048x2048xf32, #tpu.memory_space<hbm>> -> memref<1x16x2048xf32, #tpu.memory_space<hbm>>
    %dma_start3A_224 = tpu.memref_squeeze %dma_start3A_223 : memref<1x16x2048xf32, #tpu.memory_space<hbm>> -> memref<16x2048xf32, #tpu.memory_space<hbm>>
    %dma_start3A_225 = arith.constant 0 : i32
    %dma_start3A_226 = tpu.memref_slice %arg3[%select_n3A, %add3A_92, %dma_start3A_225] : memref<16x2048x2048xf32, #tpu.memory_space<hbm>> -> memref<1x16x2048xf32, #tpu.memory_space<hbm>>
    %dma_start3A_227 = tpu.memref_squeeze %dma_start3A_226 : memref<1x16x2048xf32, #tpu.memory_space<hbm>> -> memref<16x2048xf32, #tpu.memory_space<hbm>>
    %dma_start3A_228 = arith.constant 0 : i32
    %dma_start3A_229 = arith.constant 1152 : i32
    %dma_start3A_230 = tpu.memref_slice %arg4[%dma_start3A_228, %dma_start3A_229] : memref<16x3968xf32, #tpu.memory_space<vmem>> -> memref<16x2048xf32, #tpu.memory_space<vmem>>
    tpu.enqueue_dma source(%dma_start3A_230 : memref<16x2048xf32, #tpu.memory_space<vmem>>) target(%dma_start3A_227 : memref<16x2048xf32, #tpu.memory_space<hbm>>) target_semaphore(%arg7 : memref<!tpu.dma_semaphore, #tpu.memory_space<semaphore_mem>>)
    %dma_start3A_231 = arith.constant 0 : i32
    %dma_start3A_232 = arith.constant 1024 : i32
    %dma_start3A_233 = tpu.memref_slice %arg4[%dma_start3A_231, %dma_start3A_232] : memref<16x3968xf32, #tpu.memory_space<vmem>> -> memref<16x2048xf32, #tpu.memory_space<vmem>>
    %dma_start3A_234 = arith.constant 0 : i32
    %dma_start3A_235 = tpu.memref_slice %arg3[%select_n3A, %add3A_98, %dma_start3A_234] : memref<16x2048x2048xf32, #tpu.memory_space<hbm>> -> memref<1x16x2048xf32, #tpu.memory_space<hbm>>
    %dma_start3A_236 = tpu.memref_squeeze %dma_start3A_235 : memref<1x16x2048xf32, #tpu.memory_space<hbm>> -> memref<16x2048xf32, #tpu.memory_space<hbm>>
    %dma_start3A_237 = arith.constant 0 : i32
    %dma_start3A_238 = tpu.memref_slice %arg3[%select_n3A, %add3A_98, %dma_start3A_237] : memref<16x2048x2048xf32, #tpu.memory_space<hbm>> -> memref<1x16x2048xf32, #tpu.memory_space<hbm>>
    %dma_start3A_239 = tpu.memref_squeeze %dma_start3A_238 : memref<1x16x2048xf32, #tpu.memory_space<hbm>> -> memref<16x2048xf32, #tpu.memory_space<hbm>>
    %dma_start3A_240 = arith.constant 0 : i32
    %dma_start3A_241 = arith.constant 1024 : i32
    %dma_start3A_242 = tpu.memref_slice %arg4[%dma_start3A_240, %dma_start3A_241] : memref<16x3968xf32, #tpu.memory_space<vmem>> -> memref<16x2048xf32, #tpu.memory_space<vmem>>
    tpu.enqueue_dma source(%dma_start3A_242 : memref<16x2048xf32, #tpu.memory_space<vmem>>) target(%dma_start3A_239 : memref<16x2048xf32, #tpu.memory_space<hbm>>) target_semaphore(%arg7 : memref<!tpu.dma_semaphore, #tpu.memory_space<semaphore_mem>>)
    %dma_start3A_243 = arith.constant 0 : i32
    %dma_start3A_244 = arith.constant 896 : i32
    %dma_start3A_245 = tpu.memref_slice %arg4[%dma_start3A_243, %dma_start3A_244] : memref<16x3968xf32, #tpu.memory_space<vmem>> -> memref<16x2048xf32, #tpu.memory_space<vmem>>
    %dma_start3A_246 = arith.constant 0 : i32
    %dma_start3A_247 = tpu.memref_slice %arg3[%select_n3A, %add3A_104, %dma_start3A_246] : memref<16x2048x2048xf32, #tpu.memory_space<hbm>> -> memref<1x16x2048xf32, #tpu.memory_space<hbm>>
    %dma_start3A_248 = tpu.memref_squeeze %dma_start3A_247 : memref<1x16x2048xf32, #tpu.memory_space<hbm>> -> memref<16x2048xf32, #tpu.memory_space<hbm>>
    %dma_start3A_249 = arith.constant 0 : i32
    %dma_start3A_250 = tpu.memref_slice %arg3[%select_n3A, %add3A_104, %dma_start3A_249] : memref<16x2048x2048xf32, #tpu.memory_space<hbm>> -> memref<1x16x2048xf32, #tpu.memory_space<hbm>>
    %dma_start3A_251 = tpu.memref_squeeze %dma_start3A_250 : memref<1x16x2048xf32, #tpu.memory_space<hbm>> -> memref<16x2048xf32, #tpu.memory_space<hbm>>
    %dma_start3A_252 = arith.constant 0 : i32
    %dma_start3A_253 = arith.constant 896 : i32
    %dma_start3A_254 = tpu.memref_slice %arg4[%dma_start3A_252, %dma_start3A_253] : memref<16x3968xf32, #tpu.memory_space<vmem>> -> memref<16x2048xf32, #tpu.memory_space<vmem>>
    tpu.enqueue_dma source(%dma_start3A_254 : memref<16x2048xf32, #tpu.memory_space<vmem>>) target(%dma_start3A_251 : memref<16x2048xf32, #tpu.memory_space<hbm>>) target_semaphore(%arg7 : memref<!tpu.dma_semaphore, #tpu.memory_space<semaphore_mem>>)
    %dma_start3A_255 = arith.constant 0 : i32
    %dma_start3A_256 = arith.constant 768 : i32
    %dma_start3A_257 = tpu.memref_slice %arg4[%dma_start3A_255, %dma_start3A_256] : memref<16x3968xf32, #tpu.memory_space<vmem>> -> memref<16x2048xf32, #tpu.memory_space<vmem>>
    %dma_start3A_258 = arith.constant 0 : i32
    %dma_start3A_259 = tpu.memref_slice %arg3[%select_n3A, %add3A_110, %dma_start3A_258] : memref<16x2048x2048xf32, #tpu.memory_space<hbm>> -> memref<1x16x2048xf32, #tpu.memory_space<hbm>>
    %dma_start3A_260 = tpu.memref_squeeze %dma_start3A_259 : memref<1x16x2048xf32, #tpu.memory_space<hbm>> -> memref<16x2048xf32, #tpu.memory_space<hbm>>
    %dma_start3A_261 = arith.constant 0 : i32
    %dma_start3A_262 = tpu.memref_slice %arg3[%select_n3A, %add3A_110, %dma_start3A_261] : memref<16x2048x2048xf32, #tpu.memory_space<hbm>> -> memref<1x16x2048xf32, #tpu.memory_space<hbm>>
    %dma_start3A_263 = tpu.memref_squeeze %dma_start3A_262 : memref<1x16x2048xf32, #tpu.memory_space<hbm>> -> memref<16x2048xf32, #tpu.memory_space<hbm>>
    %dma_start3A_264 = arith.constant 0 : i32
    %dma_start3A_265 = arith.constant 768 : i32
    %dma_start3A_266 = tpu.memref_slice %arg4[%dma_start3A_264, %dma_start3A_265] : memref<16x3968xf32, #tpu.memory_space<vmem>> -> memref<16x2048xf32, #tpu.memory_space<vmem>>
    tpu.enqueue_dma source(%dma_start3A_266 : memref<16x2048xf32, #tpu.memory_space<vmem>>) target(%dma_start3A_263 : memref<16x2048xf32, #tpu.memory_space<hbm>>) target_semaphore(%arg7 : memref<!tpu.dma_semaphore, #tpu.memory_space<semaphore_mem>>)
    %dma_start3A_267 = arith.constant 0 : i32
    %dma_start3A_268 = arith.constant 640 : i32
    %dma_start3A_269 = tpu.memref_slice %arg4[%dma_start3A_267, %dma_start3A_268] : memref<16x3968xf32, #tpu.memory_space<vmem>> -> memref<16x2048xf32, #tpu.memory_space<vmem>>
    %dma_start3A_270 = arith.constant 0 : i32
    %dma_start3A_271 = tpu.memref_slice %arg3[%select_n3A, %add3A_116, %dma_start3A_270] : memref<16x2048x2048xf32, #tpu.memory_space<hbm>> -> memref<1x16x2048xf32, #tpu.memory_space<hbm>>
    %dma_start3A_272 = tpu.memref_squeeze %dma_start3A_271 : memref<1x16x2048xf32, #tpu.memory_space<hbm>> -> memref<16x2048xf32, #tpu.memory_space<hbm>>
    %dma_start3A_273 = arith.constant 0 : i32
    %dma_start3A_274 = tpu.memref_slice %arg3[%select_n3A, %add3A_116, %dma_start3A_273] : memref<16x2048x2048xf32, #tpu.memory_space<hbm>> -> memref<1x16x2048xf32, #tpu.memory_space<hbm>>
    %dma_start3A_275 = tpu.memref_squeeze %dma_start3A_274 : memref<1x16x2048xf32, #tpu.memory_space<hbm>> -> memref<16x2048xf32, #tpu.memory_space<hbm>>
    %dma_start3A_276 = arith.constant 0 : i32
    %dma_start3A_277 = arith.constant 640 : i32
    %dma_start3A_278 = tpu.memref_slice %arg4[%dma_start3A_276, %dma_start3A_277] : memref<16x3968xf32, #tpu.memory_space<vmem>> -> memref<16x2048xf32, #tpu.memory_space<vmem>>
    tpu.enqueue_dma source(%dma_start3A_278 : memref<16x2048xf32, #tpu.memory_space<vmem>>) target(%dma_start3A_275 : memref<16x2048xf32, #tpu.memory_space<hbm>>) target_semaphore(%arg7 : memref<!tpu.dma_semaphore, #tpu.memory_space<semaphore_mem>>)
    %dma_start3A_279 = arith.constant 0 : i32
    %dma_start3A_280 = arith.constant 512 : i32
    %dma_start3A_281 = tpu.memref_slice %arg4[%dma_start3A_279, %dma_start3A_280] : memref<16x3968xf32, #tpu.memory_space<vmem>> -> memref<16x2048xf32, #tpu.memory_space<vmem>>
    %dma_start3A_282 = arith.constant 0 : i32
    %dma_start3A_283 = tpu.memref_slice %arg3[%select_n3A, %add3A_122, %dma_start3A_282] : memref<16x2048x2048xf32, #tpu.memory_space<hbm>> -> memref<1x16x2048xf32, #tpu.memory_space<hbm>>
    %dma_start3A_284 = tpu.memref_squeeze %dma_start3A_283 : memref<1x16x2048xf32, #tpu.memory_space<hbm>> -> memref<16x2048xf32, #tpu.memory_space<hbm>>
    %dma_start3A_285 = arith.constant 0 : i32
    %dma_start3A_286 = tpu.memref_slice %arg3[%select_n3A, %add3A_122, %dma_start3A_285] : memref<16x2048x2048xf32, #tpu.memory_space<hbm>> -> memref<1x16x2048xf32, #tpu.memory_space<hbm>>
    %dma_start3A_287 = tpu.memref_squeeze %dma_start3A_286 : memref<1x16x2048xf32, #tpu.memory_space<hbm>> -> memref<16x2048xf32, #tpu.memory_space<hbm>>
    %dma_start3A_288 = arith.constant 0 : i32
    %dma_start3A_289 = arith.constant 512 : i32
    %dma_start3A_290 = tpu.memref_slice %arg4[%dma_start3A_288, %dma_start3A_289] : memref<16x3968xf32, #tpu.memory_space<vmem>> -> memref<16x2048xf32, #tpu.memory_space<vmem>>
    tpu.enqueue_dma source(%dma_start3A_290 : memref<16x2048xf32, #tpu.memory_space<vmem>>) target(%dma_start3A_287 : memref<16x2048xf32, #tpu.memory_space<hbm>>) target_semaphore(%arg7 : memref<!tpu.dma_semaphore, #tpu.memory_space<semaphore_mem>>)
    %dma_start3A_291 = arith.constant 0 : i32
    %dma_start3A_292 = arith.constant 384 : i32
    %dma_start3A_293 = tpu.memref_slice %arg4[%dma_start3A_291, %dma_start3A_292] : memref<16x3968xf32, #tpu.memory_space<vmem>> -> memref<16x2048xf32, #tpu.memory_space<vmem>>
    %dma_start3A_294 = arith.constant 0 : i32
    %dma_start3A_295 = tpu.memref_slice %arg3[%select_n3A, %add3A_128, %dma_start3A_294] : memref<16x2048x2048xf32, #tpu.memory_space<hbm>> -> memref<1x16x2048xf32, #tpu.memory_space<hbm>>
    %dma_start3A_296 = tpu.memref_squeeze %dma_start3A_295 : memref<1x16x2048xf32, #tpu.memory_space<hbm>> -> memref<16x2048xf32, #tpu.memory_space<hbm>>
    %dma_start3A_297 = arith.constant 0 : i32
    %dma_start3A_298 = tpu.memref_slice %arg3[%select_n3A, %add3A_128, %dma_start3A_297] : memref<16x2048x2048xf32, #tpu.memory_space<hbm>> -> memref<1x16x2048xf32, #tpu.memory_space<hbm>>
    %dma_start3A_299 = tpu.memref_squeeze %dma_start3A_298 : memref<1x16x2048xf32, #tpu.memory_space<hbm>> -> memref<16x2048xf32, #tpu.memory_space<hbm>>
    %dma_start3A_300 = arith.constant 0 : i32
    %dma_start3A_301 = arith.constant 384 : i32
    %dma_start3A_302 = tpu.memref_slice %arg4[%dma_start3A_300, %dma_start3A_301] : memref<16x3968xf32, #tpu.memory_space<vmem>> -> memref<16x2048xf32, #tpu.memory_space<vmem>>
    tpu.enqueue_dma source(%dma_start3A_302 : memref<16x2048xf32, #tpu.memory_space<vmem>>) target(%dma_start3A_299 : memref<16x2048xf32, #tpu.memory_space<hbm>>) target_semaphore(%arg7 : memref<!tpu.dma_semaphore, #tpu.memory_space<semaphore_mem>>)
    %dma_start3A_303 = arith.constant 0 : i32
    %dma_start3A_304 = arith.constant 256 : i32
    %dma_start3A_305 = tpu.memref_slice %arg4[%dma_start3A_303, %dma_start3A_304] : memref<16x3968xf32, #tpu.memory_space<vmem>> -> memref<16x2048xf32, #tpu.memory_space<vmem>>
    %dma_start3A_306 = arith.constant 0 : i32
    %dma_start3A_307 = tpu.memref_slice %arg3[%select_n3A, %add3A_134, %dma_start3A_306] : memref<16x2048x2048xf32, #tpu.memory_space<hbm>> -> memref<1x16x2048xf32, #tpu.memory_space<hbm>>
    %dma_start3A_308 = tpu.memref_squeeze %dma_start3A_307 : memref<1x16x2048xf32, #tpu.memory_space<hbm>> -> memref<16x2048xf32, #tpu.memory_space<hbm>>
    %dma_start3A_309 = arith.constant 0 : i32
    %dma_start3A_310 = tpu.memref_slice %arg3[%select_n3A, %add3A_134, %dma_start3A_309] : memref<16x2048x2048xf32, #tpu.memory_space<hbm>> -> memref<1x16x2048xf32, #tpu.memory_space<hbm>>
    %dma_start3A_311 = tpu.memref_squeeze %dma_start3A_310 : memref<1x16x2048xf32, #tpu.memory_space<hbm>> -> memref<16x2048xf32, #tpu.memory_space<hbm>>
    %dma_start3A_312 = arith.constant 0 : i32
    %dma_start3A_313 = arith.constant 256 : i32
    %dma_start3A_314 = tpu.memref_slice %arg4[%dma_start3A_312, %dma_start3A_313] : memref<16x3968xf32, #tpu.memory_space<vmem>> -> memref<16x2048xf32, #tpu.memory_space<vmem>>
    tpu.enqueue_dma source(%dma_start3A_314 : memref<16x2048xf32, #tpu.memory_space<vmem>>) target(%dma_start3A_311 : memref<16x2048xf32, #tpu.memory_space<hbm>>) target_semaphore(%arg7 : memref<!tpu.dma_semaphore, #tpu.memory_space<semaphore_mem>>)
    %dma_start3A_315 = arith.constant 0 : i32
    %dma_start3A_316 = arith.constant 128 : i32
    %dma_start3A_317 = tpu.memref_slice %arg4[%dma_start3A_315, %dma_start3A_316] : memref<16x3968xf32, #tpu.memory_space<vmem>> -> memref<16x2048xf32, #tpu.memory_space<vmem>>
    %dma_start3A_318 = arith.constant 0 : i32
    %dma_start3A_319 = tpu.memref_slice %arg3[%select_n3A, %add3A_140, %dma_start3A_318] : memref<16x2048x2048xf32, #tpu.memory_space<hbm>> -> memref<1x16x2048xf32, #tpu.memory_space<hbm>>
    %dma_start3A_320 = tpu.memref_squeeze %dma_start3A_319 : memref<1x16x2048xf32, #tpu.memory_space<hbm>> -> memref<16x2048xf32, #tpu.memory_space<hbm>>
    %dma_start3A_321 = arith.constant 0 : i32
    %dma_start3A_322 = tpu.memref_slice %arg3[%select_n3A, %add3A_140, %dma_start3A_321] : memref<16x2048x2048xf32, #tpu.memory_space<hbm>> -> memref<1x16x2048xf32, #tpu.memory_space<hbm>>
    %dma_start3A_323 = tpu.memref_squeeze %dma_start3A_322 : memref<1x16x2048xf32, #tpu.memory_space<hbm>> -> memref<16x2048xf32, #tpu.memory_space<hbm>>
    %dma_start3A_324 = arith.constant 0 : i32
    %dma_start3A_325 = arith.constant 128 : i32
    %dma_start3A_326 = tpu.memref_slice %arg4[%dma_start3A_324, %dma_start3A_325] : memref<16x3968xf32, #tpu.memory_space<vmem>> -> memref<16x2048xf32, #tpu.memory_space<vmem>>
    tpu.enqueue_dma source(%dma_start3A_326 : memref<16x2048xf32, #tpu.memory_space<vmem>>) target(%dma_start3A_323 : memref<16x2048xf32, #tpu.memory_space<hbm>>) target_semaphore(%arg7 : memref<!tpu.dma_semaphore, #tpu.memory_space<semaphore_mem>>)
    %dma_start3A_327 = arith.constant 0 : i32
    %dma_start3A_328 = arith.constant 0 : i32
    %dma_start3A_329 = tpu.memref_slice %arg4[%dma_start3A_327, %dma_start3A_328] : memref<16x3968xf32, #tpu.memory_space<vmem>> -> memref<16x2048xf32, #tpu.memory_space<vmem>>
    %dma_start3A_330 = arith.constant 0 : i32
    %dma_start3A_331 = tpu.memref_slice %arg3[%select_n3A, %add3A_146, %dma_start3A_330] : memref<16x2048x2048xf32, #tpu.memory_space<hbm>> -> memref<1x16x2048xf32, #tpu.memory_space<hbm>>
    %dma_start3A_332 = tpu.memref_squeeze %dma_start3A_331 : memref<1x16x2048xf32, #tpu.memory_space<hbm>> -> memref<16x2048xf32, #tpu.memory_space<hbm>>
    %dma_start3A_333 = arith.constant 0 : i32
    %dma_start3A_334 = tpu.memref_slice %arg3[%select_n3A, %add3A_146, %dma_start3A_333] : memref<16x2048x2048xf32, #tpu.memory_space<hbm>> -> memref<1x16x2048xf32, #tpu.memory_space<hbm>>
    %dma_start3A_335 = tpu.memref_squeeze %dma_start3A_334 : memref<1x16x2048xf32, #tpu.memory_space<hbm>> -> memref<16x2048xf32, #tpu.memory_space<hbm>>
    %dma_start3A_336 = arith.constant 0 : i32
    %dma_start3A_337 = arith.constant 0 : i32
    %dma_start3A_338 = tpu.memref_slice %arg4[%dma_start3A_336, %dma_start3A_337] : memref<16x3968xf32, #tpu.memory_space<vmem>> -> memref<16x2048xf32, #tpu.memory_space<vmem>>
    tpu.enqueue_dma source(%dma_start3A_338 : memref<16x2048xf32, #tpu.memory_space<vmem>>) target(%dma_start3A_335 : memref<16x2048xf32, #tpu.memory_space<hbm>>) target_semaphore(%arg7 : memref<!tpu.dma_semaphore, #tpu.memory_space<semaphore_mem>>)
    %add3A_339 = arith.constant 1 : i32
    %add3A_340 = arith.addi %mul3A_32, %add3A_339 : i32
    %mul3A_341 = arith.constant 16 : i32
    %mul3A_342 = arith.muli %mul3A_341, %add3A_340 : i32
    %dma_start3A_343 = arith.constant 0 : i32
    %dma_start3A_344 = tpu.memref_slice %arg2[%select_n3A, %mul3A_342, %dma_start3A_343] : memref<16x128x3968xf32, #tpu.memory_space<hbm>> -> memref<1x16x3968xf32, #tpu.memory_space<hbm>>
    %dma_start3A_345 = tpu.memref_squeeze %dma_start3A_344 : memref<1x16x3968xf32, #tpu.memory_space<hbm>> -> memref<16x3968xf32, #tpu.memory_space<hbm>>
    %dma_start3A_346 = arith.constant 0 : i32
    %dma_start3A_347 = tpu.memref_slice %arg2[%select_n3A, %mul3A_342, %dma_start3A_346] : memref<16x128x3968xf32, #tpu.memory_space<hbm>> -> memref<1x16x3968xf32, #tpu.memory_space<hbm>>
    %dma_start3A_348 = tpu.memref_squeeze %dma_start3A_347 : memref<1x16x3968xf32, #tpu.memory_space<hbm>> -> memref<16x3968xf32, #tpu.memory_space<hbm>>
    tpu.enqueue_dma source(%dma_start3A_348 : memref<16x3968xf32, #tpu.memory_space<hbm>>) target(%arg5 : memref<16x3968xf32, #tpu.memory_space<vmem>>) target_semaphore(%arg6 : memref<!tpu.dma_semaphore, #tpu.memory_space<semaphore_mem>>)
    %add3A_349 = arith.constant 1 : i32
    %add3A_350 = arith.addi %mul3A_32, %add3A_349 : i32
    %mul3A_351 = arith.constant 16 : i32
    %mul3A_352 = arith.muli %mul3A_351, %add3A_350 : i32
    %dma_wait3A_353 = arith.constant 0 : i32
    %dma_wait3A_354 = tpu.memref_slice %arg2[%select_n3A, %mul3A_352, %dma_wait3A_353] : memref<16x128x3968xf32, #tpu.memory_space<hbm>> -> memref<1x16x3968xf32, #tpu.memory_space<hbm>>
    %dma_wait3A_355 = tpu.memref_squeeze %dma_wait3A_354 : memref<1x16x3968xf32, #tpu.memory_space<hbm>> -> memref<16x3968xf32, #tpu.memory_space<hbm>>
    %dma_wait3A_356 = arith.constant 0 : i32
    %dma_wait3A_357 = tpu.memref_slice %arg2[%select_n3A, %mul3A_352, %dma_wait3A_356] : memref<16x128x3968xf32, #tpu.memory_space<hbm>> -> memref<1x16x3968xf32, #tpu.memory_space<hbm>>
    %dma_wait3A_358 = tpu.memref_squeeze %dma_wait3A_357 : memref<1x16x3968xf32, #tpu.memory_space<hbm>> -> memref<16x3968xf32, #tpu.memory_space<hbm>>
    tpu.wait_dma2 semaphore(%arg6 : memref<!tpu.dma_semaphore, #tpu.memory_space<semaphore_mem>>) src(%dma_wait3A_358 : memref<16x3968xf32, #tpu.memory_space<hbm>>) dst(%arg5 : memref<16x3968xf32, #tpu.memory_space<vmem>>)
    %add3A_359 = arith.constant 1 : i32
    %add3A_360 = arith.addi %mul3A_32, %add3A_359 : i32
    %mul3A_361 = arith.constant 16 : i32
    %mul3A_362 = arith.muli %mul3A_361, %add3A_360 : i32
    %add3A_363 = arith.constant 0 : i32
    %add3A_364 = arith.addi %add3A_363, %mul3A_362 : i32
    %add3A_365 = arith.constant 1 : i32
    %add3A_366 = arith.addi %mul3A_32, %add3A_365 : i32
    %mul3A_367 = arith.constant 16 : i32
    %mul3A_368 = arith.muli %mul3A_367, %add3A_366 : i32
    %add3A_369 = arith.constant 128 : i32
    %add3A_370 = arith.addi %add3A_369, %mul3A_368 : i32
    %add3A_371 = arith.constant 1 : i32
    %add3A_372 = arith.addi %mul3A_32, %add3A_371 : i32
    %mul3A_373 = arith.constant 16 : i32
    %mul3A_374 = arith.muli %mul3A_373, %add3A_372 : i32
    %add3A_375 = arith.constant 256 : i32
    %add3A_376 = arith.addi %add3A_375, %mul3A_374 : i32
    %add3A_377 = arith.constant 1 : i32
    %add3A_378 = arith.addi %mul3A_32, %add3A_377 : i32
    %mul3A_379 = arith.constant 16 : i32
    %mul3A_380 = arith.muli %mul3A_379, %add3A_378 : i32
    %add3A_381 = arith.constant 384 : i32
    %add3A_382 = arith.addi %add3A_381, %mul3A_380 : i32
    %add3A_383 = arith.constant 1 : i32
    %add3A_384 = arith.addi %mul3A_32, %add3A_383 : i32
    %mul3A_385 = arith.constant 16 : i32
    %mul3A_386 = arith.muli %mul3A_385, %add3A_384 : i32
    %add3A_387 = arith.constant 512 : i32
    %add3A_388 = arith.addi %add3A_387, %mul3A_386 : i32
    %add3A_389 = arith.constant 1 : i32
    %add3A_390 = arith.addi %mul3A_32, %add3A_389 : i32
    %mul3A_391 = arith.constant 16 : i32
    %mul3A_392 = arith.muli %mul3A_391, %add3A_390 : i32
    %add3A_393 = arith.constant 640 : i32
    %add3A_394 = arith.addi %add3A_393, %mul3A_392 : i32
    %add3A_395 = arith.constant 1 : i32
    %add3A_396 = arith.addi %mul3A_32, %add3A_395 : i32
    %mul3A_397 = arith.constant 16 : i32
    %mul3A_398 = arith.muli %mul3A_397, %add3A_396 : i32
    %add3A_399 = arith.constant 768 : i32
    %add3A_400 = arith.addi %add3A_399, %mul3A_398 : i32
    %add3A_401 = arith.constant 1 : i32
    %add3A_402 = arith.addi %mul3A_32, %add3A_401 : i32
    %mul3A_403 = arith.constant 16 : i32
    %mul3A_404 = arith.muli %mul3A_403, %add3A_402 : i32
    %add3A_405 = arith.constant 896 : i32
    %add3A_406 = arith.addi %add3A_405, %mul3A_404 : i32
    %add3A_407 = arith.constant 1 : i32
    %add3A_408 = arith.addi %mul3A_32, %add3A_407 : i32
    %mul3A_409 = arith.constant 16 : i32
    %mul3A_410 = arith.muli %mul3A_409, %add3A_408 : i32
    %add3A_411 = arith.constant 1024 : i32
    %add3A_412 = arith.addi %add3A_411, %mul3A_410 : i32
    %add3A_413 = arith.constant 1 : i32
    %add3A_414 = arith.addi %mul3A_32, %add3A_413 : i32
    %mul3A_415 = arith.constant 16 : i32
    %mul3A_416 = arith.muli %mul3A_415, %add3A_414 : i32
    %add3A_417 = arith.constant 1152 : i32
    %add3A_418 = arith.addi %add3A_417, %mul3A_416 : i32
    %add3A_419 = arith.constant 1 : i32
    %add3A_420 = arith.addi %mul3A_32, %add3A_419 : i32
    %mul3A_421 = arith.constant 16 : i32
    %mul3A_422 = arith.muli %mul3A_421, %add3A_420 : i32
    %add3A_423 = arith.constant 1280 : i32
    %add3A_424 = arith.addi %add3A_423, %mul3A_422 : i32
    %add3A_425 = arith.constant 1 : i32
    %add3A_426 = arith.addi %mul3A_32, %add3A_425 : i32
    %mul3A_427 = arith.constant 16 : i32
    %mul3A_428 = arith.muli %mul3A_427, %add3A_426 : i32
    %add3A_429 = arith.constant 1408 : i32
    %add3A_430 = arith.addi %add3A_429, %mul3A_428 : i32
    %add3A_431 = arith.constant 1 : i32
    %add3A_432 = arith.addi %mul3A_32, %add3A_431 : i32
    %mul3A_433 = arith.constant 16 : i32
    %mul3A_434 = arith.muli %mul3A_433, %add3A_432 : i32
    %add3A_435 = arith.constant 1536 : i32
    %add3A_436 = arith.addi %add3A_435, %mul3A_434 : i32
    %add3A_437 = arith.constant 1 : i32
    %add3A_438 = arith.addi %mul3A_32, %add3A_437 : i32
    %mul3A_439 = arith.constant 16 : i32
    %mul3A_440 = arith.muli %mul3A_439, %add3A_438 : i32
    %add3A_441 = arith.constant 1664 : i32
    %add3A_442 = arith.addi %add3A_441, %mul3A_440 : i32
    %add3A_443 = arith.constant 1 : i32
    %add3A_444 = arith.addi %mul3A_32, %add3A_443 : i32
    %mul3A_445 = arith.constant 16 : i32
    %mul3A_446 = arith.muli %mul3A_445, %add3A_444 : i32
    %add3A_447 = arith.constant 1792 : i32
    %add3A_448 = arith.addi %add3A_447, %mul3A_446 : i32
    %add3A_449 = arith.constant 1 : i32
    %add3A_450 = arith.addi %mul3A_32, %add3A_449 : i32
    %mul3A_451 = arith.constant 16 : i32
    %mul3A_452 = arith.muli %mul3A_451, %add3A_450 : i32
    %add3A_453 = arith.constant 1920 : i32
    %add3A_454 = arith.addi %add3A_453, %mul3A_452 : i32
    %dma_start3A_455 = arith.constant 0 : i32
    %dma_start3A_456 = arith.constant 1920 : i32
    %dma_start3A_457 = tpu.memref_slice %arg5[%dma_start3A_455, %dma_start3A_456] : memref<16x3968xf32, #tpu.memory_space<vmem>> -> memref<16x2048xf32, #tpu.memory_space<vmem>>
    %dma_start3A_458 = arith.constant 0 : i32
    %dma_start3A_459 = tpu.memref_slice %arg3[%select_n3A, %add3A_364, %dma_start3A_458] : memref<16x2048x2048xf32, #tpu.memory_space<hbm>> -> memref<1x16x2048xf32, #tpu.memory_space<hbm>>
    %dma_start3A_460 = tpu.memref_squeeze %dma_start3A_459 : memref<1x16x2048xf32, #tpu.memory_space<hbm>> -> memref<16x2048xf32, #tpu.memory_space<hbm>>
    %dma_start3A_461 = arith.constant 0 : i32
    %dma_start3A_462 = tpu.memref_slice %arg3[%select_n3A, %add3A_364, %dma_start3A_461] : memref<16x2048x2048xf32, #tpu.memory_space<hbm>> -> memref<1x16x2048xf32, #tpu.memory_space<hbm>>
    %dma_start3A_463 = tpu.memref_squeeze %dma_start3A_462 : memref<1x16x2048xf32, #tpu.memory_space<hbm>> -> memref<16x2048xf32, #tpu.memory_space<hbm>>
    %dma_start3A_464 = arith.constant 0 : i32
    %dma_start3A_465 = arith.constant 1920 : i32
    %dma_start3A_466 = tpu.memref_slice %arg5[%dma_start3A_464, %dma_start3A_465] : memref<16x3968xf32, #tpu.memory_space<vmem>> -> memref<16x2048xf32, #tpu.memory_space<vmem>>
    tpu.enqueue_dma source(%dma_start3A_466 : memref<16x2048xf32, #tpu.memory_space<vmem>>) target(%dma_start3A_463 : memref<16x2048xf32, #tpu.memory_space<hbm>>) target_semaphore(%arg8 : memref<!tpu.dma_semaphore, #tpu.memory_space<semaphore_mem>>)
    %dma_start3A_467 = arith.constant 0 : i32
    %dma_start3A_468 = arith.constant 1792 : i32
    %dma_start3A_469 = tpu.memref_slice %arg5[%dma_start3A_467, %dma_start3A_468] : memref<16x3968xf32, #tpu.memory_space<vmem>> -> memref<16x2048xf32, #tpu.memory_space<vmem>>
    %dma_start3A_470 = arith.constant 0 : i32
    %dma_start3A_471 = tpu.memref_slice %arg3[%select_n3A, %add3A_370, %dma_start3A_470] : memref<16x2048x2048xf32, #tpu.memory_space<hbm>> -> memref<1x16x2048xf32, #tpu.memory_space<hbm>>
    %dma_start3A_472 = tpu.memref_squeeze %dma_start3A_471 : memref<1x16x2048xf32, #tpu.memory_space<hbm>> -> memref<16x2048xf32, #tpu.memory_space<hbm>>
    %dma_start3A_473 = arith.constant 0 : i32
    %dma_start3A_474 = tpu.memref_slice %arg3[%select_n3A, %add3A_370, %dma_start3A_473] : memref<16x2048x2048xf32, #tpu.memory_space<hbm>> -> memref<1x16x2048xf32, #tpu.memory_space<hbm>>
    %dma_start3A_475 = tpu.memref_squeeze %dma_start3A_474 : memref<1x16x2048xf32, #tpu.memory_space<hbm>> -> memref<16x2048xf32, #tpu.memory_space<hbm>>
    %dma_start3A_476 = arith.constant 0 : i32
    %dma_start3A_477 = arith.constant 1792 : i32
    %dma_start3A_478 = tpu.memref_slice %arg5[%dma_start3A_476, %dma_start3A_477] : memref<16x3968xf32, #tpu.memory_space<vmem>> -> memref<16x2048xf32, #tpu.memory_space<vmem>>
    tpu.enqueue_dma source(%dma_start3A_478 : memref<16x2048xf32, #tpu.memory_space<vmem>>) target(%dma_start3A_475 : memref<16x2048xf32, #tpu.memory_space<hbm>>) target_semaphore(%arg8 : memref<!tpu.dma_semaphore, #tpu.memory_space<semaphore_mem>>)
    %dma_start3A_479 = arith.constant 0 : i32
    %dma_start3A_480 = arith.constant 1664 : i32
    %dma_start3A_481 = tpu.memref_slice %arg5[%dma_start3A_479, %dma_start3A_480] : memref<16x3968xf32, #tpu.memory_space<vmem>> -> memref<16x2048xf32, #tpu.memory_space<vmem>>
    %dma_start3A_482 = arith.constant 0 : i32
    %dma_start3A_483 = tpu.memref_slice %arg3[%select_n3A, %add3A_376, %dma_start3A_482] : memref<16x2048x2048xf32, #tpu.memory_space<hbm>> -> memref<1x16x2048xf32, #tpu.memory_space<hbm>>
    %dma_start3A_484 = tpu.memref_squeeze %dma_start3A_483 : memref<1x16x2048xf32, #tpu.memory_space<hbm>> -> memref<16x2048xf32, #tpu.memory_space<hbm>>
    %dma_start3A_485 = arith.constant 0 : i32
    %dma_start3A_486 = tpu.memref_slice %arg3[%select_n3A, %add3A_376, %dma_start3A_485] : memref<16x2048x2048xf32, #tpu.memory_space<hbm>> -> memref<1x16x2048xf32, #tpu.memory_space<hbm>>
    %dma_start3A_487 = tpu.memref_squeeze %dma_start3A_486 : memref<1x16x2048xf32, #tpu.memory_space<hbm>> -> memref<16x2048xf32, #tpu.memory_space<hbm>>
    %dma_start3A_488 = arith.constant 0 : i32
    %dma_start3A_489 = arith.constant 1664 : i32
    %dma_start3A_490 = tpu.memref_slice %arg5[%dma_start3A_488, %dma_start3A_489] : memref<16x3968xf32, #tpu.memory_space<vmem>> -> memref<16x2048xf32, #tpu.memory_space<vmem>>
    tpu.enqueue_dma source(%dma_start3A_490 : memref<16x2048xf32, #tpu.memory_space<vmem>>) target(%dma_start3A_487 : memref<16x2048xf32, #tpu.memory_space<hbm>>) target_semaphore(%arg8 : memref<!tpu.dma_semaphore, #tpu.memory_space<semaphore_mem>>)
    %dma_start3A_491 = arith.constant 0 : i32
    %dma_start3A_492 = arith.constant 1536 : i32
    %dma_start3A_493 = tpu.memref_slice %arg5[%dma_start3A_491, %dma_start3A_492] : memref<16x3968xf32, #tpu.memory_space<vmem>> -> memref<16x2048xf32, #tpu.memory_space<vmem>>
    %dma_start3A_494 = arith.constant 0 : i32
    %dma_start3A_495 = tpu.memref_slice %arg3[%select_n3A, %add3A_382, %dma_start3A_494] : memref<16x2048x2048xf32, #tpu.memory_space<hbm>> -> memref<1x16x2048xf32, #tpu.memory_space<hbm>>
    %dma_start3A_496 = tpu.memref_squeeze %dma_start3A_495 : memref<1x16x2048xf32, #tpu.memory_space<hbm>> -> memref<16x2048xf32, #tpu.memory_space<hbm>>
    %dma_start3A_497 = arith.constant 0 : i32
    %dma_start3A_498 = tpu.memref_slice %arg3[%select_n3A, %add3A_382, %dma_start3A_497] : memref<16x2048x2048xf32, #tpu.memory_space<hbm>> -> memref<1x16x2048xf32, #tpu.memory_space<hbm>>
    %dma_start3A_499 = tpu.memref_squeeze %dma_start3A_498 : memref<1x16x2048xf32, #tpu.memory_space<hbm>> -> memref<16x2048xf32, #tpu.memory_space<hbm>>
    %dma_start3A_500 = arith.constant 0 : i32
    %dma_start3A_501 = arith.constant 1536 : i32
    %dma_start3A_502 = tpu.memref_slice %arg5[%dma_start3A_500, %dma_start3A_501] : memref<16x3968xf32, #tpu.memory_space<vmem>> -> memref<16x2048xf32, #tpu.memory_space<vmem>>
    tpu.enqueue_dma source(%dma_start3A_502 : memref<16x2048xf32, #tpu.memory_space<vmem>>) target(%dma_start3A_499 : memref<16x2048xf32, #tpu.memory_space<hbm>>) target_semaphore(%arg8 : memref<!tpu.dma_semaphore, #tpu.memory_space<semaphore_mem>>)
    %dma_start3A_503 = arith.constant 0 : i32
    %dma_start3A_504 = arith.constant 1408 : i32
    %dma_start3A_505 = tpu.memref_slice %arg5[%dma_start3A_503, %dma_start3A_504] : memref<16x3968xf32, #tpu.memory_space<vmem>> -> memref<16x2048xf32, #tpu.memory_space<vmem>>
    %dma_start3A_506 = arith.constant 0 : i32
    %dma_start3A_507 = tpu.memref_slice %arg3[%select_n3A, %add3A_388, %dma_start3A_506] : memref<16x2048x2048xf32, #tpu.memory_space<hbm>> -> memref<1x16x2048xf32, #tpu.memory_space<hbm>>
    %dma_start3A_508 = tpu.memref_squeeze %dma_start3A_507 : memref<1x16x2048xf32, #tpu.memory_space<hbm>> -> memref<16x2048xf32, #tpu.memory_space<hbm>>
    %dma_start3A_509 = arith.constant 0 : i32
    %dma_start3A_510 = tpu.memref_slice %arg3[%select_n3A, %add3A_388, %dma_start3A_509] : memref<16x2048x2048xf32, #tpu.memory_space<hbm>> -> memref<1x16x2048xf32, #tpu.memory_space<hbm>>
    %dma_start3A_511 = tpu.memref_squeeze %dma_start3A_510 : memref<1x16x2048xf32, #tpu.memory_space<hbm>> -> memref<16x2048xf32, #tpu.memory_space<hbm>>
    %dma_start3A_512 = arith.constant 0 : i32
    %dma_start3A_513 = arith.constant 1408 : i32
    %dma_start3A_514 = tpu.memref_slice %arg5[%dma_start3A_512, %dma_start3A_513] : memref<16x3968xf32, #tpu.memory_space<vmem>> -> memref<16x2048xf32, #tpu.memory_space<vmem>>
    tpu.enqueue_dma source(%dma_start3A_514 : memref<16x2048xf32, #tpu.memory_space<vmem>>) target(%dma_start3A_511 : memref<16x2048xf32, #tpu.memory_space<hbm>>) target_semaphore(%arg8 : memref<!tpu.dma_semaphore, #tpu.memory_space<semaphore_mem>>)
    %dma_start3A_515 = arith.constant 0 : i32
    %dma_start3A_516 = arith.constant 1280 : i32
    %dma_start3A_517 = tpu.memref_slice %arg5[%dma_start3A_515, %dma_start3A_516] : memref<16x3968xf32, #tpu.memory_space<vmem>> -> memref<16x2048xf32, #tpu.memory_space<vmem>>
    %dma_start3A_518 = arith.constant 0 : i32
    %dma_start3A_519 = tpu.memref_slice %arg3[%select_n3A, %add3A_394, %dma_start3A_518] : memref<16x2048x2048xf32, #tpu.memory_space<hbm>> -> memref<1x16x2048xf32, #tpu.memory_space<hbm>>
    %dma_start3A_520 = tpu.memref_squeeze %dma_start3A_519 : memref<1x16x2048xf32, #tpu.memory_space<hbm>> -> memref<16x2048xf32, #tpu.memory_space<hbm>>
    %dma_start3A_521 = arith.constant 0 : i32
    %dma_start3A_522 = tpu.memref_slice %arg3[%select_n3A, %add3A_394, %dma_start3A_521] : memref<16x2048x2048xf32, #tpu.memory_space<hbm>> -> memref<1x16x2048xf32, #tpu.memory_space<hbm>>
    %dma_start3A_523 = tpu.memref_squeeze %dma_start3A_522 : memref<1x16x2048xf32, #tpu.memory_space<hbm>> -> memref<16x2048xf32, #tpu.memory_space<hbm>>
    %dma_start3A_524 = arith.constant 0 : i32
    %dma_start3A_525 = arith.constant 1280 : i32
    %dma_start3A_526 = tpu.memref_slice %arg5[%dma_start3A_524, %dma_start3A_525] : memref<16x3968xf32, #tpu.memory_space<vmem>> -> memref<16x2048xf32, #tpu.memory_space<vmem>>
    tpu.enqueue_dma source(%dma_start3A_526 : memref<16x2048xf32, #tpu.memory_space<vmem>>) target(%dma_start3A_523 : memref<16x2048xf32, #tpu.memory_space<hbm>>) target_semaphore(%arg8 : memref<!tpu.dma_semaphore, #tpu.memory_space<semaphore_mem>>)
    %dma_start3A_527 = arith.constant 0 : i32
    %dma_start3A_528 = arith.constant 1152 : i32
    %dma_start3A_529 = tpu.memref_slice %arg5[%dma_start3A_527, %dma_start3A_528] : memref<16x3968xf32, #tpu.memory_space<vmem>> -> memref<16x2048xf32, #tpu.memory_space<vmem>>
    %dma_start3A_530 = arith.constant 0 : i32
    %dma_start3A_531 = tpu.memref_slice %arg3[%select_n3A, %add3A_400, %dma_start3A_530] : memref<16x2048x2048xf32, #tpu.memory_space<hbm>> -> memref<1x16x2048xf32, #tpu.memory_space<hbm>>
    %dma_start3A_532 = tpu.memref_squeeze %dma_start3A_531 : memref<1x16x2048xf32, #tpu.memory_space<hbm>> -> memref<16x2048xf32, #tpu.memory_space<hbm>>
    %dma_start3A_533 = arith.constant 0 : i32
    %dma_start3A_534 = tpu.memref_slice %arg3[%select_n3A, %add3A_400, %dma_start3A_533] : memref<16x2048x2048xf32, #tpu.memory_space<hbm>> -> memref<1x16x2048xf32, #tpu.memory_space<hbm>>
    %dma_start3A_535 = tpu.memref_squeeze %dma_start3A_534 : memref<1x16x2048xf32, #tpu.memory_space<hbm>> -> memref<16x2048xf32, #tpu.memory_space<hbm>>
    %dma_start3A_536 = arith.constant 0 : i32
    %dma_start3A_537 = arith.constant 1152 : i32
    %dma_start3A_538 = tpu.memref_slice %arg5[%dma_start3A_536, %dma_start3A_537] : memref<16x3968xf32, #tpu.memory_space<vmem>> -> memref<16x2048xf32, #tpu.memory_space<vmem>>
    tpu.enqueue_dma source(%dma_start3A_538 : memref<16x2048xf32, #tpu.memory_space<vmem>>) target(%dma_start3A_535 : memref<16x2048xf32, #tpu.memory_space<hbm>>) target_semaphore(%arg8 : memref<!tpu.dma_semaphore, #tpu.memory_space<semaphore_mem>>)
    %dma_start3A_539 = arith.constant 0 : i32
    %dma_start3A_540 = arith.constant 1024 : i32
    %dma_start3A_541 = tpu.memref_slice %arg5[%dma_start3A_539, %dma_start3A_540] : memref<16x3968xf32, #tpu.memory_space<vmem>> -> memref<16x2048xf32, #tpu.memory_space<vmem>>
    %dma_start3A_542 = arith.constant 0 : i32
    %dma_start3A_543 = tpu.memref_slice %arg3[%select_n3A, %add3A_406, %dma_start3A_542] : memref<16x2048x2048xf32, #tpu.memory_space<hbm>> -> memref<1x16x2048xf32, #tpu.memory_space<hbm>>
    %dma_start3A_544 = tpu.memref_squeeze %dma_start3A_543 : memref<1x16x2048xf32, #tpu.memory_space<hbm>> -> memref<16x2048xf32, #tpu.memory_space<hbm>>
    %dma_start3A_545 = arith.constant 0 : i32
    %dma_start3A_546 = tpu.memref_slice %arg3[%select_n3A, %add3A_406, %dma_start3A_545] : memref<16x2048x2048xf32, #tpu.memory_space<hbm>> -> memref<1x16x2048xf32, #tpu.memory_space<hbm>>
    %dma_start3A_547 = tpu.memref_squeeze %dma_start3A_546 : memref<1x16x2048xf32, #tpu.memory_space<hbm>> -> memref<16x2048xf32, #tpu.memory_space<hbm>>
    %dma_start3A_548 = arith.constant 0 : i32
    %dma_start3A_549 = arith.constant 1024 : i32
    %dma_start3A_550 = tpu.memref_slice %arg5[%dma_start3A_548, %dma_start3A_549] : memref<16x3968xf32, #tpu.memory_space<vmem>> -> memref<16x2048xf32, #tpu.memory_space<vmem>>
    tpu.enqueue_dma source(%dma_start3A_550 : memref<16x2048xf32, #tpu.memory_space<vmem>>) target(%dma_start3A_547 : memref<16x2048xf32, #tpu.memory_space<hbm>>) target_semaphore(%arg8 : memref<!tpu.dma_semaphore, #tpu.memory_space<semaphore_mem>>)
    %dma_start3A_551 = arith.constant 0 : i32
    %dma_start3A_552 = arith.constant 896 : i32
    %dma_start3A_553 = tpu.memref_slice %arg5[%dma_start3A_551, %dma_start3A_552] : memref<16x3968xf32, #tpu.memory_space<vmem>> -> memref<16x2048xf32, #tpu.memory_space<vmem>>
    %dma_start3A_554 = arith.constant 0 : i32
    %dma_start3A_555 = tpu.memref_slice %arg3[%select_n3A, %add3A_412, %dma_start3A_554] : memref<16x2048x2048xf32, #tpu.memory_space<hbm>> -> memref<1x16x2048xf32, #tpu.memory_space<hbm>>
    %dma_start3A_556 = tpu.memref_squeeze %dma_start3A_555 : memref<1x16x2048xf32, #tpu.memory_space<hbm>> -> memref<16x2048xf32, #tpu.memory_space<hbm>>
    %dma_start3A_557 = arith.constant 0 : i32
    %dma_start3A_558 = tpu.memref_slice %arg3[%select_n3A, %add3A_412, %dma_start3A_557] : memref<16x2048x2048xf32, #tpu.memory_space<hbm>> -> memref<1x16x2048xf32, #tpu.memory_space<hbm>>
    %dma_start3A_559 = tpu.memref_squeeze %dma_start3A_558 : memref<1x16x2048xf32, #tpu.memory_space<hbm>> -> memref<16x2048xf32, #tpu.memory_space<hbm>>
    %dma_start3A_560 = arith.constant 0 : i32
    %dma_start3A_561 = arith.constant 896 : i32
    %dma_start3A_562 = tpu.memref_slice %arg5[%dma_start3A_560, %dma_start3A_561] : memref<16x3968xf32, #tpu.memory_space<vmem>> -> memref<16x2048xf32, #tpu.memory_space<vmem>>
    tpu.enqueue_dma source(%dma_start3A_562 : memref<16x2048xf32, #tpu.memory_space<vmem>>) target(%dma_start3A_559 : memref<16x2048xf32, #tpu.memory_space<hbm>>) target_semaphore(%arg8 : memref<!tpu.dma_semaphore, #tpu.memory_space<semaphore_mem>>)
    %dma_start3A_563 = arith.constant 0 : i32
    %dma_start3A_564 = arith.constant 768 : i32
    %dma_start3A_565 = tpu.memref_slice %arg5[%dma_start3A_563, %dma_start3A_564] : memref<16x3968xf32, #tpu.memory_space<vmem>> -> memref<16x2048xf32, #tpu.memory_space<vmem>>
    %dma_start3A_566 = arith.constant 0 : i32
    %dma_start3A_567 = tpu.memref_slice %arg3[%select_n3A, %add3A_418, %dma_start3A_566] : memref<16x2048x2048xf32, #tpu.memory_space<hbm>> -> memref<1x16x2048xf32, #tpu.memory_space<hbm>>
    %dma_start3A_568 = tpu.memref_squeeze %dma_start3A_567 : memref<1x16x2048xf32, #tpu.memory_space<hbm>> -> memref<16x2048xf32, #tpu.memory_space<hbm>>
    %dma_start3A_569 = arith.constant 0 : i32
    %dma_start3A_570 = tpu.memref_slice %arg3[%select_n3A, %add3A_418, %dma_start3A_569] : memref<16x2048x2048xf32, #tpu.memory_space<hbm>> -> memref<1x16x2048xf32, #tpu.memory_space<hbm>>
    %dma_start3A_571 = tpu.memref_squeeze %dma_start3A_570 : memref<1x16x2048xf32, #tpu.memory_space<hbm>> -> memref<16x2048xf32, #tpu.memory_space<hbm>>
    %dma_start3A_572 = arith.constant 0 : i32
    %dma_start3A_573 = arith.constant 768 : i32
    %dma_start3A_574 = tpu.memref_slice %arg5[%dma_start3A_572, %dma_start3A_573] : memref<16x3968xf32, #tpu.memory_space<vmem>> -> memref<16x2048xf32, #tpu.memory_space<vmem>>
    tpu.enqueue_dma source(%dma_start3A_574 : memref<16x2048xf32, #tpu.memory_space<vmem>>) target(%dma_start3A_571 : memref<16x2048xf32, #tpu.memory_space<hbm>>) target_semaphore(%arg8 : memref<!tpu.dma_semaphore, #tpu.memory_space<semaphore_mem>>)
    %dma_start3A_575 = arith.constant 0 : i32
    %dma_start3A_576 = arith.constant 640 : i32
    %dma_start3A_577 = tpu.memref_slice %arg5[%dma_start3A_575, %dma_start3A_576] : memref<16x3968xf32, #tpu.memory_space<vmem>> -> memref<16x2048xf32, #tpu.memory_space<vmem>>
    %dma_start3A_578 = arith.constant 0 : i32
    %dma_start3A_579 = tpu.memref_slice %arg3[%select_n3A, %add3A_424, %dma_start3A_578] : memref<16x2048x2048xf32, #tpu.memory_space<hbm>> -> memref<1x16x2048xf32, #tpu.memory_space<hbm>>
    %dma_start3A_580 = tpu.memref_squeeze %dma_start3A_579 : memref<1x16x2048xf32, #tpu.memory_space<hbm>> -> memref<16x2048xf32, #tpu.memory_space<hbm>>
    %dma_start3A_581 = arith.constant 0 : i32
    %dma_start3A_582 = tpu.memref_slice %arg3[%select_n3A, %add3A_424, %dma_start3A_581] : memref<16x2048x2048xf32, #tpu.memory_space<hbm>> -> memref<1x16x2048xf32, #tpu.memory_space<hbm>>
    %dma_start3A_583 = tpu.memref_squeeze %dma_start3A_582 : memref<1x16x2048xf32, #tpu.memory_space<hbm>> -> memref<16x2048xf32, #tpu.memory_space<hbm>>
    %dma_start3A_584 = arith.constant 0 : i32
    %dma_start3A_585 = arith.constant 640 : i32
    %dma_start3A_586 = tpu.memref_slice %arg5[%dma_start3A_584, %dma_start3A_585] : memref<16x3968xf32, #tpu.memory_space<vmem>> -> memref<16x2048xf32, #tpu.memory_space<vmem>>
    tpu.enqueue_dma source(%dma_start3A_586 : memref<16x2048xf32, #tpu.memory_space<vmem>>) target(%dma_start3A_583 : memref<16x2048xf32, #tpu.memory_space<hbm>>) target_semaphore(%arg8 : memref<!tpu.dma_semaphore, #tpu.memory_space<semaphore_mem>>)
    %dma_start3A_587 = arith.constant 0 : i32
    %dma_start3A_588 = arith.constant 512 : i32
    %dma_start3A_589 = tpu.memref_slice %arg5[%dma_start3A_587, %dma_start3A_588] : memref<16x3968xf32, #tpu.memory_space<vmem>> -> memref<16x2048xf32, #tpu.memory_space<vmem>>
    %dma_start3A_590 = arith.constant 0 : i32
    %dma_start3A_591 = tpu.memref_slice %arg3[%select_n3A, %add3A_430, %dma_start3A_590] : memref<16x2048x2048xf32, #tpu.memory_space<hbm>> -> memref<1x16x2048xf32, #tpu.memory_space<hbm>>
    %dma_start3A_592 = tpu.memref_squeeze %dma_start3A_591 : memref<1x16x2048xf32, #tpu.memory_space<hbm>> -> memref<16x2048xf32, #tpu.memory_space<hbm>>
    %dma_start3A_593 = arith.constant 0 : i32
    %dma_start3A_594 = tpu.memref_slice %arg3[%select_n3A, %add3A_430, %dma_start3A_593] : memref<16x2048x2048xf32, #tpu.memory_space<hbm>> -> memref<1x16x2048xf32, #tpu.memory_space<hbm>>
    %dma_start3A_595 = tpu.memref_squeeze %dma_start3A_594 : memref<1x16x2048xf32, #tpu.memory_space<hbm>> -> memref<16x2048xf32, #tpu.memory_space<hbm>>
    %dma_start3A_596 = arith.constant 0 : i32
    %dma_start3A_597 = arith.constant 512 : i32
    %dma_start3A_598 = tpu.memref_slice %arg5[%dma_start3A_596, %dma_start3A_597] : memref<16x3968xf32, #tpu.memory_space<vmem>> -> memref<16x2048xf32, #tpu.memory_space<vmem>>
    tpu.enqueue_dma source(%dma_start3A_598 : memref<16x2048xf32, #tpu.memory_space<vmem>>) target(%dma_start3A_595 : memref<16x2048xf32, #tpu.memory_space<hbm>>) target_semaphore(%arg8 : memref<!tpu.dma_semaphore, #tpu.memory_space<semaphore_mem>>)
    %dma_start3A_599 = arith.constant 0 : i32
    %dma_start3A_600 = arith.constant 384 : i32
    %dma_start3A_601 = tpu.memref_slice %arg5[%dma_start3A_599, %dma_start3A_600] : memref<16x3968xf32, #tpu.memory_space<vmem>> -> memref<16x2048xf32, #tpu.memory_space<vmem>>
    %dma_start3A_602 = arith.constant 0 : i32
    %dma_start3A_603 = tpu.memref_slice %arg3[%select_n3A, %add3A_436, %dma_start3A_602] : memref<16x2048x2048xf32, #tpu.memory_space<hbm>> -> memref<1x16x2048xf32, #tpu.memory_space<hbm>>
    %dma_start3A_604 = tpu.memref_squeeze %dma_start3A_603 : memref<1x16x2048xf32, #tpu.memory_space<hbm>> -> memref<16x2048xf32, #tpu.memory_space<hbm>>
    %dma_start3A_605 = arith.constant 0 : i32
    %dma_start3A_606 = tpu.memref_slice %arg3[%select_n3A, %add3A_436, %dma_start3A_605] : memref<16x2048x2048xf32, #tpu.memory_space<hbm>> -> memref<1x16x2048xf32, #tpu.memory_space<hbm>>
    %dma_start3A_607 = tpu.memref_squeeze %dma_start3A_606 : memref<1x16x2048xf32, #tpu.memory_space<hbm>> -> memref<16x2048xf32, #tpu.memory_space<hbm>>
    %dma_start3A_608 = arith.constant 0 : i32
    %dma_start3A_609 = arith.constant 384 : i32
    %dma_start3A_610 = tpu.memref_slice %arg5[%dma_start3A_608, %dma_start3A_609] : memref<16x3968xf32, #tpu.memory_space<vmem>> -> memref<16x2048xf32, #tpu.memory_space<vmem>>
    tpu.enqueue_dma source(%dma_start3A_610 : memref<16x2048xf32, #tpu.memory_space<vmem>>) target(%dma_start3A_607 : memref<16x2048xf32, #tpu.memory_space<hbm>>) target_semaphore(%arg8 : memref<!tpu.dma_semaphore, #tpu.memory_space<semaphore_mem>>)
    %dma_start3A_611 = arith.constant 0 : i32
    %dma_start3A_612 = arith.constant 256 : i32
    %dma_start3A_613 = tpu.memref_slice %arg5[%dma_start3A_611, %dma_start3A_612] : memref<16x3968xf32, #tpu.memory_space<vmem>> -> memref<16x2048xf32, #tpu.memory_space<vmem>>
    %dma_start3A_614 = arith.constant 0 : i32
    %dma_start3A_615 = tpu.memref_slice %arg3[%select_n3A, %add3A_442, %dma_start3A_614] : memref<16x2048x2048xf32, #tpu.memory_space<hbm>> -> memref<1x16x2048xf32, #tpu.memory_space<hbm>>
    %dma_start3A_616 = tpu.memref_squeeze %dma_start3A_615 : memref<1x16x2048xf32, #tpu.memory_space<hbm>> -> memref<16x2048xf32, #tpu.memory_space<hbm>>
    %dma_start3A_617 = arith.constant 0 : i32
    %dma_start3A_618 = tpu.memref_slice %arg3[%select_n3A, %add3A_442, %dma_start3A_617] : memref<16x2048x2048xf32, #tpu.memory_space<hbm>> -> memref<1x16x2048xf32, #tpu.memory_space<hbm>>
    %dma_start3A_619 = tpu.memref_squeeze %dma_start3A_618 : memref<1x16x2048xf32, #tpu.memory_space<hbm>> -> memref<16x2048xf32, #tpu.memory_space<hbm>>
    %dma_start3A_620 = arith.constant 0 : i32
    %dma_start3A_621 = arith.constant 256 : i32
    %dma_start3A_622 = tpu.memref_slice %arg5[%dma_start3A_620, %dma_start3A_621] : memref<16x3968xf32, #tpu.memory_space<vmem>> -> memref<16x2048xf32, #tpu.memory_space<vmem>>
    tpu.enqueue_dma source(%dma_start3A_622 : memref<16x2048xf32, #tpu.memory_space<vmem>>) target(%dma_start3A_619 : memref<16x2048xf32, #tpu.memory_space<hbm>>) target_semaphore(%arg8 : memref<!tpu.dma_semaphore, #tpu.memory_space<semaphore_mem>>)
    %dma_start3A_623 = arith.constant 0 : i32
    %dma_start3A_624 = arith.constant 128 : i32
    %dma_start3A_625 = tpu.memref_slice %arg5[%dma_start3A_623, %dma_start3A_624] : memref<16x3968xf32, #tpu.memory_space<vmem>> -> memref<16x2048xf32, #tpu.memory_space<vmem>>
    %dma_start3A_626 = arith.constant 0 : i32
    %dma_start3A_627 = tpu.memref_slice %arg3[%select_n3A, %add3A_448, %dma_start3A_626] : memref<16x2048x2048xf32, #tpu.memory_space<hbm>> -> memref<1x16x2048xf32, #tpu.memory_space<hbm>>
    %dma_start3A_628 = tpu.memref_squeeze %dma_start3A_627 : memref<1x16x2048xf32, #tpu.memory_space<hbm>> -> memref<16x2048xf32, #tpu.memory_space<hbm>>
    %dma_start3A_629 = arith.constant 0 : i32
    %dma_start3A_630 = tpu.memref_slice %arg3[%select_n3A, %add3A_448, %dma_start3A_629] : memref<16x2048x2048xf32, #tpu.memory_space<hbm>> -> memref<1x16x2048xf32, #tpu.memory_space<hbm>>
    %dma_start3A_631 = tpu.memref_squeeze %dma_start3A_630 : memref<1x16x2048xf32, #tpu.memory_space<hbm>> -> memref<16x2048xf32, #tpu.memory_space<hbm>>
    %dma_start3A_632 = arith.constant 0 : i32
    %dma_start3A_633 = arith.constant 128 : i32
    %dma_start3A_634 = tpu.memref_slice %arg5[%dma_start3A_632, %dma_start3A_633] : memref<16x3968xf32, #tpu.memory_space<vmem>> -> memref<16x2048xf32, #tpu.memory_space<vmem>>
    tpu.enqueue_dma source(%dma_start3A_634 : memref<16x2048xf32, #tpu.memory_space<vmem>>) target(%dma_start3A_631 : memref<16x2048xf32, #tpu.memory_space<hbm>>) target_semaphore(%arg8 : memref<!tpu.dma_semaphore, #tpu.memory_space<semaphore_mem>>)
    %dma_start3A_635 = arith.constant 0 : i32
    %dma_start3A_636 = arith.constant 0 : i32
    %dma_start3A_637 = tpu.memref_slice %arg5[%dma_start3A_635, %dma_start3A_636] : memref<16x3968xf32, #tpu.memory_space<vmem>> -> memref<16x2048xf32, #tpu.memory_space<vmem>>
    %dma_start3A_638 = arith.constant 0 : i32
    %dma_start3A_639 = tpu.memref_slice %arg3[%select_n3A, %add3A_454, %dma_start3A_638] : memref<16x2048x2048xf32, #tpu.memory_space<hbm>> -> memref<1x16x2048xf32, #tpu.memory_space<hbm>>
    %dma_start3A_640 = tpu.memref_squeeze %dma_start3A_639 : memref<1x16x2048xf32, #tpu.memory_space<hbm>> -> memref<16x2048xf32, #tpu.memory_space<hbm>>
    %dma_start3A_641 = arith.constant 0 : i32
    %dma_start3A_642 = tpu.memref_slice %arg3[%select_n3A, %add3A_454, %dma_start3A_641] : memref<16x2048x2048xf32, #tpu.memory_space<hbm>> -> memref<1x16x2048xf32, #tpu.memory_space<hbm>>
    %dma_start3A_643 = tpu.memref_squeeze %dma_start3A_642 : memref<1x16x2048xf32, #tpu.memory_space<hbm>> -> memref<16x2048xf32, #tpu.memory_space<hbm>>
    %dma_start3A_644 = arith.constant 0 : i32
    %dma_start3A_645 = arith.constant 0 : i32
    %dma_start3A_646 = tpu.memref_slice %arg5[%dma_start3A_644, %dma_start3A_645] : memref<16x3968xf32, #tpu.memory_space<vmem>> -> memref<16x2048xf32, #tpu.memory_space<vmem>>
    tpu.enqueue_dma source(%dma_start3A_646 : memref<16x2048xf32, #tpu.memory_space<vmem>>) target(%dma_start3A_643 : memref<16x2048xf32, #tpu.memory_space<hbm>>) target_semaphore(%arg8 : memref<!tpu.dma_semaphore, #tpu.memory_space<semaphore_mem>>)
    %add3A_647 = arith.constant 0 : i32
    %add3A_648 = arith.addi %mul3A_32, %add3A_647 : i32
    %mul3A_649 = arith.constant 16 : i32
    %mul3A_650 = arith.muli %mul3A_649, %add3A_648 : i32
    %add3A_651 = arith.constant 0 : i32
    %add3A_652 = arith.addi %add3A_651, %mul3A_650 : i32
    %add3A_653 = arith.constant 0 : i32
    %add3A_654 = arith.addi %mul3A_32, %add3A_653 : i32
    %mul3A_655 = arith.constant 16 : i32
    %mul3A_656 = arith.muli %mul3A_655, %add3A_654 : i32
    %add3A_657 = arith.constant 128 : i32
    %add3A_658 = arith.addi %add3A_657, %mul3A_656 : i32
    %add3A_659 = arith.constant 0 : i32
    %add3A_660 = arith.addi %mul3A_32, %add3A_659 : i32
    %mul3A_661 = arith.constant 16 : i32
    %mul3A_662 = arith.muli %mul3A_661, %add3A_660 : i32
    %add3A_663 = arith.constant 256 : i32
    %add3A_664 = arith.addi %add3A_663, %mul3A_662 : i32
    %add3A_665 = arith.constant 0 : i32
    %add3A_666 = arith.addi %mul3A_32, %add3A_665 : i32
    %mul3A_667 = arith.constant 16 : i32
    %mul3A_668 = arith.muli %mul3A_667, %add3A_666 : i32
    %add3A_669 = arith.constant 384 : i32
    %add3A_670 = arith.addi %add3A_669, %mul3A_668 : i32
    %add3A_671 = arith.constant 0 : i32
    %add3A_672 = arith.addi %mul3A_32, %add3A_671 : i32
    %mul3A_673 = arith.constant 16 : i32
    %mul3A_674 = arith.muli %mul3A_673, %add3A_672 : i32
    %add3A_675 = arith.constant 512 : i32
    %add3A_676 = arith.addi %add3A_675, %mul3A_674 : i32
    %add3A_677 = arith.constant 0 : i32
    %add3A_678 = arith.addi %mul3A_32, %add3A_677 : i32
    %mul3A_679 = arith.constant 16 : i32
    %mul3A_680 = arith.muli %mul3A_679, %add3A_678 : i32
    %add3A_681 = arith.constant 640 : i32
    %add3A_682 = arith.addi %add3A_681, %mul3A_680 : i32
    %add3A_683 = arith.constant 0 : i32
    %add3A_684 = arith.addi %mul3A_32, %add3A_683 : i32
    %mul3A_685 = arith.constant 16 : i32
    %mul3A_686 = arith.muli %mul3A_685, %add3A_684 : i32
    %add3A_687 = arith.constant 768 : i32
    %add3A_688 = arith.addi %add3A_687, %mul3A_686 : i32
    %add3A_689 = arith.constant 0 : i32
    %add3A_690 = arith.addi %mul3A_32, %add3A_689 : i32
    %mul3A_691 = arith.constant 16 : i32
    %mul3A_692 = arith.muli %mul3A_691, %add3A_690 : i32
    %add3A_693 = arith.constant 896 : i32
    %add3A_694 = arith.addi %add3A_693, %mul3A_692 : i32
    %add3A_695 = arith.constant 0 : i32
    %add3A_696 = arith.addi %mul3A_32, %add3A_695 : i32
    %mul3A_697 = arith.constant 16 : i32
    %mul3A_698 = arith.muli %mul3A_697, %add3A_696 : i32
    %add3A_699 = arith.constant 1024 : i32
    %add3A_700 = arith.addi %add3A_699, %mul3A_698 : i32
    %add3A_701 = arith.constant 0 : i32
    %add3A_702 = arith.addi %mul3A_32, %add3A_701 : i32
    %mul3A_703 = arith.constant 16 : i32
    %mul3A_704 = arith.muli %mul3A_703, %add3A_702 : i32
    %add3A_705 = arith.constant 1152 : i32
    %add3A_706 = arith.addi %add3A_705, %mul3A_704 : i32
    %add3A_707 = arith.constant 0 : i32
    %add3A_708 = arith.addi %mul3A_32, %add3A_707 : i32
    %mul3A_709 = arith.constant 16 : i32
    %mul3A_710 = arith.muli %mul3A_709, %add3A_708 : i32
    %add3A_711 = arith.constant 1280 : i32
    %add3A_712 = arith.addi %add3A_711, %mul3A_710 : i32
    %add3A_713 = arith.constant 0 : i32
    %add3A_714 = arith.addi %mul3A_32, %add3A_713 : i32
    %mul3A_715 = arith.constant 16 : i32
    %mul3A_716 = arith.muli %mul3A_715, %add3A_714 : i32
    %add3A_717 = arith.constant 1408 : i32
    %add3A_718 = arith.addi %add3A_717, %mul3A_716 : i32
    %add3A_719 = arith.constant 0 : i32
    %add3A_720 = arith.addi %mul3A_32, %add3A_719 : i32
    %mul3A_721 = arith.constant 16 : i32
    %mul3A_722 = arith.muli %mul3A_721, %add3A_720 : i32
    %add3A_723 = arith.constant 1536 : i32
    %add3A_724 = arith.addi %add3A_723, %mul3A_722 : i32
    %add3A_725 = arith.constant 0 : i32
    %add3A_726 = arith.addi %mul3A_32, %add3A_725 : i32
    %mul3A_727 = arith.constant 16 : i32
    %mul3A_728 = arith.muli %mul3A_727, %add3A_726 : i32
    %add3A_729 = arith.constant 1664 : i32
    %add3A_730 = arith.addi %add3A_729, %mul3A_728 : i32
    %add3A_731 = arith.constant 0 : i32
    %add3A_732 = arith.addi %mul3A_32, %add3A_731 : i32
    %mul3A_733 = arith.constant 16 : i32
    %mul3A_734 = arith.muli %mul3A_733, %add3A_732 : i32
    %add3A_735 = arith.constant 1792 : i32
    %add3A_736 = arith.addi %add3A_735, %mul3A_734 : i32
    %add3A_737 = arith.constant 0 : i32
    %add3A_738 = arith.addi %mul3A_32, %add3A_737 : i32
    %mul3A_739 = arith.constant 16 : i32
    %mul3A_740 = arith.muli %mul3A_739, %add3A_738 : i32
    %add3A_741 = arith.constant 1920 : i32
    %add3A_742 = arith.addi %add3A_741, %mul3A_740 : i32
    %dma_wait3A_743 = arith.constant 0 : i32
    %dma_wait3A_744 = arith.constant 1920 : i32
    %dma_wait3A_745 = tpu.memref_slice %arg4[%dma_wait3A_743, %dma_wait3A_744] : memref<16x3968xf32, #tpu.memory_space<vmem>> -> memref<16x2048xf32, #tpu.memory_space<vmem>>
    %dma_wait3A_746 = arith.constant 0 : i32
    %dma_wait3A_747 = tpu.memref_slice %arg3[%select_n3A, %add3A_652, %dma_wait3A_746] : memref<16x2048x2048xf32, #tpu.memory_space<hbm>> -> memref<1x16x2048xf32, #tpu.memory_space<hbm>>
    %dma_wait3A_748 = tpu.memref_squeeze %dma_wait3A_747 : memref<1x16x2048xf32, #tpu.memory_space<hbm>> -> memref<16x2048xf32, #tpu.memory_space<hbm>>
    %dma_wait3A_749 = arith.constant 0 : i32
    %dma_wait3A_750 = tpu.memref_slice %arg3[%select_n3A, %add3A_652, %dma_wait3A_749] : memref<16x2048x2048xf32, #tpu.memory_space<hbm>> -> memref<1x16x2048xf32, #tpu.memory_space<hbm>>
    %dma_wait3A_751 = tpu.memref_squeeze %dma_wait3A_750 : memref<1x16x2048xf32, #tpu.memory_space<hbm>> -> memref<16x2048xf32, #tpu.memory_space<hbm>>
    %dma_wait3A_752 = arith.constant 0 : i32
    %dma_wait3A_753 = arith.constant 1920 : i32
    %dma_wait3A_754 = tpu.memref_slice %arg4[%dma_wait3A_752, %dma_wait3A_753] : memref<16x3968xf32, #tpu.memory_space<vmem>> -> memref<16x2048xf32, #tpu.memory_space<vmem>>
    tpu.wait_dma2 semaphore(%arg7 : memref<!tpu.dma_semaphore, #tpu.memory_space<semaphore_mem>>) src(%dma_wait3A_754 : memref<16x2048xf32, #tpu.memory_space<vmem>>) dst(%dma_wait3A_751 : memref<16x2048xf32, #tpu.memory_space<hbm>>)
    %dma_wait3A_755 = arith.constant 0 : i32
    %dma_wait3A_756 = arith.constant 1792 : i32
    %dma_wait3A_757 = tpu.memref_slice %arg4[%dma_wait3A_755, %dma_wait3A_756] : memref<16x3968xf32, #tpu.memory_space<vmem>> -> memref<16x2048xf32, #tpu.memory_space<vmem>>
    %dma_wait3A_758 = arith.constant 0 : i32
    %dma_wait3A_759 = tpu.memref_slice %arg3[%select_n3A, %add3A_658, %dma_wait3A_758] : memref<16x2048x2048xf32, #tpu.memory_space<hbm>> -> memref<1x16x2048xf32, #tpu.memory_space<hbm>>
    %dma_wait3A_760 = tpu.memref_squeeze %dma_wait3A_759 : memref<1x16x2048xf32, #tpu.memory_space<hbm>> -> memref<16x2048xf32, #tpu.memory_space<hbm>>
    %dma_wait3A_761 = arith.constant 0 : i32
    %dma_wait3A_762 = tpu.memref_slice %arg3[%select_n3A, %add3A_658, %dma_wait3A_761] : memref<16x2048x2048xf32, #tpu.memory_space<hbm>> -> memref<1x16x2048xf32, #tpu.memory_space<hbm>>
    %dma_wait3A_763 = tpu.memref_squeeze %dma_wait3A_762 : memref<1x16x2048xf32, #tpu.memory_space<hbm>> -> memref<16x2048xf32, #tpu.memory_space<hbm>>
    %dma_wait3A_764 = arith.constant 0 : i32
    %dma_wait3A_765 = arith.constant 1792 : i32
    %dma_wait3A_766 = tpu.memref_slice %arg4[%dma_wait3A_764, %dma_wait3A_765] : memref<16x3968xf32, #tpu.memory_space<vmem>> -> memref<16x2048xf32, #tpu.memory_space<vmem>>
    tpu.wait_dma2 semaphore(%arg7 : memref<!tpu.dma_semaphore, #tpu.memory_space<semaphore_mem>>) src(%dma_wait3A_766 : memref<16x2048xf32, #tpu.memory_space<vmem>>) dst(%dma_wait3A_763 : memref<16x2048xf32, #tpu.memory_space<hbm>>)
    %dma_wait3A_767 = arith.constant 0 : i32
    %dma_wait3A_768 = arith.constant 1664 : i32
    %dma_wait3A_769 = tpu.memref_slice %arg4[%dma_wait3A_767, %dma_wait3A_768] : memref<16x3968xf32, #tpu.memory_space<vmem>> -> memref<16x2048xf32, #tpu.memory_space<vmem>>
    %dma_wait3A_770 = arith.constant 0 : i32
    %dma_wait3A_771 = tpu.memref_slice %arg3[%select_n3A, %add3A_664, %dma_wait3A_770] : memref<16x2048x2048xf32, #tpu.memory_space<hbm>> -> memref<1x16x2048xf32, #tpu.memory_space<hbm>>
    %dma_wait3A_772 = tpu.memref_squeeze %dma_wait3A_771 : memref<1x16x2048xf32, #tpu.memory_space<hbm>> -> memref<16x2048xf32, #tpu.memory_space<hbm>>
    %dma_wait3A_773 = arith.constant 0 : i32
    %dma_wait3A_774 = tpu.memref_slice %arg3[%select_n3A, %add3A_664, %dma_wait3A_773] : memref<16x2048x2048xf32, #tpu.memory_space<hbm>> -> memref<1x16x2048xf32, #tpu.memory_space<hbm>>
    %dma_wait3A_775 = tpu.memref_squeeze %dma_wait3A_774 : memref<1x16x2048xf32, #tpu.memory_space<hbm>> -> memref<16x2048xf32, #tpu.memory_space<hbm>>
    %dma_wait3A_776 = arith.constant 0 : i32
    %dma_wait3A_777 = arith.constant 1664 : i32
    %dma_wait3A_778 = tpu.memref_slice %arg4[%dma_wait3A_776, %dma_wait3A_777] : memref<16x3968xf32, #tpu.memory_space<vmem>> -> memref<16x2048xf32, #tpu.memory_space<vmem>>
    tpu.wait_dma2 semaphore(%arg7 : memref<!tpu.dma_semaphore, #tpu.memory_space<semaphore_mem>>) src(%dma_wait3A_778 : memref<16x2048xf32, #tpu.memory_space<vmem>>) dst(%dma_wait3A_775 : memref<16x2048xf32, #tpu.memory_space<hbm>>)
    %dma_wait3A_779 = arith.constant 0 : i32
    %dma_wait3A_780 = arith.constant 1536 : i32
    %dma_wait3A_781 = tpu.memref_slice %arg4[%dma_wait3A_779, %dma_wait3A_780] : memref<16x3968xf32, #tpu.memory_space<vmem>> -> memref<16x2048xf32, #tpu.memory_space<vmem>>
    %dma_wait3A_782 = arith.constant 0 : i32
    %dma_wait3A_783 = tpu.memref_slice %arg3[%select_n3A, %add3A_670, %dma_wait3A_782] : memref<16x2048x2048xf32, #tpu.memory_space<hbm>> -> memref<1x16x2048xf32, #tpu.memory_space<hbm>>
    %dma_wait3A_784 = tpu.memref_squeeze %dma_wait3A_783 : memref<1x16x2048xf32, #tpu.memory_space<hbm>> -> memref<16x2048xf32, #tpu.memory_space<hbm>>
    %dma_wait3A_785 = arith.constant 0 : i32
    %dma_wait3A_786 = tpu.memref_slice %arg3[%select_n3A, %add3A_670, %dma_wait3A_785] : memref<16x2048x2048xf32, #tpu.memory_space<hbm>> -> memref<1x16x2048xf32, #tpu.memory_space<hbm>>
    %dma_wait3A_787 = tpu.memref_squeeze %dma_wait3A_786 : memref<1x16x2048xf32, #tpu.memory_space<hbm>> -> memref<16x2048xf32, #tpu.memory_space<hbm>>
    %dma_wait3A_788 = arith.constant 0 : i32
    %dma_wait3A_789 = arith.constant 1536 : i32
    %dma_wait3A_790 = tpu.memref_slice %arg4[%dma_wait3A_788, %dma_wait3A_789] : memref<16x3968xf32, #tpu.memory_space<vmem>> -> memref<16x2048xf32, #tpu.memory_space<vmem>>
    tpu.wait_dma2 semaphore(%arg7 : memref<!tpu.dma_semaphore, #tpu.memory_space<semaphore_mem>>) src(%dma_wait3A_790 : memref<16x2048xf32, #tpu.memory_space<vmem>>) dst(%dma_wait3A_787 : memref<16x2048xf32, #tpu.memory_space<hbm>>)
    %dma_wait3A_791 = arith.constant 0 : i32
    %dma_wait3A_792 = arith.constant 1408 : i32
    %dma_wait3A_793 = tpu.memref_slice %arg4[%dma_wait3A_791, %dma_wait3A_792] : memref<16x3968xf32, #tpu.memory_space<vmem>> -> memref<16x2048xf32, #tpu.memory_space<vmem>>
    %dma_wait3A_794 = arith.constant 0 : i32
    %dma_wait3A_795 = tpu.memref_slice %arg3[%select_n3A, %add3A_676, %dma_wait3A_794] : memref<16x2048x2048xf32, #tpu.memory_space<hbm>> -> memref<1x16x2048xf32, #tpu.memory_space<hbm>>
    %dma_wait3A_796 = tpu.memref_squeeze %dma_wait3A_795 : memref<1x16x2048xf32, #tpu.memory_space<hbm>> -> memref<16x2048xf32, #tpu.memory_space<hbm>>
    %dma_wait3A_797 = arith.constant 0 : i32
    %dma_wait3A_798 = tpu.memref_slice %arg3[%select_n3A, %add3A_676, %dma_wait3A_797] : memref<16x2048x2048xf32, #tpu.memory_space<hbm>> -> memref<1x16x2048xf32, #tpu.memory_space<hbm>>
    %dma_wait3A_799 = tpu.memref_squeeze %dma_wait3A_798 : memref<1x16x2048xf32, #tpu.memory_space<hbm>> -> memref<16x2048xf32, #tpu.memory_space<hbm>>
    %dma_wait3A_800 = arith.constant 0 : i32
    %dma_wait3A_801 = arith.constant 1408 : i32
    %dma_wait3A_802 = tpu.memref_slice %arg4[%dma_wait3A_800, %dma_wait3A_801] : memref<16x3968xf32, #tpu.memory_space<vmem>> -> memref<16x2048xf32, #tpu.memory_space<vmem>>
    tpu.wait_dma2 semaphore(%arg7 : memref<!tpu.dma_semaphore, #tpu.memory_space<semaphore_mem>>) src(%dma_wait3A_802 : memref<16x2048xf32, #tpu.memory_space<vmem>>) dst(%dma_wait3A_799 : memref<16x2048xf32, #tpu.memory_space<hbm>>)
    %dma_wait3A_803 = arith.constant 0 : i32
    %dma_wait3A_804 = arith.constant 1280 : i32
    %dma_wait3A_805 = tpu.memref_slice %arg4[%dma_wait3A_803, %dma_wait3A_804] : memref<16x3968xf32, #tpu.memory_space<vmem>> -> memref<16x2048xf32, #tpu.memory_space<vmem>>
    %dma_wait3A_806 = arith.constant 0 : i32
    %dma_wait3A_807 = tpu.memref_slice %arg3[%select_n3A, %add3A_682, %dma_wait3A_806] : memref<16x2048x2048xf32, #tpu.memory_space<hbm>> -> memref<1x16x2048xf32, #tpu.memory_space<hbm>>
    %dma_wait3A_808 = tpu.memref_squeeze %dma_wait3A_807 : memref<1x16x2048xf32, #tpu.memory_space<hbm>> -> memref<16x2048xf32, #tpu.memory_space<hbm>>
    %dma_wait3A_809 = arith.constant 0 : i32
    %dma_wait3A_810 = tpu.memref_slice %arg3[%select_n3A, %add3A_682, %dma_wait3A_809] : memref<16x2048x2048xf32, #tpu.memory_space<hbm>> -> memref<1x16x2048xf32, #tpu.memory_space<hbm>>
    %dma_wait3A_811 = tpu.memref_squeeze %dma_wait3A_810 : memref<1x16x2048xf32, #tpu.memory_space<hbm>> -> memref<16x2048xf32, #tpu.memory_space<hbm>>
    %dma_wait3A_812 = arith.constant 0 : i32
    %dma_wait3A_813 = arith.constant 1280 : i32
    %dma_wait3A_814 = tpu.memref_slice %arg4[%dma_wait3A_812, %dma_wait3A_813] : memref<16x3968xf32, #tpu.memory_space<vmem>> -> memref<16x2048xf32, #tpu.memory_space<vmem>>
    tpu.wait_dma2 semaphore(%arg7 : memref<!tpu.dma_semaphore, #tpu.memory_space<semaphore_mem>>) src(%dma_wait3A_814 : memref<16x2048xf32, #tpu.memory_space<vmem>>) dst(%dma_wait3A_811 : memref<16x2048xf32, #tpu.memory_space<hbm>>)
    %dma_wait3A_815 = arith.constant 0 : i32
    %dma_wait3A_816 = arith.constant 1152 : i32
    %dma_wait3A_817 = tpu.memref_slice %arg4[%dma_wait3A_815, %dma_wait3A_816] : memref<16x3968xf32, #tpu.memory_space<vmem>> -> memref<16x2048xf32, #tpu.memory_space<vmem>>
    %dma_wait3A_818 = arith.constant 0 : i32
    %dma_wait3A_819 = tpu.memref_slice %arg3[%select_n3A, %add3A_688, %dma_wait3A_818] : memref<16x2048x2048xf32, #tpu.memory_space<hbm>> -> memref<1x16x2048xf32, #tpu.memory_space<hbm>>
    %dma_wait3A_820 = tpu.memref_squeeze %dma_wait3A_819 : memref<1x16x2048xf32, #tpu.memory_space<hbm>> -> memref<16x2048xf32, #tpu.memory_space<hbm>>
    %dma_wait3A_821 = arith.constant 0 : i32
    %dma_wait3A_822 = tpu.memref_slice %arg3[%select_n3A, %add3A_688, %dma_wait3A_821] : memref<16x2048x2048xf32, #tpu.memory_space<hbm>> -> memref<1x16x2048xf32, #tpu.memory_space<hbm>>
    %dma_wait3A_823 = tpu.memref_squeeze %dma_wait3A_822 : memref<1x16x2048xf32, #tpu.memory_space<hbm>> -> memref<16x2048xf32, #tpu.memory_space<hbm>>
    %dma_wait3A_824 = arith.constant 0 : i32
    %dma_wait3A_825 = arith.constant 1152 : i32
    %dma_wait3A_826 = tpu.memref_slice %arg4[%dma_wait3A_824, %dma_wait3A_825] : memref<16x3968xf32, #tpu.memory_space<vmem>> -> memref<16x2048xf32, #tpu.memory_space<vmem>>
    tpu.wait_dma2 semaphore(%arg7 : memref<!tpu.dma_semaphore, #tpu.memory_space<semaphore_mem>>) src(%dma_wait3A_826 : memref<16x2048xf32, #tpu.memory_space<vmem>>) dst(%dma_wait3A_823 : memref<16x2048xf32, #tpu.memory_space<hbm>>)
    %dma_wait3A_827 = arith.constant 0 : i32
    %dma_wait3A_828 = arith.constant 1024 : i32
    %dma_wait3A_829 = tpu.memref_slice %arg4[%dma_wait3A_827, %dma_wait3A_828] : memref<16x3968xf32, #tpu.memory_space<vmem>> -> memref<16x2048xf32, #tpu.memory_space<vmem>>
    %dma_wait3A_830 = arith.constant 0 : i32
    %dma_wait3A_831 = tpu.memref_slice %arg3[%select_n3A, %add3A_694, %dma_wait3A_830] : memref<16x2048x2048xf32, #tpu.memory_space<hbm>> -> memref<1x16x2048xf32, #tpu.memory_space<hbm>>
    %dma_wait3A_832 = tpu.memref_squeeze %dma_wait3A_831 : memref<1x16x2048xf32, #tpu.memory_space<hbm>> -> memref<16x2048xf32, #tpu.memory_space<hbm>>
    %dma_wait3A_833 = arith.constant 0 : i32
    %dma_wait3A_834 = tpu.memref_slice %arg3[%select_n3A, %add3A_694, %dma_wait3A_833] : memref<16x2048x2048xf32, #tpu.memory_space<hbm>> -> memref<1x16x2048xf32, #tpu.memory_space<hbm>>
    %dma_wait3A_835 = tpu.memref_squeeze %dma_wait3A_834 : memref<1x16x2048xf32, #tpu.memory_space<hbm>> -> memref<16x2048xf32, #tpu.memory_space<hbm>>
    %dma_wait3A_836 = arith.constant 0 : i32
    %dma_wait3A_837 = arith.constant 1024 : i32
    %dma_wait3A_838 = tpu.memref_slice %arg4[%dma_wait3A_836, %dma_wait3A_837] : memref<16x3968xf32, #tpu.memory_space<vmem>> -> memref<16x2048xf32, #tpu.memory_space<vmem>>
    tpu.wait_dma2 semaphore(%arg7 : memref<!tpu.dma_semaphore, #tpu.memory_space<semaphore_mem>>) src(%dma_wait3A_838 : memref<16x2048xf32, #tpu.memory_space<vmem>>) dst(%dma_wait3A_835 : memref<16x2048xf32, #tpu.memory_space<hbm>>)
    %dma_wait3A_839 = arith.constant 0 : i32
    %dma_wait3A_840 = arith.constant 896 : i32
    %dma_wait3A_841 = tpu.memref_slice %arg4[%dma_wait3A_839, %dma_wait3A_840] : memref<16x3968xf32, #tpu.memory_space<vmem>> -> memref<16x2048xf32, #tpu.memory_space<vmem>>
    %dma_wait3A_842 = arith.constant 0 : i32
    %dma_wait3A_843 = tpu.memref_slice %arg3[%select_n3A, %add3A_700, %dma_wait3A_842] : memref<16x2048x2048xf32, #tpu.memory_space<hbm>> -> memref<1x16x2048xf32, #tpu.memory_space<hbm>>
    %dma_wait3A_844 = tpu.memref_squeeze %dma_wait3A_843 : memref<1x16x2048xf32, #tpu.memory_space<hbm>> -> memref<16x2048xf32, #tpu.memory_space<hbm>>
    %dma_wait3A_845 = arith.constant 0 : i32
    %dma_wait3A_846 = tpu.memref_slice %arg3[%select_n3A, %add3A_700, %dma_wait3A_845] : memref<16x2048x2048xf32, #tpu.memory_space<hbm>> -> memref<1x16x2048xf32, #tpu.memory_space<hbm>>
    %dma_wait3A_847 = tpu.memref_squeeze %dma_wait3A_846 : memref<1x16x2048xf32, #tpu.memory_space<hbm>> -> memref<16x2048xf32, #tpu.memory_space<hbm>>
    %dma_wait3A_848 = arith.constant 0 : i32
    %dma_wait3A_849 = arith.constant 896 : i32
    %dma_wait3A_850 = tpu.memref_slice %arg4[%dma_wait3A_848, %dma_wait3A_849] : memref<16x3968xf32, #tpu.memory_space<vmem>> -> memref<16x2048xf32, #tpu.memory_space<vmem>>
    tpu.wait_dma2 semaphore(%arg7 : memref<!tpu.dma_semaphore, #tpu.memory_space<semaphore_mem>>) src(%dma_wait3A_850 : memref<16x2048xf32, #tpu.memory_space<vmem>>) dst(%dma_wait3A_847 : memref<16x2048xf32, #tpu.memory_space<hbm>>)
    %dma_wait3A_851 = arith.constant 0 : i32
    %dma_wait3A_852 = arith.constant 768 : i32
    %dma_wait3A_853 = tpu.memref_slice %arg4[%dma_wait3A_851, %dma_wait3A_852] : memref<16x3968xf32, #tpu.memory_space<vmem>> -> memref<16x2048xf32, #tpu.memory_space<vmem>>
    %dma_wait3A_854 = arith.constant 0 : i32
    %dma_wait3A_855 = tpu.memref_slice %arg3[%select_n3A, %add3A_706, %dma_wait3A_854] : memref<16x2048x2048xf32, #tpu.memory_space<hbm>> -> memref<1x16x2048xf32, #tpu.memory_space<hbm>>
    %dma_wait3A_856 = tpu.memref_squeeze %dma_wait3A_855 : memref<1x16x2048xf32, #tpu.memory_space<hbm>> -> memref<16x2048xf32, #tpu.memory_space<hbm>>
    %dma_wait3A_857 = arith.constant 0 : i32
    %dma_wait3A_858 = tpu.memref_slice %arg3[%select_n3A, %add3A_706, %dma_wait3A_857] : memref<16x2048x2048xf32, #tpu.memory_space<hbm>> -> memref<1x16x2048xf32, #tpu.memory_space<hbm>>
    %dma_wait3A_859 = tpu.memref_squeeze %dma_wait3A_858 : memref<1x16x2048xf32, #tpu.memory_space<hbm>> -> memref<16x2048xf32, #tpu.memory_space<hbm>>
    %dma_wait3A_860 = arith.constant 0 : i32
    %dma_wait3A_861 = arith.constant 768 : i32
    %dma_wait3A_862 = tpu.memref_slice %arg4[%dma_wait3A_860, %dma_wait3A_861] : memref<16x3968xf32, #tpu.memory_space<vmem>> -> memref<16x2048xf32, #tpu.memory_space<vmem>>
    tpu.wait_dma2 semaphore(%arg7 : memref<!tpu.dma_semaphore, #tpu.memory_space<semaphore_mem>>) src(%dma_wait3A_862 : memref<16x2048xf32, #tpu.memory_space<vmem>>) dst(%dma_wait3A_859 : memref<16x2048xf32, #tpu.memory_space<hbm>>)
    %dma_wait3A_863 = arith.constant 0 : i32
    %dma_wait3A_864 = arith.constant 640 : i32
    %dma_wait3A_865 = tpu.memref_slice %arg4[%dma_wait3A_863, %dma_wait3A_864] : memref<16x3968xf32, #tpu.memory_space<vmem>> -> memref<16x2048xf32, #tpu.memory_space<vmem>>
    %dma_wait3A_866 = arith.constant 0 : i32
    %dma_wait3A_867 = tpu.memref_slice %arg3[%select_n3A, %add3A_712, %dma_wait3A_866] : memref<16x2048x2048xf32, #tpu.memory_space<hbm>> -> memref<1x16x2048xf32, #tpu.memory_space<hbm>>
    %dma_wait3A_868 = tpu.memref_squeeze %dma_wait3A_867 : memref<1x16x2048xf32, #tpu.memory_space<hbm>> -> memref<16x2048xf32, #tpu.memory_space<hbm>>
    %dma_wait3A_869 = arith.constant 0 : i32
    %dma_wait3A_870 = tpu.memref_slice %arg3[%select_n3A, %add3A_712, %dma_wait3A_869] : memref<16x2048x2048xf32, #tpu.memory_space<hbm>> -> memref<1x16x2048xf32, #tpu.memory_space<hbm>>
    %dma_wait3A_871 = tpu.memref_squeeze %dma_wait3A_870 : memref<1x16x2048xf32, #tpu.memory_space<hbm>> -> memref<16x2048xf32, #tpu.memory_space<hbm>>
    %dma_wait3A_872 = arith.constant 0 : i32
    %dma_wait3A_873 = arith.constant 640 : i32
    %dma_wait3A_874 = tpu.memref_slice %arg4[%dma_wait3A_872, %dma_wait3A_873] : memref<16x3968xf32, #tpu.memory_space<vmem>> -> memref<16x2048xf32, #tpu.memory_space<vmem>>
    tpu.wait_dma2 semaphore(%arg7 : memref<!tpu.dma_semaphore, #tpu.memory_space<semaphore_mem>>) src(%dma_wait3A_874 : memref<16x2048xf32, #tpu.memory_space<vmem>>) dst(%dma_wait3A_871 : memref<16x2048xf32, #tpu.memory_space<hbm>>)
    %dma_wait3A_875 = arith.constant 0 : i32
    %dma_wait3A_876 = arith.constant 512 : i32
    %dma_wait3A_877 = tpu.memref_slice %arg4[%dma_wait3A_875, %dma_wait3A_876] : memref<16x3968xf32, #tpu.memory_space<vmem>> -> memref<16x2048xf32, #tpu.memory_space<vmem>>
    %dma_wait3A_878 = arith.constant 0 : i32
    %dma_wait3A_879 = tpu.memref_slice %arg3[%select_n3A, %add3A_718, %dma_wait3A_878] : memref<16x2048x2048xf32, #tpu.memory_space<hbm>> -> memref<1x16x2048xf32, #tpu.memory_space<hbm>>
    %dma_wait3A_880 = tpu.memref_squeeze %dma_wait3A_879 : memref<1x16x2048xf32, #tpu.memory_space<hbm>> -> memref<16x2048xf32, #tpu.memory_space<hbm>>
    %dma_wait3A_881 = arith.constant 0 : i32
    %dma_wait3A_882 = tpu.memref_slice %arg3[%select_n3A, %add3A_718, %dma_wait3A_881] : memref<16x2048x2048xf32, #tpu.memory_space<hbm>> -> memref<1x16x2048xf32, #tpu.memory_space<hbm>>
    %dma_wait3A_883 = tpu.memref_squeeze %dma_wait3A_882 : memref<1x16x2048xf32, #tpu.memory_space<hbm>> -> memref<16x2048xf32, #tpu.memory_space<hbm>>
    %dma_wait3A_884 = arith.constant 0 : i32
    %dma_wait3A_885 = arith.constant 512 : i32
    %dma_wait3A_886 = tpu.memref_slice %arg4[%dma_wait3A_884, %dma_wait3A_885] : memref<16x3968xf32, #tpu.memory_space<vmem>> -> memref<16x2048xf32, #tpu.memory_space<vmem>>
    tpu.wait_dma2 semaphore(%arg7 : memref<!tpu.dma_semaphore, #tpu.memory_space<semaphore_mem>>) src(%dma_wait3A_886 : memref<16x2048xf32, #tpu.memory_space<vmem>>) dst(%dma_wait3A_883 : memref<16x2048xf32, #tpu.memory_space<hbm>>)
    %dma_wait3A_887 = arith.constant 0 : i32
    %dma_wait3A_888 = arith.constant 384 : i32
    %dma_wait3A_889 = tpu.memref_slice %arg4[%dma_wait3A_887, %dma_wait3A_888] : memref<16x3968xf32, #tpu.memory_space<vmem>> -> memref<16x2048xf32, #tpu.memory_space<vmem>>
    %dma_wait3A_890 = arith.constant 0 : i32
    %dma_wait3A_891 = tpu.memref_slice %arg3[%select_n3A, %add3A_724, %dma_wait3A_890] : memref<16x2048x2048xf32, #tpu.memory_space<hbm>> -> memref<1x16x2048xf32, #tpu.memory_space<hbm>>
    %dma_wait3A_892 = tpu.memref_squeeze %dma_wait3A_891 : memref<1x16x2048xf32, #tpu.memory_space<hbm>> -> memref<16x2048xf32, #tpu.memory_space<hbm>>
    %dma_wait3A_893 = arith.constant 0 : i32
    %dma_wait3A_894 = tpu.memref_slice %arg3[%select_n3A, %add3A_724, %dma_wait3A_893] : memref<16x2048x2048xf32, #tpu.memory_space<hbm>> -> memref<1x16x2048xf32, #tpu.memory_space<hbm>>
    %dma_wait3A_895 = tpu.memref_squeeze %dma_wait3A_894 : memref<1x16x2048xf32, #tpu.memory_space<hbm>> -> memref<16x2048xf32, #tpu.memory_space<hbm>>
    %dma_wait3A_896 = arith.constant 0 : i32
    %dma_wait3A_897 = arith.constant 384 : i32
    %dma_wait3A_898 = tpu.memref_slice %arg4[%dma_wait3A_896, %dma_wait3A_897] : memref<16x3968xf32, #tpu.memory_space<vmem>> -> memref<16x2048xf32, #tpu.memory_space<vmem>>
    tpu.wait_dma2 semaphore(%arg7 : memref<!tpu.dma_semaphore, #tpu.memory_space<semaphore_mem>>) src(%dma_wait3A_898 : memref<16x2048xf32, #tpu.memory_space<vmem>>) dst(%dma_wait3A_895 : memref<16x2048xf32, #tpu.memory_space<hbm>>)
    %dma_wait3A_899 = arith.constant 0 : i32
    %dma_wait3A_900 = arith.constant 256 : i32
    %dma_wait3A_901 = tpu.memref_slice %arg4[%dma_wait3A_899, %dma_wait3A_900] : memref<16x3968xf32, #tpu.memory_space<vmem>> -> memref<16x2048xf32, #tpu.memory_space<vmem>>
    %dma_wait3A_902 = arith.constant 0 : i32
    %dma_wait3A_903 = tpu.memref_slice %arg3[%select_n3A, %add3A_730, %dma_wait3A_902] : memref<16x2048x2048xf32, #tpu.memory_space<hbm>> -> memref<1x16x2048xf32, #tpu.memory_space<hbm>>
    %dma_wait3A_904 = tpu.memref_squeeze %dma_wait3A_903 : memref<1x16x2048xf32, #tpu.memory_space<hbm>> -> memref<16x2048xf32, #tpu.memory_space<hbm>>
    %dma_wait3A_905 = arith.constant 0 : i32
    %dma_wait3A_906 = tpu.memref_slice %arg3[%select_n3A, %add3A_730, %dma_wait3A_905] : memref<16x2048x2048xf32, #tpu.memory_space<hbm>> -> memref<1x16x2048xf32, #tpu.memory_space<hbm>>
    %dma_wait3A_907 = tpu.memref_squeeze %dma_wait3A_906 : memref<1x16x2048xf32, #tpu.memory_space<hbm>> -> memref<16x2048xf32, #tpu.memory_space<hbm>>
    %dma_wait3A_908 = arith.constant 0 : i32
    %dma_wait3A_909 = arith.constant 256 : i32
    %dma_wait3A_910 = tpu.memref_slice %arg4[%dma_wait3A_908, %dma_wait3A_909] : memref<16x3968xf32, #tpu.memory_space<vmem>> -> memref<16x2048xf32, #tpu.memory_space<vmem>>
    tpu.wait_dma2 semaphore(%arg7 : memref<!tpu.dma_semaphore, #tpu.memory_space<semaphore_mem>>) src(%dma_wait3A_910 : memref<16x2048xf32, #tpu.memory_space<vmem>>) dst(%dma_wait3A_907 : memref<16x2048xf32, #tpu.memory_space<hbm>>)
    %dma_wait3A_911 = arith.constant 0 : i32
    %dma_wait3A_912 = arith.constant 128 : i32
    %dma_wait3A_913 = tpu.memref_slice %arg4[%dma_wait3A_911, %dma_wait3A_912] : memref<16x3968xf32, #tpu.memory_space<vmem>> -> memref<16x2048xf32, #tpu.memory_space<vmem>>
    %dma_wait3A_914 = arith.constant 0 : i32
    %dma_wait3A_915 = tpu.memref_slice %arg3[%select_n3A, %add3A_736, %dma_wait3A_914] : memref<16x2048x2048xf32, #tpu.memory_space<hbm>> -> memref<1x16x2048xf32, #tpu.memory_space<hbm>>
    %dma_wait3A_916 = tpu.memref_squeeze %dma_wait3A_915 : memref<1x16x2048xf32, #tpu.memory_space<hbm>> -> memref<16x2048xf32, #tpu.memory_space<hbm>>
    %dma_wait3A_917 = arith.constant 0 : i32
    %dma_wait3A_918 = tpu.memref_slice %arg3[%select_n3A, %add3A_736, %dma_wait3A_917] : memref<16x2048x2048xf32, #tpu.memory_space<hbm>> -> memref<1x16x2048xf32, #tpu.memory_space<hbm>>
    %dma_wait3A_919 = tpu.memref_squeeze %dma_wait3A_918 : memref<1x16x2048xf32, #tpu.memory_space<hbm>> -> memref<16x2048xf32, #tpu.memory_space<hbm>>
    %dma_wait3A_920 = arith.constant 0 : i32
    %dma_wait3A_921 = arith.constant 128 : i32
    %dma_wait3A_922 = tpu.memref_slice %arg4[%dma_wait3A_920, %dma_wait3A_921] : memref<16x3968xf32, #tpu.memory_space<vmem>> -> memref<16x2048xf32, #tpu.memory_space<vmem>>
    tpu.wait_dma2 semaphore(%arg7 : memref<!tpu.dma_semaphore, #tpu.memory_space<semaphore_mem>>) src(%dma_wait3A_922 : memref<16x2048xf32, #tpu.memory_space<vmem>>) dst(%dma_wait3A_919 : memref<16x2048xf32, #tpu.memory_space<hbm>>)
    %dma_wait3A_923 = arith.constant 0 : i32
    %dma_wait3A_924 = arith.constant 0 : i32
    %dma_wait3A_925 = tpu.memref_slice %arg4[%dma_wait3A_923, %dma_wait3A_924] : memref<16x3968xf32, #tpu.memory_space<vmem>> -> memref<16x2048xf32, #tpu.memory_space<vmem>>
    %dma_wait3A_926 = arith.constant 0 : i32
    %dma_wait3A_927 = tpu.memref_slice %arg3[%select_n3A, %add3A_742, %dma_wait3A_926] : memref<16x2048x2048xf32, #tpu.memory_space<hbm>> -> memref<1x16x2048xf32, #tpu.memory_space<hbm>>
    %dma_wait3A_928 = tpu.memref_squeeze %dma_wait3A_927 : memref<1x16x2048xf32, #tpu.memory_space<hbm>> -> memref<16x2048xf32, #tpu.memory_space<hbm>>
    %dma_wait3A_929 = arith.constant 0 : i32
    %dma_wait3A_930 = tpu.memref_slice %arg3[%select_n3A, %add3A_742, %dma_wait3A_929] : memref<16x2048x2048xf32, #tpu.memory_space<hbm>> -> memref<1x16x2048xf32, #tpu.memory_space<hbm>>
    %dma_wait3A_931 = tpu.memref_squeeze %dma_wait3A_930 : memref<1x16x2048xf32, #tpu.memory_space<hbm>> -> memref<16x2048xf32, #tpu.memory_space<hbm>>
    %dma_wait3A_932 = arith.constant 0 : i32
    %dma_wait3A_933 = arith.constant 0 : i32
    %dma_wait3A_934 = tpu.memref_slice %arg4[%dma_wait3A_932, %dma_wait3A_933] : memref<16x3968xf32, #tpu.memory_space<vmem>> -> memref<16x2048xf32, #tpu.memory_space<vmem>>
    tpu.wait_dma2 semaphore(%arg7 : memref<!tpu.dma_semaphore, #tpu.memory_space<semaphore_mem>>) src(%dma_wait3A_934 : memref<16x2048xf32, #tpu.memory_space<vmem>>) dst(%dma_wait3A_931 : memref<16x2048xf32, #tpu.memory_space<hbm>>)
    %add3A_935 = arith.constant 2 : i32
    %add3A_936 = arith.addi %mul3A_32, %add3A_935 : i32
    %mul3A_937 = arith.constant 16 : i32
    %mul3A_938 = arith.muli %mul3A_937, %add3A_936 : i32
    %dma_start3A_939 = arith.constant 0 : i32
    %dma_start3A_940 = tpu.memref_slice %arg2[%select_n3A, %mul3A_938, %dma_start3A_939] : memref<16x128x3968xf32, #tpu.memory_space<hbm>> -> memref<1x16x3968xf32, #tpu.memory_space<hbm>>
    %dma_start3A_941 = tpu.memref_squeeze %dma_start3A_940 : memref<1x16x3968xf32, #tpu.memory_space<hbm>> -> memref<16x3968xf32, #tpu.memory_space<hbm>>
    %dma_start3A_942 = arith.constant 0 : i32
    %dma_start3A_943 = tpu.memref_slice %arg2[%select_n3A, %mul3A_938, %dma_start3A_942] : memref<16x128x3968xf32, #tpu.memory_space<hbm>> -> memref<1x16x3968xf32, #tpu.memory_space<hbm>>
    %dma_start3A_944 = tpu.memref_squeeze %dma_start3A_943 : memref<1x16x3968xf32, #tpu.memory_space<hbm>> -> memref<16x3968xf32, #tpu.memory_space<hbm>>
    tpu.enqueue_dma source(%dma_start3A_944 : memref<16x3968xf32, #tpu.memory_space<hbm>>) target(%arg4 : memref<16x3968xf32, #tpu.memory_space<vmem>>) target_semaphore(%arg6 : memref<!tpu.dma_semaphore, #tpu.memory_space<semaphore_mem>>)
    %add3A_945 = arith.constant 2 : i32
    %add3A_946 = arith.addi %mul3A_32, %add3A_945 : i32
    %mul3A_947 = arith.constant 16 : i32
    %mul3A_948 = arith.muli %mul3A_947, %add3A_946 : i32
    %dma_wait3A_949 = arith.constant 0 : i32
    %dma_wait3A_950 = tpu.memref_slice %arg2[%select_n3A, %mul3A_948, %dma_wait3A_949] : memref<16x128x3968xf32, #tpu.memory_space<hbm>> -> memref<1x16x3968xf32, #tpu.memory_space<hbm>>
    %dma_wait3A_951 = tpu.memref_squeeze %dma_wait3A_950 : memref<1x16x3968xf32, #tpu.memory_space<hbm>> -> memref<16x3968xf32, #tpu.memory_space<hbm>>
    %dma_wait3A_952 = arith.constant 0 : i32
    %dma_wait3A_953 = tpu.memref_slice %arg2[%select_n3A, %mul3A_948, %dma_wait3A_952] : memref<16x128x3968xf32, #tpu.memory_space<hbm>> -> memref<1x16x3968xf32, #tpu.memory_space<hbm>>
    %dma_wait3A_954 = tpu.memref_squeeze %dma_wait3A_953 : memref<1x16x3968xf32, #tpu.memory_space<hbm>> -> memref<16x3968xf32, #tpu.memory_space<hbm>>
    tpu.wait_dma2 semaphore(%arg6 : memref<!tpu.dma_semaphore, #tpu.memory_space<semaphore_mem>>) src(%dma_wait3A_954 : memref<16x3968xf32, #tpu.memory_space<hbm>>) dst(%arg4 : memref<16x3968xf32, #tpu.memory_space<vmem>>)
    %add3A_955 = arith.constant 2 : i32
    %add3A_956 = arith.addi %mul3A_32, %add3A_955 : i32
    %mul3A_957 = arith.constant 16 : i32
    %mul3A_958 = arith.muli %mul3A_957, %add3A_956 : i32
    %add3A_959 = arith.constant 0 : i32
    %add3A_960 = arith.addi %add3A_959, %mul3A_958 : i32
    %add3A_961 = arith.constant 2 : i32
    %add3A_962 = arith.addi %mul3A_32, %add3A_961 : i32
    %mul3A_963 = arith.constant 16 : i32
    %mul3A_964 = arith.muli %mul3A_963, %add3A_962 : i32
    %add3A_965 = arith.constant 128 : i32
    %add3A_966 = arith.addi %add3A_965, %mul3A_964 : i32
    %add3A_967 = arith.constant 2 : i32
    %add3A_968 = arith.addi %mul3A_32, %add3A_967 : i32
    %mul3A_969 = arith.constant 16 : i32
    %mul3A_970 = arith.muli %mul3A_969, %add3A_968 : i32
    %add3A_971 = arith.constant 256 : i32
    %add3A_972 = arith.addi %add3A_971, %mul3A_970 : i32
    %add3A_973 = arith.constant 2 : i32
    %add3A_974 = arith.addi %mul3A_32, %add3A_973 : i32
    %mul3A_975 = arith.constant 16 : i32
    %mul3A_976 = arith.muli %mul3A_975, %add3A_974 : i32
    %add3A_977 = arith.constant 384 : i32
    %add3A_978 = arith.addi %add3A_977, %mul3A_976 : i32
    %add3A_979 = arith.constant 2 : i32
    %add3A_980 = arith.addi %mul3A_32, %add3A_979 : i32
    %mul3A_981 = arith.constant 16 : i32
    %mul3A_982 = arith.muli %mul3A_981, %add3A_980 : i32
    %add3A_983 = arith.constant 512 : i32
    %add3A_984 = arith.addi %add3A_983, %mul3A_982 : i32
    %add3A_985 = arith.constant 2 : i32
    %add3A_986 = arith.addi %mul3A_32, %add3A_985 : i32
    %mul3A_987 = arith.constant 16 : i32
    %mul3A_988 = arith.muli %mul3A_987, %add3A_986 : i32
    %add3A_989 = arith.constant 640 : i32
    %add3A_990 = arith.addi %add3A_989, %mul3A_988 : i32
    %add3A_991 = arith.constant 2 : i32
    %add3A_992 = arith.addi %mul3A_32, %add3A_991 : i32
    %mul3A_993 = arith.constant 16 : i32
    %mul3A_994 = arith.muli %mul3A_993, %add3A_992 : i32
    %add3A_995 = arith.constant 768 : i32
    %add3A_996 = arith.addi %add3A_995, %mul3A_994 : i32
    %add3A_997 = arith.constant 2 : i32
    %add3A_998 = arith.addi %mul3A_32, %add3A_997 : i32
    %mul3A_999 = arith.constant 16 : i32
    %mul3A_1000 = arith.muli %mul3A_999, %add3A_998 : i32
    %add3A_1001 = arith.constant 896 : i32
    %add3A_1002 = arith.addi %add3A_1001, %mul3A_1000 : i32
    %add3A_1003 = arith.constant 2 : i32
    %add3A_1004 = arith.addi %mul3A_32, %add3A_1003 : i32
    %mul3A_1005 = arith.constant 16 : i32
    %mul3A_1006 = arith.muli %mul3A_1005, %add3A_1004 : i32
    %add3A_1007 = arith.constant 1024 : i32
    %add3A_1008 = arith.addi %add3A_1007, %mul3A_1006 : i32
    %add3A_1009 = arith.constant 2 : i32
    %add3A_1010 = arith.addi %mul3A_32, %add3A_1009 : i32
    %mul3A_1011 = arith.constant 16 : i32
    %mul3A_1012 = arith.muli %mul3A_1011, %add3A_1010 : i32
    %add3A_1013 = arith.constant 1152 : i32
    %add3A_1014 = arith.addi %add3A_1013, %mul3A_1012 : i32
    %add3A_1015 = arith.constant 2 : i32
    %add3A_1016 = arith.addi %mul3A_32, %add3A_1015 : i32
    %mul3A_1017 = arith.constant 16 : i32
    %mul3A_1018 = arith.muli %mul3A_1017, %add3A_1016 : i32
    %add3A_1019 = arith.constant 1280 : i32
    %add3A_1020 = arith.addi %add3A_1019, %mul3A_1018 : i32
    %add3A_1021 = arith.constant 2 : i32
    %add3A_1022 = arith.addi %mul3A_32, %add3A_1021 : i32
    %mul3A_1023 = arith.constant 16 : i32
    %mul3A_1024 = arith.muli %mul3A_1023, %add3A_1022 : i32
    %add3A_1025 = arith.constant 1408 : i32
    %add3A_1026 = arith.addi %add3A_1025, %mul3A_1024 : i32
    %add3A_1027 = arith.constant 2 : i32
    %add3A_1028 = arith.addi %mul3A_32, %add3A_1027 : i32
    %mul3A_1029 = arith.constant 16 : i32
    %mul3A_1030 = arith.muli %mul3A_1029, %add3A_1028 : i32
    %add3A_1031 = arith.constant 1536 : i32
    %add3A_1032 = arith.addi %add3A_1031, %mul3A_1030 : i32
    %add3A_1033 = arith.constant 2 : i32
    %add3A_1034 = arith.addi %mul3A_32, %add3A_1033 : i32
    %mul3A_1035 = arith.constant 16 : i32
    %mul3A_1036 = arith.muli %mul3A_1035, %add3A_1034 : i32
    %add3A_1037 = arith.constant 1664 : i32
    %add3A_1038 = arith.addi %add3A_1037, %mul3A_1036 : i32
    %add3A_1039 = arith.constant 2 : i32
    %add3A_1040 = arith.addi %mul3A_32, %add3A_1039 : i32
    %mul3A_1041 = arith.constant 16 : i32
    %mul3A_1042 = arith.muli %mul3A_1041, %add3A_1040 : i32
    %add3A_1043 = arith.constant 1792 : i32
    %add3A_1044 = arith.addi %add3A_1043, %mul3A_1042 : i32
    %add3A_1045 = arith.constant 2 : i32
    %add3A_1046 = arith.addi %mul3A_32, %add3A_1045 : i32
    %mul3A_1047 = arith.constant 16 : i32
    %mul3A_1048 = arith.muli %mul3A_1047, %add3A_1046 : i32
    %add3A_1049 = arith.constant 1920 : i32
    %add3A_1050 = arith.addi %add3A_1049, %mul3A_1048 : i32
    %dma_start3A_1051 = arith.constant 0 : i32
    %dma_start3A_1052 = arith.constant 1920 : i32
    %dma_start3A_1053 = tpu.memref_slice %arg4[%dma_start3A_1051, %dma_start3A_1052] : memref<16x3968xf32, #tpu.memory_space<vmem>> -> memref<16x2048xf32, #tpu.memory_space<vmem>>
    %dma_start3A_1054 = arith.constant 0 : i32
    %dma_start3A_1055 = tpu.memref_slice %arg3[%select_n3A, %add3A_960, %dma_start3A_1054] : memref<16x2048x2048xf32, #tpu.memory_space<hbm>> -> memref<1x16x2048xf32, #tpu.memory_space<hbm>>
    %dma_start3A_1056 = tpu.memref_squeeze %dma_start3A_1055 : memref<1x16x2048xf32, #tpu.memory_space<hbm>> -> memref<16x2048xf32, #tpu.memory_space<hbm>>
    %dma_start3A_1057 = arith.constant 0 : i32
    %dma_start3A_1058 = tpu.memref_slice %arg3[%select_n3A, %add3A_960, %dma_start3A_1057] : memref<16x2048x2048xf32, #tpu.memory_space<hbm>> -> memref<1x16x2048xf32, #tpu.memory_space<hbm>>
    %dma_start3A_1059 = tpu.memref_squeeze %dma_start3A_1058 : memref<1x16x2048xf32, #tpu.memory_space<hbm>> -> memref<16x2048xf32, #tpu.memory_space<hbm>>
    %dma_start3A_1060 = arith.constant 0 : i32
    %dma_start3A_1061 = arith.constant 1920 : i32
    %dma_start3A_1062 = tpu.memref_slice %arg4[%dma_start3A_1060, %dma_start3A_1061] : memref<16x3968xf32, #tpu.memory_space<vmem>> -> memref<16x2048xf32, #tpu.memory_space<vmem>>
    tpu.enqueue_dma source(%dma_start3A_1062 : memref<16x2048xf32, #tpu.memory_space<vmem>>) target(%dma_start3A_1059 : memref<16x2048xf32, #tpu.memory_space<hbm>>) target_semaphore(%arg7 : memref<!tpu.dma_semaphore, #tpu.memory_space<semaphore_mem>>)
    %dma_start3A_1063 = arith.constant 0 : i32
    %dma_start3A_1064 = arith.constant 1792 : i32
    %dma_start3A_1065 = tpu.memref_slice %arg4[%dma_start3A_1063, %dma_start3A_1064] : memref<16x3968xf32, #tpu.memory_space<vmem>> -> memref<16x2048xf32, #tpu.memory_space<vmem>>
    %dma_start3A_1066 = arith.constant 0 : i32
    %dma_start3A_1067 = tpu.memref_slice %arg3[%select_n3A, %add3A_966, %dma_start3A_1066] : memref<16x2048x2048xf32, #tpu.memory_space<hbm>> -> memref<1x16x2048xf32, #tpu.memory_space<hbm>>
    %dma_start3A_1068 = tpu.memref_squeeze %dma_start3A_1067 : memref<1x16x2048xf32, #tpu.memory_space<hbm>> -> memref<16x2048xf32, #tpu.memory_space<hbm>>
    %dma_start3A_1069 = arith.constant 0 : i32
    %dma_start3A_1070 = tpu.memref_slice %arg3[%select_n3A, %add3A_966, %dma_start3A_1069] : memref<16x2048x2048xf32, #tpu.memory_space<hbm>> -> memref<1x16x2048xf32, #tpu.memory_space<hbm>>
    %dma_start3A_1071 = tpu.memref_squeeze %dma_start3A_1070 : memref<1x16x2048xf32, #tpu.memory_space<hbm>> -> memref<16x2048xf32, #tpu.memory_space<hbm>>
    %dma_start3A_1072 = arith.constant 0 : i32
    %dma_start3A_1073 = arith.constant 1792 : i32
    %dma_start3A_1074 = tpu.memref_slice %arg4[%dma_start3A_1072, %dma_start3A_1073] : memref<16x3968xf32, #tpu.memory_space<vmem>> -> memref<16x2048xf32, #tpu.memory_space<vmem>>
    tpu.enqueue_dma source(%dma_start3A_1074 : memref<16x2048xf32, #tpu.memory_space<vmem>>) target(%dma_start3A_1071 : memref<16x2048xf32, #tpu.memory_space<hbm>>) target_semaphore(%arg7 : memref<!tpu.dma_semaphore, #tpu.memory_space<semaphore_mem>>)
    %dma_start3A_1075 = arith.constant 0 : i32
    %dma_start3A_1076 = arith.constant 1664 : i32
    %dma_start3A_1077 = tpu.memref_slice %arg4[%dma_start3A_1075, %dma_start3A_1076] : memref<16x3968xf32, #tpu.memory_space<vmem>> -> memref<16x2048xf32, #tpu.memory_space<vmem>>
    %dma_start3A_1078 = arith.constant 0 : i32
    %dma_start3A_1079 = tpu.memref_slice %arg3[%select_n3A, %add3A_972, %dma_start3A_1078] : memref<16x2048x2048xf32, #tpu.memory_space<hbm>> -> memref<1x16x2048xf32, #tpu.memory_space<hbm>>
    %dma_start3A_1080 = tpu.memref_squeeze %dma_start3A_1079 : memref<1x16x2048xf32, #tpu.memory_space<hbm>> -> memref<16x2048xf32, #tpu.memory_space<hbm>>
    %dma_start3A_1081 = arith.constant 0 : i32
    %dma_start3A_1082 = tpu.memref_slice %arg3[%select_n3A, %add3A_972, %dma_start3A_1081] : memref<16x2048x2048xf32, #tpu.memory_space<hbm>> -> memref<1x16x2048xf32, #tpu.memory_space<hbm>>
    %dma_start3A_1083 = tpu.memref_squeeze %dma_start3A_1082 : memref<1x16x2048xf32, #tpu.memory_space<hbm>> -> memref<16x2048xf32, #tpu.memory_space<hbm>>
    %dma_start3A_1084 = arith.constant 0 : i32
    %dma_start3A_1085 = arith.constant 1664 : i32
    %dma_start3A_1086 = tpu.memref_slice %arg4[%dma_start3A_1084, %dma_start3A_1085] : memref<16x3968xf32, #tpu.memory_space<vmem>> -> memref<16x2048xf32, #tpu.memory_space<vmem>>
    tpu.enqueue_dma source(%dma_start3A_1086 : memref<16x2048xf32, #tpu.memory_space<vmem>>) target(%dma_start3A_1083 : memref<16x2048xf32, #tpu.memory_space<hbm>>) target_semaphore(%arg7 : memref<!tpu.dma_semaphore, #tpu.memory_space<semaphore_mem>>)
    %dma_start3A_1087 = arith.constant 0 : i32
    %dma_start3A_1088 = arith.constant 1536 : i32
    %dma_start3A_1089 = tpu.memref_slice %arg4[%dma_start3A_1087, %dma_start3A_1088] : memref<16x3968xf32, #tpu.memory_space<vmem>> -> memref<16x2048xf32, #tpu.memory_space<vmem>>
    %dma_start3A_1090 = arith.constant 0 : i32
    %dma_start3A_1091 = tpu.memref_slice %arg3[%select_n3A, %add3A_978, %dma_start3A_1090] : memref<16x2048x2048xf32, #tpu.memory_space<hbm>> -> memref<1x16x2048xf32, #tpu.memory_space<hbm>>
    %dma_start3A_1092 = tpu.memref_squeeze %dma_start3A_1091 : memref<1x16x2048xf32, #tpu.memory_space<hbm>> -> memref<16x2048xf32, #tpu.memory_space<hbm>>
    %dma_start3A_1093 = arith.constant 0 : i32
    %dma_start3A_1094 = tpu.memref_slice %arg3[%select_n3A, %add3A_978, %dma_start3A_1093] : memref<16x2048x2048xf32, #tpu.memory_space<hbm>> -> memref<1x16x2048xf32, #tpu.memory_space<hbm>>
    %dma_start3A_1095 = tpu.memref_squeeze %dma_start3A_1094 : memref<1x16x2048xf32, #tpu.memory_space<hbm>> -> memref<16x2048xf32, #tpu.memory_space<hbm>>
    %dma_start3A_1096 = arith.constant 0 : i32
    %dma_start3A_1097 = arith.constant 1536 : i32
    %dma_start3A_1098 = tpu.memref_slice %arg4[%dma_start3A_1096, %dma_start3A_1097] : memref<16x3968xf32, #tpu.memory_space<vmem>> -> memref<16x2048xf32, #tpu.memory_space<vmem>>
    tpu.enqueue_dma source(%dma_start3A_1098 : memref<16x2048xf32, #tpu.memory_space<vmem>>) target(%dma_start3A_1095 : memref<16x2048xf32, #tpu.memory_space<hbm>>) target_semaphore(%arg7 : memref<!tpu.dma_semaphore, #tpu.memory_space<semaphore_mem>>)
    %dma_start3A_1099 = arith.constant 0 : i32
    %dma_start3A_1100 = arith.constant 1408 : i32
    %dma_start3A_1101 = tpu.memref_slice %arg4[%dma_start3A_1099, %dma_start3A_1100] : memref<16x3968xf32, #tpu.memory_space<vmem>> -> memref<16x2048xf32, #tpu.memory_space<vmem>>
    %dma_start3A_1102 = arith.constant 0 : i32
    %dma_start3A_1103 = tpu.memref_slice %arg3[%select_n3A, %add3A_984, %dma_start3A_1102] : memref<16x2048x2048xf32, #tpu.memory_space<hbm>> -> memref<1x16x2048xf32, #tpu.memory_space<hbm>>
    %dma_start3A_1104 = tpu.memref_squeeze %dma_start3A_1103 : memref<1x16x2048xf32, #tpu.memory_space<hbm>> -> memref<16x2048xf32, #tpu.memory_space<hbm>>
    %dma_start3A_1105 = arith.constant 0 : i32
    %dma_start3A_1106 = tpu.memref_slice %arg3[%select_n3A, %add3A_984, %dma_start3A_1105] : memref<16x2048x2048xf32, #tpu.memory_space<hbm>> -> memref<1x16x2048xf32, #tpu.memory_space<hbm>>
    %dma_start3A_1107 = tpu.memref_squeeze %dma_start3A_1106 : memref<1x16x2048xf32, #tpu.memory_space<hbm>> -> memref<16x2048xf32, #tpu.memory_space<hbm>>
    %dma_start3A_1108 = arith.constant 0 : i32
    %dma_start3A_1109 = arith.constant 1408 : i32
    %dma_start3A_1110 = tpu.memref_slice %arg4[%dma_start3A_1108, %dma_start3A_1109] : memref<16x3968xf32, #tpu.memory_space<vmem>> -> memref<16x2048xf32, #tpu.memory_space<vmem>>
    tpu.enqueue_dma source(%dma_start3A_1110 : memref<16x2048xf32, #tpu.memory_space<vmem>>) target(%dma_start3A_1107 : memref<16x2048xf32, #tpu.memory_space<hbm>>) target_semaphore(%arg7 : memref<!tpu.dma_semaphore, #tpu.memory_space<semaphore_mem>>)
    %dma_start3A_1111 = arith.constant 0 : i32
    %dma_start3A_1112 = arith.constant 1280 : i32
    %dma_start3A_1113 = tpu.memref_slice %arg4[%dma_start3A_1111, %dma_start3A_1112] : memref<16x3968xf32, #tpu.memory_space<vmem>> -> memref<16x2048xf32, #tpu.memory_space<vmem>>
    %dma_start3A_1114 = arith.constant 0 : i32
    %dma_start3A_1115 = tpu.memref_slice %arg3[%select_n3A, %add3A_990, %dma_start3A_1114] : memref<16x2048x2048xf32, #tpu.memory_space<hbm>> -> memref<1x16x2048xf32, #tpu.memory_space<hbm>>
    %dma_start3A_1116 = tpu.memref_squeeze %dma_start3A_1115 : memref<1x16x2048xf32, #tpu.memory_space<hbm>> -> memref<16x2048xf32, #tpu.memory_space<hbm>>
    %dma_start3A_1117 = arith.constant 0 : i32
    %dma_start3A_1118 = tpu.memref_slice %arg3[%select_n3A, %add3A_990, %dma_start3A_1117] : memref<16x2048x2048xf32, #tpu.memory_space<hbm>> -> memref<1x16x2048xf32, #tpu.memory_space<hbm>>
    %dma_start3A_1119 = tpu.memref_squeeze %dma_start3A_1118 : memref<1x16x2048xf32, #tpu.memory_space<hbm>> -> memref<16x2048xf32, #tpu.memory_space<hbm>>
    %dma_start3A_1120 = arith.constant 0 : i32
    %dma_start3A_1121 = arith.constant 1280 : i32
    %dma_start3A_1122 = tpu.memref_slice %arg4[%dma_start3A_1120, %dma_start3A_1121] : memref<16x3968xf32, #tpu.memory_space<vmem>> -> memref<16x2048xf32, #tpu.memory_space<vmem>>
    tpu.enqueue_dma source(%dma_start3A_1122 : memref<16x2048xf32, #tpu.memory_space<vmem>>) target(%dma_start3A_1119 : memref<16x2048xf32, #tpu.memory_space<hbm>>) target_semaphore(%arg7 : memref<!tpu.dma_semaphore, #tpu.memory_space<semaphore_mem>>)
    %dma_start3A_1123 = arith.constant 0 : i32
    %dma_start3A_1124 = arith.constant 1152 : i32
    %dma_start3A_1125 = tpu.memref_slice %arg4[%dma_start3A_1123, %dma_start3A_1124] : memref<16x3968xf32, #tpu.memory_space<vmem>> -> memref<16x2048xf32, #tpu.memory_space<vmem>>
    %dma_start3A_1126 = arith.constant 0 : i32
    %dma_start3A_1127 = tpu.memref_slice %arg3[%select_n3A, %add3A_996, %dma_start3A_1126] : memref<16x2048x2048xf32, #tpu.memory_space<hbm>> -> memref<1x16x2048xf32, #tpu.memory_space<hbm>>
    %dma_start3A_1128 = tpu.memref_squeeze %dma_start3A_1127 : memref<1x16x2048xf32, #tpu.memory_space<hbm>> -> memref<16x2048xf32, #tpu.memory_space<hbm>>
    %dma_start3A_1129 = arith.constant 0 : i32
    %dma_start3A_1130 = tpu.memref_slice %arg3[%select_n3A, %add3A_996, %dma_start3A_1129] : memref<16x2048x2048xf32, #tpu.memory_space<hbm>> -> memref<1x16x2048xf32, #tpu.memory_space<hbm>>
    %dma_start3A_1131 = tpu.memref_squeeze %dma_start3A_1130 : memref<1x16x2048xf32, #tpu.memory_space<hbm>> -> memref<16x2048xf32, #tpu.memory_space<hbm>>
    %dma_start3A_1132 = arith.constant 0 : i32
    %dma_start3A_1133 = arith.constant 1152 : i32
    %dma_start3A_1134 = tpu.memref_slice %arg4[%dma_start3A_1132, %dma_start3A_1133] : memref<16x3968xf32, #tpu.memory_space<vmem>> -> memref<16x2048xf32, #tpu.memory_space<vmem>>
    tpu.enqueue_dma source(%dma_start3A_1134 : memref<16x2048xf32, #tpu.memory_space<vmem>>) target(%dma_start3A_1131 : memref<16x2048xf32, #tpu.memory_space<hbm>>) target_semaphore(%arg7 : memref<!tpu.dma_semaphore, #tpu.memory_space<semaphore_mem>>)
    %dma_start3A_1135 = arith.constant 0 : i32
    %dma_start3A_1136 = arith.constant 1024 : i32
    %dma_start3A_1137 = tpu.memref_slice %arg4[%dma_start3A_1135, %dma_start3A_1136] : memref<16x3968xf32, #tpu.memory_space<vmem>> -> memref<16x2048xf32, #tpu.memory_space<vmem>>
    %dma_start3A_1138 = arith.constant 0 : i32
    %dma_start3A_1139 = tpu.memref_slice %arg3[%select_n3A, %add3A_1002, %dma_start3A_1138] : memref<16x2048x2048xf32, #tpu.memory_space<hbm>> -> memref<1x16x2048xf32, #tpu.memory_space<hbm>>
    %dma_start3A_1140 = tpu.memref_squeeze %dma_start3A_1139 : memref<1x16x2048xf32, #tpu.memory_space<hbm>> -> memref<16x2048xf32, #tpu.memory_space<hbm>>
    %dma_start3A_1141 = arith.constant 0 : i32
    %dma_start3A_1142 = tpu.memref_slice %arg3[%select_n3A, %add3A_1002, %dma_start3A_1141] : memref<16x2048x2048xf32, #tpu.memory_space<hbm>> -> memref<1x16x2048xf32, #tpu.memory_space<hbm>>
    %dma_start3A_1143 = tpu.memref_squeeze %dma_start3A_1142 : memref<1x16x2048xf32, #tpu.memory_space<hbm>> -> memref<16x2048xf32, #tpu.memory_space<hbm>>
    %dma_start3A_1144 = arith.constant 0 : i32
    %dma_start3A_1145 = arith.constant 1024 : i32
    %dma_start3A_1146 = tpu.memref_slice %arg4[%dma_start3A_1144, %dma_start3A_1145] : memref<16x3968xf32, #tpu.memory_space<vmem>> -> memref<16x2048xf32, #tpu.memory_space<vmem>>
    tpu.enqueue_dma source(%dma_start3A_1146 : memref<16x2048xf32, #tpu.memory_space<vmem>>) target(%dma_start3A_1143 : memref<16x2048xf32, #tpu.memory_space<hbm>>) target_semaphore(%arg7 : memref<!tpu.dma_semaphore, #tpu.memory_space<semaphore_mem>>)
    %dma_start3A_1147 = arith.constant 0 : i32
    %dma_start3A_1148 = arith.constant 896 : i32
    %dma_start3A_1149 = tpu.memref_slice %arg4[%dma_start3A_1147, %dma_start3A_1148] : memref<16x3968xf32, #tpu.memory_space<vmem>> -> memref<16x2048xf32, #tpu.memory_space<vmem>>
    %dma_start3A_1150 = arith.constant 0 : i32
    %dma_start3A_1151 = tpu.memref_slice %arg3[%select_n3A, %add3A_1008, %dma_start3A_1150] : memref<16x2048x2048xf32, #tpu.memory_space<hbm>> -> memref<1x16x2048xf32, #tpu.memory_space<hbm>>
    %dma_start3A_1152 = tpu.memref_squeeze %dma_start3A_1151 : memref<1x16x2048xf32, #tpu.memory_space<hbm>> -> memref<16x2048xf32, #tpu.memory_space<hbm>>
    %dma_start3A_1153 = arith.constant 0 : i32
    %dma_start3A_1154 = tpu.memref_slice %arg3[%select_n3A, %add3A_1008, %dma_start3A_1153] : memref<16x2048x2048xf32, #tpu.memory_space<hbm>> -> memref<1x16x2048xf32, #tpu.memory_space<hbm>>
    %dma_start3A_1155 = tpu.memref_squeeze %dma_start3A_1154 : memref<1x16x2048xf32, #tpu.memory_space<hbm>> -> memref<16x2048xf32, #tpu.memory_space<hbm>>
    %dma_start3A_1156 = arith.constant 0 : i32
    %dma_start3A_1157 = arith.constant 896 : i32
    %dma_start3A_1158 = tpu.memref_slice %arg4[%dma_start3A_1156, %dma_start3A_1157] : memref<16x3968xf32, #tpu.memory_space<vmem>> -> memref<16x2048xf32, #tpu.memory_space<vmem>>
    tpu.enqueue_dma source(%dma_start3A_1158 : memref<16x2048xf32, #tpu.memory_space<vmem>>) target(%dma_start3A_1155 : memref<16x2048xf32, #tpu.memory_space<hbm>>) target_semaphore(%arg7 : memref<!tpu.dma_semaphore, #tpu.memory_space<semaphore_mem>>)
    %dma_start3A_1159 = arith.constant 0 : i32
    %dma_start3A_1160 = arith.constant 768 : i32
    %dma_start3A_1161 = tpu.memref_slice %arg4[%dma_start3A_1159, %dma_start3A_1160] : memref<16x3968xf32, #tpu.memory_space<vmem>> -> memref<16x2048xf32, #tpu.memory_space<vmem>>
    %dma_start3A_1162 = arith.constant 0 : i32
    %dma_start3A_1163 = tpu.memref_slice %arg3[%select_n3A, %add3A_1014, %dma_start3A_1162] : memref<16x2048x2048xf32, #tpu.memory_space<hbm>> -> memref<1x16x2048xf32, #tpu.memory_space<hbm>>
    %dma_start3A_1164 = tpu.memref_squeeze %dma_start3A_1163 : memref<1x16x2048xf32, #tpu.memory_space<hbm>> -> memref<16x2048xf32, #tpu.memory_space<hbm>>
    %dma_start3A_1165 = arith.constant 0 : i32
    %dma_start3A_1166 = tpu.memref_slice %arg3[%select_n3A, %add3A_1014, %dma_start3A_1165] : memref<16x2048x2048xf32, #tpu.memory_space<hbm>> -> memref<1x16x2048xf32, #tpu.memory_space<hbm>>
    %dma_start3A_1167 = tpu.memref_squeeze %dma_start3A_1166 : memref<1x16x2048xf32, #tpu.memory_space<hbm>> -> memref<16x2048xf32, #tpu.memory_space<hbm>>
    %dma_start3A_1168 = arith.constant 0 : i32
    %dma_start3A_1169 = arith.constant 768 : i32
    %dma_start3A_1170 = tpu.memref_slice %arg4[%dma_start3A_1168, %dma_start3A_1169] : memref<16x3968xf32, #tpu.memory_space<vmem>> -> memref<16x2048xf32, #tpu.memory_space<vmem>>
    tpu.enqueue_dma source(%dma_start3A_1170 : memref<16x2048xf32, #tpu.memory_space<vmem>>) target(%dma_start3A_1167 : memref<16x2048xf32, #tpu.memory_space<hbm>>) target_semaphore(%arg7 : memref<!tpu.dma_semaphore, #tpu.memory_space<semaphore_mem>>)
    %dma_start3A_1171 = arith.constant 0 : i32
    %dma_start3A_1172 = arith.constant 640 : i32
    %dma_start3A_1173 = tpu.memref_slice %arg4[%dma_start3A_1171, %dma_start3A_1172] : memref<16x3968xf32, #tpu.memory_space<vmem>> -> memref<16x2048xf32, #tpu.memory_space<vmem>>
    %dma_start3A_1174 = arith.constant 0 : i32
    %dma_start3A_1175 = tpu.memref_slice %arg3[%select_n3A, %add3A_1020, %dma_start3A_1174] : memref<16x2048x2048xf32, #tpu.memory_space<hbm>> -> memref<1x16x2048xf32, #tpu.memory_space<hbm>>
    %dma_start3A_1176 = tpu.memref_squeeze %dma_start3A_1175 : memref<1x16x2048xf32, #tpu.memory_space<hbm>> -> memref<16x2048xf32, #tpu.memory_space<hbm>>
    %dma_start3A_1177 = arith.constant 0 : i32
    %dma_start3A_1178 = tpu.memref_slice %arg3[%select_n3A, %add3A_1020, %dma_start3A_1177] : memref<16x2048x2048xf32, #tpu.memory_space<hbm>> -> memref<1x16x2048xf32, #tpu.memory_space<hbm>>
    %dma_start3A_1179 = tpu.memref_squeeze %dma_start3A_1178 : memref<1x16x2048xf32, #tpu.memory_space<hbm>> -> memref<16x2048xf32, #tpu.memory_space<hbm>>
    %dma_start3A_1180 = arith.constant 0 : i32
    %dma_start3A_1181 = arith.constant 640 : i32
    %dma_start3A_1182 = tpu.memref_slice %arg4[%dma_start3A_1180, %dma_start3A_1181] : memref<16x3968xf32, #tpu.memory_space<vmem>> -> memref<16x2048xf32, #tpu.memory_space<vmem>>
    tpu.enqueue_dma source(%dma_start3A_1182 : memref<16x2048xf32, #tpu.memory_space<vmem>>) target(%dma_start3A_1179 : memref<16x2048xf32, #tpu.memory_space<hbm>>) target_semaphore(%arg7 : memref<!tpu.dma_semaphore, #tpu.memory_space<semaphore_mem>>)
    %dma_start3A_1183 = arith.constant 0 : i32
    %dma_start3A_1184 = arith.constant 512 : i32
    %dma_start3A_1185 = tpu.memref_slice %arg4[%dma_start3A_1183, %dma_start3A_1184] : memref<16x3968xf32, #tpu.memory_space<vmem>> -> memref<16x2048xf32, #tpu.memory_space<vmem>>
    %dma_start3A_1186 = arith.constant 0 : i32
    %dma_start3A_1187 = tpu.memref_slice %arg3[%select_n3A, %add3A_1026, %dma_start3A_1186] : memref<16x2048x2048xf32, #tpu.memory_space<hbm>> -> memref<1x16x2048xf32, #tpu.memory_space<hbm>>
    %dma_start3A_1188 = tpu.memref_squeeze %dma_start3A_1187 : memref<1x16x2048xf32, #tpu.memory_space<hbm>> -> memref<16x2048xf32, #tpu.memory_space<hbm>>
    %dma_start3A_1189 = arith.constant 0 : i32
    %dma_start3A_1190 = tpu.memref_slice %arg3[%select_n3A, %add3A_1026, %dma_start3A_1189] : memref<16x2048x2048xf32, #tpu.memory_space<hbm>> -> memref<1x16x2048xf32, #tpu.memory_space<hbm>>
    %dma_start3A_1191 = tpu.memref_squeeze %dma_start3A_1190 : memref<1x16x2048xf32, #tpu.memory_space<hbm>> -> memref<16x2048xf32, #tpu.memory_space<hbm>>
    %dma_start3A_1192 = arith.constant 0 : i32
    %dma_start3A_1193 = arith.constant 512 : i32
    %dma_start3A_1194 = tpu.memref_slice %arg4[%dma_start3A_1192, %dma_start3A_1193] : memref<16x3968xf32, #tpu.memory_space<vmem>> -> memref<16x2048xf32, #tpu.memory_space<vmem>>
    tpu.enqueue_dma source(%dma_start3A_1194 : memref<16x2048xf32, #tpu.memory_space<vmem>>) target(%dma_start3A_1191 : memref<16x2048xf32, #tpu.memory_space<hbm>>) target_semaphore(%arg7 : memref<!tpu.dma_semaphore, #tpu.memory_space<semaphore_mem>>)
    %dma_start3A_1195 = arith.constant 0 : i32
    %dma_start3A_1196 = arith.constant 384 : i32
    %dma_start3A_1197 = tpu.memref_slice %arg4[%dma_start3A_1195, %dma_start3A_1196] : memref<16x3968xf32, #tpu.memory_space<vmem>> -> memref<16x2048xf32, #tpu.memory_space<vmem>>
    %dma_start3A_1198 = arith.constant 0 : i32
    %dma_start3A_1199 = tpu.memref_slice %arg3[%select_n3A, %add3A_1032, %dma_start3A_1198] : memref<16x2048x2048xf32, #tpu.memory_space<hbm>> -> memref<1x16x2048xf32, #tpu.memory_space<hbm>>
    %dma_start3A_1200 = tpu.memref_squeeze %dma_start3A_1199 : memref<1x16x2048xf32, #tpu.memory_space<hbm>> -> memref<16x2048xf32, #tpu.memory_space<hbm>>
    %dma_start3A_1201 = arith.constant 0 : i32
    %dma_start3A_1202 = tpu.memref_slice %arg3[%select_n3A, %add3A_1032, %dma_start3A_1201] : memref<16x2048x2048xf32, #tpu.memory_space<hbm>> -> memref<1x16x2048xf32, #tpu.memory_space<hbm>>
    %dma_start3A_1203 = tpu.memref_squeeze %dma_start3A_1202 : memref<1x16x2048xf32, #tpu.memory_space<hbm>> -> memref<16x2048xf32, #tpu.memory_space<hbm>>
    %dma_start3A_1204 = arith.constant 0 : i32
    %dma_start3A_1205 = arith.constant 384 : i32
    %dma_start3A_1206 = tpu.memref_slice %arg4[%dma_start3A_1204, %dma_start3A_1205] : memref<16x3968xf32, #tpu.memory_space<vmem>> -> memref<16x2048xf32, #tpu.memory_space<vmem>>
    tpu.enqueue_dma source(%dma_start3A_1206 : memref<16x2048xf32, #tpu.memory_space<vmem>>) target(%dma_start3A_1203 : memref<16x2048xf32, #tpu.memory_space<hbm>>) target_semaphore(%arg7 : memref<!tpu.dma_semaphore, #tpu.memory_space<semaphore_mem>>)
    %dma_start3A_1207 = arith.constant 0 : i32
    %dma_start3A_1208 = arith.constant 256 : i32
    %dma_start3A_1209 = tpu.memref_slice %arg4[%dma_start3A_1207, %dma_start3A_1208] : memref<16x3968xf32, #tpu.memory_space<vmem>> -> memref<16x2048xf32, #tpu.memory_space<vmem>>
    %dma_start3A_1210 = arith.constant 0 : i32
    %dma_start3A_1211 = tpu.memref_slice %arg3[%select_n3A, %add3A_1038, %dma_start3A_1210] : memref<16x2048x2048xf32, #tpu.memory_space<hbm>> -> memref<1x16x2048xf32, #tpu.memory_space<hbm>>
    %dma_start3A_1212 = tpu.memref_squeeze %dma_start3A_1211 : memref<1x16x2048xf32, #tpu.memory_space<hbm>> -> memref<16x2048xf32, #tpu.memory_space<hbm>>
    %dma_start3A_1213 = arith.constant 0 : i32
    %dma_start3A_1214 = tpu.memref_slice %arg3[%select_n3A, %add3A_1038, %dma_start3A_1213] : memref<16x2048x2048xf32, #tpu.memory_space<hbm>> -> memref<1x16x2048xf32, #tpu.memory_space<hbm>>
    %dma_start3A_1215 = tpu.memref_squeeze %dma_start3A_1214 : memref<1x16x2048xf32, #tpu.memory_space<hbm>> -> memref<16x2048xf32, #tpu.memory_space<hbm>>
    %dma_start3A_1216 = arith.constant 0 : i32
    %dma_start3A_1217 = arith.constant 256 : i32
    %dma_start3A_1218 = tpu.memref_slice %arg4[%dma_start3A_1216, %dma_start3A_1217] : memref<16x3968xf32, #tpu.memory_space<vmem>> -> memref<16x2048xf32, #tpu.memory_space<vmem>>
    tpu.enqueue_dma source(%dma_start3A_1218 : memref<16x2048xf32, #tpu.memory_space<vmem>>) target(%dma_start3A_1215 : memref<16x2048xf32, #tpu.memory_space<hbm>>) target_semaphore(%arg7 : memref<!tpu.dma_semaphore, #tpu.memory_space<semaphore_mem>>)
    %dma_start3A_1219 = arith.constant 0 : i32
    %dma_start3A_1220 = arith.constant 128 : i32
    %dma_start3A_1221 = tpu.memref_slice %arg4[%dma_start3A_1219, %dma_start3A_1220] : memref<16x3968xf32, #tpu.memory_space<vmem>> -> memref<16x2048xf32, #tpu.memory_space<vmem>>
    %dma_start3A_1222 = arith.constant 0 : i32
    %dma_start3A_1223 = tpu.memref_slice %arg3[%select_n3A, %add3A_1044, %dma_start3A_1222] : memref<16x2048x2048xf32, #tpu.memory_space<hbm>> -> memref<1x16x2048xf32, #tpu.memory_space<hbm>>
    %dma_start3A_1224 = tpu.memref_squeeze %dma_start3A_1223 : memref<1x16x2048xf32, #tpu.memory_space<hbm>> -> memref<16x2048xf32, #tpu.memory_space<hbm>>
    %dma_start3A_1225 = arith.constant 0 : i32
    %dma_start3A_1226 = tpu.memref_slice %arg3[%select_n3A, %add3A_1044, %dma_start3A_1225] : memref<16x2048x2048xf32, #tpu.memory_space<hbm>> -> memref<1x16x2048xf32, #tpu.memory_space<hbm>>
    %dma_start3A_1227 = tpu.memref_squeeze %dma_start3A_1226 : memref<1x16x2048xf32, #tpu.memory_space<hbm>> -> memref<16x2048xf32, #tpu.memory_space<hbm>>
    %dma_start3A_1228 = arith.constant 0 : i32
    %dma_start3A_1229 = arith.constant 128 : i32
    %dma_start3A_1230 = tpu.memref_slice %arg4[%dma_start3A_1228, %dma_start3A_1229] : memref<16x3968xf32, #tpu.memory_space<vmem>> -> memref<16x2048xf32, #tpu.memory_space<vmem>>
    tpu.enqueue_dma source(%dma_start3A_1230 : memref<16x2048xf32, #tpu.memory_space<vmem>>) target(%dma_start3A_1227 : memref<16x2048xf32, #tpu.memory_space<hbm>>) target_semaphore(%arg7 : memref<!tpu.dma_semaphore, #tpu.memory_space<semaphore_mem>>)
    %dma_start3A_1231 = arith.constant 0 : i32
    %dma_start3A_1232 = arith.constant 0 : i32
    %dma_start3A_1233 = tpu.memref_slice %arg4[%dma_start3A_1231, %dma_start3A_1232] : memref<16x3968xf32, #tpu.memory_space<vmem>> -> memref<16x2048xf32, #tpu.memory_space<vmem>>
    %dma_start3A_1234 = arith.constant 0 : i32
    %dma_start3A_1235 = tpu.memref_slice %arg3[%select_n3A, %add3A_1050, %dma_start3A_1234] : memref<16x2048x2048xf32, #tpu.memory_space<hbm>> -> memref<1x16x2048xf32, #tpu.memory_space<hbm>>
    %dma_start3A_1236 = tpu.memref_squeeze %dma_start3A_1235 : memref<1x16x2048xf32, #tpu.memory_space<hbm>> -> memref<16x2048xf32, #tpu.memory_space<hbm>>
    %dma_start3A_1237 = arith.constant 0 : i32
    %dma_start3A_1238 = tpu.memref_slice %arg3[%select_n3A, %add3A_1050, %dma_start3A_1237] : memref<16x2048x2048xf32, #tpu.memory_space<hbm>> -> memref<1x16x2048xf32, #tpu.memory_space<hbm>>
    %dma_start3A_1239 = tpu.memref_squeeze %dma_start3A_1238 : memref<1x16x2048xf32, #tpu.memory_space<hbm>> -> memref<16x2048xf32, #tpu.memory_space<hbm>>
    %dma_start3A_1240 = arith.constant 0 : i32
    %dma_start3A_1241 = arith.constant 0 : i32
    %dma_start3A_1242 = tpu.memref_slice %arg4[%dma_start3A_1240, %dma_start3A_1241] : memref<16x3968xf32, #tpu.memory_space<vmem>> -> memref<16x2048xf32, #tpu.memory_space<vmem>>
    tpu.enqueue_dma source(%dma_start3A_1242 : memref<16x2048xf32, #tpu.memory_space<vmem>>) target(%dma_start3A_1239 : memref<16x2048xf32, #tpu.memory_space<hbm>>) target_semaphore(%arg7 : memref<!tpu.dma_semaphore, #tpu.memory_space<semaphore_mem>>)
    %add3A_1243 = arith.constant 1 : i32
    %add3A_1244 = arith.addi %mul3A_32, %add3A_1243 : i32
    %mul3A_1245 = arith.constant 16 : i32
    %mul3A_1246 = arith.muli %mul3A_1245, %add3A_1244 : i32
    %add3A_1247 = arith.constant 0 : i32
    %add3A_1248 = arith.addi %add3A_1247, %mul3A_1246 : i32
    %add3A_1249 = arith.constant 1 : i32
    %add3A_1250 = arith.addi %mul3A_32, %add3A_1249 : i32
    %mul3A_1251 = arith.constant 16 : i32
    %mul3A_1252 = arith.muli %mul3A_1251, %add3A_1250 : i32
    %add3A_1253 = arith.constant 128 : i32
    %add3A_1254 = arith.addi %add3A_1253, %mul3A_1252 : i32
    %add3A_1255 = arith.constant 1 : i32
    %add3A_1256 = arith.addi %mul3A_32, %add3A_1255 : i32
    %mul3A_1257 = arith.constant 16 : i32
    %mul3A_1258 = arith.muli %mul3A_1257, %add3A_1256 : i32
    %add3A_1259 = arith.constant 256 : i32
    %add3A_1260 = arith.addi %add3A_1259, %mul3A_1258 : i32
    %add3A_1261 = arith.constant 1 : i32
    %add3A_1262 = arith.addi %mul3A_32, %add3A_1261 : i32
    %mul3A_1263 = arith.constant 16 : i32
    %mul3A_1264 = arith.muli %mul3A_1263, %add3A_1262 : i32
    %add3A_1265 = arith.constant 384 : i32
    %add3A_1266 = arith.addi %add3A_1265, %mul3A_1264 : i32
    %add3A_1267 = arith.constant 1 : i32
    %add3A_1268 = arith.addi %mul3A_32, %add3A_1267 : i32
    %mul3A_1269 = arith.constant 16 : i32
    %mul3A_1270 = arith.muli %mul3A_1269, %add3A_1268 : i32
    %add3A_1271 = arith.constant 512 : i32
    %add3A_1272 = arith.addi %add3A_1271, %mul3A_1270 : i32
    %add3A_1273 = arith.constant 1 : i32
    %add3A_1274 = arith.addi %mul3A_32, %add3A_1273 : i32
    %mul3A_1275 = arith.constant 16 : i32
    %mul3A_1276 = arith.muli %mul3A_1275, %add3A_1274 : i32
    %add3A_1277 = arith.constant 640 : i32
    %add3A_1278 = arith.addi %add3A_1277, %mul3A_1276 : i32
    %add3A_1279 = arith.constant 1 : i32
    %add3A_1280 = arith.addi %mul3A_32, %add3A_1279 : i32
    %mul3A_1281 = arith.constant 16 : i32
    %mul3A_1282 = arith.muli %mul3A_1281, %add3A_1280 : i32
    %add3A_1283 = arith.constant 768 : i32
    %add3A_1284 = arith.addi %add3A_1283, %mul3A_1282 : i32
    %add3A_1285 = arith.constant 1 : i32
    %add3A_1286 = arith.addi %mul3A_32, %add3A_1285 : i32
    %mul3A_1287 = arith.constant 16 : i32
    %mul3A_1288 = arith.muli %mul3A_1287, %add3A_1286 : i32
    %add3A_1289 = arith.constant 896 : i32
    %add3A_1290 = arith.addi %add3A_1289, %mul3A_1288 : i32
    %add3A_1291 = arith.constant 1 : i32
    %add3A_1292 = arith.addi %mul3A_32, %add3A_1291 : i32
    %mul3A_1293 = arith.constant 16 : i32
    %mul3A_1294 = arith.muli %mul3A_1293, %add3A_1292 : i32
    %add3A_1295 = arith.constant 1024 : i32
    %add3A_1296 = arith.addi %add3A_1295, %mul3A_1294 : i32
    %add3A_1297 = arith.constant 1 : i32
    %add3A_1298 = arith.addi %mul3A_32, %add3A_1297 : i32
    %mul3A_1299 = arith.constant 16 : i32
    %mul3A_1300 = arith.muli %mul3A_1299, %add3A_1298 : i32
    %add3A_1301 = arith.constant 1152 : i32
    %add3A_1302 = arith.addi %add3A_1301, %mul3A_1300 : i32
    %add3A_1303 = arith.constant 1 : i32
    %add3A_1304 = arith.addi %mul3A_32, %add3A_1303 : i32
    %mul3A_1305 = arith.constant 16 : i32
    %mul3A_1306 = arith.muli %mul3A_1305, %add3A_1304 : i32
    %add3A_1307 = arith.constant 1280 : i32
    %add3A_1308 = arith.addi %add3A_1307, %mul3A_1306 : i32
    %add3A_1309 = arith.constant 1 : i32
    %add3A_1310 = arith.addi %mul3A_32, %add3A_1309 : i32
    %mul3A_1311 = arith.constant 16 : i32
    %mul3A_1312 = arith.muli %mul3A_1311, %add3A_1310 : i32
    %add3A_1313 = arith.constant 1408 : i32
    %add3A_1314 = arith.addi %add3A_1313, %mul3A_1312 : i32
    %add3A_1315 = arith.constant 1 : i32
    %add3A_1316 = arith.addi %mul3A_32, %add3A_1315 : i32
    %mul3A_1317 = arith.constant 16 : i32
    %mul3A_1318 = arith.muli %mul3A_1317, %add3A_1316 : i32
    %add3A_1319 = arith.constant 1536 : i32
    %add3A_1320 = arith.addi %add3A_1319, %mul3A_1318 : i32
    %add3A_1321 = arith.constant 1 : i32
    %add3A_1322 = arith.addi %mul3A_32, %add3A_1321 : i32
    %mul3A_1323 = arith.constant 16 : i32
    %mul3A_1324 = arith.muli %mul3A_1323, %add3A_1322 : i32
    %add3A_1325 = arith.constant 1664 : i32
    %add3A_1326 = arith.addi %add3A_1325, %mul3A_1324 : i32
    %add3A_1327 = arith.constant 1 : i32
    %add3A_1328 = arith.addi %mul3A_32, %add3A_1327 : i32
    %mul3A_1329 = arith.constant 16 : i32
    %mul3A_1330 = arith.muli %mul3A_1329, %add3A_1328 : i32
    %add3A_1331 = arith.constant 1792 : i32
    %add3A_1332 = arith.addi %add3A_1331, %mul3A_1330 : i32
    %add3A_1333 = arith.constant 1 : i32
    %add3A_1334 = arith.addi %mul3A_32, %add3A_1333 : i32
    %mul3A_1335 = arith.constant 16 : i32
    %mul3A_1336 = arith.muli %mul3A_1335, %add3A_1334 : i32
    %add3A_1337 = arith.constant 1920 : i32
    %add3A_1338 = arith.addi %add3A_1337, %mul3A_1336 : i32
    %dma_wait3A_1339 = arith.constant 0 : i32
    %dma_wait3A_1340 = arith.constant 1920 : i32
    %dma_wait3A_1341 = tpu.memref_slice %arg5[%dma_wait3A_1339, %dma_wait3A_1340] : memref<16x3968xf32, #tpu.memory_space<vmem>> -> memref<16x2048xf32, #tpu.memory_space<vmem>>
    %dma_wait3A_1342 = arith.constant 0 : i32
    %dma_wait3A_1343 = tpu.memref_slice %arg3[%select_n3A, %add3A_1248, %dma_wait3A_1342] : memref<16x2048x2048xf32, #tpu.memory_space<hbm>> -> memref<1x16x2048xf32, #tpu.memory_space<hbm>>
    %dma_wait3A_1344 = tpu.memref_squeeze %dma_wait3A_1343 : memref<1x16x2048xf32, #tpu.memory_space<hbm>> -> memref<16x2048xf32, #tpu.memory_space<hbm>>
    %dma_wait3A_1345 = arith.constant 0 : i32
    %dma_wait3A_1346 = tpu.memref_slice %arg3[%select_n3A, %add3A_1248, %dma_wait3A_1345] : memref<16x2048x2048xf32, #tpu.memory_space<hbm>> -> memref<1x16x2048xf32, #tpu.memory_space<hbm>>
    %dma_wait3A_1347 = tpu.memref_squeeze %dma_wait3A_1346 : memref<1x16x2048xf32, #tpu.memory_space<hbm>> -> memref<16x2048xf32, #tpu.memory_space<hbm>>
    %dma_wait3A_1348 = arith.constant 0 : i32
    %dma_wait3A_1349 = arith.constant 1920 : i32
    %dma_wait3A_1350 = tpu.memref_slice %arg5[%dma_wait3A_1348, %dma_wait3A_1349] : memref<16x3968xf32, #tpu.memory_space<vmem>> -> memref<16x2048xf32, #tpu.memory_space<vmem>>
    tpu.wait_dma2 semaphore(%arg8 : memref<!tpu.dma_semaphore, #tpu.memory_space<semaphore_mem>>) src(%dma_wait3A_1350 : memref<16x2048xf32, #tpu.memory_space<vmem>>) dst(%dma_wait3A_1347 : memref<16x2048xf32, #tpu.memory_space<hbm>>)
    %dma_wait3A_1351 = arith.constant 0 : i32
    %dma_wait3A_1352 = arith.constant 1792 : i32
    %dma_wait3A_1353 = tpu.memref_slice %arg5[%dma_wait3A_1351, %dma_wait3A_1352] : memref<16x3968xf32, #tpu.memory_space<vmem>> -> memref<16x2048xf32, #tpu.memory_space<vmem>>
    %dma_wait3A_1354 = arith.constant 0 : i32
    %dma_wait3A_1355 = tpu.memref_slice %arg3[%select_n3A, %add3A_1254, %dma_wait3A_1354] : memref<16x2048x2048xf32, #tpu.memory_space<hbm>> -> memref<1x16x2048xf32, #tpu.memory_space<hbm>>
    %dma_wait3A_1356 = tpu.memref_squeeze %dma_wait3A_1355 : memref<1x16x2048xf32, #tpu.memory_space<hbm>> -> memref<16x2048xf32, #tpu.memory_space<hbm>>
    %dma_wait3A_1357 = arith.constant 0 : i32
    %dma_wait3A_1358 = tpu.memref_slice %arg3[%select_n3A, %add3A_1254, %dma_wait3A_1357] : memref<16x2048x2048xf32, #tpu.memory_space<hbm>> -> memref<1x16x2048xf32, #tpu.memory_space<hbm>>
    %dma_wait3A_1359 = tpu.memref_squeeze %dma_wait3A_1358 : memref<1x16x2048xf32, #tpu.memory_space<hbm>> -> memref<16x2048xf32, #tpu.memory_space<hbm>>
    %dma_wait3A_1360 = arith.constant 0 : i32
    %dma_wait3A_1361 = arith.constant 1792 : i32
    %dma_wait3A_1362 = tpu.memref_slice %arg5[%dma_wait3A_1360, %dma_wait3A_1361] : memref<16x3968xf32, #tpu.memory_space<vmem>> -> memref<16x2048xf32, #tpu.memory_space<vmem>>
    tpu.wait_dma2 semaphore(%arg8 : memref<!tpu.dma_semaphore, #tpu.memory_space<semaphore_mem>>) src(%dma_wait3A_1362 : memref<16x2048xf32, #tpu.memory_space<vmem>>) dst(%dma_wait3A_1359 : memref<16x2048xf32, #tpu.memory_space<hbm>>)
    %dma_wait3A_1363 = arith.constant 0 : i32
    %dma_wait3A_1364 = arith.constant 1664 : i32
    %dma_wait3A_1365 = tpu.memref_slice %arg5[%dma_wait3A_1363, %dma_wait3A_1364] : memref<16x3968xf32, #tpu.memory_space<vmem>> -> memref<16x2048xf32, #tpu.memory_space<vmem>>
    %dma_wait3A_1366 = arith.constant 0 : i32
    %dma_wait3A_1367 = tpu.memref_slice %arg3[%select_n3A, %add3A_1260, %dma_wait3A_1366] : memref<16x2048x2048xf32, #tpu.memory_space<hbm>> -> memref<1x16x2048xf32, #tpu.memory_space<hbm>>
    %dma_wait3A_1368 = tpu.memref_squeeze %dma_wait3A_1367 : memref<1x16x2048xf32, #tpu.memory_space<hbm>> -> memref<16x2048xf32, #tpu.memory_space<hbm>>
    %dma_wait3A_1369 = arith.constant 0 : i32
    %dma_wait3A_1370 = tpu.memref_slice %arg3[%select_n3A, %add3A_1260, %dma_wait3A_1369] : memref<16x2048x2048xf32, #tpu.memory_space<hbm>> -> memref<1x16x2048xf32, #tpu.memory_space<hbm>>
    %dma_wait3A_1371 = tpu.memref_squeeze %dma_wait3A_1370 : memref<1x16x2048xf32, #tpu.memory_space<hbm>> -> memref<16x2048xf32, #tpu.memory_space<hbm>>
    %dma_wait3A_1372 = arith.constant 0 : i32
    %dma_wait3A_1373 = arith.constant 1664 : i32
    %dma_wait3A_1374 = tpu.memref_slice %arg5[%dma_wait3A_1372, %dma_wait3A_1373] : memref<16x3968xf32, #tpu.memory_space<vmem>> -> memref<16x2048xf32, #tpu.memory_space<vmem>>
    tpu.wait_dma2 semaphore(%arg8 : memref<!tpu.dma_semaphore, #tpu.memory_space<semaphore_mem>>) src(%dma_wait3A_1374 : memref<16x2048xf32, #tpu.memory_space<vmem>>) dst(%dma_wait3A_1371 : memref<16x2048xf32, #tpu.memory_space<hbm>>)
    %dma_wait3A_1375 = arith.constant 0 : i32
    %dma_wait3A_1376 = arith.constant 1536 : i32
    %dma_wait3A_1377 = tpu.memref_slice %arg5[%dma_wait3A_1375, %dma_wait3A_1376] : memref<16x3968xf32, #tpu.memory_space<vmem>> -> memref<16x2048xf32, #tpu.memory_space<vmem>>
    %dma_wait3A_1378 = arith.constant 0 : i32
    %dma_wait3A_1379 = tpu.memref_slice %arg3[%select_n3A, %add3A_1266, %dma_wait3A_1378] : memref<16x2048x2048xf32, #tpu.memory_space<hbm>> -> memref<1x16x2048xf32, #tpu.memory_space<hbm>>
    %dma_wait3A_1380 = tpu.memref_squeeze %dma_wait3A_1379 : memref<1x16x2048xf32, #tpu.memory_space<hbm>> -> memref<16x2048xf32, #tpu.memory_space<hbm>>
    %dma_wait3A_1381 = arith.constant 0 : i32
    %dma_wait3A_1382 = tpu.memref_slice %arg3[%select_n3A, %add3A_1266, %dma_wait3A_1381] : memref<16x2048x2048xf32, #tpu.memory_space<hbm>> -> memref<1x16x2048xf32, #tpu.memory_space<hbm>>
    %dma_wait3A_1383 = tpu.memref_squeeze %dma_wait3A_1382 : memref<1x16x2048xf32, #tpu.memory_space<hbm>> -> memref<16x2048xf32, #tpu.memory_space<hbm>>
    %dma_wait3A_1384 = arith.constant 0 : i32
    %dma_wait3A_1385 = arith.constant 1536 : i32
    %dma_wait3A_1386 = tpu.memref_slice %arg5[%dma_wait3A_1384, %dma_wait3A_1385] : memref<16x3968xf32, #tpu.memory_space<vmem>> -> memref<16x2048xf32, #tpu.memory_space<vmem>>
    tpu.wait_dma2 semaphore(%arg8 : memref<!tpu.dma_semaphore, #tpu.memory_space<semaphore_mem>>) src(%dma_wait3A_1386 : memref<16x2048xf32, #tpu.memory_space<vmem>>) dst(%dma_wait3A_1383 : memref<16x2048xf32, #tpu.memory_space<hbm>>)
    %dma_wait3A_1387 = arith.constant 0 : i32
    %dma_wait3A_1388 = arith.constant 1408 : i32
    %dma_wait3A_1389 = tpu.memref_slice %arg5[%dma_wait3A_1387, %dma_wait3A_1388] : memref<16x3968xf32, #tpu.memory_space<vmem>> -> memref<16x2048xf32, #tpu.memory_space<vmem>>
    %dma_wait3A_1390 = arith.constant 0 : i32
    %dma_wait3A_1391 = tpu.memref_slice %arg3[%select_n3A, %add3A_1272, %dma_wait3A_1390] : memref<16x2048x2048xf32, #tpu.memory_space<hbm>> -> memref<1x16x2048xf32, #tpu.memory_space<hbm>>
    %dma_wait3A_1392 = tpu.memref_squeeze %dma_wait3A_1391 : memref<1x16x2048xf32, #tpu.memory_space<hbm>> -> memref<16x2048xf32, #tpu.memory_space<hbm>>
    %dma_wait3A_1393 = arith.constant 0 : i32
    %dma_wait3A_1394 = tpu.memref_slice %arg3[%select_n3A, %add3A_1272, %dma_wait3A_1393] : memref<16x2048x2048xf32, #tpu.memory_space<hbm>> -> memref<1x16x2048xf32, #tpu.memory_space<hbm>>
    %dma_wait3A_1395 = tpu.memref_squeeze %dma_wait3A_1394 : memref<1x16x2048xf32, #tpu.memory_space<hbm>> -> memref<16x2048xf32, #tpu.memory_space<hbm>>
    %dma_wait3A_1396 = arith.constant 0 : i32
    %dma_wait3A_1397 = arith.constant 1408 : i32
    %dma_wait3A_1398 = tpu.memref_slice %arg5[%dma_wait3A_1396, %dma_wait3A_1397] : memref<16x3968xf32, #tpu.memory_space<vmem>> -> memref<16x2048xf32, #tpu.memory_space<vmem>>
    tpu.wait_dma2 semaphore(%arg8 : memref<!tpu.dma_semaphore, #tpu.memory_space<semaphore_mem>>) src(%dma_wait3A_1398 : memref<16x2048xf32, #tpu.memory_space<vmem>>) dst(%dma_wait3A_1395 : memref<16x2048xf32, #tpu.memory_space<hbm>>)
    %dma_wait3A_1399 = arith.constant 0 : i32
    %dma_wait3A_1400 = arith.constant 1280 : i32
    %dma_wait3A_1401 = tpu.memref_slice %arg5[%dma_wait3A_1399, %dma_wait3A_1400] : memref<16x3968xf32, #tpu.memory_space<vmem>> -> memref<16x2048xf32, #tpu.memory_space<vmem>>
    %dma_wait3A_1402 = arith.constant 0 : i32
    %dma_wait3A_1403 = tpu.memref_slice %arg3[%select_n3A, %add3A_1278, %dma_wait3A_1402] : memref<16x2048x2048xf32, #tpu.memory_space<hbm>> -> memref<1x16x2048xf32, #tpu.memory_space<hbm>>
    %dma_wait3A_1404 = tpu.memref_squeeze %dma_wait3A_1403 : memref<1x16x2048xf32, #tpu.memory_space<hbm>> -> memref<16x2048xf32, #tpu.memory_space<hbm>>
    %dma_wait3A_1405 = arith.constant 0 : i32
    %dma_wait3A_1406 = tpu.memref_slice %arg3[%select_n3A, %add3A_1278, %dma_wait3A_1405] : memref<16x2048x2048xf32, #tpu.memory_space<hbm>> -> memref<1x16x2048xf32, #tpu.memory_space<hbm>>
    %dma_wait3A_1407 = tpu.memref_squeeze %dma_wait3A_1406 : memref<1x16x2048xf32, #tpu.memory_space<hbm>> -> memref<16x2048xf32, #tpu.memory_space<hbm>>
    %dma_wait3A_1408 = arith.constant 0 : i32
    %dma_wait3A_1409 = arith.constant 1280 : i32
    %dma_wait3A_1410 = tpu.memref_slice %arg5[%dma_wait3A_1408, %dma_wait3A_1409] : memref<16x3968xf32, #tpu.memory_space<vmem>> -> memref<16x2048xf32, #tpu.memory_space<vmem>>
    tpu.wait_dma2 semaphore(%arg8 : memref<!tpu.dma_semaphore, #tpu.memory_space<semaphore_mem>>) src(%dma_wait3A_1410 : memref<16x2048xf32, #tpu.memory_space<vmem>>) dst(%dma_wait3A_1407 : memref<16x2048xf32, #tpu.memory_space<hbm>>)
    %dma_wait3A_1411 = arith.constant 0 : i32
    %dma_wait3A_1412 = arith.constant 1152 : i32
    %dma_wait3A_1413 = tpu.memref_slice %arg5[%dma_wait3A_1411, %dma_wait3A_1412] : memref<16x3968xf32, #tpu.memory_space<vmem>> -> memref<16x2048xf32, #tpu.memory_space<vmem>>
    %dma_wait3A_1414 = arith.constant 0 : i32
    %dma_wait3A_1415 = tpu.memref_slice %arg3[%select_n3A, %add3A_1284, %dma_wait3A_1414] : memref<16x2048x2048xf32, #tpu.memory_space<hbm>> -> memref<1x16x2048xf32, #tpu.memory_space<hbm>>
    %dma_wait3A_1416 = tpu.memref_squeeze %dma_wait3A_1415 : memref<1x16x2048xf32, #tpu.memory_space<hbm>> -> memref<16x2048xf32, #tpu.memory_space<hbm>>
    %dma_wait3A_1417 = arith.constant 0 : i32
    %dma_wait3A_1418 = tpu.memref_slice %arg3[%select_n3A, %add3A_1284, %dma_wait3A_1417] : memref<16x2048x2048xf32, #tpu.memory_space<hbm>> -> memref<1x16x2048xf32, #tpu.memory_space<hbm>>
    %dma_wait3A_1419 = tpu.memref_squeeze %dma_wait3A_1418 : memref<1x16x2048xf32, #tpu.memory_space<hbm>> -> memref<16x2048xf32, #tpu.memory_space<hbm>>
    %dma_wait3A_1420 = arith.constant 0 : i32
    %dma_wait3A_1421 = arith.constant 1152 : i32
    %dma_wait3A_1422 = tpu.memref_slice %arg5[%dma_wait3A_1420, %dma_wait3A_1421] : memref<16x3968xf32, #tpu.memory_space<vmem>> -> memref<16x2048xf32, #tpu.memory_space<vmem>>
    tpu.wait_dma2 semaphore(%arg8 : memref<!tpu.dma_semaphore, #tpu.memory_space<semaphore_mem>>) src(%dma_wait3A_1422 : memref<16x2048xf32, #tpu.memory_space<vmem>>) dst(%dma_wait3A_1419 : memref<16x2048xf32, #tpu.memory_space<hbm>>)
    %dma_wait3A_1423 = arith.constant 0 : i32
    %dma_wait3A_1424 = arith.constant 1024 : i32
    %dma_wait3A_1425 = tpu.memref_slice %arg5[%dma_wait3A_1423, %dma_wait3A_1424] : memref<16x3968xf32, #tpu.memory_space<vmem>> -> memref<16x2048xf32, #tpu.memory_space<vmem>>
    %dma_wait3A_1426 = arith.constant 0 : i32
    %dma_wait3A_1427 = tpu.memref_slice %arg3[%select_n3A, %add3A_1290, %dma_wait3A_1426] : memref<16x2048x2048xf32, #tpu.memory_space<hbm>> -> memref<1x16x2048xf32, #tpu.memory_space<hbm>>
    %dma_wait3A_1428 = tpu.memref_squeeze %dma_wait3A_1427 : memref<1x16x2048xf32, #tpu.memory_space<hbm>> -> memref<16x2048xf32, #tpu.memory_space<hbm>>
    %dma_wait3A_1429 = arith.constant 0 : i32
    %dma_wait3A_1430 = tpu.memref_slice %arg3[%select_n3A, %add3A_1290, %dma_wait3A_1429] : memref<16x2048x2048xf32, #tpu.memory_space<hbm>> -> memref<1x16x2048xf32, #tpu.memory_space<hbm>>
    %dma_wait3A_1431 = tpu.memref_squeeze %dma_wait3A_1430 : memref<1x16x2048xf32, #tpu.memory_space<hbm>> -> memref<16x2048xf32, #tpu.memory_space<hbm>>
    %dma_wait3A_1432 = arith.constant 0 : i32
    %dma_wait3A_1433 = arith.constant 1024 : i32
    %dma_wait3A_1434 = tpu.memref_slice %arg5[%dma_wait3A_1432, %dma_wait3A_1433] : memref<16x3968xf32, #tpu.memory_space<vmem>> -> memref<16x2048xf32, #tpu.memory_space<vmem>>
    tpu.wait_dma2 semaphore(%arg8 : memref<!tpu.dma_semaphore, #tpu.memory_space<semaphore_mem>>) src(%dma_wait3A_1434 : memref<16x2048xf32, #tpu.memory_space<vmem>>) dst(%dma_wait3A_1431 : memref<16x2048xf32, #tpu.memory_space<hbm>>)
    %dma_wait3A_1435 = arith.constant 0 : i32
    %dma_wait3A_1436 = arith.constant 896 : i32
    %dma_wait3A_1437 = tpu.memref_slice %arg5[%dma_wait3A_1435, %dma_wait3A_1436] : memref<16x3968xf32, #tpu.memory_space<vmem>> -> memref<16x2048xf32, #tpu.memory_space<vmem>>
    %dma_wait3A_1438 = arith.constant 0 : i32
    %dma_wait3A_1439 = tpu.memref_slice %arg3[%select_n3A, %add3A_1296, %dma_wait3A_1438] : memref<16x2048x2048xf32, #tpu.memory_space<hbm>> -> memref<1x16x2048xf32, #tpu.memory_space<hbm>>
    %dma_wait3A_1440 = tpu.memref_squeeze %dma_wait3A_1439 : memref<1x16x2048xf32, #tpu.memory_space<hbm>> -> memref<16x2048xf32, #tpu.memory_space<hbm>>
    %dma_wait3A_1441 = arith.constant 0 : i32
    %dma_wait3A_1442 = tpu.memref_slice %arg3[%select_n3A, %add3A_1296, %dma_wait3A_1441] : memref<16x2048x2048xf32, #tpu.memory_space<hbm>> -> memref<1x16x2048xf32, #tpu.memory_space<hbm>>
    %dma_wait3A_1443 = tpu.memref_squeeze %dma_wait3A_1442 : memref<1x16x2048xf32, #tpu.memory_space<hbm>> -> memref<16x2048xf32, #tpu.memory_space<hbm>>
    %dma_wait3A_1444 = arith.constant 0 : i32
    %dma_wait3A_1445 = arith.constant 896 : i32
    %dma_wait3A_1446 = tpu.memref_slice %arg5[%dma_wait3A_1444, %dma_wait3A_1445] : memref<16x3968xf32, #tpu.memory_space<vmem>> -> memref<16x2048xf32, #tpu.memory_space<vmem>>
    tpu.wait_dma2 semaphore(%arg8 : memref<!tpu.dma_semaphore, #tpu.memory_space<semaphore_mem>>) src(%dma_wait3A_1446 : memref<16x2048xf32, #tpu.memory_space<vmem>>) dst(%dma_wait3A_1443 : memref<16x2048xf32, #tpu.memory_space<hbm>>)
    %dma_wait3A_1447 = arith.constant 0 : i32
    %dma_wait3A_1448 = arith.constant 768 : i32
    %dma_wait3A_1449 = tpu.memref_slice %arg5[%dma_wait3A_1447, %dma_wait3A_1448] : memref<16x3968xf32, #tpu.memory_space<vmem>> -> memref<16x2048xf32, #tpu.memory_space<vmem>>
    %dma_wait3A_1450 = arith.constant 0 : i32
    %dma_wait3A_1451 = tpu.memref_slice %arg3[%select_n3A, %add3A_1302, %dma_wait3A_1450] : memref<16x2048x2048xf32, #tpu.memory_space<hbm>> -> memref<1x16x2048xf32, #tpu.memory_space<hbm>>
    %dma_wait3A_1452 = tpu.memref_squeeze %dma_wait3A_1451 : memref<1x16x2048xf32, #tpu.memory_space<hbm>> -> memref<16x2048xf32, #tpu.memory_space<hbm>>
    %dma_wait3A_1453 = arith.constant 0 : i32
    %dma_wait3A_1454 = tpu.memref_slice %arg3[%select_n3A, %add3A_1302, %dma_wait3A_1453] : memref<16x2048x2048xf32, #tpu.memory_space<hbm>> -> memref<1x16x2048xf32, #tpu.memory_space<hbm>>
    %dma_wait3A_1455 = tpu.memref_squeeze %dma_wait3A_1454 : memref<1x16x2048xf32, #tpu.memory_space<hbm>> -> memref<16x2048xf32, #tpu.memory_space<hbm>>
    %dma_wait3A_1456 = arith.constant 0 : i32
    %dma_wait3A_1457 = arith.constant 768 : i32
    %dma_wait3A_1458 = tpu.memref_slice %arg5[%dma_wait3A_1456, %dma_wait3A_1457] : memref<16x3968xf32, #tpu.memory_space<vmem>> -> memref<16x2048xf32, #tpu.memory_space<vmem>>
    tpu.wait_dma2 semaphore(%arg8 : memref<!tpu.dma_semaphore, #tpu.memory_space<semaphore_mem>>) src(%dma_wait3A_1458 : memref<16x2048xf32, #tpu.memory_space<vmem>>) dst(%dma_wait3A_1455 : memref<16x2048xf32, #tpu.memory_space<hbm>>)
    %dma_wait3A_1459 = arith.constant 0 : i32
    %dma_wait3A_1460 = arith.constant 640 : i32
    %dma_wait3A_1461 = tpu.memref_slice %arg5[%dma_wait3A_1459, %dma_wait3A_1460] : memref<16x3968xf32, #tpu.memory_space<vmem>> -> memref<16x2048xf32, #tpu.memory_space<vmem>>
    %dma_wait3A_1462 = arith.constant 0 : i32
    %dma_wait3A_1463 = tpu.memref_slice %arg3[%select_n3A, %add3A_1308, %dma_wait3A_1462] : memref<16x2048x2048xf32, #tpu.memory_space<hbm>> -> memref<1x16x2048xf32, #tpu.memory_space<hbm>>
    %dma_wait3A_1464 = tpu.memref_squeeze %dma_wait3A_1463 : memref<1x16x2048xf32, #tpu.memory_space<hbm>> -> memref<16x2048xf32, #tpu.memory_space<hbm>>
    %dma_wait3A_1465 = arith.constant 0 : i32
    %dma_wait3A_1466 = tpu.memref_slice %arg3[%select_n3A, %add3A_1308, %dma_wait3A_1465] : memref<16x2048x2048xf32, #tpu.memory_space<hbm>> -> memref<1x16x2048xf32, #tpu.memory_space<hbm>>
    %dma_wait3A_1467 = tpu.memref_squeeze %dma_wait3A_1466 : memref<1x16x2048xf32, #tpu.memory_space<hbm>> -> memref<16x2048xf32, #tpu.memory_space<hbm>>
    %dma_wait3A_1468 = arith.constant 0 : i32
    %dma_wait3A_1469 = arith.constant 640 : i32
    %dma_wait3A_1470 = tpu.memref_slice %arg5[%dma_wait3A_1468, %dma_wait3A_1469] : memref<16x3968xf32, #tpu.memory_space<vmem>> -> memref<16x2048xf32, #tpu.memory_space<vmem>>
    tpu.wait_dma2 semaphore(%arg8 : memref<!tpu.dma_semaphore, #tpu.memory_space<semaphore_mem>>) src(%dma_wait3A_1470 : memref<16x2048xf32, #tpu.memory_space<vmem>>) dst(%dma_wait3A_1467 : memref<16x2048xf32, #tpu.memory_space<hbm>>)
    %dma_wait3A_1471 = arith.constant 0 : i32
    %dma_wait3A_1472 = arith.constant 512 : i32
    %dma_wait3A_1473 = tpu.memref_slice %arg5[%dma_wait3A_1471, %dma_wait3A_1472] : memref<16x3968xf32, #tpu.memory_space<vmem>> -> memref<16x2048xf32, #tpu.memory_space<vmem>>
    %dma_wait3A_1474 = arith.constant 0 : i32
    %dma_wait3A_1475 = tpu.memref_slice %arg3[%select_n3A, %add3A_1314, %dma_wait3A_1474] : memref<16x2048x2048xf32, #tpu.memory_space<hbm>> -> memref<1x16x2048xf32, #tpu.memory_space<hbm>>
    %dma_wait3A_1476 = tpu.memref_squeeze %dma_wait3A_1475 : memref<1x16x2048xf32, #tpu.memory_space<hbm>> -> memref<16x2048xf32, #tpu.memory_space<hbm>>
    %dma_wait3A_1477 = arith.constant 0 : i32
    %dma_wait3A_1478 = tpu.memref_slice %arg3[%select_n3A, %add3A_1314, %dma_wait3A_1477] : memref<16x2048x2048xf32, #tpu.memory_space<hbm>> -> memref<1x16x2048xf32, #tpu.memory_space<hbm>>
    %dma_wait3A_1479 = tpu.memref_squeeze %dma_wait3A_1478 : memref<1x16x2048xf32, #tpu.memory_space<hbm>> -> memref<16x2048xf32, #tpu.memory_space<hbm>>
    %dma_wait3A_1480 = arith.constant 0 : i32
    %dma_wait3A_1481 = arith.constant 512 : i32
    %dma_wait3A_1482 = tpu.memref_slice %arg5[%dma_wait3A_1480, %dma_wait3A_1481] : memref<16x3968xf32, #tpu.memory_space<vmem>> -> memref<16x2048xf32, #tpu.memory_space<vmem>>
    tpu.wait_dma2 semaphore(%arg8 : memref<!tpu.dma_semaphore, #tpu.memory_space<semaphore_mem>>) src(%dma_wait3A_1482 : memref<16x2048xf32, #tpu.memory_space<vmem>>) dst(%dma_wait3A_1479 : memref<16x2048xf32, #tpu.memory_space<hbm>>)
    %dma_wait3A_1483 = arith.constant 0 : i32
    %dma_wait3A_1484 = arith.constant 384 : i32
    %dma_wait3A_1485 = tpu.memref_slice %arg5[%dma_wait3A_1483, %dma_wait3A_1484] : memref<16x3968xf32, #tpu.memory_space<vmem>> -> memref<16x2048xf32, #tpu.memory_space<vmem>>
    %dma_wait3A_1486 = arith.constant 0 : i32
    %dma_wait3A_1487 = tpu.memref_slice %arg3[%select_n3A, %add3A_1320, %dma_wait3A_1486] : memref<16x2048x2048xf32, #tpu.memory_space<hbm>> -> memref<1x16x2048xf32, #tpu.memory_space<hbm>>
    %dma_wait3A_1488 = tpu.memref_squeeze %dma_wait3A_1487 : memref<1x16x2048xf32, #tpu.memory_space<hbm>> -> memref<16x2048xf32, #tpu.memory_space<hbm>>
    %dma_wait3A_1489 = arith.constant 0 : i32
    %dma_wait3A_1490 = tpu.memref_slice %arg3[%select_n3A, %add3A_1320, %dma_wait3A_1489] : memref<16x2048x2048xf32, #tpu.memory_space<hbm>> -> memref<1x16x2048xf32, #tpu.memory_space<hbm>>
    %dma_wait3A_1491 = tpu.memref_squeeze %dma_wait3A_1490 : memref<1x16x2048xf32, #tpu.memory_space<hbm>> -> memref<16x2048xf32, #tpu.memory_space<hbm>>
    %dma_wait3A_1492 = arith.constant 0 : i32
    %dma_wait3A_1493 = arith.constant 384 : i32
    %dma_wait3A_1494 = tpu.memref_slice %arg5[%dma_wait3A_1492, %dma_wait3A_1493] : memref<16x3968xf32, #tpu.memory_space<vmem>> -> memref<16x2048xf32, #tpu.memory_space<vmem>>
    tpu.wait_dma2 semaphore(%arg8 : memref<!tpu.dma_semaphore, #tpu.memory_space<semaphore_mem>>) src(%dma_wait3A_1494 : memref<16x2048xf32, #tpu.memory_space<vmem>>) dst(%dma_wait3A_1491 : memref<16x2048xf32, #tpu.memory_space<hbm>>)
    %dma_wait3A_1495 = arith.constant 0 : i32
    %dma_wait3A_1496 = arith.constant 256 : i32
    %dma_wait3A_1497 = tpu.memref_slice %arg5[%dma_wait3A_1495, %dma_wait3A_1496] : memref<16x3968xf32, #tpu.memory_space<vmem>> -> memref<16x2048xf32, #tpu.memory_space<vmem>>
    %dma_wait3A_1498 = arith.constant 0 : i32
    %dma_wait3A_1499 = tpu.memref_slice %arg3[%select_n3A, %add3A_1326, %dma_wait3A_1498] : memref<16x2048x2048xf32, #tpu.memory_space<hbm>> -> memref<1x16x2048xf32, #tpu.memory_space<hbm>>
    %dma_wait3A_1500 = tpu.memref_squeeze %dma_wait3A_1499 : memref<1x16x2048xf32, #tpu.memory_space<hbm>> -> memref<16x2048xf32, #tpu.memory_space<hbm>>
    %dma_wait3A_1501 = arith.constant 0 : i32
    %dma_wait3A_1502 = tpu.memref_slice %arg3[%select_n3A, %add3A_1326, %dma_wait3A_1501] : memref<16x2048x2048xf32, #tpu.memory_space<hbm>> -> memref<1x16x2048xf32, #tpu.memory_space<hbm>>
    %dma_wait3A_1503 = tpu.memref_squeeze %dma_wait3A_1502 : memref<1x16x2048xf32, #tpu.memory_space<hbm>> -> memref<16x2048xf32, #tpu.memory_space<hbm>>
    %dma_wait3A_1504 = arith.constant 0 : i32
    %dma_wait3A_1505 = arith.constant 256 : i32
    %dma_wait3A_1506 = tpu.memref_slice %arg5[%dma_wait3A_1504, %dma_wait3A_1505] : memref<16x3968xf32, #tpu.memory_space<vmem>> -> memref<16x2048xf32, #tpu.memory_space<vmem>>
    tpu.wait_dma2 semaphore(%arg8 : memref<!tpu.dma_semaphore, #tpu.memory_space<semaphore_mem>>) src(%dma_wait3A_1506 : memref<16x2048xf32, #tpu.memory_space<vmem>>) dst(%dma_wait3A_1503 : memref<16x2048xf32, #tpu.memory_space<hbm>>)
    %dma_wait3A_1507 = arith.constant 0 : i32
    %dma_wait3A_1508 = arith.constant 128 : i32
    %dma_wait3A_1509 = tpu.memref_slice %arg5[%dma_wait3A_1507, %dma_wait3A_1508] : memref<16x3968xf32, #tpu.memory_space<vmem>> -> memref<16x2048xf32, #tpu.memory_space<vmem>>
    %dma_wait3A_1510 = arith.constant 0 : i32
    %dma_wait3A_1511 = tpu.memref_slice %arg3[%select_n3A, %add3A_1332, %dma_wait3A_1510] : memref<16x2048x2048xf32, #tpu.memory_space<hbm>> -> memref<1x16x2048xf32, #tpu.memory_space<hbm>>
    %dma_wait3A_1512 = tpu.memref_squeeze %dma_wait3A_1511 : memref<1x16x2048xf32, #tpu.memory_space<hbm>> -> memref<16x2048xf32, #tpu.memory_space<hbm>>
    %dma_wait3A_1513 = arith.constant 0 : i32
    %dma_wait3A_1514 = tpu.memref_slice %arg3[%select_n3A, %add3A_1332, %dma_wait3A_1513] : memref<16x2048x2048xf32, #tpu.memory_space<hbm>> -> memref<1x16x2048xf32, #tpu.memory_space<hbm>>
    %dma_wait3A_1515 = tpu.memref_squeeze %dma_wait3A_1514 : memref<1x16x2048xf32, #tpu.memory_space<hbm>> -> memref<16x2048xf32, #tpu.memory_space<hbm>>
    %dma_wait3A_1516 = arith.constant 0 : i32
    %dma_wait3A_1517 = arith.constant 128 : i32
    %dma_wait3A_1518 = tpu.memref_slice %arg5[%dma_wait3A_1516, %dma_wait3A_1517] : memref<16x3968xf32, #tpu.memory_space<vmem>> -> memref<16x2048xf32, #tpu.memory_space<vmem>>
    tpu.wait_dma2 semaphore(%arg8 : memref<!tpu.dma_semaphore, #tpu.memory_space<semaphore_mem>>) src(%dma_wait3A_1518 : memref<16x2048xf32, #tpu.memory_space<vmem>>) dst(%dma_wait3A_1515 : memref<16x2048xf32, #tpu.memory_space<hbm>>)
    %dma_wait3A_1519 = arith.constant 0 : i32
    %dma_wait3A_1520 = arith.constant 0 : i32
    %dma_wait3A_1521 = tpu.memref_slice %arg5[%dma_wait3A_1519, %dma_wait3A_1520] : memref<16x3968xf32, #tpu.memory_space<vmem>> -> memref<16x2048xf32, #tpu.memory_space<vmem>>
    %dma_wait3A_1522 = arith.constant 0 : i32
    %dma_wait3A_1523 = tpu.memref_slice %arg3[%select_n3A, %add3A_1338, %dma_wait3A_1522] : memref<16x2048x2048xf32, #tpu.memory_space<hbm>> -> memref<1x16x2048xf32, #tpu.memory_space<hbm>>
    %dma_wait3A_1524 = tpu.memref_squeeze %dma_wait3A_1523 : memref<1x16x2048xf32, #tpu.memory_space<hbm>> -> memref<16x2048xf32, #tpu.memory_space<hbm>>
    %dma_wait3A_1525 = arith.constant 0 : i32
    %dma_wait3A_1526 = tpu.memref_slice %arg3[%select_n3A, %add3A_1338, %dma_wait3A_1525] : memref<16x2048x2048xf32, #tpu.memory_space<hbm>> -> memref<1x16x2048xf32, #tpu.memory_space<hbm>>
    %dma_wait3A_1527 = tpu.memref_squeeze %dma_wait3A_1526 : memref<1x16x2048xf32, #tpu.memory_space<hbm>> -> memref<16x2048xf32, #tpu.memory_space<hbm>>
    %dma_wait3A_1528 = arith.constant 0 : i32
    %dma_wait3A_1529 = arith.constant 0 : i32
    %dma_wait3A_1530 = tpu.memref_slice %arg5[%dma_wait3A_1528, %dma_wait3A_1529] : memref<16x3968xf32, #tpu.memory_space<vmem>> -> memref<16x2048xf32, #tpu.memory_space<vmem>>
    tpu.wait_dma2 semaphore(%arg8 : memref<!tpu.dma_semaphore, #tpu.memory_space<semaphore_mem>>) src(%dma_wait3A_1530 : memref<16x2048xf32, #tpu.memory_space<vmem>>) dst(%dma_wait3A_1527 : memref<16x2048xf32, #tpu.memory_space<hbm>>)
    %add3A_1531 = arith.constant 3 : i32
    %add3A_1532 = arith.addi %mul3A_32, %add3A_1531 : i32
    %mul3A_1533 = arith.constant 16 : i32
    %mul3A_1534 = arith.muli %mul3A_1533, %add3A_1532 : i32
    %dma_start3A_1535 = arith.constant 0 : i32
    %dma_start3A_1536 = tpu.memref_slice %arg2[%select_n3A, %mul3A_1534, %dma_start3A_1535] : memref<16x128x3968xf32, #tpu.memory_space<hbm>> -> memref<1x16x3968xf32, #tpu.memory_space<hbm>>
    %dma_start3A_1537 = tpu.memref_squeeze %dma_start3A_1536 : memref<1x16x3968xf32, #tpu.memory_space<hbm>> -> memref<16x3968xf32, #tpu.memory_space<hbm>>
    %dma_start3A_1538 = arith.constant 0 : i32
    %dma_start3A_1539 = tpu.memref_slice %arg2[%select_n3A, %mul3A_1534, %dma_start3A_1538] : memref<16x128x3968xf32, #tpu.memory_space<hbm>> -> memref<1x16x3968xf32, #tpu.memory_space<hbm>>
    %dma_start3A_1540 = tpu.memref_squeeze %dma_start3A_1539 : memref<1x16x3968xf32, #tpu.memory_space<hbm>> -> memref<16x3968xf32, #tpu.memory_space<hbm>>
    tpu.enqueue_dma source(%dma_start3A_1540 : memref<16x3968xf32, #tpu.memory_space<hbm>>) target(%arg5 : memref<16x3968xf32, #tpu.memory_space<vmem>>) target_semaphore(%arg6 : memref<!tpu.dma_semaphore, #tpu.memory_space<semaphore_mem>>)
    %add3A_1541 = arith.constant 3 : i32
    %add3A_1542 = arith.addi %mul3A_32, %add3A_1541 : i32
    %mul3A_1543 = arith.constant 16 : i32
    %mul3A_1544 = arith.muli %mul3A_1543, %add3A_1542 : i32
    %dma_wait3A_1545 = arith.constant 0 : i32
    %dma_wait3A_1546 = tpu.memref_slice %arg2[%select_n3A, %mul3A_1544, %dma_wait3A_1545] : memref<16x128x3968xf32, #tpu.memory_space<hbm>> -> memref<1x16x3968xf32, #tpu.memory_space<hbm>>
    %dma_wait3A_1547 = tpu.memref_squeeze %dma_wait3A_1546 : memref<1x16x3968xf32, #tpu.memory_space<hbm>> -> memref<16x3968xf32, #tpu.memory_space<hbm>>
    %dma_wait3A_1548 = arith.constant 0 : i32
    %dma_wait3A_1549 = tpu.memref_slice %arg2[%select_n3A, %mul3A_1544, %dma_wait3A_1548] : memref<16x128x3968xf32, #tpu.memory_space<hbm>> -> memref<1x16x3968xf32, #tpu.memory_space<hbm>>
    %dma_wait3A_1550 = tpu.memref_squeeze %dma_wait3A_1549 : memref<1x16x3968xf32, #tpu.memory_space<hbm>> -> memref<16x3968xf32, #tpu.memory_space<hbm>>
    tpu.wait_dma2 semaphore(%arg6 : memref<!tpu.dma_semaphore, #tpu.memory_space<semaphore_mem>>) src(%dma_wait3A_1550 : memref<16x3968xf32, #tpu.memory_space<hbm>>) dst(%arg5 : memref<16x3968xf32, #tpu.memory_space<vmem>>)
    %add3A_1551 = arith.constant 3 : i32
    %add3A_1552 = arith.addi %mul3A_32, %add3A_1551 : i32
    %mul3A_1553 = arith.constant 16 : i32
    %mul3A_1554 = arith.muli %mul3A_1553, %add3A_1552 : i32
    %add3A_1555 = arith.constant 0 : i32
    %add3A_1556 = arith.addi %add3A_1555, %mul3A_1554 : i32
    %add3A_1557 = arith.constant 3 : i32
    %add3A_1558 = arith.addi %mul3A_32, %add3A_1557 : i32
    %mul3A_1559 = arith.constant 16 : i32
    %mul3A_1560 = arith.muli %mul3A_1559, %add3A_1558 : i32
    %add3A_1561 = arith.constant 128 : i32
    %add3A_1562 = arith.addi %add3A_1561, %mul3A_1560 : i32
    %add3A_1563 = arith.constant 3 : i32
    %add3A_1564 = arith.addi %mul3A_32, %add3A_1563 : i32
    %mul3A_1565 = arith.constant 16 : i32
    %mul3A_1566 = arith.muli %mul3A_1565, %add3A_1564 : i32
    %add3A_1567 = arith.constant 256 : i32
    %add3A_1568 = arith.addi %add3A_1567, %mul3A_1566 : i32
    %add3A_1569 = arith.constant 3 : i32
    %add3A_1570 = arith.addi %mul3A_32, %add3A_1569 : i32
    %mul3A_1571 = arith.constant 16 : i32
    %mul3A_1572 = arith.muli %mul3A_1571, %add3A_1570 : i32
    %add3A_1573 = arith.constant 384 : i32
    %add3A_1574 = arith.addi %add3A_1573, %mul3A_1572 : i32
    %add3A_1575 = arith.constant 3 : i32
    %add3A_1576 = arith.addi %mul3A_32, %add3A_1575 : i32
    %mul3A_1577 = arith.constant 16 : i32
    %mul3A_1578 = arith.muli %mul3A_1577, %add3A_1576 : i32
    %add3A_1579 = arith.constant 512 : i32
    %add3A_1580 = arith.addi %add3A_1579, %mul3A_1578 : i32
    %add3A_1581 = arith.constant 3 : i32
    %add3A_1582 = arith.addi %mul3A_32, %add3A_1581 : i32
    %mul3A_1583 = arith.constant 16 : i32
    %mul3A_1584 = arith.muli %mul3A_1583, %add3A_1582 : i32
    %add3A_1585 = arith.constant 640 : i32
    %add3A_1586 = arith.addi %add3A_1585, %mul3A_1584 : i32
    %add3A_1587 = arith.constant 3 : i32
    %add3A_1588 = arith.addi %mul3A_32, %add3A_1587 : i32
    %mul3A_1589 = arith.constant 16 : i32
    %mul3A_1590 = arith.muli %mul3A_1589, %add3A_1588 : i32
    %add3A_1591 = arith.constant 768 : i32
    %add3A_1592 = arith.addi %add3A_1591, %mul3A_1590 : i32
    %add3A_1593 = arith.constant 3 : i32
    %add3A_1594 = arith.addi %mul3A_32, %add3A_1593 : i32
    %mul3A_1595 = arith.constant 16 : i32
    %mul3A_1596 = arith.muli %mul3A_1595, %add3A_1594 : i32
    %add3A_1597 = arith.constant 896 : i32
    %add3A_1598 = arith.addi %add3A_1597, %mul3A_1596 : i32
    %add3A_1599 = arith.constant 3 : i32
    %add3A_1600 = arith.addi %mul3A_32, %add3A_1599 : i32
    %mul3A_1601 = arith.constant 16 : i32
    %mul3A_1602 = arith.muli %mul3A_1601, %add3A_1600 : i32
    %add3A_1603 = arith.constant 1024 : i32
    %add3A_1604 = arith.addi %add3A_1603, %mul3A_1602 : i32
    %add3A_1605 = arith.constant 3 : i32
    %add3A_1606 = arith.addi %mul3A_32, %add3A_1605 : i32
    %mul3A_1607 = arith.constant 16 : i32
    %mul3A_1608 = arith.muli %mul3A_1607, %add3A_1606 : i32
    %add3A_1609 = arith.constant 1152 : i32
    %add3A_1610 = arith.addi %add3A_1609, %mul3A_1608 : i32
    %add3A_1611 = arith.constant 3 : i32
    %add3A_1612 = arith.addi %mul3A_32, %add3A_1611 : i32
    %mul3A_1613 = arith.constant 16 : i32
    %mul3A_1614 = arith.muli %mul3A_1613, %add3A_1612 : i32
    %add3A_1615 = arith.constant 1280 : i32
    %add3A_1616 = arith.addi %add3A_1615, %mul3A_1614 : i32
    %add3A_1617 = arith.constant 3 : i32
    %add3A_1618 = arith.addi %mul3A_32, %add3A_1617 : i32
    %mul3A_1619 = arith.constant 16 : i32
    %mul3A_1620 = arith.muli %mul3A_1619, %add3A_1618 : i32
    %add3A_1621 = arith.constant 1408 : i32
    %add3A_1622 = arith.addi %add3A_1621, %mul3A_1620 : i32
    %add3A_1623 = arith.constant 3 : i32
    %add3A_1624 = arith.addi %mul3A_32, %add3A_1623 : i32
    %mul3A_1625 = arith.constant 16 : i32
    %mul3A_1626 = arith.muli %mul3A_1625, %add3A_1624 : i32
    %add3A_1627 = arith.constant 1536 : i32
    %add3A_1628 = arith.addi %add3A_1627, %mul3A_1626 : i32
    %add3A_1629 = arith.constant 3 : i32
    %add3A_1630 = arith.addi %mul3A_32, %add3A_1629 : i32
    %mul3A_1631 = arith.constant 16 : i32
    %mul3A_1632 = arith.muli %mul3A_1631, %add3A_1630 : i32
    %add3A_1633 = arith.constant 1664 : i32
    %add3A_1634 = arith.addi %add3A_1633, %mul3A_1632 : i32
    %add3A_1635 = arith.constant 3 : i32
    %add3A_1636 = arith.addi %mul3A_32, %add3A_1635 : i32
    %mul3A_1637 = arith.constant 16 : i32
    %mul3A_1638 = arith.muli %mul3A_1637, %add3A_1636 : i32
    %add3A_1639 = arith.constant 1792 : i32
    %add3A_1640 = arith.addi %add3A_1639, %mul3A_1638 : i32
    %add3A_1641 = arith.constant 3 : i32
    %add3A_1642 = arith.addi %mul3A_32, %add3A_1641 : i32
    %mul3A_1643 = arith.constant 16 : i32
    %mul3A_1644 = arith.muli %mul3A_1643, %add3A_1642 : i32
    %add3A_1645 = arith.constant 1920 : i32
    %add3A_1646 = arith.addi %add3A_1645, %mul3A_1644 : i32
    %dma_start3A_1647 = arith.constant 0 : i32
    %dma_start3A_1648 = arith.constant 1920 : i32
    %dma_start3A_1649 = tpu.memref_slice %arg5[%dma_start3A_1647, %dma_start3A_1648] : memref<16x3968xf32, #tpu.memory_space<vmem>> -> memref<16x2048xf32, #tpu.memory_space<vmem>>
    %dma_start3A_1650 = arith.constant 0 : i32
    %dma_start3A_1651 = tpu.memref_slice %arg3[%select_n3A, %add3A_1556, %dma_start3A_1650] : memref<16x2048x2048xf32, #tpu.memory_space<hbm>> -> memref<1x16x2048xf32, #tpu.memory_space<hbm>>
    %dma_start3A_1652 = tpu.memref_squeeze %dma_start3A_1651 : memref<1x16x2048xf32, #tpu.memory_space<hbm>> -> memref<16x2048xf32, #tpu.memory_space<hbm>>
    %dma_start3A_1653 = arith.constant 0 : i32
    %dma_start3A_1654 = tpu.memref_slice %arg3[%select_n3A, %add3A_1556, %dma_start3A_1653] : memref<16x2048x2048xf32, #tpu.memory_space<hbm>> -> memref<1x16x2048xf32, #tpu.memory_space<hbm>>
    %dma_start3A_1655 = tpu.memref_squeeze %dma_start3A_1654 : memref<1x16x2048xf32, #tpu.memory_space<hbm>> -> memref<16x2048xf32, #tpu.memory_space<hbm>>
    %dma_start3A_1656 = arith.constant 0 : i32
    %dma_start3A_1657 = arith.constant 1920 : i32
    %dma_start3A_1658 = tpu.memref_slice %arg5[%dma_start3A_1656, %dma_start3A_1657] : memref<16x3968xf32, #tpu.memory_space<vmem>> -> memref<16x2048xf32, #tpu.memory_space<vmem>>
    tpu.enqueue_dma source(%dma_start3A_1658 : memref<16x2048xf32, #tpu.memory_space<vmem>>) target(%dma_start3A_1655 : memref<16x2048xf32, #tpu.memory_space<hbm>>) target_semaphore(%arg8 : memref<!tpu.dma_semaphore, #tpu.memory_space<semaphore_mem>>)
    %dma_start3A_1659 = arith.constant 0 : i32
    %dma_start3A_1660 = arith.constant 1792 : i32
    %dma_start3A_1661 = tpu.memref_slice %arg5[%dma_start3A_1659, %dma_start3A_1660] : memref<16x3968xf32, #tpu.memory_space<vmem>> -> memref<16x2048xf32, #tpu.memory_space<vmem>>
    %dma_start3A_1662 = arith.constant 0 : i32
    %dma_start3A_1663 = tpu.memref_slice %arg3[%select_n3A, %add3A_1562, %dma_start3A_1662] : memref<16x2048x2048xf32, #tpu.memory_space<hbm>> -> memref<1x16x2048xf32, #tpu.memory_space<hbm>>
    %dma_start3A_1664 = tpu.memref_squeeze %dma_start3A_1663 : memref<1x16x2048xf32, #tpu.memory_space<hbm>> -> memref<16x2048xf32, #tpu.memory_space<hbm>>
    %dma_start3A_1665 = arith.constant 0 : i32
    %dma_start3A_1666 = tpu.memref_slice %arg3[%select_n3A, %add3A_1562, %dma_start3A_1665] : memref<16x2048x2048xf32, #tpu.memory_space<hbm>> -> memref<1x16x2048xf32, #tpu.memory_space<hbm>>
    %dma_start3A_1667 = tpu.memref_squeeze %dma_start3A_1666 : memref<1x16x2048xf32, #tpu.memory_space<hbm>> -> memref<16x2048xf32, #tpu.memory_space<hbm>>
    %dma_start3A_1668 = arith.constant 0 : i32
    %dma_start3A_1669 = arith.constant 1792 : i32
    %dma_start3A_1670 = tpu.memref_slice %arg5[%dma_start3A_1668, %dma_start3A_1669] : memref<16x3968xf32, #tpu.memory_space<vmem>> -> memref<16x2048xf32, #tpu.memory_space<vmem>>
    tpu.enqueue_dma source(%dma_start3A_1670 : memref<16x2048xf32, #tpu.memory_space<vmem>>) target(%dma_start3A_1667 : memref<16x2048xf32, #tpu.memory_space<hbm>>) target_semaphore(%arg8 : memref<!tpu.dma_semaphore, #tpu.memory_space<semaphore_mem>>)
    %dma_start3A_1671 = arith.constant 0 : i32
    %dma_start3A_1672 = arith.constant 1664 : i32
    %dma_start3A_1673 = tpu.memref_slice %arg5[%dma_start3A_1671, %dma_start3A_1672] : memref<16x3968xf32, #tpu.memory_space<vmem>> -> memref<16x2048xf32, #tpu.memory_space<vmem>>
    %dma_start3A_1674 = arith.constant 0 : i32
    %dma_start3A_1675 = tpu.memref_slice %arg3[%select_n3A, %add3A_1568, %dma_start3A_1674] : memref<16x2048x2048xf32, #tpu.memory_space<hbm>> -> memref<1x16x2048xf32, #tpu.memory_space<hbm>>
    %dma_start3A_1676 = tpu.memref_squeeze %dma_start3A_1675 : memref<1x16x2048xf32, #tpu.memory_space<hbm>> -> memref<16x2048xf32, #tpu.memory_space<hbm>>
    %dma_start3A_1677 = arith.constant 0 : i32
    %dma_start3A_1678 = tpu.memref_slice %arg3[%select_n3A, %add3A_1568, %dma_start3A_1677] : memref<16x2048x2048xf32, #tpu.memory_space<hbm>> -> memref<1x16x2048xf32, #tpu.memory_space<hbm>>
    %dma_start3A_1679 = tpu.memref_squeeze %dma_start3A_1678 : memref<1x16x2048xf32, #tpu.memory_space<hbm>> -> memref<16x2048xf32, #tpu.memory_space<hbm>>
    %dma_start3A_1680 = arith.constant 0 : i32
    %dma_start3A_1681 = arith.constant 1664 : i32
    %dma_start3A_1682 = tpu.memref_slice %arg5[%dma_start3A_1680, %dma_start3A_1681] : memref<16x3968xf32, #tpu.memory_space<vmem>> -> memref<16x2048xf32, #tpu.memory_space<vmem>>
    tpu.enqueue_dma source(%dma_start3A_1682 : memref<16x2048xf32, #tpu.memory_space<vmem>>) target(%dma_start3A_1679 : memref<16x2048xf32, #tpu.memory_space<hbm>>) target_semaphore(%arg8 : memref<!tpu.dma_semaphore, #tpu.memory_space<semaphore_mem>>)
    %dma_start3A_1683 = arith.constant 0 : i32
    %dma_start3A_1684 = arith.constant 1536 : i32
    %dma_start3A_1685 = tpu.memref_slice %arg5[%dma_start3A_1683, %dma_start3A_1684] : memref<16x3968xf32, #tpu.memory_space<vmem>> -> memref<16x2048xf32, #tpu.memory_space<vmem>>
    %dma_start3A_1686 = arith.constant 0 : i32
    %dma_start3A_1687 = tpu.memref_slice %arg3[%select_n3A, %add3A_1574, %dma_start3A_1686] : memref<16x2048x2048xf32, #tpu.memory_space<hbm>> -> memref<1x16x2048xf32, #tpu.memory_space<hbm>>
    %dma_start3A_1688 = tpu.memref_squeeze %dma_start3A_1687 : memref<1x16x2048xf32, #tpu.memory_space<hbm>> -> memref<16x2048xf32, #tpu.memory_space<hbm>>
    %dma_start3A_1689 = arith.constant 0 : i32
    %dma_start3A_1690 = tpu.memref_slice %arg3[%select_n3A, %add3A_1574, %dma_start3A_1689] : memref<16x2048x2048xf32, #tpu.memory_space<hbm>> -> memref<1x16x2048xf32, #tpu.memory_space<hbm>>
    %dma_start3A_1691 = tpu.memref_squeeze %dma_start3A_1690 : memref<1x16x2048xf32, #tpu.memory_space<hbm>> -> memref<16x2048xf32, #tpu.memory_space<hbm>>
    %dma_start3A_1692 = arith.constant 0 : i32
    %dma_start3A_1693 = arith.constant 1536 : i32
    %dma_start3A_1694 = tpu.memref_slice %arg5[%dma_start3A_1692, %dma_start3A_1693] : memref<16x3968xf32, #tpu.memory_space<vmem>> -> memref<16x2048xf32, #tpu.memory_space<vmem>>
    tpu.enqueue_dma source(%dma_start3A_1694 : memref<16x2048xf32, #tpu.memory_space<vmem>>) target(%dma_start3A_1691 : memref<16x2048xf32, #tpu.memory_space<hbm>>) target_semaphore(%arg8 : memref<!tpu.dma_semaphore, #tpu.memory_space<semaphore_mem>>)
    %dma_start3A_1695 = arith.constant 0 : i32
    %dma_start3A_1696 = arith.constant 1408 : i32
    %dma_start3A_1697 = tpu.memref_slice %arg5[%dma_start3A_1695, %dma_start3A_1696] : memref<16x3968xf32, #tpu.memory_space<vmem>> -> memref<16x2048xf32, #tpu.memory_space<vmem>>
    %dma_start3A_1698 = arith.constant 0 : i32
    %dma_start3A_1699 = tpu.memref_slice %arg3[%select_n3A, %add3A_1580, %dma_start3A_1698] : memref<16x2048x2048xf32, #tpu.memory_space<hbm>> -> memref<1x16x2048xf32, #tpu.memory_space<hbm>>
    %dma_start3A_1700 = tpu.memref_squeeze %dma_start3A_1699 : memref<1x16x2048xf32, #tpu.memory_space<hbm>> -> memref<16x2048xf32, #tpu.memory_space<hbm>>
    %dma_start3A_1701 = arith.constant 0 : i32
    %dma_start3A_1702 = tpu.memref_slice %arg3[%select_n3A, %add3A_1580, %dma_start3A_1701] : memref<16x2048x2048xf32, #tpu.memory_space<hbm>> -> memref<1x16x2048xf32, #tpu.memory_space<hbm>>
    %dma_start3A_1703 = tpu.memref_squeeze %dma_start3A_1702 : memref<1x16x2048xf32, #tpu.memory_space<hbm>> -> memref<16x2048xf32, #tpu.memory_space<hbm>>
    %dma_start3A_1704 = arith.constant 0 : i32
    %dma_start3A_1705 = arith.constant 1408 : i32
    %dma_start3A_1706 = tpu.memref_slice %arg5[%dma_start3A_1704, %dma_start3A_1705] : memref<16x3968xf32, #tpu.memory_space<vmem>> -> memref<16x2048xf32, #tpu.memory_space<vmem>>
    tpu.enqueue_dma source(%dma_start3A_1706 : memref<16x2048xf32, #tpu.memory_space<vmem>>) target(%dma_start3A_1703 : memref<16x2048xf32, #tpu.memory_space<hbm>>) target_semaphore(%arg8 : memref<!tpu.dma_semaphore, #tpu.memory_space<semaphore_mem>>)
    %dma_start3A_1707 = arith.constant 0 : i32
    %dma_start3A_1708 = arith.constant 1280 : i32
    %dma_start3A_1709 = tpu.memref_slice %arg5[%dma_start3A_1707, %dma_start3A_1708] : memref<16x3968xf32, #tpu.memory_space<vmem>> -> memref<16x2048xf32, #tpu.memory_space<vmem>>
    %dma_start3A_1710 = arith.constant 0 : i32
    %dma_start3A_1711 = tpu.memref_slice %arg3[%select_n3A, %add3A_1586, %dma_start3A_1710] : memref<16x2048x2048xf32, #tpu.memory_space<hbm>> -> memref<1x16x2048xf32, #tpu.memory_space<hbm>>
    %dma_start3A_1712 = tpu.memref_squeeze %dma_start3A_1711 : memref<1x16x2048xf32, #tpu.memory_space<hbm>> -> memref<16x2048xf32, #tpu.memory_space<hbm>>
    %dma_start3A_1713 = arith.constant 0 : i32
    %dma_start3A_1714 = tpu.memref_slice %arg3[%select_n3A, %add3A_1586, %dma_start3A_1713] : memref<16x2048x2048xf32, #tpu.memory_space<hbm>> -> memref<1x16x2048xf32, #tpu.memory_space<hbm>>
    %dma_start3A_1715 = tpu.memref_squeeze %dma_start3A_1714 : memref<1x16x2048xf32, #tpu.memory_space<hbm>> -> memref<16x2048xf32, #tpu.memory_space<hbm>>
    %dma_start3A_1716 = arith.constant 0 : i32
    %dma_start3A_1717 = arith.constant 1280 : i32
    %dma_start3A_1718 = tpu.memref_slice %arg5[%dma_start3A_1716, %dma_start3A_1717] : memref<16x3968xf32, #tpu.memory_space<vmem>> -> memref<16x2048xf32, #tpu.memory_space<vmem>>
    tpu.enqueue_dma source(%dma_start3A_1718 : memref<16x2048xf32, #tpu.memory_space<vmem>>) target(%dma_start3A_1715 : memref<16x2048xf32, #tpu.memory_space<hbm>>) target_semaphore(%arg8 : memref<!tpu.dma_semaphore, #tpu.memory_space<semaphore_mem>>)
    %dma_start3A_1719 = arith.constant 0 : i32
    %dma_start3A_1720 = arith.constant 1152 : i32
    %dma_start3A_1721 = tpu.memref_slice %arg5[%dma_start3A_1719, %dma_start3A_1720] : memref<16x3968xf32, #tpu.memory_space<vmem>> -> memref<16x2048xf32, #tpu.memory_space<vmem>>
    %dma_start3A_1722 = arith.constant 0 : i32
    %dma_start3A_1723 = tpu.memref_slice %arg3[%select_n3A, %add3A_1592, %dma_start3A_1722] : memref<16x2048x2048xf32, #tpu.memory_space<hbm>> -> memref<1x16x2048xf32, #tpu.memory_space<hbm>>
    %dma_start3A_1724 = tpu.memref_squeeze %dma_start3A_1723 : memref<1x16x2048xf32, #tpu.memory_space<hbm>> -> memref<16x2048xf32, #tpu.memory_space<hbm>>
    %dma_start3A_1725 = arith.constant 0 : i32
    %dma_start3A_1726 = tpu.memref_slice %arg3[%select_n3A, %add3A_1592, %dma_start3A_1725] : memref<16x2048x2048xf32, #tpu.memory_space<hbm>> -> memref<1x16x2048xf32, #tpu.memory_space<hbm>>
    %dma_start3A_1727 = tpu.memref_squeeze %dma_start3A_1726 : memref<1x16x2048xf32, #tpu.memory_space<hbm>> -> memref<16x2048xf32, #tpu.memory_space<hbm>>
    %dma_start3A_1728 = arith.constant 0 : i32
    %dma_start3A_1729 = arith.constant 1152 : i32
    %dma_start3A_1730 = tpu.memref_slice %arg5[%dma_start3A_1728, %dma_start3A_1729] : memref<16x3968xf32, #tpu.memory_space<vmem>> -> memref<16x2048xf32, #tpu.memory_space<vmem>>
    tpu.enqueue_dma source(%dma_start3A_1730 : memref<16x2048xf32, #tpu.memory_space<vmem>>) target(%dma_start3A_1727 : memref<16x2048xf32, #tpu.memory_space<hbm>>) target_semaphore(%arg8 : memref<!tpu.dma_semaphore, #tpu.memory_space<semaphore_mem>>)
    %dma_start3A_1731 = arith.constant 0 : i32
    %dma_start3A_1732 = arith.constant 1024 : i32
    %dma_start3A_1733 = tpu.memref_slice %arg5[%dma_start3A_1731, %dma_start3A_1732] : memref<16x3968xf32, #tpu.memory_space<vmem>> -> memref<16x2048xf32, #tpu.memory_space<vmem>>
    %dma_start3A_1734 = arith.constant 0 : i32
    %dma_start3A_1735 = tpu.memref_slice %arg3[%select_n3A, %add3A_1598, %dma_start3A_1734] : memref<16x2048x2048xf32, #tpu.memory_space<hbm>> -> memref<1x16x2048xf32, #tpu.memory_space<hbm>>
    %dma_start3A_1736 = tpu.memref_squeeze %dma_start3A_1735 : memref<1x16x2048xf32, #tpu.memory_space<hbm>> -> memref<16x2048xf32, #tpu.memory_space<hbm>>
    %dma_start3A_1737 = arith.constant 0 : i32
    %dma_start3A_1738 = tpu.memref_slice %arg3[%select_n3A, %add3A_1598, %dma_start3A_1737] : memref<16x2048x2048xf32, #tpu.memory_space<hbm>> -> memref<1x16x2048xf32, #tpu.memory_space<hbm>>
    %dma_start3A_1739 = tpu.memref_squeeze %dma_start3A_1738 : memref<1x16x2048xf32, #tpu.memory_space<hbm>> -> memref<16x2048xf32, #tpu.memory_space<hbm>>
    %dma_start3A_1740 = arith.constant 0 : i32
    %dma_start3A_1741 = arith.constant 1024 : i32
    %dma_start3A_1742 = tpu.memref_slice %arg5[%dma_start3A_1740, %dma_start3A_1741] : memref<16x3968xf32, #tpu.memory_space<vmem>> -> memref<16x2048xf32, #tpu.memory_space<vmem>>
    tpu.enqueue_dma source(%dma_start3A_1742 : memref<16x2048xf32, #tpu.memory_space<vmem>>) target(%dma_start3A_1739 : memref<16x2048xf32, #tpu.memory_space<hbm>>) target_semaphore(%arg8 : memref<!tpu.dma_semaphore, #tpu.memory_space<semaphore_mem>>)
    %dma_start3A_1743 = arith.constant 0 : i32
    %dma_start3A_1744 = arith.constant 896 : i32
    %dma_start3A_1745 = tpu.memref_slice %arg5[%dma_start3A_1743, %dma_start3A_1744] : memref<16x3968xf32, #tpu.memory_space<vmem>> -> memref<16x2048xf32, #tpu.memory_space<vmem>>
    %dma_start3A_1746 = arith.constant 0 : i32
    %dma_start3A_1747 = tpu.memref_slice %arg3[%select_n3A, %add3A_1604, %dma_start3A_1746] : memref<16x2048x2048xf32, #tpu.memory_space<hbm>> -> memref<1x16x2048xf32, #tpu.memory_space<hbm>>
    %dma_start3A_1748 = tpu.memref_squeeze %dma_start3A_1747 : memref<1x16x2048xf32, #tpu.memory_space<hbm>> -> memref<16x2048xf32, #tpu.memory_space<hbm>>
    %dma_start3A_1749 = arith.constant 0 : i32
    %dma_start3A_1750 = tpu.memref_slice %arg3[%select_n3A, %add3A_1604, %dma_start3A_1749] : memref<16x2048x2048xf32, #tpu.memory_space<hbm>> -> memref<1x16x2048xf32, #tpu.memory_space<hbm>>
    %dma_start3A_1751 = tpu.memref_squeeze %dma_start3A_1750 : memref<1x16x2048xf32, #tpu.memory_space<hbm>> -> memref<16x2048xf32, #tpu.memory_space<hbm>>
    %dma_start3A_1752 = arith.constant 0 : i32
    %dma_start3A_1753 = arith.constant 896 : i32
    %dma_start3A_1754 = tpu.memref_slice %arg5[%dma_start3A_1752, %dma_start3A_1753] : memref<16x3968xf32, #tpu.memory_space<vmem>> -> memref<16x2048xf32, #tpu.memory_space<vmem>>
    tpu.enqueue_dma source(%dma_start3A_1754 : memref<16x2048xf32, #tpu.memory_space<vmem>>) target(%dma_start3A_1751 : memref<16x2048xf32, #tpu.memory_space<hbm>>) target_semaphore(%arg8 : memref<!tpu.dma_semaphore, #tpu.memory_space<semaphore_mem>>)
    %dma_start3A_1755 = arith.constant 0 : i32
    %dma_start3A_1756 = arith.constant 768 : i32
    %dma_start3A_1757 = tpu.memref_slice %arg5[%dma_start3A_1755, %dma_start3A_1756] : memref<16x3968xf32, #tpu.memory_space<vmem>> -> memref<16x2048xf32, #tpu.memory_space<vmem>>
    %dma_start3A_1758 = arith.constant 0 : i32
    %dma_start3A_1759 = tpu.memref_slice %arg3[%select_n3A, %add3A_1610, %dma_start3A_1758] : memref<16x2048x2048xf32, #tpu.memory_space<hbm>> -> memref<1x16x2048xf32, #tpu.memory_space<hbm>>
    %dma_start3A_1760 = tpu.memref_squeeze %dma_start3A_1759 : memref<1x16x2048xf32, #tpu.memory_space<hbm>> -> memref<16x2048xf32, #tpu.memory_space<hbm>>
    %dma_start3A_1761 = arith.constant 0 : i32
    %dma_start3A_1762 = tpu.memref_slice %arg3[%select_n3A, %add3A_1610, %dma_start3A_1761] : memref<16x2048x2048xf32, #tpu.memory_space<hbm>> -> memref<1x16x2048xf32, #tpu.memory_space<hbm>>
    %dma_start3A_1763 = tpu.memref_squeeze %dma_start3A_1762 : memref<1x16x2048xf32, #tpu.memory_space<hbm>> -> memref<16x2048xf32, #tpu.memory_space<hbm>>
    %dma_start3A_1764 = arith.constant 0 : i32
    %dma_start3A_1765 = arith.constant 768 : i32
    %dma_start3A_1766 = tpu.memref_slice %arg5[%dma_start3A_1764, %dma_start3A_1765] : memref<16x3968xf32, #tpu.memory_space<vmem>> -> memref<16x2048xf32, #tpu.memory_space<vmem>>
    tpu.enqueue_dma source(%dma_start3A_1766 : memref<16x2048xf32, #tpu.memory_space<vmem>>) target(%dma_start3A_1763 : memref<16x2048xf32, #tpu.memory_space<hbm>>) target_semaphore(%arg8 : memref<!tpu.dma_semaphore, #tpu.memory_space<semaphore_mem>>)
    %dma_start3A_1767 = arith.constant 0 : i32
    %dma_start3A_1768 = arith.constant 640 : i32
    %dma_start3A_1769 = tpu.memref_slice %arg5[%dma_start3A_1767, %dma_start3A_1768] : memref<16x3968xf32, #tpu.memory_space<vmem>> -> memref<16x2048xf32, #tpu.memory_space<vmem>>
    %dma_start3A_1770 = arith.constant 0 : i32
    %dma_start3A_1771 = tpu.memref_slice %arg3[%select_n3A, %add3A_1616, %dma_start3A_1770] : memref<16x2048x2048xf32, #tpu.memory_space<hbm>> -> memref<1x16x2048xf32, #tpu.memory_space<hbm>>
    %dma_start3A_1772 = tpu.memref_squeeze %dma_start3A_1771 : memref<1x16x2048xf32, #tpu.memory_space<hbm>> -> memref<16x2048xf32, #tpu.memory_space<hbm>>
    %dma_start3A_1773 = arith.constant 0 : i32
    %dma_start3A_1774 = tpu.memref_slice %arg3[%select_n3A, %add3A_1616, %dma_start3A_1773] : memref<16x2048x2048xf32, #tpu.memory_space<hbm>> -> memref<1x16x2048xf32, #tpu.memory_space<hbm>>
    %dma_start3A_1775 = tpu.memref_squeeze %dma_start3A_1774 : memref<1x16x2048xf32, #tpu.memory_space<hbm>> -> memref<16x2048xf32, #tpu.memory_space<hbm>>
    %dma_start3A_1776 = arith.constant 0 : i32
    %dma_start3A_1777 = arith.constant 640 : i32
    %dma_start3A_1778 = tpu.memref_slice %arg5[%dma_start3A_1776, %dma_start3A_1777] : memref<16x3968xf32, #tpu.memory_space<vmem>> -> memref<16x2048xf32, #tpu.memory_space<vmem>>
    tpu.enqueue_dma source(%dma_start3A_1778 : memref<16x2048xf32, #tpu.memory_space<vmem>>) target(%dma_start3A_1775 : memref<16x2048xf32, #tpu.memory_space<hbm>>) target_semaphore(%arg8 : memref<!tpu.dma_semaphore, #tpu.memory_space<semaphore_mem>>)
    %dma_start3A_1779 = arith.constant 0 : i32
    %dma_start3A_1780 = arith.constant 512 : i32
    %dma_start3A_1781 = tpu.memref_slice %arg5[%dma_start3A_1779, %dma_start3A_1780] : memref<16x3968xf32, #tpu.memory_space<vmem>> -> memref<16x2048xf32, #tpu.memory_space<vmem>>
    %dma_start3A_1782 = arith.constant 0 : i32
    %dma_start3A_1783 = tpu.memref_slice %arg3[%select_n3A, %add3A_1622, %dma_start3A_1782] : memref<16x2048x2048xf32, #tpu.memory_space<hbm>> -> memref<1x16x2048xf32, #tpu.memory_space<hbm>>
    %dma_start3A_1784 = tpu.memref_squeeze %dma_start3A_1783 : memref<1x16x2048xf32, #tpu.memory_space<hbm>> -> memref<16x2048xf32, #tpu.memory_space<hbm>>
    %dma_start3A_1785 = arith.constant 0 : i32
    %dma_start3A_1786 = tpu.memref_slice %arg3[%select_n3A, %add3A_1622, %dma_start3A_1785] : memref<16x2048x2048xf32, #tpu.memory_space<hbm>> -> memref<1x16x2048xf32, #tpu.memory_space<hbm>>
    %dma_start3A_1787 = tpu.memref_squeeze %dma_start3A_1786 : memref<1x16x2048xf32, #tpu.memory_space<hbm>> -> memref<16x2048xf32, #tpu.memory_space<hbm>>
    %dma_start3A_1788 = arith.constant 0 : i32
    %dma_start3A_1789 = arith.constant 512 : i32
    %dma_start3A_1790 = tpu.memref_slice %arg5[%dma_start3A_1788, %dma_start3A_1789] : memref<16x3968xf32, #tpu.memory_space<vmem>> -> memref<16x2048xf32, #tpu.memory_space<vmem>>
    tpu.enqueue_dma source(%dma_start3A_1790 : memref<16x2048xf32, #tpu.memory_space<vmem>>) target(%dma_start3A_1787 : memref<16x2048xf32, #tpu.memory_space<hbm>>) target_semaphore(%arg8 : memref<!tpu.dma_semaphore, #tpu.memory_space<semaphore_mem>>)
    %dma_start3A_1791 = arith.constant 0 : i32
    %dma_start3A_1792 = arith.constant 384 : i32
    %dma_start3A_1793 = tpu.memref_slice %arg5[%dma_start3A_1791, %dma_start3A_1792] : memref<16x3968xf32, #tpu.memory_space<vmem>> -> memref<16x2048xf32, #tpu.memory_space<vmem>>
    %dma_start3A_1794 = arith.constant 0 : i32
    %dma_start3A_1795 = tpu.memref_slice %arg3[%select_n3A, %add3A_1628, %dma_start3A_1794] : memref<16x2048x2048xf32, #tpu.memory_space<hbm>> -> memref<1x16x2048xf32, #tpu.memory_space<hbm>>
    %dma_start3A_1796 = tpu.memref_squeeze %dma_start3A_1795 : memref<1x16x2048xf32, #tpu.memory_space<hbm>> -> memref<16x2048xf32, #tpu.memory_space<hbm>>
    %dma_start3A_1797 = arith.constant 0 : i32
    %dma_start3A_1798 = tpu.memref_slice %arg3[%select_n3A, %add3A_1628, %dma_start3A_1797] : memref<16x2048x2048xf32, #tpu.memory_space<hbm>> -> memref<1x16x2048xf32, #tpu.memory_space<hbm>>
    %dma_start3A_1799 = tpu.memref_squeeze %dma_start3A_1798 : memref<1x16x2048xf32, #tpu.memory_space<hbm>> -> memref<16x2048xf32, #tpu.memory_space<hbm>>
    %dma_start3A_1800 = arith.constant 0 : i32
    %dma_start3A_1801 = arith.constant 384 : i32
    %dma_start3A_1802 = tpu.memref_slice %arg5[%dma_start3A_1800, %dma_start3A_1801] : memref<16x3968xf32, #tpu.memory_space<vmem>> -> memref<16x2048xf32, #tpu.memory_space<vmem>>
    tpu.enqueue_dma source(%dma_start3A_1802 : memref<16x2048xf32, #tpu.memory_space<vmem>>) target(%dma_start3A_1799 : memref<16x2048xf32, #tpu.memory_space<hbm>>) target_semaphore(%arg8 : memref<!tpu.dma_semaphore, #tpu.memory_space<semaphore_mem>>)
    %dma_start3A_1803 = arith.constant 0 : i32
    %dma_start3A_1804 = arith.constant 256 : i32
    %dma_start3A_1805 = tpu.memref_slice %arg5[%dma_start3A_1803, %dma_start3A_1804] : memref<16x3968xf32, #tpu.memory_space<vmem>> -> memref<16x2048xf32, #tpu.memory_space<vmem>>
    %dma_start3A_1806 = arith.constant 0 : i32
    %dma_start3A_1807 = tpu.memref_slice %arg3[%select_n3A, %add3A_1634, %dma_start3A_1806] : memref<16x2048x2048xf32, #tpu.memory_space<hbm>> -> memref<1x16x2048xf32, #tpu.memory_space<hbm>>
    %dma_start3A_1808 = tpu.memref_squeeze %dma_start3A_1807 : memref<1x16x2048xf32, #tpu.memory_space<hbm>> -> memref<16x2048xf32, #tpu.memory_space<hbm>>
    %dma_start3A_1809 = arith.constant 0 : i32
    %dma_start3A_1810 = tpu.memref_slice %arg3[%select_n3A, %add3A_1634, %dma_start3A_1809] : memref<16x2048x2048xf32, #tpu.memory_space<hbm>> -> memref<1x16x2048xf32, #tpu.memory_space<hbm>>
    %dma_start3A_1811 = tpu.memref_squeeze %dma_start3A_1810 : memref<1x16x2048xf32, #tpu.memory_space<hbm>> -> memref<16x2048xf32, #tpu.memory_space<hbm>>
    %dma_start3A_1812 = arith.constant 0 : i32
    %dma_start3A_1813 = arith.constant 256 : i32
    %dma_start3A_1814 = tpu.memref_slice %arg5[%dma_start3A_1812, %dma_start3A_1813] : memref<16x3968xf32, #tpu.memory_space<vmem>> -> memref<16x2048xf32, #tpu.memory_space<vmem>>
    tpu.enqueue_dma source(%dma_start3A_1814 : memref<16x2048xf32, #tpu.memory_space<vmem>>) target(%dma_start3A_1811 : memref<16x2048xf32, #tpu.memory_space<hbm>>) target_semaphore(%arg8 : memref<!tpu.dma_semaphore, #tpu.memory_space<semaphore_mem>>)
    %dma_start3A_1815 = arith.constant 0 : i32
    %dma_start3A_1816 = arith.constant 128 : i32
    %dma_start3A_1817 = tpu.memref_slice %arg5[%dma_start3A_1815, %dma_start3A_1816] : memref<16x3968xf32, #tpu.memory_space<vmem>> -> memref<16x2048xf32, #tpu.memory_space<vmem>>
    %dma_start3A_1818 = arith.constant 0 : i32
    %dma_start3A_1819 = tpu.memref_slice %arg3[%select_n3A, %add3A_1640, %dma_start3A_1818] : memref<16x2048x2048xf32, #tpu.memory_space<hbm>> -> memref<1x16x2048xf32, #tpu.memory_space<hbm>>
    %dma_start3A_1820 = tpu.memref_squeeze %dma_start3A_1819 : memref<1x16x2048xf32, #tpu.memory_space<hbm>> -> memref<16x2048xf32, #tpu.memory_space<hbm>>
    %dma_start3A_1821 = arith.constant 0 : i32
    %dma_start3A_1822 = tpu.memref_slice %arg3[%select_n3A, %add3A_1640, %dma_start3A_1821] : memref<16x2048x2048xf32, #tpu.memory_space<hbm>> -> memref<1x16x2048xf32, #tpu.memory_space<hbm>>
    %dma_start3A_1823 = tpu.memref_squeeze %dma_start3A_1822 : memref<1x16x2048xf32, #tpu.memory_space<hbm>> -> memref<16x2048xf32, #tpu.memory_space<hbm>>
    %dma_start3A_1824 = arith.constant 0 : i32
    %dma_start3A_1825 = arith.constant 128 : i32
    %dma_start3A_1826 = tpu.memref_slice %arg5[%dma_start3A_1824, %dma_start3A_1825] : memref<16x3968xf32, #tpu.memory_space<vmem>> -> memref<16x2048xf32, #tpu.memory_space<vmem>>
    tpu.enqueue_dma source(%dma_start3A_1826 : memref<16x2048xf32, #tpu.memory_space<vmem>>) target(%dma_start3A_1823 : memref<16x2048xf32, #tpu.memory_space<hbm>>) target_semaphore(%arg8 : memref<!tpu.dma_semaphore, #tpu.memory_space<semaphore_mem>>)
    %dma_start3A_1827 = arith.constant 0 : i32
    %dma_start3A_1828 = arith.constant 0 : i32
    %dma_start3A_1829 = tpu.memref_slice %arg5[%dma_start3A_1827, %dma_start3A_1828] : memref<16x3968xf32, #tpu.memory_space<vmem>> -> memref<16x2048xf32, #tpu.memory_space<vmem>>
    %dma_start3A_1830 = arith.constant 0 : i32
    %dma_start3A_1831 = tpu.memref_slice %arg3[%select_n3A, %add3A_1646, %dma_start3A_1830] : memref<16x2048x2048xf32, #tpu.memory_space<hbm>> -> memref<1x16x2048xf32, #tpu.memory_space<hbm>>
    %dma_start3A_1832 = tpu.memref_squeeze %dma_start3A_1831 : memref<1x16x2048xf32, #tpu.memory_space<hbm>> -> memref<16x2048xf32, #tpu.memory_space<hbm>>
    %dma_start3A_1833 = arith.constant 0 : i32
    %dma_start3A_1834 = tpu.memref_slice %arg3[%select_n3A, %add3A_1646, %dma_start3A_1833] : memref<16x2048x2048xf32, #tpu.memory_space<hbm>> -> memref<1x16x2048xf32, #tpu.memory_space<hbm>>
    %dma_start3A_1835 = tpu.memref_squeeze %dma_start3A_1834 : memref<1x16x2048xf32, #tpu.memory_space<hbm>> -> memref<16x2048xf32, #tpu.memory_space<hbm>>
    %dma_start3A_1836 = arith.constant 0 : i32
    %dma_start3A_1837 = arith.constant 0 : i32
    %dma_start3A_1838 = tpu.memref_slice %arg5[%dma_start3A_1836, %dma_start3A_1837] : memref<16x3968xf32, #tpu.memory_space<vmem>> -> memref<16x2048xf32, #tpu.memory_space<vmem>>
    tpu.enqueue_dma source(%dma_start3A_1838 : memref<16x2048xf32, #tpu.memory_space<vmem>>) target(%dma_start3A_1835 : memref<16x2048xf32, #tpu.memory_space<hbm>>) target_semaphore(%arg8 : memref<!tpu.dma_semaphore, #tpu.memory_space<semaphore_mem>>)
    %add3A_1839 = arith.constant 2 : i32
    %add3A_1840 = arith.addi %mul3A_32, %add3A_1839 : i32
    %mul3A_1841 = arith.constant 16 : i32
    %mul3A_1842 = arith.muli %mul3A_1841, %add3A_1840 : i32
    %add3A_1843 = arith.constant 0 : i32
    %add3A_1844 = arith.addi %add3A_1843, %mul3A_1842 : i32
    %add3A_1845 = arith.constant 2 : i32
    %add3A_1846 = arith.addi %mul3A_32, %add3A_1845 : i32
    %mul3A_1847 = arith.constant 16 : i32
    %mul3A_1848 = arith.muli %mul3A_1847, %add3A_1846 : i32
    %add3A_1849 = arith.constant 128 : i32
    %add3A_1850 = arith.addi %add3A_1849, %mul3A_1848 : i32
    %add3A_1851 = arith.constant 2 : i32
    %add3A_1852 = arith.addi %mul3A_32, %add3A_1851 : i32
    %mul3A_1853 = arith.constant 16 : i32
    %mul3A_1854 = arith.muli %mul3A_1853, %add3A_1852 : i32
    %add3A_1855 = arith.constant 256 : i32
    %add3A_1856 = arith.addi %add3A_1855, %mul3A_1854 : i32
    %add3A_1857 = arith.constant 2 : i32
    %add3A_1858 = arith.addi %mul3A_32, %add3A_1857 : i32
    %mul3A_1859 = arith.constant 16 : i32
    %mul3A_1860 = arith.muli %mul3A_1859, %add3A_1858 : i32
    %add3A_1861 = arith.constant 384 : i32
    %add3A_1862 = arith.addi %add3A_1861, %mul3A_1860 : i32
    %add3A_1863 = arith.constant 2 : i32
    %add3A_1864 = arith.addi %mul3A_32, %add3A_1863 : i32
    %mul3A_1865 = arith.constant 16 : i32
    %mul3A_1866 = arith.muli %mul3A_1865, %add3A_1864 : i32
    %add3A_1867 = arith.constant 512 : i32
    %add3A_1868 = arith.addi %add3A_1867, %mul3A_1866 : i32
    %add3A_1869 = arith.constant 2 : i32
    %add3A_1870 = arith.addi %mul3A_32, %add3A_1869 : i32
    %mul3A_1871 = arith.constant 16 : i32
    %mul3A_1872 = arith.muli %mul3A_1871, %add3A_1870 : i32
    %add3A_1873 = arith.constant 640 : i32
    %add3A_1874 = arith.addi %add3A_1873, %mul3A_1872 : i32
    %add3A_1875 = arith.constant 2 : i32
    %add3A_1876 = arith.addi %mul3A_32, %add3A_1875 : i32
    %mul3A_1877 = arith.constant 16 : i32
    %mul3A_1878 = arith.muli %mul3A_1877, %add3A_1876 : i32
    %add3A_1879 = arith.constant 768 : i32
    %add3A_1880 = arith.addi %add3A_1879, %mul3A_1878 : i32
    %add3A_1881 = arith.constant 2 : i32
    %add3A_1882 = arith.addi %mul3A_32, %add3A_1881 : i32
    %mul3A_1883 = arith.constant 16 : i32
    %mul3A_1884 = arith.muli %mul3A_1883, %add3A_1882 : i32
    %add3A_1885 = arith.constant 896 : i32
    %add3A_1886 = arith.addi %add3A_1885, %mul3A_1884 : i32
    %add3A_1887 = arith.constant 2 : i32
    %add3A_1888 = arith.addi %mul3A_32, %add3A_1887 : i32
    %mul3A_1889 = arith.constant 16 : i32
    %mul3A_1890 = arith.muli %mul3A_1889, %add3A_1888 : i32
    %add3A_1891 = arith.constant 1024 : i32
    %add3A_1892 = arith.addi %add3A_1891, %mul3A_1890 : i32
    %add3A_1893 = arith.constant 2 : i32
    %add3A_1894 = arith.addi %mul3A_32, %add3A_1893 : i32
    %mul3A_1895 = arith.constant 16 : i32
    %mul3A_1896 = arith.muli %mul3A_1895, %add3A_1894 : i32
    %add3A_1897 = arith.constant 1152 : i32
    %add3A_1898 = arith.addi %add3A_1897, %mul3A_1896 : i32
    %add3A_1899 = arith.constant 2 : i32
    %add3A_1900 = arith.addi %mul3A_32, %add3A_1899 : i32
    %mul3A_1901 = arith.constant 16 : i32
    %mul3A_1902 = arith.muli %mul3A_1901, %add3A_1900 : i32
    %add3A_1903 = arith.constant 1280 : i32
    %add3A_1904 = arith.addi %add3A_1903, %mul3A_1902 : i32
    %add3A_1905 = arith.constant 2 : i32
    %add3A_1906 = arith.addi %mul3A_32, %add3A_1905 : i32
    %mul3A_1907 = arith.constant 16 : i32
    %mul3A_1908 = arith.muli %mul3A_1907, %add3A_1906 : i32
    %add3A_1909 = arith.constant 1408 : i32
    %add3A_1910 = arith.addi %add3A_1909, %mul3A_1908 : i32
    %add3A_1911 = arith.constant 2 : i32
    %add3A_1912 = arith.addi %mul3A_32, %add3A_1911 : i32
    %mul3A_1913 = arith.constant 16 : i32
    %mul3A_1914 = arith.muli %mul3A_1913, %add3A_1912 : i32
    %add3A_1915 = arith.constant 1536 : i32
    %add3A_1916 = arith.addi %add3A_1915, %mul3A_1914 : i32
    %add3A_1917 = arith.constant 2 : i32
    %add3A_1918 = arith.addi %mul3A_32, %add3A_1917 : i32
    %mul3A_1919 = arith.constant 16 : i32
    %mul3A_1920 = arith.muli %mul3A_1919, %add3A_1918 : i32
    %add3A_1921 = arith.constant 1664 : i32
    %add3A_1922 = arith.addi %add3A_1921, %mul3A_1920 : i32
    %add3A_1923 = arith.constant 2 : i32
    %add3A_1924 = arith.addi %mul3A_32, %add3A_1923 : i32
    %mul3A_1925 = arith.constant 16 : i32
    %mul3A_1926 = arith.muli %mul3A_1925, %add3A_1924 : i32
    %add3A_1927 = arith.constant 1792 : i32
    %add3A_1928 = arith.addi %add3A_1927, %mul3A_1926 : i32
    %add3A_1929 = arith.constant 2 : i32
    %add3A_1930 = arith.addi %mul3A_32, %add3A_1929 : i32
    %mul3A_1931 = arith.constant 16 : i32
    %mul3A_1932 = arith.muli %mul3A_1931, %add3A_1930 : i32
    %add3A_1933 = arith.constant 1920 : i32
    %add3A_1934 = arith.addi %add3A_1933, %mul3A_1932 : i32
    %dma_wait3A_1935 = arith.constant 0 : i32
    %dma_wait3A_1936 = arith.constant 1920 : i32
    %dma_wait3A_1937 = tpu.memref_slice %arg4[%dma_wait3A_1935, %dma_wait3A_1936] : memref<16x3968xf32, #tpu.memory_space<vmem>> -> memref<16x2048xf32, #tpu.memory_space<vmem>>
    %dma_wait3A_1938 = arith.constant 0 : i32
    %dma_wait3A_1939 = tpu.memref_slice %arg3[%select_n3A, %add3A_1844, %dma_wait3A_1938] : memref<16x2048x2048xf32, #tpu.memory_space<hbm>> -> memref<1x16x2048xf32, #tpu.memory_space<hbm>>
    %dma_wait3A_1940 = tpu.memref_squeeze %dma_wait3A_1939 : memref<1x16x2048xf32, #tpu.memory_space<hbm>> -> memref<16x2048xf32, #tpu.memory_space<hbm>>
    %dma_wait3A_1941 = arith.constant 0 : i32
    %dma_wait3A_1942 = tpu.memref_slice %arg3[%select_n3A, %add3A_1844, %dma_wait3A_1941] : memref<16x2048x2048xf32, #tpu.memory_space<hbm>> -> memref<1x16x2048xf32, #tpu.memory_space<hbm>>
    %dma_wait3A_1943 = tpu.memref_squeeze %dma_wait3A_1942 : memref<1x16x2048xf32, #tpu.memory_space<hbm>> -> memref<16x2048xf32, #tpu.memory_space<hbm>>
    %dma_wait3A_1944 = arith.constant 0 : i32
    %dma_wait3A_1945 = arith.constant 1920 : i32
    %dma_wait3A_1946 = tpu.memref_slice %arg4[%dma_wait3A_1944, %dma_wait3A_1945] : memref<16x3968xf32, #tpu.memory_space<vmem>> -> memref<16x2048xf32, #tpu.memory_space<vmem>>
    tpu.wait_dma2 semaphore(%arg7 : memref<!tpu.dma_semaphore, #tpu.memory_space<semaphore_mem>>) src(%dma_wait3A_1946 : memref<16x2048xf32, #tpu.memory_space<vmem>>) dst(%dma_wait3A_1943 : memref<16x2048xf32, #tpu.memory_space<hbm>>)
    %dma_wait3A_1947 = arith.constant 0 : i32
    %dma_wait3A_1948 = arith.constant 1792 : i32
    %dma_wait3A_1949 = tpu.memref_slice %arg4[%dma_wait3A_1947, %dma_wait3A_1948] : memref<16x3968xf32, #tpu.memory_space<vmem>> -> memref<16x2048xf32, #tpu.memory_space<vmem>>
    %dma_wait3A_1950 = arith.constant 0 : i32
    %dma_wait3A_1951 = tpu.memref_slice %arg3[%select_n3A, %add3A_1850, %dma_wait3A_1950] : memref<16x2048x2048xf32, #tpu.memory_space<hbm>> -> memref<1x16x2048xf32, #tpu.memory_space<hbm>>
    %dma_wait3A_1952 = tpu.memref_squeeze %dma_wait3A_1951 : memref<1x16x2048xf32, #tpu.memory_space<hbm>> -> memref<16x2048xf32, #tpu.memory_space<hbm>>
    %dma_wait3A_1953 = arith.constant 0 : i32
    %dma_wait3A_1954 = tpu.memref_slice %arg3[%select_n3A, %add3A_1850, %dma_wait3A_1953] : memref<16x2048x2048xf32, #tpu.memory_space<hbm>> -> memref<1x16x2048xf32, #tpu.memory_space<hbm>>
    %dma_wait3A_1955 = tpu.memref_squeeze %dma_wait3A_1954 : memref<1x16x2048xf32, #tpu.memory_space<hbm>> -> memref<16x2048xf32, #tpu.memory_space<hbm>>
    %dma_wait3A_1956 = arith.constant 0 : i32
    %dma_wait3A_1957 = arith.constant 1792 : i32
    %dma_wait3A_1958 = tpu.memref_slice %arg4[%dma_wait3A_1956, %dma_wait3A_1957] : memref<16x3968xf32, #tpu.memory_space<vmem>> -> memref<16x2048xf32, #tpu.memory_space<vmem>>
    tpu.wait_dma2 semaphore(%arg7 : memref<!tpu.dma_semaphore, #tpu.memory_space<semaphore_mem>>) src(%dma_wait3A_1958 : memref<16x2048xf32, #tpu.memory_space<vmem>>) dst(%dma_wait3A_1955 : memref<16x2048xf32, #tpu.memory_space<hbm>>)
    %dma_wait3A_1959 = arith.constant 0 : i32
    %dma_wait3A_1960 = arith.constant 1664 : i32
    %dma_wait3A_1961 = tpu.memref_slice %arg4[%dma_wait3A_1959, %dma_wait3A_1960] : memref<16x3968xf32, #tpu.memory_space<vmem>> -> memref<16x2048xf32, #tpu.memory_space<vmem>>
    %dma_wait3A_1962 = arith.constant 0 : i32
    %dma_wait3A_1963 = tpu.memref_slice %arg3[%select_n3A, %add3A_1856, %dma_wait3A_1962] : memref<16x2048x2048xf32, #tpu.memory_space<hbm>> -> memref<1x16x2048xf32, #tpu.memory_space<hbm>>
    %dma_wait3A_1964 = tpu.memref_squeeze %dma_wait3A_1963 : memref<1x16x2048xf32, #tpu.memory_space<hbm>> -> memref<16x2048xf32, #tpu.memory_space<hbm>>
    %dma_wait3A_1965 = arith.constant 0 : i32
    %dma_wait3A_1966 = tpu.memref_slice %arg3[%select_n3A, %add3A_1856, %dma_wait3A_1965] : memref<16x2048x2048xf32, #tpu.memory_space<hbm>> -> memref<1x16x2048xf32, #tpu.memory_space<hbm>>
    %dma_wait3A_1967 = tpu.memref_squeeze %dma_wait3A_1966 : memref<1x16x2048xf32, #tpu.memory_space<hbm>> -> memref<16x2048xf32, #tpu.memory_space<hbm>>
    %dma_wait3A_1968 = arith.constant 0 : i32
    %dma_wait3A_1969 = arith.constant 1664 : i32
    %dma_wait3A_1970 = tpu.memref_slice %arg4[%dma_wait3A_1968, %dma_wait3A_1969] : memref<16x3968xf32, #tpu.memory_space<vmem>> -> memref<16x2048xf32, #tpu.memory_space<vmem>>
    tpu.wait_dma2 semaphore(%arg7 : memref<!tpu.dma_semaphore, #tpu.memory_space<semaphore_mem>>) src(%dma_wait3A_1970 : memref<16x2048xf32, #tpu.memory_space<vmem>>) dst(%dma_wait3A_1967 : memref<16x2048xf32, #tpu.memory_space<hbm>>)
    %dma_wait3A_1971 = arith.constant 0 : i32
    %dma_wait3A_1972 = arith.constant 1536 : i32
    %dma_wait3A_1973 = tpu.memref_slice %arg4[%dma_wait3A_1971, %dma_wait3A_1972] : memref<16x3968xf32, #tpu.memory_space<vmem>> -> memref<16x2048xf32, #tpu.memory_space<vmem>>
    %dma_wait3A_1974 = arith.constant 0 : i32
    %dma_wait3A_1975 = tpu.memref_slice %arg3[%select_n3A, %add3A_1862, %dma_wait3A_1974] : memref<16x2048x2048xf32, #tpu.memory_space<hbm>> -> memref<1x16x2048xf32, #tpu.memory_space<hbm>>
    %dma_wait3A_1976 = tpu.memref_squeeze %dma_wait3A_1975 : memref<1x16x2048xf32, #tpu.memory_space<hbm>> -> memref<16x2048xf32, #tpu.memory_space<hbm>>
    %dma_wait3A_1977 = arith.constant 0 : i32
    %dma_wait3A_1978 = tpu.memref_slice %arg3[%select_n3A, %add3A_1862, %dma_wait3A_1977] : memref<16x2048x2048xf32, #tpu.memory_space<hbm>> -> memref<1x16x2048xf32, #tpu.memory_space<hbm>>
    %dma_wait3A_1979 = tpu.memref_squeeze %dma_wait3A_1978 : memref<1x16x2048xf32, #tpu.memory_space<hbm>> -> memref<16x2048xf32, #tpu.memory_space<hbm>>
    %dma_wait3A_1980 = arith.constant 0 : i32
    %dma_wait3A_1981 = arith.constant 1536 : i32
    %dma_wait3A_1982 = tpu.memref_slice %arg4[%dma_wait3A_1980, %dma_wait3A_1981] : memref<16x3968xf32, #tpu.memory_space<vmem>> -> memref<16x2048xf32, #tpu.memory_space<vmem>>
    tpu.wait_dma2 semaphore(%arg7 : memref<!tpu.dma_semaphore, #tpu.memory_space<semaphore_mem>>) src(%dma_wait3A_1982 : memref<16x2048xf32, #tpu.memory_space<vmem>>) dst(%dma_wait3A_1979 : memref<16x2048xf32, #tpu.memory_space<hbm>>)
    %dma_wait3A_1983 = arith.constant 0 : i32
    %dma_wait3A_1984 = arith.constant 1408 : i32
    %dma_wait3A_1985 = tpu.memref_slice %arg4[%dma_wait3A_1983, %dma_wait3A_1984] : memref<16x3968xf32, #tpu.memory_space<vmem>> -> memref<16x2048xf32, #tpu.memory_space<vmem>>
    %dma_wait3A_1986 = arith.constant 0 : i32
    %dma_wait3A_1987 = tpu.memref_slice %arg3[%select_n3A, %add3A_1868, %dma_wait3A_1986] : memref<16x2048x2048xf32, #tpu.memory_space<hbm>> -> memref<1x16x2048xf32, #tpu.memory_space<hbm>>
    %dma_wait3A_1988 = tpu.memref_squeeze %dma_wait3A_1987 : memref<1x16x2048xf32, #tpu.memory_space<hbm>> -> memref<16x2048xf32, #tpu.memory_space<hbm>>
    %dma_wait3A_1989 = arith.constant 0 : i32
    %dma_wait3A_1990 = tpu.memref_slice %arg3[%select_n3A, %add3A_1868, %dma_wait3A_1989] : memref<16x2048x2048xf32, #tpu.memory_space<hbm>> -> memref<1x16x2048xf32, #tpu.memory_space<hbm>>
    %dma_wait3A_1991 = tpu.memref_squeeze %dma_wait3A_1990 : memref<1x16x2048xf32, #tpu.memory_space<hbm>> -> memref<16x2048xf32, #tpu.memory_space<hbm>>
    %dma_wait3A_1992 = arith.constant 0 : i32
    %dma_wait3A_1993 = arith.constant 1408 : i32
    %dma_wait3A_1994 = tpu.memref_slice %arg4[%dma_wait3A_1992, %dma_wait3A_1993] : memref<16x3968xf32, #tpu.memory_space<vmem>> -> memref<16x2048xf32, #tpu.memory_space<vmem>>
    tpu.wait_dma2 semaphore(%arg7 : memref<!tpu.dma_semaphore, #tpu.memory_space<semaphore_mem>>) src(%dma_wait3A_1994 : memref<16x2048xf32, #tpu.memory_space<vmem>>) dst(%dma_wait3A_1991 : memref<16x2048xf32, #tpu.memory_space<hbm>>)
    %dma_wait3A_1995 = arith.constant 0 : i32
    %dma_wait3A_1996 = arith.constant 1280 : i32
    %dma_wait3A_1997 = tpu.memref_slice %arg4[%dma_wait3A_1995, %dma_wait3A_1996] : memref<16x3968xf32, #tpu.memory_space<vmem>> -> memref<16x2048xf32, #tpu.memory_space<vmem>>
    %dma_wait3A_1998 = arith.constant 0 : i32
    %dma_wait3A_1999 = tpu.memref_slice %arg3[%select_n3A, %add3A_1874, %dma_wait3A_1998] : memref<16x2048x2048xf32, #tpu.memory_space<hbm>> -> memref<1x16x2048xf32, #tpu.memory_space<hbm>>
    %dma_wait3A_2000 = tpu.memref_squeeze %dma_wait3A_1999 : memref<1x16x2048xf32, #tpu.memory_space<hbm>> -> memref<16x2048xf32, #tpu.memory_space<hbm>>
    %dma_wait3A_2001 = arith.constant 0 : i32
    %dma_wait3A_2002 = tpu.memref_slice %arg3[%select_n3A, %add3A_1874, %dma_wait3A_2001] : memref<16x2048x2048xf32, #tpu.memory_space<hbm>> -> memref<1x16x2048xf32, #tpu.memory_space<hbm>>
    %dma_wait3A_2003 = tpu.memref_squeeze %dma_wait3A_2002 : memref<1x16x2048xf32, #tpu.memory_space<hbm>> -> memref<16x2048xf32, #tpu.memory_space<hbm>>
    %dma_wait3A_2004 = arith.constant 0 : i32
    %dma_wait3A_2005 = arith.constant 1280 : i32
    %dma_wait3A_2006 = tpu.memref_slice %arg4[%dma_wait3A_2004, %dma_wait3A_2005] : memref<16x3968xf32, #tpu.memory_space<vmem>> -> memref<16x2048xf32, #tpu.memory_space<vmem>>
    tpu.wait_dma2 semaphore(%arg7 : memref<!tpu.dma_semaphore, #tpu.memory_space<semaphore_mem>>) src(%dma_wait3A_2006 : memref<16x2048xf32, #tpu.memory_space<vmem>>) dst(%dma_wait3A_2003 : memref<16x2048xf32, #tpu.memory_space<hbm>>)
    %dma_wait3A_2007 = arith.constant 0 : i32
    %dma_wait3A_2008 = arith.constant 1152 : i32
    %dma_wait3A_2009 = tpu.memref_slice %arg4[%dma_wait3A_2007, %dma_wait3A_2008] : memref<16x3968xf32, #tpu.memory_space<vmem>> -> memref<16x2048xf32, #tpu.memory_space<vmem>>
    %dma_wait3A_2010 = arith.constant 0 : i32
    %dma_wait3A_2011 = tpu.memref_slice %arg3[%select_n3A, %add3A_1880, %dma_wait3A_2010] : memref<16x2048x2048xf32, #tpu.memory_space<hbm>> -> memref<1x16x2048xf32, #tpu.memory_space<hbm>>
    %dma_wait3A_2012 = tpu.memref_squeeze %dma_wait3A_2011 : memref<1x16x2048xf32, #tpu.memory_space<hbm>> -> memref<16x2048xf32, #tpu.memory_space<hbm>>
    %dma_wait3A_2013 = arith.constant 0 : i32
    %dma_wait3A_2014 = tpu.memref_slice %arg3[%select_n3A, %add3A_1880, %dma_wait3A_2013] : memref<16x2048x2048xf32, #tpu.memory_space<hbm>> -> memref<1x16x2048xf32, #tpu.memory_space<hbm>>
    %dma_wait3A_2015 = tpu.memref_squeeze %dma_wait3A_2014 : memref<1x16x2048xf32, #tpu.memory_space<hbm>> -> memref<16x2048xf32, #tpu.memory_space<hbm>>
    %dma_wait3A_2016 = arith.constant 0 : i32
    %dma_wait3A_2017 = arith.constant 1152 : i32
    %dma_wait3A_2018 = tpu.memref_slice %arg4[%dma_wait3A_2016, %dma_wait3A_2017] : memref<16x3968xf32, #tpu.memory_space<vmem>> -> memref<16x2048xf32, #tpu.memory_space<vmem>>
    tpu.wait_dma2 semaphore(%arg7 : memref<!tpu.dma_semaphore, #tpu.memory_space<semaphore_mem>>) src(%dma_wait3A_2018 : memref<16x2048xf32, #tpu.memory_space<vmem>>) dst(%dma_wait3A_2015 : memref<16x2048xf32, #tpu.memory_space<hbm>>)
    %dma_wait3A_2019 = arith.constant 0 : i32
    %dma_wait3A_2020 = arith.constant 1024 : i32
    %dma_wait3A_2021 = tpu.memref_slice %arg4[%dma_wait3A_2019, %dma_wait3A_2020] : memref<16x3968xf32, #tpu.memory_space<vmem>> -> memref<16x2048xf32, #tpu.memory_space<vmem>>
    %dma_wait3A_2022 = arith.constant 0 : i32
    %dma_wait3A_2023 = tpu.memref_slice %arg3[%select_n3A, %add3A_1886, %dma_wait3A_2022] : memref<16x2048x2048xf32, #tpu.memory_space<hbm>> -> memref<1x16x2048xf32, #tpu.memory_space<hbm>>
    %dma_wait3A_2024 = tpu.memref_squeeze %dma_wait3A_2023 : memref<1x16x2048xf32, #tpu.memory_space<hbm>> -> memref<16x2048xf32, #tpu.memory_space<hbm>>
    %dma_wait3A_2025 = arith.constant 0 : i32
    %dma_wait3A_2026 = tpu.memref_slice %arg3[%select_n3A, %add3A_1886, %dma_wait3A_2025] : memref<16x2048x2048xf32, #tpu.memory_space<hbm>> -> memref<1x16x2048xf32, #tpu.memory_space<hbm>>
    %dma_wait3A_2027 = tpu.memref_squeeze %dma_wait3A_2026 : memref<1x16x2048xf32, #tpu.memory_space<hbm>> -> memref<16x2048xf32, #tpu.memory_space<hbm>>
    %dma_wait3A_2028 = arith.constant 0 : i32
    %dma_wait3A_2029 = arith.constant 1024 : i32
    %dma_wait3A_2030 = tpu.memref_slice %arg4[%dma_wait3A_2028, %dma_wait3A_2029] : memref<16x3968xf32, #tpu.memory_space<vmem>> -> memref<16x2048xf32, #tpu.memory_space<vmem>>
    tpu.wait_dma2 semaphore(%arg7 : memref<!tpu.dma_semaphore, #tpu.memory_space<semaphore_mem>>) src(%dma_wait3A_2030 : memref<16x2048xf32, #tpu.memory_space<vmem>>) dst(%dma_wait3A_2027 : memref<16x2048xf32, #tpu.memory_space<hbm>>)
    %dma_wait3A_2031 = arith.constant 0 : i32
    %dma_wait3A_2032 = arith.constant 896 : i32
    %dma_wait3A_2033 = tpu.memref_slice %arg4[%dma_wait3A_2031, %dma_wait3A_2032] : memref<16x3968xf32, #tpu.memory_space<vmem>> -> memref<16x2048xf32, #tpu.memory_space<vmem>>
    %dma_wait3A_2034 = arith.constant 0 : i32
    %dma_wait3A_2035 = tpu.memref_slice %arg3[%select_n3A, %add3A_1892, %dma_wait3A_2034] : memref<16x2048x2048xf32, #tpu.memory_space<hbm>> -> memref<1x16x2048xf32, #tpu.memory_space<hbm>>
    %dma_wait3A_2036 = tpu.memref_squeeze %dma_wait3A_2035 : memref<1x16x2048xf32, #tpu.memory_space<hbm>> -> memref<16x2048xf32, #tpu.memory_space<hbm>>
    %dma_wait3A_2037 = arith.constant 0 : i32
    %dma_wait3A_2038 = tpu.memref_slice %arg3[%select_n3A, %add3A_1892, %dma_wait3A_2037] : memref<16x2048x2048xf32, #tpu.memory_space<hbm>> -> memref<1x16x2048xf32, #tpu.memory_space<hbm>>
    %dma_wait3A_2039 = tpu.memref_squeeze %dma_wait3A_2038 : memref<1x16x2048xf32, #tpu.memory_space<hbm>> -> memref<16x2048xf32, #tpu.memory_space<hbm>>
    %dma_wait3A_2040 = arith.constant 0 : i32
    %dma_wait3A_2041 = arith.constant 896 : i32
    %dma_wait3A_2042 = tpu.memref_slice %arg4[%dma_wait3A_2040, %dma_wait3A_2041] : memref<16x3968xf32, #tpu.memory_space<vmem>> -> memref<16x2048xf32, #tpu.memory_space<vmem>>
    tpu.wait_dma2 semaphore(%arg7 : memref<!tpu.dma_semaphore, #tpu.memory_space<semaphore_mem>>) src(%dma_wait3A_2042 : memref<16x2048xf32, #tpu.memory_space<vmem>>) dst(%dma_wait3A_2039 : memref<16x2048xf32, #tpu.memory_space<hbm>>)
    %dma_wait3A_2043 = arith.constant 0 : i32
    %dma_wait3A_2044 = arith.constant 768 : i32
    %dma_wait3A_2045 = tpu.memref_slice %arg4[%dma_wait3A_2043, %dma_wait3A_2044] : memref<16x3968xf32, #tpu.memory_space<vmem>> -> memref<16x2048xf32, #tpu.memory_space<vmem>>
    %dma_wait3A_2046 = arith.constant 0 : i32
    %dma_wait3A_2047 = tpu.memref_slice %arg3[%select_n3A, %add3A_1898, %dma_wait3A_2046] : memref<16x2048x2048xf32, #tpu.memory_space<hbm>> -> memref<1x16x2048xf32, #tpu.memory_space<hbm>>
    %dma_wait3A_2048 = tpu.memref_squeeze %dma_wait3A_2047 : memref<1x16x2048xf32, #tpu.memory_space<hbm>> -> memref<16x2048xf32, #tpu.memory_space<hbm>>
    %dma_wait3A_2049 = arith.constant 0 : i32
    %dma_wait3A_2050 = tpu.memref_slice %arg3[%select_n3A, %add3A_1898, %dma_wait3A_2049] : memref<16x2048x2048xf32, #tpu.memory_space<hbm>> -> memref<1x16x2048xf32, #tpu.memory_space<hbm>>
    %dma_wait3A_2051 = tpu.memref_squeeze %dma_wait3A_2050 : memref<1x16x2048xf32, #tpu.memory_space<hbm>> -> memref<16x2048xf32, #tpu.memory_space<hbm>>
    %dma_wait3A_2052 = arith.constant 0 : i32
    %dma_wait3A_2053 = arith.constant 768 : i32
    %dma_wait3A_2054 = tpu.memref_slice %arg4[%dma_wait3A_2052, %dma_wait3A_2053] : memref<16x3968xf32, #tpu.memory_space<vmem>> -> memref<16x2048xf32, #tpu.memory_space<vmem>>
    tpu.wait_dma2 semaphore(%arg7 : memref<!tpu.dma_semaphore, #tpu.memory_space<semaphore_mem>>) src(%dma_wait3A_2054 : memref<16x2048xf32, #tpu.memory_space<vmem>>) dst(%dma_wait3A_2051 : memref<16x2048xf32, #tpu.memory_space<hbm>>)
    %dma_wait3A_2055 = arith.constant 0 : i32
    %dma_wait3A_2056 = arith.constant 640 : i32
    %dma_wait3A_2057 = tpu.memref_slice %arg4[%dma_wait3A_2055, %dma_wait3A_2056] : memref<16x3968xf32, #tpu.memory_space<vmem>> -> memref<16x2048xf32, #tpu.memory_space<vmem>>
    %dma_wait3A_2058 = arith.constant 0 : i32
    %dma_wait3A_2059 = tpu.memref_slice %arg3[%select_n3A, %add3A_1904, %dma_wait3A_2058] : memref<16x2048x2048xf32, #tpu.memory_space<hbm>> -> memref<1x16x2048xf32, #tpu.memory_space<hbm>>
    %dma_wait3A_2060 = tpu.memref_squeeze %dma_wait3A_2059 : memref<1x16x2048xf32, #tpu.memory_space<hbm>> -> memref<16x2048xf32, #tpu.memory_space<hbm>>
    %dma_wait3A_2061 = arith.constant 0 : i32
    %dma_wait3A_2062 = tpu.memref_slice %arg3[%select_n3A, %add3A_1904, %dma_wait3A_2061] : memref<16x2048x2048xf32, #tpu.memory_space<hbm>> -> memref<1x16x2048xf32, #tpu.memory_space<hbm>>
    %dma_wait3A_2063 = tpu.memref_squeeze %dma_wait3A_2062 : memref<1x16x2048xf32, #tpu.memory_space<hbm>> -> memref<16x2048xf32, #tpu.memory_space<hbm>>
    %dma_wait3A_2064 = arith.constant 0 : i32
    %dma_wait3A_2065 = arith.constant 640 : i32
    %dma_wait3A_2066 = tpu.memref_slice %arg4[%dma_wait3A_2064, %dma_wait3A_2065] : memref<16x3968xf32, #tpu.memory_space<vmem>> -> memref<16x2048xf32, #tpu.memory_space<vmem>>
    tpu.wait_dma2 semaphore(%arg7 : memref<!tpu.dma_semaphore, #tpu.memory_space<semaphore_mem>>) src(%dma_wait3A_2066 : memref<16x2048xf32, #tpu.memory_space<vmem>>) dst(%dma_wait3A_2063 : memref<16x2048xf32, #tpu.memory_space<hbm>>)
    %dma_wait3A_2067 = arith.constant 0 : i32
    %dma_wait3A_2068 = arith.constant 512 : i32
    %dma_wait3A_2069 = tpu.memref_slice %arg4[%dma_wait3A_2067, %dma_wait3A_2068] : memref<16x3968xf32, #tpu.memory_space<vmem>> -> memref<16x2048xf32, #tpu.memory_space<vmem>>
    %dma_wait3A_2070 = arith.constant 0 : i32
    %dma_wait3A_2071 = tpu.memref_slice %arg3[%select_n3A, %add3A_1910, %dma_wait3A_2070] : memref<16x2048x2048xf32, #tpu.memory_space<hbm>> -> memref<1x16x2048xf32, #tpu.memory_space<hbm>>
    %dma_wait3A_2072 = tpu.memref_squeeze %dma_wait3A_2071 : memref<1x16x2048xf32, #tpu.memory_space<hbm>> -> memref<16x2048xf32, #tpu.memory_space<hbm>>
    %dma_wait3A_2073 = arith.constant 0 : i32
    %dma_wait3A_2074 = tpu.memref_slice %arg3[%select_n3A, %add3A_1910, %dma_wait3A_2073] : memref<16x2048x2048xf32, #tpu.memory_space<hbm>> -> memref<1x16x2048xf32, #tpu.memory_space<hbm>>
    %dma_wait3A_2075 = tpu.memref_squeeze %dma_wait3A_2074 : memref<1x16x2048xf32, #tpu.memory_space<hbm>> -> memref<16x2048xf32, #tpu.memory_space<hbm>>
    %dma_wait3A_2076 = arith.constant 0 : i32
    %dma_wait3A_2077 = arith.constant 512 : i32
    %dma_wait3A_2078 = tpu.memref_slice %arg4[%dma_wait3A_2076, %dma_wait3A_2077] : memref<16x3968xf32, #tpu.memory_space<vmem>> -> memref<16x2048xf32, #tpu.memory_space<vmem>>
    tpu.wait_dma2 semaphore(%arg7 : memref<!tpu.dma_semaphore, #tpu.memory_space<semaphore_mem>>) src(%dma_wait3A_2078 : memref<16x2048xf32, #tpu.memory_space<vmem>>) dst(%dma_wait3A_2075 : memref<16x2048xf32, #tpu.memory_space<hbm>>)
    %dma_wait3A_2079 = arith.constant 0 : i32
    %dma_wait3A_2080 = arith.constant 384 : i32
    %dma_wait3A_2081 = tpu.memref_slice %arg4[%dma_wait3A_2079, %dma_wait3A_2080] : memref<16x3968xf32, #tpu.memory_space<vmem>> -> memref<16x2048xf32, #tpu.memory_space<vmem>>
    %dma_wait3A_2082 = arith.constant 0 : i32
    %dma_wait3A_2083 = tpu.memref_slice %arg3[%select_n3A, %add3A_1916, %dma_wait3A_2082] : memref<16x2048x2048xf32, #tpu.memory_space<hbm>> -> memref<1x16x2048xf32, #tpu.memory_space<hbm>>
    %dma_wait3A_2084 = tpu.memref_squeeze %dma_wait3A_2083 : memref<1x16x2048xf32, #tpu.memory_space<hbm>> -> memref<16x2048xf32, #tpu.memory_space<hbm>>
    %dma_wait3A_2085 = arith.constant 0 : i32
    %dma_wait3A_2086 = tpu.memref_slice %arg3[%select_n3A, %add3A_1916, %dma_wait3A_2085] : memref<16x2048x2048xf32, #tpu.memory_space<hbm>> -> memref<1x16x2048xf32, #tpu.memory_space<hbm>>
    %dma_wait3A_2087 = tpu.memref_squeeze %dma_wait3A_2086 : memref<1x16x2048xf32, #tpu.memory_space<hbm>> -> memref<16x2048xf32, #tpu.memory_space<hbm>>
    %dma_wait3A_2088 = arith.constant 0 : i32
    %dma_wait3A_2089 = arith.constant 384 : i32
    %dma_wait3A_2090 = tpu.memref_slice %arg4[%dma_wait3A_2088, %dma_wait3A_2089] : memref<16x3968xf32, #tpu.memory_space<vmem>> -> memref<16x2048xf32, #tpu.memory_space<vmem>>
    tpu.wait_dma2 semaphore(%arg7 : memref<!tpu.dma_semaphore, #tpu.memory_space<semaphore_mem>>) src(%dma_wait3A_2090 : memref<16x2048xf32, #tpu.memory_space<vmem>>) dst(%dma_wait3A_2087 : memref<16x2048xf32, #tpu.memory_space<hbm>>)
    %dma_wait3A_2091 = arith.constant 0 : i32
    %dma_wait3A_2092 = arith.constant 256 : i32
    %dma_wait3A_2093 = tpu.memref_slice %arg4[%dma_wait3A_2091, %dma_wait3A_2092] : memref<16x3968xf32, #tpu.memory_space<vmem>> -> memref<16x2048xf32, #tpu.memory_space<vmem>>
    %dma_wait3A_2094 = arith.constant 0 : i32
    %dma_wait3A_2095 = tpu.memref_slice %arg3[%select_n3A, %add3A_1922, %dma_wait3A_2094] : memref<16x2048x2048xf32, #tpu.memory_space<hbm>> -> memref<1x16x2048xf32, #tpu.memory_space<hbm>>
    %dma_wait3A_2096 = tpu.memref_squeeze %dma_wait3A_2095 : memref<1x16x2048xf32, #tpu.memory_space<hbm>> -> memref<16x2048xf32, #tpu.memory_space<hbm>>
    %dma_wait3A_2097 = arith.constant 0 : i32
    %dma_wait3A_2098 = tpu.memref_slice %arg3[%select_n3A, %add3A_1922, %dma_wait3A_2097] : memref<16x2048x2048xf32, #tpu.memory_space<hbm>> -> memref<1x16x2048xf32, #tpu.memory_space<hbm>>
    %dma_wait3A_2099 = tpu.memref_squeeze %dma_wait3A_2098 : memref<1x16x2048xf32, #tpu.memory_space<hbm>> -> memref<16x2048xf32, #tpu.memory_space<hbm>>
    %dma_wait3A_2100 = arith.constant 0 : i32
    %dma_wait3A_2101 = arith.constant 256 : i32
    %dma_wait3A_2102 = tpu.memref_slice %arg4[%dma_wait3A_2100, %dma_wait3A_2101] : memref<16x3968xf32, #tpu.memory_space<vmem>> -> memref<16x2048xf32, #tpu.memory_space<vmem>>
    tpu.wait_dma2 semaphore(%arg7 : memref<!tpu.dma_semaphore, #tpu.memory_space<semaphore_mem>>) src(%dma_wait3A_2102 : memref<16x2048xf32, #tpu.memory_space<vmem>>) dst(%dma_wait3A_2099 : memref<16x2048xf32, #tpu.memory_space<hbm>>)
    %dma_wait3A_2103 = arith.constant 0 : i32
    %dma_wait3A_2104 = arith.constant 128 : i32
    %dma_wait3A_2105 = tpu.memref_slice %arg4[%dma_wait3A_2103, %dma_wait3A_2104] : memref<16x3968xf32, #tpu.memory_space<vmem>> -> memref<16x2048xf32, #tpu.memory_space<vmem>>
    %dma_wait3A_2106 = arith.constant 0 : i32
    %dma_wait3A_2107 = tpu.memref_slice %arg3[%select_n3A, %add3A_1928, %dma_wait3A_2106] : memref<16x2048x2048xf32, #tpu.memory_space<hbm>> -> memref<1x16x2048xf32, #tpu.memory_space<hbm>>
    %dma_wait3A_2108 = tpu.memref_squeeze %dma_wait3A_2107 : memref<1x16x2048xf32, #tpu.memory_space<hbm>> -> memref<16x2048xf32, #tpu.memory_space<hbm>>
    %dma_wait3A_2109 = arith.constant 0 : i32
    %dma_wait3A_2110 = tpu.memref_slice %arg3[%select_n3A, %add3A_1928, %dma_wait3A_2109] : memref<16x2048x2048xf32, #tpu.memory_space<hbm>> -> memref<1x16x2048xf32, #tpu.memory_space<hbm>>
    %dma_wait3A_2111 = tpu.memref_squeeze %dma_wait3A_2110 : memref<1x16x2048xf32, #tpu.memory_space<hbm>> -> memref<16x2048xf32, #tpu.memory_space<hbm>>
    %dma_wait3A_2112 = arith.constant 0 : i32
    %dma_wait3A_2113 = arith.constant 128 : i32
    %dma_wait3A_2114 = tpu.memref_slice %arg4[%dma_wait3A_2112, %dma_wait3A_2113] : memref<16x3968xf32, #tpu.memory_space<vmem>> -> memref<16x2048xf32, #tpu.memory_space<vmem>>
    tpu.wait_dma2 semaphore(%arg7 : memref<!tpu.dma_semaphore, #tpu.memory_space<semaphore_mem>>) src(%dma_wait3A_2114 : memref<16x2048xf32, #tpu.memory_space<vmem>>) dst(%dma_wait3A_2111 : memref<16x2048xf32, #tpu.memory_space<hbm>>)
    %dma_wait3A_2115 = arith.constant 0 : i32
    %dma_wait3A_2116 = arith.constant 0 : i32
    %dma_wait3A_2117 = tpu.memref_slice %arg4[%dma_wait3A_2115, %dma_wait3A_2116] : memref<16x3968xf32, #tpu.memory_space<vmem>> -> memref<16x2048xf32, #tpu.memory_space<vmem>>
    %dma_wait3A_2118 = arith.constant 0 : i32
    %dma_wait3A_2119 = tpu.memref_slice %arg3[%select_n3A, %add3A_1934, %dma_wait3A_2118] : memref<16x2048x2048xf32, #tpu.memory_space<hbm>> -> memref<1x16x2048xf32, #tpu.memory_space<hbm>>
    %dma_wait3A_2120 = tpu.memref_squeeze %dma_wait3A_2119 : memref<1x16x2048xf32, #tpu.memory_space<hbm>> -> memref<16x2048xf32, #tpu.memory_space<hbm>>
    %dma_wait3A_2121 = arith.constant 0 : i32
    %dma_wait3A_2122 = tpu.memref_slice %arg3[%select_n3A, %add3A_1934, %dma_wait3A_2121] : memref<16x2048x2048xf32, #tpu.memory_space<hbm>> -> memref<1x16x2048xf32, #tpu.memory_space<hbm>>
    %dma_wait3A_2123 = tpu.memref_squeeze %dma_wait3A_2122 : memref<1x16x2048xf32, #tpu.memory_space<hbm>> -> memref<16x2048xf32, #tpu.memory_space<hbm>>
    %dma_wait3A_2124 = arith.constant 0 : i32
    %dma_wait3A_2125 = arith.constant 0 : i32
    %dma_wait3A_2126 = tpu.memref_slice %arg4[%dma_wait3A_2124, %dma_wait3A_2125] : memref<16x3968xf32, #tpu.memory_space<vmem>> -> memref<16x2048xf32, #tpu.memory_space<vmem>>
    tpu.wait_dma2 semaphore(%arg7 : memref<!tpu.dma_semaphore, #tpu.memory_space<semaphore_mem>>) src(%dma_wait3A_2126 : memref<16x2048xf32, #tpu.memory_space<vmem>>) dst(%dma_wait3A_2123 : memref<16x2048xf32, #tpu.memory_space<hbm>>)
    %add3A_2127 = arith.constant 3 : i32
    %add3A_2128 = arith.addi %mul3A_32, %add3A_2127 : i32
    %mul3A_2129 = arith.constant 16 : i32
    %mul3A_2130 = arith.muli %mul3A_2129, %add3A_2128 : i32
    %add3A_2131 = arith.constant 0 : i32
    %add3A_2132 = arith.addi %add3A_2131, %mul3A_2130 : i32
    %add3A_2133 = arith.constant 3 : i32
    %add3A_2134 = arith.addi %mul3A_32, %add3A_2133 : i32
    %mul3A_2135 = arith.constant 16 : i32
    %mul3A_2136 = arith.muli %mul3A_2135, %add3A_2134 : i32
    %add3A_2137 = arith.constant 128 : i32
    %add3A_2138 = arith.addi %add3A_2137, %mul3A_2136 : i32
    %add3A_2139 = arith.constant 3 : i32
    %add3A_2140 = arith.addi %mul3A_32, %add3A_2139 : i32
    %mul3A_2141 = arith.constant 16 : i32
    %mul3A_2142 = arith.muli %mul3A_2141, %add3A_2140 : i32
    %add3A_2143 = arith.constant 256 : i32
    %add3A_2144 = arith.addi %add3A_2143, %mul3A_2142 : i32
    %add3A_2145 = arith.constant 3 : i32
    %add3A_2146 = arith.addi %mul3A_32, %add3A_2145 : i32
    %mul3A_2147 = arith.constant 16 : i32
    %mul3A_2148 = arith.muli %mul3A_2147, %add3A_2146 : i32
    %add3A_2149 = arith.constant 384 : i32
    %add3A_2150 = arith.addi %add3A_2149, %mul3A_2148 : i32
    %add3A_2151 = arith.constant 3 : i32
    %add3A_2152 = arith.addi %mul3A_32, %add3A_2151 : i32
    %mul3A_2153 = arith.constant 16 : i32
    %mul3A_2154 = arith.muli %mul3A_2153, %add3A_2152 : i32
    %add3A_2155 = arith.constant 512 : i32
    %add3A_2156 = arith.addi %add3A_2155, %mul3A_2154 : i32
    %add3A_2157 = arith.constant 3 : i32
    %add3A_2158 = arith.addi %mul3A_32, %add3A_2157 : i32
    %mul3A_2159 = arith.constant 16 : i32
    %mul3A_2160 = arith.muli %mul3A_2159, %add3A_2158 : i32
    %add3A_2161 = arith.constant 640 : i32
    %add3A_2162 = arith.addi %add3A_2161, %mul3A_2160 : i32
    %add3A_2163 = arith.constant 3 : i32
    %add3A_2164 = arith.addi %mul3A_32, %add3A_2163 : i32
    %mul3A_2165 = arith.constant 16 : i32
    %mul3A_2166 = arith.muli %mul3A_2165, %add3A_2164 : i32
    %add3A_2167 = arith.constant 768 : i32
    %add3A_2168 = arith.addi %add3A_2167, %mul3A_2166 : i32
    %add3A_2169 = arith.constant 3 : i32
    %add3A_2170 = arith.addi %mul3A_32, %add3A_2169 : i32
    %mul3A_2171 = arith.constant 16 : i32
    %mul3A_2172 = arith.muli %mul3A_2171, %add3A_2170 : i32
    %add3A_2173 = arith.constant 896 : i32
    %add3A_2174 = arith.addi %add3A_2173, %mul3A_2172 : i32
    %add3A_2175 = arith.constant 3 : i32
    %add3A_2176 = arith.addi %mul3A_32, %add3A_2175 : i32
    %mul3A_2177 = arith.constant 16 : i32
    %mul3A_2178 = arith.muli %mul3A_2177, %add3A_2176 : i32
    %add3A_2179 = arith.constant 1024 : i32
    %add3A_2180 = arith.addi %add3A_2179, %mul3A_2178 : i32
    %add3A_2181 = arith.constant 3 : i32
    %add3A_2182 = arith.addi %mul3A_32, %add3A_2181 : i32
    %mul3A_2183 = arith.constant 16 : i32
    %mul3A_2184 = arith.muli %mul3A_2183, %add3A_2182 : i32
    %add3A_2185 = arith.constant 1152 : i32
    %add3A_2186 = arith.addi %add3A_2185, %mul3A_2184 : i32
    %add3A_2187 = arith.constant 3 : i32
    %add3A_2188 = arith.addi %mul3A_32, %add3A_2187 : i32
    %mul3A_2189 = arith.constant 16 : i32
    %mul3A_2190 = arith.muli %mul3A_2189, %add3A_2188 : i32
    %add3A_2191 = arith.constant 1280 : i32
    %add3A_2192 = arith.addi %add3A_2191, %mul3A_2190 : i32
    %add3A_2193 = arith.constant 3 : i32
    %add3A_2194 = arith.addi %mul3A_32, %add3A_2193 : i32
    %mul3A_2195 = arith.constant 16 : i32
    %mul3A_2196 = arith.muli %mul3A_2195, %add3A_2194 : i32
    %add3A_2197 = arith.constant 1408 : i32
    %add3A_2198 = arith.addi %add3A_2197, %mul3A_2196 : i32
    %add3A_2199 = arith.constant 3 : i32
    %add3A_2200 = arith.addi %mul3A_32, %add3A_2199 : i32
    %mul3A_2201 = arith.constant 16 : i32
    %mul3A_2202 = arith.muli %mul3A_2201, %add3A_2200 : i32
    %add3A_2203 = arith.constant 1536 : i32
    %add3A_2204 = arith.addi %add3A_2203, %mul3A_2202 : i32
    %add3A_2205 = arith.constant 3 : i32
    %add3A_2206 = arith.addi %mul3A_32, %add3A_2205 : i32
    %mul3A_2207 = arith.constant 16 : i32
    %mul3A_2208 = arith.muli %mul3A_2207, %add3A_2206 : i32
    %add3A_2209 = arith.constant 1664 : i32
    %add3A_2210 = arith.addi %add3A_2209, %mul3A_2208 : i32
    %add3A_2211 = arith.constant 3 : i32
    %add3A_2212 = arith.addi %mul3A_32, %add3A_2211 : i32
    %mul3A_2213 = arith.constant 16 : i32
    %mul3A_2214 = arith.muli %mul3A_2213, %add3A_2212 : i32
    %add3A_2215 = arith.constant 1792 : i32
    %add3A_2216 = arith.addi %add3A_2215, %mul3A_2214 : i32
    %add3A_2217 = arith.constant 3 : i32
    %add3A_2218 = arith.addi %mul3A_32, %add3A_2217 : i32
    %mul3A_2219 = arith.constant 16 : i32
    %mul3A_2220 = arith.muli %mul3A_2219, %add3A_2218 : i32
    %add3A_2221 = arith.constant 1920 : i32
    %add3A_2222 = arith.addi %add3A_2221, %mul3A_2220 : i32
    %dma_wait3A_2223 = arith.constant 0 : i32
    %dma_wait3A_2224 = arith.constant 1920 : i32
    %dma_wait3A_2225 = tpu.memref_slice %arg5[%dma_wait3A_2223, %dma_wait3A_2224] : memref<16x3968xf32, #tpu.memory_space<vmem>> -> memref<16x2048xf32, #tpu.memory_space<vmem>>
    %dma_wait3A_2226 = arith.constant 0 : i32
    %dma_wait3A_2227 = tpu.memref_slice %arg3[%select_n3A, %add3A_2132, %dma_wait3A_2226] : memref<16x2048x2048xf32, #tpu.memory_space<hbm>> -> memref<1x16x2048xf32, #tpu.memory_space<hbm>>
    %dma_wait3A_2228 = tpu.memref_squeeze %dma_wait3A_2227 : memref<1x16x2048xf32, #tpu.memory_space<hbm>> -> memref<16x2048xf32, #tpu.memory_space<hbm>>
    %dma_wait3A_2229 = arith.constant 0 : i32
    %dma_wait3A_2230 = tpu.memref_slice %arg3[%select_n3A, %add3A_2132, %dma_wait3A_2229] : memref<16x2048x2048xf32, #tpu.memory_space<hbm>> -> memref<1x16x2048xf32, #tpu.memory_space<hbm>>
    %dma_wait3A_2231 = tpu.memref_squeeze %dma_wait3A_2230 : memref<1x16x2048xf32, #tpu.memory_space<hbm>> -> memref<16x2048xf32, #tpu.memory_space<hbm>>
    %dma_wait3A_2232 = arith.constant 0 : i32
    %dma_wait3A_2233 = arith.constant 1920 : i32
    %dma_wait3A_2234 = tpu.memref_slice %arg5[%dma_wait3A_2232, %dma_wait3A_2233] : memref<16x3968xf32, #tpu.memory_space<vmem>> -> memref<16x2048xf32, #tpu.memory_space<vmem>>
    tpu.wait_dma2 semaphore(%arg8 : memref<!tpu.dma_semaphore, #tpu.memory_space<semaphore_mem>>) src(%dma_wait3A_2234 : memref<16x2048xf32, #tpu.memory_space<vmem>>) dst(%dma_wait3A_2231 : memref<16x2048xf32, #tpu.memory_space<hbm>>)
    %dma_wait3A_2235 = arith.constant 0 : i32
    %dma_wait3A_2236 = arith.constant 1792 : i32
    %dma_wait3A_2237 = tpu.memref_slice %arg5[%dma_wait3A_2235, %dma_wait3A_2236] : memref<16x3968xf32, #tpu.memory_space<vmem>> -> memref<16x2048xf32, #tpu.memory_space<vmem>>
    %dma_wait3A_2238 = arith.constant 0 : i32
    %dma_wait3A_2239 = tpu.memref_slice %arg3[%select_n3A, %add3A_2138, %dma_wait3A_2238] : memref<16x2048x2048xf32, #tpu.memory_space<hbm>> -> memref<1x16x2048xf32, #tpu.memory_space<hbm>>
    %dma_wait3A_2240 = tpu.memref_squeeze %dma_wait3A_2239 : memref<1x16x2048xf32, #tpu.memory_space<hbm>> -> memref<16x2048xf32, #tpu.memory_space<hbm>>
    %dma_wait3A_2241 = arith.constant 0 : i32
    %dma_wait3A_2242 = tpu.memref_slice %arg3[%select_n3A, %add3A_2138, %dma_wait3A_2241] : memref<16x2048x2048xf32, #tpu.memory_space<hbm>> -> memref<1x16x2048xf32, #tpu.memory_space<hbm>>
    %dma_wait3A_2243 = tpu.memref_squeeze %dma_wait3A_2242 : memref<1x16x2048xf32, #tpu.memory_space<hbm>> -> memref<16x2048xf32, #tpu.memory_space<hbm>>
    %dma_wait3A_2244 = arith.constant 0 : i32
    %dma_wait3A_2245 = arith.constant 1792 : i32
    %dma_wait3A_2246 = tpu.memref_slice %arg5[%dma_wait3A_2244, %dma_wait3A_2245] : memref<16x3968xf32, #tpu.memory_space<vmem>> -> memref<16x2048xf32, #tpu.memory_space<vmem>>
    tpu.wait_dma2 semaphore(%arg8 : memref<!tpu.dma_semaphore, #tpu.memory_space<semaphore_mem>>) src(%dma_wait3A_2246 : memref<16x2048xf32, #tpu.memory_space<vmem>>) dst(%dma_wait3A_2243 : memref<16x2048xf32, #tpu.memory_space<hbm>>)
    %dma_wait3A_2247 = arith.constant 0 : i32
    %dma_wait3A_2248 = arith.constant 1664 : i32
    %dma_wait3A_2249 = tpu.memref_slice %arg5[%dma_wait3A_2247, %dma_wait3A_2248] : memref<16x3968xf32, #tpu.memory_space<vmem>> -> memref<16x2048xf32, #tpu.memory_space<vmem>>
    %dma_wait3A_2250 = arith.constant 0 : i32
    %dma_wait3A_2251 = tpu.memref_slice %arg3[%select_n3A, %add3A_2144, %dma_wait3A_2250] : memref<16x2048x2048xf32, #tpu.memory_space<hbm>> -> memref<1x16x2048xf32, #tpu.memory_space<hbm>>
    %dma_wait3A_2252 = tpu.memref_squeeze %dma_wait3A_2251 : memref<1x16x2048xf32, #tpu.memory_space<hbm>> -> memref<16x2048xf32, #tpu.memory_space<hbm>>
    %dma_wait3A_2253 = arith.constant 0 : i32
    %dma_wait3A_2254 = tpu.memref_slice %arg3[%select_n3A, %add3A_2144, %dma_wait3A_2253] : memref<16x2048x2048xf32, #tpu.memory_space<hbm>> -> memref<1x16x2048xf32, #tpu.memory_space<hbm>>
    %dma_wait3A_2255 = tpu.memref_squeeze %dma_wait3A_2254 : memref<1x16x2048xf32, #tpu.memory_space<hbm>> -> memref<16x2048xf32, #tpu.memory_space<hbm>>
    %dma_wait3A_2256 = arith.constant 0 : i32
    %dma_wait3A_2257 = arith.constant 1664 : i32
    %dma_wait3A_2258 = tpu.memref_slice %arg5[%dma_wait3A_2256, %dma_wait3A_2257] : memref<16x3968xf32, #tpu.memory_space<vmem>> -> memref<16x2048xf32, #tpu.memory_space<vmem>>
    tpu.wait_dma2 semaphore(%arg8 : memref<!tpu.dma_semaphore, #tpu.memory_space<semaphore_mem>>) src(%dma_wait3A_2258 : memref<16x2048xf32, #tpu.memory_space<vmem>>) dst(%dma_wait3A_2255 : memref<16x2048xf32, #tpu.memory_space<hbm>>)
    %dma_wait3A_2259 = arith.constant 0 : i32
    %dma_wait3A_2260 = arith.constant 1536 : i32
    %dma_wait3A_2261 = tpu.memref_slice %arg5[%dma_wait3A_2259, %dma_wait3A_2260] : memref<16x3968xf32, #tpu.memory_space<vmem>> -> memref<16x2048xf32, #tpu.memory_space<vmem>>
    %dma_wait3A_2262 = arith.constant 0 : i32
    %dma_wait3A_2263 = tpu.memref_slice %arg3[%select_n3A, %add3A_2150, %dma_wait3A_2262] : memref<16x2048x2048xf32, #tpu.memory_space<hbm>> -> memref<1x16x2048xf32, #tpu.memory_space<hbm>>
    %dma_wait3A_2264 = tpu.memref_squeeze %dma_wait3A_2263 : memref<1x16x2048xf32, #tpu.memory_space<hbm>> -> memref<16x2048xf32, #tpu.memory_space<hbm>>
    %dma_wait3A_2265 = arith.constant 0 : i32
    %dma_wait3A_2266 = tpu.memref_slice %arg3[%select_n3A, %add3A_2150, %dma_wait3A_2265] : memref<16x2048x2048xf32, #tpu.memory_space<hbm>> -> memref<1x16x2048xf32, #tpu.memory_space<hbm>>
    %dma_wait3A_2267 = tpu.memref_squeeze %dma_wait3A_2266 : memref<1x16x2048xf32, #tpu.memory_space<hbm>> -> memref<16x2048xf32, #tpu.memory_space<hbm>>
    %dma_wait3A_2268 = arith.constant 0 : i32
    %dma_wait3A_2269 = arith.constant 1536 : i32
    %dma_wait3A_2270 = tpu.memref_slice %arg5[%dma_wait3A_2268, %dma_wait3A_2269] : memref<16x3968xf32, #tpu.memory_space<vmem>> -> memref<16x2048xf32, #tpu.memory_space<vmem>>
    tpu.wait_dma2 semaphore(%arg8 : memref<!tpu.dma_semaphore, #tpu.memory_space<semaphore_mem>>) src(%dma_wait3A_2270 : memref<16x2048xf32, #tpu.memory_space<vmem>>) dst(%dma_wait3A_2267 : memref<16x2048xf32, #tpu.memory_space<hbm>>)
    %dma_wait3A_2271 = arith.constant 0 : i32
    %dma_wait3A_2272 = arith.constant 1408 : i32
    %dma_wait3A_2273 = tpu.memref_slice %arg5[%dma_wait3A_2271, %dma_wait3A_2272] : memref<16x3968xf32, #tpu.memory_space<vmem>> -> memref<16x2048xf32, #tpu.memory_space<vmem>>
    %dma_wait3A_2274 = arith.constant 0 : i32
    %dma_wait3A_2275 = tpu.memref_slice %arg3[%select_n3A, %add3A_2156, %dma_wait3A_2274] : memref<16x2048x2048xf32, #tpu.memory_space<hbm>> -> memref<1x16x2048xf32, #tpu.memory_space<hbm>>
    %dma_wait3A_2276 = tpu.memref_squeeze %dma_wait3A_2275 : memref<1x16x2048xf32, #tpu.memory_space<hbm>> -> memref<16x2048xf32, #tpu.memory_space<hbm>>
    %dma_wait3A_2277 = arith.constant 0 : i32
    %dma_wait3A_2278 = tpu.memref_slice %arg3[%select_n3A, %add3A_2156, %dma_wait3A_2277] : memref<16x2048x2048xf32, #tpu.memory_space<hbm>> -> memref<1x16x2048xf32, #tpu.memory_space<hbm>>
    %dma_wait3A_2279 = tpu.memref_squeeze %dma_wait3A_2278 : memref<1x16x2048xf32, #tpu.memory_space<hbm>> -> memref<16x2048xf32, #tpu.memory_space<hbm>>
    %dma_wait3A_2280 = arith.constant 0 : i32
    %dma_wait3A_2281 = arith.constant 1408 : i32
    %dma_wait3A_2282 = tpu.memref_slice %arg5[%dma_wait3A_2280, %dma_wait3A_2281] : memref<16x3968xf32, #tpu.memory_space<vmem>> -> memref<16x2048xf32, #tpu.memory_space<vmem>>
    tpu.wait_dma2 semaphore(%arg8 : memref<!tpu.dma_semaphore, #tpu.memory_space<semaphore_mem>>) src(%dma_wait3A_2282 : memref<16x2048xf32, #tpu.memory_space<vmem>>) dst(%dma_wait3A_2279 : memref<16x2048xf32, #tpu.memory_space<hbm>>)
    %dma_wait3A_2283 = arith.constant 0 : i32
    %dma_wait3A_2284 = arith.constant 1280 : i32
    %dma_wait3A_2285 = tpu.memref_slice %arg5[%dma_wait3A_2283, %dma_wait3A_2284] : memref<16x3968xf32, #tpu.memory_space<vmem>> -> memref<16x2048xf32, #tpu.memory_space<vmem>>
    %dma_wait3A_2286 = arith.constant 0 : i32
    %dma_wait3A_2287 = tpu.memref_slice %arg3[%select_n3A, %add3A_2162, %dma_wait3A_2286] : memref<16x2048x2048xf32, #tpu.memory_space<hbm>> -> memref<1x16x2048xf32, #tpu.memory_space<hbm>>
    %dma_wait3A_2288 = tpu.memref_squeeze %dma_wait3A_2287 : memref<1x16x2048xf32, #tpu.memory_space<hbm>> -> memref<16x2048xf32, #tpu.memory_space<hbm>>
    %dma_wait3A_2289 = arith.constant 0 : i32
    %dma_wait3A_2290 = tpu.memref_slice %arg3[%select_n3A, %add3A_2162, %dma_wait3A_2289] : memref<16x2048x2048xf32, #tpu.memory_space<hbm>> -> memref<1x16x2048xf32, #tpu.memory_space<hbm>>
    %dma_wait3A_2291 = tpu.memref_squeeze %dma_wait3A_2290 : memref<1x16x2048xf32, #tpu.memory_space<hbm>> -> memref<16x2048xf32, #tpu.memory_space<hbm>>
    %dma_wait3A_2292 = arith.constant 0 : i32
    %dma_wait3A_2293 = arith.constant 1280 : i32
    %dma_wait3A_2294 = tpu.memref_slice %arg5[%dma_wait3A_2292, %dma_wait3A_2293] : memref<16x3968xf32, #tpu.memory_space<vmem>> -> memref<16x2048xf32, #tpu.memory_space<vmem>>
    tpu.wait_dma2 semaphore(%arg8 : memref<!tpu.dma_semaphore, #tpu.memory_space<semaphore_mem>>) src(%dma_wait3A_2294 : memref<16x2048xf32, #tpu.memory_space<vmem>>) dst(%dma_wait3A_2291 : memref<16x2048xf32, #tpu.memory_space<hbm>>)
    %dma_wait3A_2295 = arith.constant 0 : i32
    %dma_wait3A_2296 = arith.constant 1152 : i32
    %dma_wait3A_2297 = tpu.memref_slice %arg5[%dma_wait3A_2295, %dma_wait3A_2296] : memref<16x3968xf32, #tpu.memory_space<vmem>> -> memref<16x2048xf32, #tpu.memory_space<vmem>>
    %dma_wait3A_2298 = arith.constant 0 : i32
    %dma_wait3A_2299 = tpu.memref_slice %arg3[%select_n3A, %add3A_2168, %dma_wait3A_2298] : memref<16x2048x2048xf32, #tpu.memory_space<hbm>> -> memref<1x16x2048xf32, #tpu.memory_space<hbm>>
    %dma_wait3A_2300 = tpu.memref_squeeze %dma_wait3A_2299 : memref<1x16x2048xf32, #tpu.memory_space<hbm>> -> memref<16x2048xf32, #tpu.memory_space<hbm>>
    %dma_wait3A_2301 = arith.constant 0 : i32
    %dma_wait3A_2302 = tpu.memref_slice %arg3[%select_n3A, %add3A_2168, %dma_wait3A_2301] : memref<16x2048x2048xf32, #tpu.memory_space<hbm>> -> memref<1x16x2048xf32, #tpu.memory_space<hbm>>
    %dma_wait3A_2303 = tpu.memref_squeeze %dma_wait3A_2302 : memref<1x16x2048xf32, #tpu.memory_space<hbm>> -> memref<16x2048xf32, #tpu.memory_space<hbm>>
    %dma_wait3A_2304 = arith.constant 0 : i32
    %dma_wait3A_2305 = arith.constant 1152 : i32
    %dma_wait3A_2306 = tpu.memref_slice %arg5[%dma_wait3A_2304, %dma_wait3A_2305] : memref<16x3968xf32, #tpu.memory_space<vmem>> -> memref<16x2048xf32, #tpu.memory_space<vmem>>
    tpu.wait_dma2 semaphore(%arg8 : memref<!tpu.dma_semaphore, #tpu.memory_space<semaphore_mem>>) src(%dma_wait3A_2306 : memref<16x2048xf32, #tpu.memory_space<vmem>>) dst(%dma_wait3A_2303 : memref<16x2048xf32, #tpu.memory_space<hbm>>)
    %dma_wait3A_2307 = arith.constant 0 : i32
    %dma_wait3A_2308 = arith.constant 1024 : i32
    %dma_wait3A_2309 = tpu.memref_slice %arg5[%dma_wait3A_2307, %dma_wait3A_2308] : memref<16x3968xf32, #tpu.memory_space<vmem>> -> memref<16x2048xf32, #tpu.memory_space<vmem>>
    %dma_wait3A_2310 = arith.constant 0 : i32
    %dma_wait3A_2311 = tpu.memref_slice %arg3[%select_n3A, %add3A_2174, %dma_wait3A_2310] : memref<16x2048x2048xf32, #tpu.memory_space<hbm>> -> memref<1x16x2048xf32, #tpu.memory_space<hbm>>
    %dma_wait3A_2312 = tpu.memref_squeeze %dma_wait3A_2311 : memref<1x16x2048xf32, #tpu.memory_space<hbm>> -> memref<16x2048xf32, #tpu.memory_space<hbm>>
    %dma_wait3A_2313 = arith.constant 0 : i32
    %dma_wait3A_2314 = tpu.memref_slice %arg3[%select_n3A, %add3A_2174, %dma_wait3A_2313] : memref<16x2048x2048xf32, #tpu.memory_space<hbm>> -> memref<1x16x2048xf32, #tpu.memory_space<hbm>>
    %dma_wait3A_2315 = tpu.memref_squeeze %dma_wait3A_2314 : memref<1x16x2048xf32, #tpu.memory_space<hbm>> -> memref<16x2048xf32, #tpu.memory_space<hbm>>
    %dma_wait3A_2316 = arith.constant 0 : i32
    %dma_wait3A_2317 = arith.constant 1024 : i32
    %dma_wait3A_2318 = tpu.memref_slice %arg5[%dma_wait3A_2316, %dma_wait3A_2317] : memref<16x3968xf32, #tpu.memory_space<vmem>> -> memref<16x2048xf32, #tpu.memory_space<vmem>>
    tpu.wait_dma2 semaphore(%arg8 : memref<!tpu.dma_semaphore, #tpu.memory_space<semaphore_mem>>) src(%dma_wait3A_2318 : memref<16x2048xf32, #tpu.memory_space<vmem>>) dst(%dma_wait3A_2315 : memref<16x2048xf32, #tpu.memory_space<hbm>>)
    %dma_wait3A_2319 = arith.constant 0 : i32
    %dma_wait3A_2320 = arith.constant 896 : i32
    %dma_wait3A_2321 = tpu.memref_slice %arg5[%dma_wait3A_2319, %dma_wait3A_2320] : memref<16x3968xf32, #tpu.memory_space<vmem>> -> memref<16x2048xf32, #tpu.memory_space<vmem>>
    %dma_wait3A_2322 = arith.constant 0 : i32
    %dma_wait3A_2323 = tpu.memref_slice %arg3[%select_n3A, %add3A_2180, %dma_wait3A_2322] : memref<16x2048x2048xf32, #tpu.memory_space<hbm>> -> memref<1x16x2048xf32, #tpu.memory_space<hbm>>
    %dma_wait3A_2324 = tpu.memref_squeeze %dma_wait3A_2323 : memref<1x16x2048xf32, #tpu.memory_space<hbm>> -> memref<16x2048xf32, #tpu.memory_space<hbm>>
    %dma_wait3A_2325 = arith.constant 0 : i32
    %dma_wait3A_2326 = tpu.memref_slice %arg3[%select_n3A, %add3A_2180, %dma_wait3A_2325] : memref<16x2048x2048xf32, #tpu.memory_space<hbm>> -> memref<1x16x2048xf32, #tpu.memory_space<hbm>>
    %dma_wait3A_2327 = tpu.memref_squeeze %dma_wait3A_2326 : memref<1x16x2048xf32, #tpu.memory_space<hbm>> -> memref<16x2048xf32, #tpu.memory_space<hbm>>
    %dma_wait3A_2328 = arith.constant 0 : i32
    %dma_wait3A_2329 = arith.constant 896 : i32
    %dma_wait3A_2330 = tpu.memref_slice %arg5[%dma_wait3A_2328, %dma_wait3A_2329] : memref<16x3968xf32, #tpu.memory_space<vmem>> -> memref<16x2048xf32, #tpu.memory_space<vmem>>
    tpu.wait_dma2 semaphore(%arg8 : memref<!tpu.dma_semaphore, #tpu.memory_space<semaphore_mem>>) src(%dma_wait3A_2330 : memref<16x2048xf32, #tpu.memory_space<vmem>>) dst(%dma_wait3A_2327 : memref<16x2048xf32, #tpu.memory_space<hbm>>)
    %dma_wait3A_2331 = arith.constant 0 : i32
    %dma_wait3A_2332 = arith.constant 768 : i32
    %dma_wait3A_2333 = tpu.memref_slice %arg5[%dma_wait3A_2331, %dma_wait3A_2332] : memref<16x3968xf32, #tpu.memory_space<vmem>> -> memref<16x2048xf32, #tpu.memory_space<vmem>>
    %dma_wait3A_2334 = arith.constant 0 : i32
    %dma_wait3A_2335 = tpu.memref_slice %arg3[%select_n3A, %add3A_2186, %dma_wait3A_2334] : memref<16x2048x2048xf32, #tpu.memory_space<hbm>> -> memref<1x16x2048xf32, #tpu.memory_space<hbm>>
    %dma_wait3A_2336 = tpu.memref_squeeze %dma_wait3A_2335 : memref<1x16x2048xf32, #tpu.memory_space<hbm>> -> memref<16x2048xf32, #tpu.memory_space<hbm>>
    %dma_wait3A_2337 = arith.constant 0 : i32
    %dma_wait3A_2338 = tpu.memref_slice %arg3[%select_n3A, %add3A_2186, %dma_wait3A_2337] : memref<16x2048x2048xf32, #tpu.memory_space<hbm>> -> memref<1x16x2048xf32, #tpu.memory_space<hbm>>
    %dma_wait3A_2339 = tpu.memref_squeeze %dma_wait3A_2338 : memref<1x16x2048xf32, #tpu.memory_space<hbm>> -> memref<16x2048xf32, #tpu.memory_space<hbm>>
    %dma_wait3A_2340 = arith.constant 0 : i32
    %dma_wait3A_2341 = arith.constant 768 : i32
    %dma_wait3A_2342 = tpu.memref_slice %arg5[%dma_wait3A_2340, %dma_wait3A_2341] : memref<16x3968xf32, #tpu.memory_space<vmem>> -> memref<16x2048xf32, #tpu.memory_space<vmem>>
    tpu.wait_dma2 semaphore(%arg8 : memref<!tpu.dma_semaphore, #tpu.memory_space<semaphore_mem>>) src(%dma_wait3A_2342 : memref<16x2048xf32, #tpu.memory_space<vmem>>) dst(%dma_wait3A_2339 : memref<16x2048xf32, #tpu.memory_space<hbm>>)
    %dma_wait3A_2343 = arith.constant 0 : i32
    %dma_wait3A_2344 = arith.constant 640 : i32
    %dma_wait3A_2345 = tpu.memref_slice %arg5[%dma_wait3A_2343, %dma_wait3A_2344] : memref<16x3968xf32, #tpu.memory_space<vmem>> -> memref<16x2048xf32, #tpu.memory_space<vmem>>
    %dma_wait3A_2346 = arith.constant 0 : i32
    %dma_wait3A_2347 = tpu.memref_slice %arg3[%select_n3A, %add3A_2192, %dma_wait3A_2346] : memref<16x2048x2048xf32, #tpu.memory_space<hbm>> -> memref<1x16x2048xf32, #tpu.memory_space<hbm>>
    %dma_wait3A_2348 = tpu.memref_squeeze %dma_wait3A_2347 : memref<1x16x2048xf32, #tpu.memory_space<hbm>> -> memref<16x2048xf32, #tpu.memory_space<hbm>>
    %dma_wait3A_2349 = arith.constant 0 : i32
    %dma_wait3A_2350 = tpu.memref_slice %arg3[%select_n3A, %add3A_2192, %dma_wait3A_2349] : memref<16x2048x2048xf32, #tpu.memory_space<hbm>> -> memref<1x16x2048xf32, #tpu.memory_space<hbm>>
    %dma_wait3A_2351 = tpu.memref_squeeze %dma_wait3A_2350 : memref<1x16x2048xf32, #tpu.memory_space<hbm>> -> memref<16x2048xf32, #tpu.memory_space<hbm>>
    %dma_wait3A_2352 = arith.constant 0 : i32
    %dma_wait3A_2353 = arith.constant 640 : i32
    %dma_wait3A_2354 = tpu.memref_slice %arg5[%dma_wait3A_2352, %dma_wait3A_2353] : memref<16x3968xf32, #tpu.memory_space<vmem>> -> memref<16x2048xf32, #tpu.memory_space<vmem>>
    tpu.wait_dma2 semaphore(%arg8 : memref<!tpu.dma_semaphore, #tpu.memory_space<semaphore_mem>>) src(%dma_wait3A_2354 : memref<16x2048xf32, #tpu.memory_space<vmem>>) dst(%dma_wait3A_2351 : memref<16x2048xf32, #tpu.memory_space<hbm>>)
    %dma_wait3A_2355 = arith.constant 0 : i32
    %dma_wait3A_2356 = arith.constant 512 : i32
    %dma_wait3A_2357 = tpu.memref_slice %arg5[%dma_wait3A_2355, %dma_wait3A_2356] : memref<16x3968xf32, #tpu.memory_space<vmem>> -> memref<16x2048xf32, #tpu.memory_space<vmem>>
    %dma_wait3A_2358 = arith.constant 0 : i32
    %dma_wait3A_2359 = tpu.memref_slice %arg3[%select_n3A, %add3A_2198, %dma_wait3A_2358] : memref<16x2048x2048xf32, #tpu.memory_space<hbm>> -> memref<1x16x2048xf32, #tpu.memory_space<hbm>>
    %dma_wait3A_2360 = tpu.memref_squeeze %dma_wait3A_2359 : memref<1x16x2048xf32, #tpu.memory_space<hbm>> -> memref<16x2048xf32, #tpu.memory_space<hbm>>
    %dma_wait3A_2361 = arith.constant 0 : i32
    %dma_wait3A_2362 = tpu.memref_slice %arg3[%select_n3A, %add3A_2198, %dma_wait3A_2361] : memref<16x2048x2048xf32, #tpu.memory_space<hbm>> -> memref<1x16x2048xf32, #tpu.memory_space<hbm>>
    %dma_wait3A_2363 = tpu.memref_squeeze %dma_wait3A_2362 : memref<1x16x2048xf32, #tpu.memory_space<hbm>> -> memref<16x2048xf32, #tpu.memory_space<hbm>>
    %dma_wait3A_2364 = arith.constant 0 : i32
    %dma_wait3A_2365 = arith.constant 512 : i32
    %dma_wait3A_2366 = tpu.memref_slice %arg5[%dma_wait3A_2364, %dma_wait3A_2365] : memref<16x3968xf32, #tpu.memory_space<vmem>> -> memref<16x2048xf32, #tpu.memory_space<vmem>>
    tpu.wait_dma2 semaphore(%arg8 : memref<!tpu.dma_semaphore, #tpu.memory_space<semaphore_mem>>) src(%dma_wait3A_2366 : memref<16x2048xf32, #tpu.memory_space<vmem>>) dst(%dma_wait3A_2363 : memref<16x2048xf32, #tpu.memory_space<hbm>>)
    %dma_wait3A_2367 = arith.constant 0 : i32
    %dma_wait3A_2368 = arith.constant 384 : i32
    %dma_wait3A_2369 = tpu.memref_slice %arg5[%dma_wait3A_2367, %dma_wait3A_2368] : memref<16x3968xf32, #tpu.memory_space<vmem>> -> memref<16x2048xf32, #tpu.memory_space<vmem>>
    %dma_wait3A_2370 = arith.constant 0 : i32
    %dma_wait3A_2371 = tpu.memref_slice %arg3[%select_n3A, %add3A_2204, %dma_wait3A_2370] : memref<16x2048x2048xf32, #tpu.memory_space<hbm>> -> memref<1x16x2048xf32, #tpu.memory_space<hbm>>
    %dma_wait3A_2372 = tpu.memref_squeeze %dma_wait3A_2371 : memref<1x16x2048xf32, #tpu.memory_space<hbm>> -> memref<16x2048xf32, #tpu.memory_space<hbm>>
    %dma_wait3A_2373 = arith.constant 0 : i32
    %dma_wait3A_2374 = tpu.memref_slice %arg3[%select_n3A, %add3A_2204, %dma_wait3A_2373] : memref<16x2048x2048xf32, #tpu.memory_space<hbm>> -> memref<1x16x2048xf32, #tpu.memory_space<hbm>>
    %dma_wait3A_2375 = tpu.memref_squeeze %dma_wait3A_2374 : memref<1x16x2048xf32, #tpu.memory_space<hbm>> -> memref<16x2048xf32, #tpu.memory_space<hbm>>
    %dma_wait3A_2376 = arith.constant 0 : i32
    %dma_wait3A_2377 = arith.constant 384 : i32
    %dma_wait3A_2378 = tpu.memref_slice %arg5[%dma_wait3A_2376, %dma_wait3A_2377] : memref<16x3968xf32, #tpu.memory_space<vmem>> -> memref<16x2048xf32, #tpu.memory_space<vmem>>
    tpu.wait_dma2 semaphore(%arg8 : memref<!tpu.dma_semaphore, #tpu.memory_space<semaphore_mem>>) src(%dma_wait3A_2378 : memref<16x2048xf32, #tpu.memory_space<vmem>>) dst(%dma_wait3A_2375 : memref<16x2048xf32, #tpu.memory_space<hbm>>)
    %dma_wait3A_2379 = arith.constant 0 : i32
    %dma_wait3A_2380 = arith.constant 256 : i32
    %dma_wait3A_2381 = tpu.memref_slice %arg5[%dma_wait3A_2379, %dma_wait3A_2380] : memref<16x3968xf32, #tpu.memory_space<vmem>> -> memref<16x2048xf32, #tpu.memory_space<vmem>>
    %dma_wait3A_2382 = arith.constant 0 : i32
    %dma_wait3A_2383 = tpu.memref_slice %arg3[%select_n3A, %add3A_2210, %dma_wait3A_2382] : memref<16x2048x2048xf32, #tpu.memory_space<hbm>> -> memref<1x16x2048xf32, #tpu.memory_space<hbm>>
    %dma_wait3A_2384 = tpu.memref_squeeze %dma_wait3A_2383 : memref<1x16x2048xf32, #tpu.memory_space<hbm>> -> memref<16x2048xf32, #tpu.memory_space<hbm>>
    %dma_wait3A_2385 = arith.constant 0 : i32
    %dma_wait3A_2386 = tpu.memref_slice %arg3[%select_n3A, %add3A_2210, %dma_wait3A_2385] : memref<16x2048x2048xf32, #tpu.memory_space<hbm>> -> memref<1x16x2048xf32, #tpu.memory_space<hbm>>
    %dma_wait3A_2387 = tpu.memref_squeeze %dma_wait3A_2386 : memref<1x16x2048xf32, #tpu.memory_space<hbm>> -> memref<16x2048xf32, #tpu.memory_space<hbm>>
    %dma_wait3A_2388 = arith.constant 0 : i32
    %dma_wait3A_2389 = arith.constant 256 : i32
    %dma_wait3A_2390 = tpu.memref_slice %arg5[%dma_wait3A_2388, %dma_wait3A_2389] : memref<16x3968xf32, #tpu.memory_space<vmem>> -> memref<16x2048xf32, #tpu.memory_space<vmem>>
    tpu.wait_dma2 semaphore(%arg8 : memref<!tpu.dma_semaphore, #tpu.memory_space<semaphore_mem>>) src(%dma_wait3A_2390 : memref<16x2048xf32, #tpu.memory_space<vmem>>) dst(%dma_wait3A_2387 : memref<16x2048xf32, #tpu.memory_space<hbm>>)
    %dma_wait3A_2391 = arith.constant 0 : i32
    %dma_wait3A_2392 = arith.constant 128 : i32
    %dma_wait3A_2393 = tpu.memref_slice %arg5[%dma_wait3A_2391, %dma_wait3A_2392] : memref<16x3968xf32, #tpu.memory_space<vmem>> -> memref<16x2048xf32, #tpu.memory_space<vmem>>
    %dma_wait3A_2394 = arith.constant 0 : i32
    %dma_wait3A_2395 = tpu.memref_slice %arg3[%select_n3A, %add3A_2216, %dma_wait3A_2394] : memref<16x2048x2048xf32, #tpu.memory_space<hbm>> -> memref<1x16x2048xf32, #tpu.memory_space<hbm>>
    %dma_wait3A_2396 = tpu.memref_squeeze %dma_wait3A_2395 : memref<1x16x2048xf32, #tpu.memory_space<hbm>> -> memref<16x2048xf32, #tpu.memory_space<hbm>>
    %dma_wait3A_2397 = arith.constant 0 : i32
    %dma_wait3A_2398 = tpu.memref_slice %arg3[%select_n3A, %add3A_2216, %dma_wait3A_2397] : memref<16x2048x2048xf32, #tpu.memory_space<hbm>> -> memref<1x16x2048xf32, #tpu.memory_space<hbm>>
    %dma_wait3A_2399 = tpu.memref_squeeze %dma_wait3A_2398 : memref<1x16x2048xf32, #tpu.memory_space<hbm>> -> memref<16x2048xf32, #tpu.memory_space<hbm>>
    %dma_wait3A_2400 = arith.constant 0 : i32
    %dma_wait3A_2401 = arith.constant 128 : i32
    %dma_wait3A_2402 = tpu.memref_slice %arg5[%dma_wait3A_2400, %dma_wait3A_2401] : memref<16x3968xf32, #tpu.memory_space<vmem>> -> memref<16x2048xf32, #tpu.memory_space<vmem>>
    tpu.wait_dma2 semaphore(%arg8 : memref<!tpu.dma_semaphore, #tpu.memory_space<semaphore_mem>>) src(%dma_wait3A_2402 : memref<16x2048xf32, #tpu.memory_space<vmem>>) dst(%dma_wait3A_2399 : memref<16x2048xf32, #tpu.memory_space<hbm>>)
    %dma_wait3A_2403 = arith.constant 0 : i32
    %dma_wait3A_2404 = arith.constant 0 : i32
    %dma_wait3A_2405 = tpu.memref_slice %arg5[%dma_wait3A_2403, %dma_wait3A_2404] : memref<16x3968xf32, #tpu.memory_space<vmem>> -> memref<16x2048xf32, #tpu.memory_space<vmem>>
    %dma_wait3A_2406 = arith.constant 0 : i32
    %dma_wait3A_2407 = tpu.memref_slice %arg3[%select_n3A, %add3A_2222, %dma_wait3A_2406] : memref<16x2048x2048xf32, #tpu.memory_space<hbm>> -> memref<1x16x2048xf32, #tpu.memory_space<hbm>>
    %dma_wait3A_2408 = tpu.memref_squeeze %dma_wait3A_2407 : memref<1x16x2048xf32, #tpu.memory_space<hbm>> -> memref<16x2048xf32, #tpu.memory_space<hbm>>
    %dma_wait3A_2409 = arith.constant 0 : i32
    %dma_wait3A_2410 = tpu.memref_slice %arg3[%select_n3A, %add3A_2222, %dma_wait3A_2409] : memref<16x2048x2048xf32, #tpu.memory_space<hbm>> -> memref<1x16x2048xf32, #tpu.memory_space<hbm>>
    %dma_wait3A_2411 = tpu.memref_squeeze %dma_wait3A_2410 : memref<1x16x2048xf32, #tpu.memory_space<hbm>> -> memref<16x2048xf32, #tpu.memory_space<hbm>>
    %dma_wait3A_2412 = arith.constant 0 : i32
    %dma_wait3A_2413 = arith.constant 0 : i32
    %dma_wait3A_2414 = tpu.memref_slice %arg5[%dma_wait3A_2412, %dma_wait3A_2413] : memref<16x3968xf32, #tpu.memory_space<vmem>> -> memref<16x2048xf32, #tpu.memory_space<vmem>>
    tpu.wait_dma2 semaphore(%arg8 : memref<!tpu.dma_semaphore, #tpu.memory_space<semaphore_mem>>) src(%dma_wait3A_2414 : memref<16x2048xf32, #tpu.memory_space<vmem>>) dst(%dma_wait3A_2411 : memref<16x2048xf32, #tpu.memory_space<hbm>>)
    return
  }
}

module attributes {stable_mosaic.version = 14 : i64} {
  func.func @_tc_build_w(%arg0: i32, %arg1: memref<1x1x4352xf32, #tpu.memory_space<vmem>>, %arg2: memref<1x128x3968xf32, #tpu.memory_space<vmem>>) attributes {dimension_semantics = [#tpu.dimension_semantics<parallel>], iteration_bounds = array<i64: 16>, scalar_prefetch = 0 : i64, scratch_operands = 0 : i64, tpu.core_type = #tpu.core_type<tc>, window_params = [{transform_indices = @transform_0, window_bounds = array<i64: 1, 1, 4352>}, {transform_indices = @transform_1, window_bounds = array<i64: 1, 128, 3968>}]} {
    %get3A = arith.constant 0 : index
    %get3A_0 = arith.constant 0 : index
    %get3A_1 = arith.constant 0 : index
    %get3A_2 = vector.load %arg1[%get3A, %get3A_0, %get3A_1] : memref<1x1x4352xf32, #tpu.memory_space<vmem>>, vector<1x1x4352xf32>
    %get3A_3 = vector.shape_cast %get3A_2 : vector<1x1x4352xf32> to vector<4352xf32>
    %broadcast_in_dim3A = vector.shape_cast %get3A_3 : vector<4352xf32> to vector<1x4352xf32>
    %broadcast_in_dim3A_4 = vector.shape_cast %broadcast_in_dim3A : vector<1x4352xf32> to vector<1x4352xf32>
    %broadcast_in_dim3A_5 = vector.broadcast %broadcast_in_dim3A_4 : vector<1x4352xf32> to vector<8x4352xf32>
    %roll3A = arith.constant 4225 : i32
    %roll3A_6 = tpu.dynamic_rotate %broadcast_in_dim3A_5 by %roll3A dim 1 {stride = 1 : si32, stride_dimension = 0 : si32} : vector<8x4352xf32>, i32 -> vector<8x4352xf32>
    %slice3A = vector.extract_strided_slice %roll3A_6 {offsets = [0, 0], sizes = [8, 3968], strides = [1, 1]} : vector<8x4352xf32> to vector<8x3968xf32>
    %swap3A = arith.constant 0 : index
    %swap3A_7 = arith.constant 0 : index
    %swap3A_8 = arith.constant 0 : index
    %swap3A_9 = vector.load %arg2[%swap3A, %swap3A_7, %swap3A_8] : memref<1x128x3968xf32, #tpu.memory_space<vmem>>, vector<1x8x3968xf32>
    %swap3A_10 = vector.shape_cast %swap3A_9 : vector<1x8x3968xf32> to vector<8x3968xf32>
    %swap3A_11 = vector.shape_cast %slice3A : vector<8x3968xf32> to vector<1x8x3968xf32>
    tpu.vector_store %arg2[%swap3A, %swap3A_7, %swap3A_8], %swap3A_11 {strides = array<i32>} : memref<1x128x3968xf32, #tpu.memory_space<vmem>>, vector<1x8x3968xf32>,
    %roll3A_12 = arith.constant 4233 : i32
    %roll3A_13 = tpu.dynamic_rotate %broadcast_in_dim3A_5 by %roll3A_12 dim 1 {stride = 1 : si32, stride_dimension = 0 : si32} : vector<8x4352xf32>, i32 -> vector<8x4352xf32>
    %slice3A_14 = vector.extract_strided_slice %roll3A_13 {offsets = [0, 0], sizes = [8, 3968], strides = [1, 1]} : vector<8x4352xf32> to vector<8x3968xf32>
    %swap3A_15 = arith.constant 0 : index
    %swap3A_16 = arith.constant 8 : index
    %swap3A_17 = arith.constant 0 : index
    %swap3A_18 = vector.load %arg2[%swap3A_15, %swap3A_16, %swap3A_17] : memref<1x128x3968xf32, #tpu.memory_space<vmem>>, vector<1x8x3968xf32>
    %swap3A_19 = vector.shape_cast %swap3A_18 : vector<1x8x3968xf32> to vector<8x3968xf32>
    %swap3A_20 = vector.shape_cast %slice3A_14 : vector<8x3968xf32> to vector<1x8x3968xf32>
    tpu.vector_store %arg2[%swap3A_15, %swap3A_16, %swap3A_17], %swap3A_20 {strides = array<i32>} : memref<1x128x3968xf32, #tpu.memory_space<vmem>>, vector<1x8x3968xf32>,
    %roll3A_21 = arith.constant 4241 : i32
    %roll3A_22 = tpu.dynamic_rotate %broadcast_in_dim3A_5 by %roll3A_21 dim 1 {stride = 1 : si32, stride_dimension = 0 : si32} : vector<8x4352xf32>, i32 -> vector<8x4352xf32>
    %slice3A_23 = vector.extract_strided_slice %roll3A_22 {offsets = [0, 0], sizes = [8, 3968], strides = [1, 1]} : vector<8x4352xf32> to vector<8x3968xf32>
    %swap3A_24 = arith.constant 0 : index
    %swap3A_25 = arith.constant 16 : index
    %swap3A_26 = arith.constant 0 : index
    %swap3A_27 = vector.load %arg2[%swap3A_24, %swap3A_25, %swap3A_26] : memref<1x128x3968xf32, #tpu.memory_space<vmem>>, vector<1x8x3968xf32>
    %swap3A_28 = vector.shape_cast %swap3A_27 : vector<1x8x3968xf32> to vector<8x3968xf32>
    %swap3A_29 = vector.shape_cast %slice3A_23 : vector<8x3968xf32> to vector<1x8x3968xf32>
    tpu.vector_store %arg2[%swap3A_24, %swap3A_25, %swap3A_26], %swap3A_29 {strides = array<i32>} : memref<1x128x3968xf32, #tpu.memory_space<vmem>>, vector<1x8x3968xf32>,
    %roll3A_30 = arith.constant 4249 : i32
    %roll3A_31 = tpu.dynamic_rotate %broadcast_in_dim3A_5 by %roll3A_30 dim 1 {stride = 1 : si32, stride_dimension = 0 : si32} : vector<8x4352xf32>, i32 -> vector<8x4352xf32>
    %slice3A_32 = vector.extract_strided_slice %roll3A_31 {offsets = [0, 0], sizes = [8, 3968], strides = [1, 1]} : vector<8x4352xf32> to vector<8x3968xf32>
    %swap3A_33 = arith.constant 0 : index
    %swap3A_34 = arith.constant 24 : index
    %swap3A_35 = arith.constant 0 : index
    %swap3A_36 = vector.load %arg2[%swap3A_33, %swap3A_34, %swap3A_35] : memref<1x128x3968xf32, #tpu.memory_space<vmem>>, vector<1x8x3968xf32>
    %swap3A_37 = vector.shape_cast %swap3A_36 : vector<1x8x3968xf32> to vector<8x3968xf32>
    %swap3A_38 = vector.shape_cast %slice3A_32 : vector<8x3968xf32> to vector<1x8x3968xf32>
    tpu.vector_store %arg2[%swap3A_33, %swap3A_34, %swap3A_35], %swap3A_38 {strides = array<i32>} : memref<1x128x3968xf32, #tpu.memory_space<vmem>>, vector<1x8x3968xf32>,
    %roll3A_39 = arith.constant 4257 : i32
    %roll3A_40 = tpu.dynamic_rotate %broadcast_in_dim3A_5 by %roll3A_39 dim 1 {stride = 1 : si32, stride_dimension = 0 : si32} : vector<8x4352xf32>, i32 -> vector<8x4352xf32>
    %slice3A_41 = vector.extract_strided_slice %roll3A_40 {offsets = [0, 0], sizes = [8, 3968], strides = [1, 1]} : vector<8x4352xf32> to vector<8x3968xf32>
    %swap3A_42 = arith.constant 0 : index
    %swap3A_43 = arith.constant 32 : index
    %swap3A_44 = arith.constant 0 : index
    %swap3A_45 = vector.load %arg2[%swap3A_42, %swap3A_43, %swap3A_44] : memref<1x128x3968xf32, #tpu.memory_space<vmem>>, vector<1x8x3968xf32>
    %swap3A_46 = vector.shape_cast %swap3A_45 : vector<1x8x3968xf32> to vector<8x3968xf32>
    %swap3A_47 = vector.shape_cast %slice3A_41 : vector<8x3968xf32> to vector<1x8x3968xf32>
    tpu.vector_store %arg2[%swap3A_42, %swap3A_43, %swap3A_44], %swap3A_47 {strides = array<i32>} : memref<1x128x3968xf32, #tpu.memory_space<vmem>>, vector<1x8x3968xf32>,
    %roll3A_48 = arith.constant 4265 : i32
    %roll3A_49 = tpu.dynamic_rotate %broadcast_in_dim3A_5 by %roll3A_48 dim 1 {stride = 1 : si32, stride_dimension = 0 : si32} : vector<8x4352xf32>, i32 -> vector<8x4352xf32>
    %slice3A_50 = vector.extract_strided_slice %roll3A_49 {offsets = [0, 0], sizes = [8, 3968], strides = [1, 1]} : vector<8x4352xf32> to vector<8x3968xf32>
    %swap3A_51 = arith.constant 0 : index
    %swap3A_52 = arith.constant 40 : index
    %swap3A_53 = arith.constant 0 : index
    %swap3A_54 = vector.load %arg2[%swap3A_51, %swap3A_52, %swap3A_53] : memref<1x128x3968xf32, #tpu.memory_space<vmem>>, vector<1x8x3968xf32>
    %swap3A_55 = vector.shape_cast %swap3A_54 : vector<1x8x3968xf32> to vector<8x3968xf32>
    %swap3A_56 = vector.shape_cast %slice3A_50 : vector<8x3968xf32> to vector<1x8x3968xf32>
    tpu.vector_store %arg2[%swap3A_51, %swap3A_52, %swap3A_53], %swap3A_56 {strides = array<i32>} : memref<1x128x3968xf32, #tpu.memory_space<vmem>>, vector<1x8x3968xf32>,
    %roll3A_57 = arith.constant 4273 : i32
    %roll3A_58 = tpu.dynamic_rotate %broadcast_in_dim3A_5 by %roll3A_57 dim 1 {stride = 1 : si32, stride_dimension = 0 : si32} : vector<8x4352xf32>, i32 -> vector<8x4352xf32>
    %slice3A_59 = vector.extract_strided_slice %roll3A_58 {offsets = [0, 0], sizes = [8, 3968], strides = [1, 1]} : vector<8x4352xf32> to vector<8x3968xf32>
    %swap3A_60 = arith.constant 0 : index
    %swap3A_61 = arith.constant 48 : index
    %swap3A_62 = arith.constant 0 : index
    %swap3A_63 = vector.load %arg2[%swap3A_60, %swap3A_61, %swap3A_62] : memref<1x128x3968xf32, #tpu.memory_space<vmem>>, vector<1x8x3968xf32>
    %swap3A_64 = vector.shape_cast %swap3A_63 : vector<1x8x3968xf32> to vector<8x3968xf32>
    %swap3A_65 = vector.shape_cast %slice3A_59 : vector<8x3968xf32> to vector<1x8x3968xf32>
    tpu.vector_store %arg2[%swap3A_60, %swap3A_61, %swap3A_62], %swap3A_65 {strides = array<i32>} : memref<1x128x3968xf32, #tpu.memory_space<vmem>>, vector<1x8x3968xf32>,
    %roll3A_66 = arith.constant 4281 : i32
    %roll3A_67 = tpu.dynamic_rotate %broadcast_in_dim3A_5 by %roll3A_66 dim 1 {stride = 1 : si32, stride_dimension = 0 : si32} : vector<8x4352xf32>, i32 -> vector<8x4352xf32>
    %slice3A_68 = vector.extract_strided_slice %roll3A_67 {offsets = [0, 0], sizes = [8, 3968], strides = [1, 1]} : vector<8x4352xf32> to vector<8x3968xf32>
    %swap3A_69 = arith.constant 0 : index
    %swap3A_70 = arith.constant 56 : index
    %swap3A_71 = arith.constant 0 : index
    %swap3A_72 = vector.load %arg2[%swap3A_69, %swap3A_70, %swap3A_71] : memref<1x128x3968xf32, #tpu.memory_space<vmem>>, vector<1x8x3968xf32>
    %swap3A_73 = vector.shape_cast %swap3A_72 : vector<1x8x3968xf32> to vector<8x3968xf32>
    %swap3A_74 = vector.shape_cast %slice3A_68 : vector<8x3968xf32> to vector<1x8x3968xf32>
    tpu.vector_store %arg2[%swap3A_69, %swap3A_70, %swap3A_71], %swap3A_74 {strides = array<i32>} : memref<1x128x3968xf32, #tpu.memory_space<vmem>>, vector<1x8x3968xf32>,
    %roll3A_75 = arith.constant 4289 : i32
    %roll3A_76 = tpu.dynamic_rotate %broadcast_in_dim3A_5 by %roll3A_75 dim 1 {stride = 1 : si32, stride_dimension = 0 : si32} : vector<8x4352xf32>, i32 -> vector<8x4352xf32>
    %slice3A_77 = vector.extract_strided_slice %roll3A_76 {offsets = [0, 0], sizes = [8, 3968], strides = [1, 1]} : vector<8x4352xf32> to vector<8x3968xf32>
    %swap3A_78 = arith.constant 0 : index
    %swap3A_79 = arith.constant 64 : index
    %swap3A_80 = arith.constant 0 : index
    %swap3A_81 = vector.load %arg2[%swap3A_78, %swap3A_79, %swap3A_80] : memref<1x128x3968xf32, #tpu.memory_space<vmem>>, vector<1x8x3968xf32>
    %swap3A_82 = vector.shape_cast %swap3A_81 : vector<1x8x3968xf32> to vector<8x3968xf32>
    %swap3A_83 = vector.shape_cast %slice3A_77 : vector<8x3968xf32> to vector<1x8x3968xf32>
    tpu.vector_store %arg2[%swap3A_78, %swap3A_79, %swap3A_80], %swap3A_83 {strides = array<i32>} : memref<1x128x3968xf32, #tpu.memory_space<vmem>>, vector<1x8x3968xf32>,
    %roll3A_84 = arith.constant 4297 : i32
    %roll3A_85 = tpu.dynamic_rotate %broadcast_in_dim3A_5 by %roll3A_84 dim 1 {stride = 1 : si32, stride_dimension = 0 : si32} : vector<8x4352xf32>, i32 -> vector<8x4352xf32>
    %slice3A_86 = vector.extract_strided_slice %roll3A_85 {offsets = [0, 0], sizes = [8, 3968], strides = [1, 1]} : vector<8x4352xf32> to vector<8x3968xf32>
    %swap3A_87 = arith.constant 0 : index
    %swap3A_88 = arith.constant 72 : index
    %swap3A_89 = arith.constant 0 : index
    %swap3A_90 = vector.load %arg2[%swap3A_87, %swap3A_88, %swap3A_89] : memref<1x128x3968xf32, #tpu.memory_space<vmem>>, vector<1x8x3968xf32>
    %swap3A_91 = vector.shape_cast %swap3A_90 : vector<1x8x3968xf32> to vector<8x3968xf32>
    %swap3A_92 = vector.shape_cast %slice3A_86 : vector<8x3968xf32> to vector<1x8x3968xf32>
    tpu.vector_store %arg2[%swap3A_87, %swap3A_88, %swap3A_89], %swap3A_92 {strides = array<i32>} : memref<1x128x3968xf32, #tpu.memory_space<vmem>>, vector<1x8x3968xf32>,
    %roll3A_93 = arith.constant 4305 : i32
    %roll3A_94 = tpu.dynamic_rotate %broadcast_in_dim3A_5 by %roll3A_93 dim 1 {stride = 1 : si32, stride_dimension = 0 : si32} : vector<8x4352xf32>, i32 -> vector<8x4352xf32>
    %slice3A_95 = vector.extract_strided_slice %roll3A_94 {offsets = [0, 0], sizes = [8, 3968], strides = [1, 1]} : vector<8x4352xf32> to vector<8x3968xf32>
    %swap3A_96 = arith.constant 0 : index
    %swap3A_97 = arith.constant 80 : index
    %swap3A_98 = arith.constant 0 : index
    %swap3A_99 = vector.load %arg2[%swap3A_96, %swap3A_97, %swap3A_98] : memref<1x128x3968xf32, #tpu.memory_space<vmem>>, vector<1x8x3968xf32>
    %swap3A_100 = vector.shape_cast %swap3A_99 : vector<1x8x3968xf32> to vector<8x3968xf32>
    %swap3A_101 = vector.shape_cast %slice3A_95 : vector<8x3968xf32> to vector<1x8x3968xf32>
    tpu.vector_store %arg2[%swap3A_96, %swap3A_97, %swap3A_98], %swap3A_101 {strides = array<i32>} : memref<1x128x3968xf32, #tpu.memory_space<vmem>>, vector<1x8x3968xf32>,
    %roll3A_102 = arith.constant 4313 : i32
    %roll3A_103 = tpu.dynamic_rotate %broadcast_in_dim3A_5 by %roll3A_102 dim 1 {stride = 1 : si32, stride_dimension = 0 : si32} : vector<8x4352xf32>, i32 -> vector<8x4352xf32>
    %slice3A_104 = vector.extract_strided_slice %roll3A_103 {offsets = [0, 0], sizes = [8, 3968], strides = [1, 1]} : vector<8x4352xf32> to vector<8x3968xf32>
    %swap3A_105 = arith.constant 0 : index
    %swap3A_106 = arith.constant 88 : index
    %swap3A_107 = arith.constant 0 : index
    %swap3A_108 = vector.load %arg2[%swap3A_105, %swap3A_106, %swap3A_107] : memref<1x128x3968xf32, #tpu.memory_space<vmem>>, vector<1x8x3968xf32>
    %swap3A_109 = vector.shape_cast %swap3A_108 : vector<1x8x3968xf32> to vector<8x3968xf32>
    %swap3A_110 = vector.shape_cast %slice3A_104 : vector<8x3968xf32> to vector<1x8x3968xf32>
    tpu.vector_store %arg2[%swap3A_105, %swap3A_106, %swap3A_107], %swap3A_110 {strides = array<i32>} : memref<1x128x3968xf32, #tpu.memory_space<vmem>>, vector<1x8x3968xf32>,
    %roll3A_111 = arith.constant 4321 : i32
    %roll3A_112 = tpu.dynamic_rotate %broadcast_in_dim3A_5 by %roll3A_111 dim 1 {stride = 1 : si32, stride_dimension = 0 : si32} : vector<8x4352xf32>, i32 -> vector<8x4352xf32>
    %slice3A_113 = vector.extract_strided_slice %roll3A_112 {offsets = [0, 0], sizes = [8, 3968], strides = [1, 1]} : vector<8x4352xf32> to vector<8x3968xf32>
    %swap3A_114 = arith.constant 0 : index
    %swap3A_115 = arith.constant 96 : index
    %swap3A_116 = arith.constant 0 : index
    %swap3A_117 = vector.load %arg2[%swap3A_114, %swap3A_115, %swap3A_116] : memref<1x128x3968xf32, #tpu.memory_space<vmem>>, vector<1x8x3968xf32>
    %swap3A_118 = vector.shape_cast %swap3A_117 : vector<1x8x3968xf32> to vector<8x3968xf32>
    %swap3A_119 = vector.shape_cast %slice3A_113 : vector<8x3968xf32> to vector<1x8x3968xf32>
    tpu.vector_store %arg2[%swap3A_114, %swap3A_115, %swap3A_116], %swap3A_119 {strides = array<i32>} : memref<1x128x3968xf32, #tpu.memory_space<vmem>>, vector<1x8x3968xf32>,
    %roll3A_120 = arith.constant 4329 : i32
    %roll3A_121 = tpu.dynamic_rotate %broadcast_in_dim3A_5 by %roll3A_120 dim 1 {stride = 1 : si32, stride_dimension = 0 : si32} : vector<8x4352xf32>, i32 -> vector<8x4352xf32>
    %slice3A_122 = vector.extract_strided_slice %roll3A_121 {offsets = [0, 0], sizes = [8, 3968], strides = [1, 1]} : vector<8x4352xf32> to vector<8x3968xf32>
    %swap3A_123 = arith.constant 0 : index
    %swap3A_124 = arith.constant 104 : index
    %swap3A_125 = arith.constant 0 : index
    %swap3A_126 = vector.load %arg2[%swap3A_123, %swap3A_124, %swap3A_125] : memref<1x128x3968xf32, #tpu.memory_space<vmem>>, vector<1x8x3968xf32>
    %swap3A_127 = vector.shape_cast %swap3A_126 : vector<1x8x3968xf32> to vector<8x3968xf32>
    %swap3A_128 = vector.shape_cast %slice3A_122 : vector<8x3968xf32> to vector<1x8x3968xf32>
    tpu.vector_store %arg2[%swap3A_123, %swap3A_124, %swap3A_125], %swap3A_128 {strides = array<i32>} : memref<1x128x3968xf32, #tpu.memory_space<vmem>>, vector<1x8x3968xf32>,
    %roll3A_129 = arith.constant 4337 : i32
    %roll3A_130 = tpu.dynamic_rotate %broadcast_in_dim3A_5 by %roll3A_129 dim 1 {stride = 1 : si32, stride_dimension = 0 : si32} : vector<8x4352xf32>, i32 -> vector<8x4352xf32>
    %slice3A_131 = vector.extract_strided_slice %roll3A_130 {offsets = [0, 0], sizes = [8, 3968], strides = [1, 1]} : vector<8x4352xf32> to vector<8x3968xf32>
    %swap3A_132 = arith.constant 0 : index
    %swap3A_133 = arith.constant 112 : index
    %swap3A_134 = arith.constant 0 : index
    %swap3A_135 = vector.load %arg2[%swap3A_132, %swap3A_133, %swap3A_134] : memref<1x128x3968xf32, #tpu.memory_space<vmem>>, vector<1x8x3968xf32>
    %swap3A_136 = vector.shape_cast %swap3A_135 : vector<1x8x3968xf32> to vector<8x3968xf32>
    %swap3A_137 = vector.shape_cast %slice3A_131 : vector<8x3968xf32> to vector<1x8x3968xf32>
    tpu.vector_store %arg2[%swap3A_132, %swap3A_133, %swap3A_134], %swap3A_137 {strides = array<i32>} : memref<1x128x3968xf32, #tpu.memory_space<vmem>>, vector<1x8x3968xf32>,
    %roll3A_138 = arith.constant 4345 : i32
    %roll3A_139 = tpu.dynamic_rotate %broadcast_in_dim3A_5 by %roll3A_138 dim 1 {stride = 1 : si32, stride_dimension = 0 : si32} : vector<8x4352xf32>, i32 -> vector<8x4352xf32>
    %slice3A_140 = vector.extract_strided_slice %roll3A_139 {offsets = [0, 0], sizes = [8, 3968], strides = [1, 1]} : vector<8x4352xf32> to vector<8x3968xf32>
    %swap3A_141 = arith.constant 0 : index
    %swap3A_142 = arith.constant 120 : index
    %swap3A_143 = arith.constant 0 : index
    %swap3A_144 = vector.load %arg2[%swap3A_141, %swap3A_142, %swap3A_143] : memref<1x128x3968xf32, #tpu.memory_space<vmem>>, vector<1x8x3968xf32>
    %swap3A_145 = vector.shape_cast %swap3A_144 : vector<1x8x3968xf32> to vector<8x3968xf32>
    %swap3A_146 = vector.shape_cast %slice3A_140 : vector<8x3968xf32> to vector<1x8x3968xf32>
    tpu.vector_store %arg2[%swap3A_141, %swap3A_142, %swap3A_143], %swap3A_146 {strides = array<i32>} : memref<1x128x3968xf32, #tpu.memory_space<vmem>>, vector<1x8x3968xf32>,
    return
  }
  func.func @transform_0(%arg0: i32) -> (i32, i32, i32) {
    %c0_i32 = arith.constant 0 : i32
    %c0_i32_0 = arith.constant 0 : i32
    %c0_i32_1 = arith.constant 0 : i32
    return %arg0, %c0_i32, %c0_i32_0 : i32, i32, i32
  }
  func.func @transform_1(%arg0: i32) -> (i32, i32, i32) {
    %c0_i32 = arith.constant 0 : i32
    %c0_i32_0 = arith.constant 0 : i32
    %c0_i32_1 = arith.constant 0 : i32
    return %arg0, %c0_i32, %c0_i32_0 : i32, i32, i32
  }
}

</mosaic_0001>

<sc_bundles>
// kernel: kernel.4.cloned.1.call-start
scs
__scs_entry_jumppad:
0x0: {  	(pc) =	sbr.rel $0x88, $3  }
0x1: {  	(tag) =	ssettag $0x0;
	lr =	simm.s32 $0x1  }
0x2: {  	[smem:$0x3FA0] =	sst lr;
	_ =	strace $0xD0000000  }
0x3: {  	_ = 	snop  }
0x4: {  	_ = 	snop  }
0x5: {  	_ = 	snop  }
0x6: {  	_ = 	snop  }
0x7: {  	_ = 	snop  }
__scs_overlays_trampoline_lowered:
0x8: {  	[smem:$0x3FAF] =	sst s0  }
0x9: {  	[smem:$0x3FB0] =	sst s1  }
0xa: {  	[smem:$0x3FB1] =	sst s2  }
0xb: {  	[smem:$0x3FB2] =	sst s3  }
0xc: {  	[smem:$0x3FB3] =	sst s4  }
0xd: {  	[smem:$0x3FB4] =	sst s5  }
0xe: {  	[smem:$0x3FB5] =	sst s6  }
0xf: {  	[smem:$0x3FB6] =	sst s7  }
0x10: {  	[smem:$0x3FB7] =	sst s8  }
0x11: {  	[smem:$0x3FB8] =	sst s9;
	s0 =	simm.s32 @!p0 $0x0  }
0x12: {  	s1 =	sld [smem:$0x3F9E];
	s0 =	simm.s32 @p0 $0x1  }
0x13: {  	[smem:$0x3FB9] =	sst s0;
	s0 =	simm.s32 @!p1 $0x0  }
0x14: {  	s2 =	sld [smem:$0x3F9D];
	s0 =	simm.s32 @p1 $0x1  }
0x15: {  	[smem:$0x3FBA] =	sst s0;
	s0 =	simm.s32 @!p2 $0x0  }
0x16: {  	s3 =	sld [smem:$0x3FDB];
	s0 =	simm.s32 @p2 $0x1  }
0x17: {  	s4 =	simm.s32 $0x1BF5;
	[smem:$0x3FBC] =	sst s0  }
0x18: {  	s0 =	sld [smem:$0x3F9F];
	_ =	swait.ge [sflag:s4], $0x0  }
0x19: {  	s7 =	sld [smem:$0x3FA0]  }
0x1a: {  	s8 =	sadd.s32 $0xFFFFE003, lr  }
0x1b: {  	s9 =	sadd.s32 $0xFFFFFEF7, lr;
	s5 =	simm.s32 $0xFFFFFFFF;
	p2 =	slt.u32 s8, $0xFFFFF086  }
0x1c: {  	p1 =	slt.u32 s9, $0xF7A;
	s5 =	simm.s32 @!p2 $0x0  }
0x1d: {  	s5 =	simm.s32 @p1 $0x1;
	p0 =	seq.s32 s7, s2  }
0x1e: {  	s7 =	smul.u32 @!p0 $0xF7A, s2;
	p2 =	seq.s32 @!p0 s5, $0x0  }
0x1f: {  	s9 =	smul.u32 $0xF7A, s1;
	s8 =	simm.s32 @!p0 $0x1BF5;
	p2 =	por !p2, p0  }
0x20: {  	[sflag:s8] =	ssyncset.s32 @!p0 $0xFFFFF086;
	s6 =	sadd.s32 @!p0 s3, s7;
	s7 =	simm.s32 @!p0 $0x108  }
0x21: {  	s3 =	sadd.s32 s3, s9;
	s6 =	sadd.s32 @!p0 $0x88, s6;
	s7 =	simm.s32 @p2 $0x1082  }
0x22: {  	[simem:s7], [sflag:s8] =	dma.local @!p0 [hbm:s6], $0xF7A  }
0x23: {  	s9 =	sor.u32 $0xD0000000, s2;
	s6 =	simm.s32 $0x108;
	_ =	swait.ge @!p0 [sflag:s8], $0x0  }
0x24: {  	s3 =	sadd.s32 $0x88, s3;
	s6 =	simm.s32 @!p1 $0x1082;
	[sflag:s4] =	ssyncset.s32 $0xFFFFF086  }
0x25: {  	[simem:s6], [sflag:s4] =	dma.local [hbm:s3], $0xF7A  }
0x26: {  	[smem:$0x3FA0] =	sst s1;
	(tag) =	ssettag s2;
	_ =	strace s9  }
0x27: {  	s1 =	sld [smem:$0x3FB0]  }
0x28: {  	s2 =	sld [smem:$0x3FB1]  }
0x29: {  	s4 =	sld [smem:$0x3FB3]  }
0x2a: {  	p0 =	seq.s32 s5, $0x0;
	s5 =	sld [smem:$0x3FB4]  }
0x2b: {  	s6 =	sld [smem:$0x3FB5]  }
0x2c: {  	s7 =	sld [smem:$0x3FB6]  }
0x2d: {  	s3 =	simm.s32 $0x108;
	s8 =	sld [smem:$0x3FB7]  }
0x2e: {  	s3 =	simm.s32 @!p0 $0x1082;
	s9 =	sld [smem:$0x3FB8]  }
0x2f: {  	lr =	sadd.s32 s0, s3;
	s0 =	sld [smem:$0x3FAF]  }
0x30: {  	s3 =	sld [smem:$0x3FB2]  }
0x31: {  	[smem:$0x3FBB] =	sst s10  }
0x32: {  	s10 =	sld [smem:$0x3FB9];
	_ =	sdelay $0x3  }
0x33: {  	p0 =	seq.s32 s10, $0x1;
	s10 =	sld [smem:$0x3FBB];
	_ =	sdelay $0x3  }
0x34: {  	[smem:$0x3FBB] =	sst s10  }
0x35: {  	s10 =	sld [smem:$0x3FBA];
	_ =	sdelay $0x3  }
0x36: {  	p1 =	seq.s32 s10, $0x1;
	s10 =	sld [smem:$0x3FBB];
	_ =	sdelay $0x3  }
0x37: {  	[smem:$0x3FBB] =	sst s10  }
0x38: {  	s10 =	sld [smem:$0x3FBC]  }
0x39: {  	_ = 	snop;
	(pc) =	sbr.ind lr, $3  }
0x3a: {  	_ = 	snop  }
0x3b: {  	_ = 	snop  }
0x3c: {  	p2 =	seq.s32 s10, $0x1;
	s10 =	sld [smem:$0x3FBB]  }
0x3d: {  	_ =	shalt  }
0x3e: {  	_ =	shalt  }
0x3f: {  	_ =	shalt  }
0x40: {  	_ =	shalt  }
0x41: {  	_ =	shalt  }
0x42: {  	_ =	shalt  }
0x43: {  	_ =	shalt  }
0x44: {  	_ =	shalt  }
0x45: {  	_ =	shalt  }
0x46: {  	_ =	shalt  }
0x47: {  	_ =	shalt  }
0x48: {  	_ =	shalt  }
0x49: {  	_ =	shalt  }
0x4a: {  	_ =	shalt  }
0x4b: {  	_ =	shalt  }
0x4c: {  	_ =	shalt  }
0x4d: {  	_ =	shalt  }
0x4e: {  	_ =	shalt  }
0x4f: {  	_ =	shalt  }
0x50: {  	_ =	shalt  }
0x51: {  	_ =	shalt  }
0x52: {  	_ =	shalt  }
0x53: {  	_ =	shalt  }
0x54: {  	_ =	shalt  }
0x55: {  	_ =	shalt  }
0x56: {  	_ =	shalt  }
0x57: {  	_ =	shalt  }
0x58: {  	_ =	shalt  }
0x59: {  	_ =	shalt  }
0x5a: {  	_ =	shalt  }
0x5b: {  	_ =	shalt  }
0x5c: {  	_ =	shalt  }
0x5d: {  	_ =	shalt  }
0x5e: {  	_ =	shalt  }
0x5f: {  	_ =	shalt  }
0x60: {  	_ =	shalt  }
0x61: {  	_ =	shalt  }
0x62: {  	_ =	shalt  }
0x63: {  	_ =	shalt  }
0x64: {  	_ =	shalt  }
0x65: {  	_ =	shalt  }
0x66: {  	_ =	shalt  }
0x67: {  	_ =	shalt  }
0x68: {  	_ =	shalt  }
0x69: {  	_ =	shalt  }
0x6a: {  	_ =	shalt  }
0x6b: {  	_ =	shalt  }
0x6c: {  	_ =	shalt  }
0x6d: {  	_ =	shalt  }
0x6e: {  	_ =	shalt  }
0x6f: {  	_ =	shalt  }
0x70: {  	_ =	shalt  }
0x71: {  	_ =	shalt  }
0x72: {  	_ =	shalt  }
0x73: {  	_ =	shalt  }
0x74: {  	_ =	shalt  }
0x75: {  	_ =	shalt  }
0x76: {  	_ =	shalt  }
0x77: {  	_ =	shalt  }
0x78: {  	_ =	shalt  }
0x79: {  	_ =	shalt  }
0x7a: {  	_ =	shalt  }
0x7b: {  	_ =	shalt  }
0x7c: {  	_ =	shalt  }
0x7d: {  	_ =	shalt  }
0x7e: {  	_ =	shalt  }
0x7f: {  	_ =	shalt  }
0x80: {  	_ =	shalt  }
0x81: {  	_ =	shalt  }
0x82: {  	_ =	shalt  }
0x83: {  	_ =	shalt  }
0x84: {  	_ =	shalt  }
0x85: {  	_ =	shalt  }
0x86: {  	_ =	shalt  }
0x87: {  	_ =	shalt  }
.Lfunc_end0:
.L_simem_size_0:
called_computation_lowered:
.L_overlay_start_0:
0x88: {  	s2 =	sld [smem:$0x3FD9]  }
0x89: {  	s3 =	sld [smem:$0x3FFE];
	_ =	sdelay $0x1  }
0x8a: {  	s1 =	srdreg.scid  }
0x8b: {  	s0 =	sand.u32 $0x1, s1  }
0x8c: {  	s17 =	sshll.u32 s0, $0xA;
	s2 =	sadd.s32 s3, s2  }
0x8d: {  	s2 =	sadd.s32 s2, s17  }
0x8e: {  	[smem:$0x3FC7] =	sst s2  }
0x8f: {  	_ = 	snop  }
0x90: {  	s2 =	sld [smem:$0x3FD0];
	(tm) =	ssettm $0x1  }
0x91: {  	s18 =	sld [smem:$0x3FFB];
	_ =	sdelay $0x3  }
0x92: {  	_ =	strace s18  }
0x93: {  	s3 =	sld [smem:$0x3FFC];
	_ =	sdelay $0x3  }
0x94: {  	_ =	strace s3  }
0x95: {  	s3 =	sld [smem:$0x3FFD];
	_ =	sdelay $0x3  }
0x96: {  	_ =	strace s3  }
0x97: {  	_ =	strace $0x8FFFFFFF  }
0x98: {  	s19 =	sld [smem:$0x3FDB];
	_ =	sdelay $0x1  }
0x99: {  	s4 =	simm.s32 $_scs_section_size  }
0x9a: {  	s5 =	simm.s32 $_size__tile_overlayer_lowered;
	s6 =	simm.s32 $_tile_overlayer_lowered  }
0x9b: {  	s22 =	simm.s32 $0x1BFF;
	s21 =	sshll.u32 s6, $0x1;
	s3 =	sadd.s32 s4, s19  }
0x9c: {  	s7 =	simm.s32 $0x0;
	s20 =	sshll.u32 s5, $0x1;
	s5 =	sadd.s32 s21, s3  }
0x9d: {  	[timem:s7], [sflag:s22] =	dma.local [hbm:s5], s20  }
0x9e: {  	_ =	swait.ge [sflag:s22], s20  }
0x9f: {  	s4 =	ssub.s32 $0x0, s20;
	[sflag:s22] =	ssyncset.done $0x0  }
0xa0: {  	[sflag:s22] =	ssyncadd.s32 s4;
	_ =	sdelay $0x1  }
0xa1: {  	s23 =	simm.s32 $0x1B8B  }
0xa2: {  	_ =	swait.ge [sflag:s23], $0x1  }
0xa3: {  	[sflag:s23] =	ssyncset.done $0x0  }
0xa4: {  	s25 =	simm.s32 $0x1B8E;
	s24 =	sld [smem:$0x3FFE];
	[sflag:s23] =	ssyncadd.s32 $0xFFFFFFFF  }
0xa5: {  	s26 =	simm.s32 $execute0_lowered;
	[smem:$0x3FD2] =	sst s25  }
0xa6: {  	s5 =	sshll.u32 s26, $0x1;
	_ =	strace $0x80000046;
	[dreg:$0x1] =	wrdreg $0xFFFFFFFF  }
0xa7: {  	s28 =	simm.s32 $_size_execute0_lowered;
	s3 =	sadd.s32 s3, s5;
	[dreg:$0x0] =	wrdreg $0x0  }
0xa8: {  	s5 =	sshll.u32 s28, $0x1;
	[dreg:$0x2] =	wrdreg s3  }
0xa9: {  	[dreg:$0x3] =	wrdreg s5  }
0xaa: {  	[dreg:$0x4] =	wrdreg $0xC0  }
0xab: {  	_ =	task [dreg:s7], $0x5FFFF  }
0xac: {  	[dreg:$0x1] =	wrdreg $0xFFFFFFFF  }
0xad: {  	[dreg:$0x0] =	wrdreg $0x60  }
0xae: {  	[dreg:$0x2] =	wrdreg s24  }
0xaf: {  	[dreg:$0x3] =	wrdreg s2  }
0xb0: {  	[dreg:$0x4] =	wrdreg $0x9  }
0xb1: {  	_ =	task.clear_ibuf [dreg:s7], $0x5FFFF;
	_ =	strace $0x90000046  }
0xb2: {  	s29 =	simm.s32 $0x9;
	_ =	strace $0x80000048  }
0xb3: {  	_ =	swait.ge [sflag:s29], $0x1  }
0xb4: {  	[sflag:s29] =	ssyncadd.s32 $0xFFFFFFFF  }
0xb5: {  	_ =	strace $0x90000048  }
0xb6: {  	_ =	sfence  }
0xb7: {  	s30 =	sld [smem:$0x0];
	_ =	sdelay $0x2  }
0xb8: {  	s31 =	sshll.u32 s1, $0xD;
	s1 =	sshrl.u32 s1, $0x2  }
0xb9: {  	s3 =	sand.u32 $0x4000, s31;
	s1 =	sadd.s32 s1, s30  }
0xba: {  	s0 =	sor.u32 s3, s0;
	s1 =	sshll.u32 s1, $0x11  }
0xbb: {  	s0 =	sor.u32 s1, s0  }
0xbc: {  	s0 =	sadd.s32 $0x8F2B, s0  }
0xbd: {  	[sflag:s0] =	ssyncadd.remote.s32 $0x1  }
0xbe: {  	_ =	sfence.sel $0xFFFF  }
0xbf: {  	[dreg:$0x0] =	wrdreg $0xFFFFFFFF;
	(pc) =	sbr.abs _section_cstart, $3  }
0xc0: {  	[dreg:$0x1] =	wrdreg $0xFFFFFFFF  }
0xc1: {  	_ =	task.clear_ibuf [dreg:s7], $0x2FFFF;
	_ =	strace $0x9FFFFFFF  }
0xc2: {  	(tm) =	ssettm $0x7FFFFFFF  }
0xc3: {  	_ =	shalt  }
tec
execute0_lowered:
.L_overlay_start_1:
0x0: {  	(tag) =	ssettag $0x1  }
0x1: {  	s0 =	srdreg.scid  }
0x2: {  	s5 =	stileid.u32;
	s1 =	sand.u32 $0x1, s0  }
0x3: {  	s0 =	sor.u32 s1, s5  }
0x4: {  	p1 =	seq.s32 s1, $0x1;
	p0 =	seq.s32 s0, $0x0  }
0x5: {  	p0 =	por !p0, !p1  }
0x6: {  	s3 =	simm.s32 $0x1;
	p0 =	por !p0, !p0  }
0x7: {  	s4 =	rddreg [dreg:$0x0];
	s3 =	simm.s32 @!p0 $0x0  }
0x8: {  	s2 =	simm.s32 $0x0;
	s6 =	smul.u32 $0x3E000, s1;
	s3 =	ssub.s32 s5, s3  }
0x9: {  	s8 =	sshll.u32 s1, $0x11;
	s5 =	smul.u32 $0x7C000, s3;
	s13 =	sshll.u32 s3, $0x16  }
0xa: {  	[smem:$0x7FF] =	sst s2;
	s8 =	sor.u32 s8, s13  }
0xb: {  	s0 =	rddreg [dreg:$0x1];
	s6 =	sadd.s32 s6, s5;
	s8 =	sshrl.u32 s8, $0x3  }
0xc: {  	s7 =	ssub.s32 $0x2, s1;
	s6 =	sshrl.u32 s6, $0x3;
	s14 =	sadd.s32 s0, s8  }
0xd: {  	_ =	strace $0x80000047;
	s6 =	sadd.s32 s4, s6;
	[smem:$0x7FD] =	sst s14  }
0xe: {  	s26 =	sshrl.u32 s7, $0x1;
	s30 =	sadd.s32 $0x8000, s14;
	[dreg:$0x3] =	wrdreg s6  }
0xf: {  	s3 =	ssub.s32 s7, s26;
	s7 =	sadd.s32 $0x10000, s14;
	[smem:$0x7DC] =	sst s30  }
0x10: {  	s8 =	sadd.s32 $0x18000, s14;
	[smem:$0x7DD] =	sst s7  }
0x11: {  	s11 =	sadd.s32 $0x28000, s14;
	[smem:$0x7DE] =	sst s8  }
0x12: {  	s10 =	sadd.s32 $0x30000, s14;
	[smem:$0x7E0] =	sst s11  }
0x13: {  	s15 =	sadd.s32 $0x38000, s14;
	[smem:$0x7E1] =	sst s10  }
0x14: {  	s20 =	sadd.s32 $0x58000, s14;
	[smem:$0x7E2] =	sst s15  }
0x15: {  	s21 =	sadd.s32 $0x60000, s14;
	[smem:$0x7E6] =	sst s20  }
0x16: {  	s22 =	sadd.s32 $0x68000, s14;
	[smem:$0x7E7] =	sst s21  }
0x17: {  	s23 =	sadd.s32 $0x70000, s14;
	[smem:$0x7E8] =	sst s22  }
0x18: {  	s25 =	sadd.s32 $0x78000, s14;
	[smem:$0x7E9] =	sst s23  }
0x19: {  	s1 =	sshll.u32 s1, $0x3;
	s8 =	sadd.s32 $0x20000, s14;
	[smem:$0x7EA] =	sst s25  }
0x1a: {  	s9 =	sor.u32 $0x2, s1;
	s11 =	sadd.s32 $0x40000, s14;
	[smem:$0x7DF] =	sst s8  }
0x1b: {  	s16 =	sor.u32 $0x4, s1;
	s15 =	sadd.s32 $0x50000, s14;
	[smem:$0x7E3] =	sst s11  }
0x1c: {  	s12 =	smul.u32 $0x7C00, s9;
	s7 =	sadd.s32 $0x9000, s14;
	[smem:$0x7E5] =	sst s15  }
0x1d: {  	s6 =	sshll.u32 s9, $0xE;
	s9 =	sadd.s32 $0x11000, s14;
	[smem:$0x7EC] =	sst s7  }
0x1e: {  	s17 =	smul.u32 $0x7C00, s16;
	s10 =	sadd.s32 $0x19000, s14;
	[smem:$0x7ED] =	sst s9  }
0x1f: {  	s30 =	sshll.u32 s16, $0xE;
	s16 =	sadd.s32 $0x41000, s14;
	[smem:$0x7EE] =	sst s10  }
0x20: {  	s1 =	sor.u32 $0x6, s1;
	s20 =	sadd.s32 $0x59000, s14;
	[dreg:$0x1d] =	wrdreg s16  }
0x21: {  	s18 =	smul.u32 $0x7C00, s1;
	s21 =	sadd.s32 $0x61000, s14;
	[dreg:$0x1a] =	wrdreg s20  }
0x22: {  	s1 =	sshll.u32 s1, $0xE;
	s22 =	sadd.s32 $0x69000, s14;
	[dreg:$0x19] =	wrdreg s21  }
0x23: {  	s1 =	sor.u32 s1, s13;
	s23 =	sadd.s32 $0x71000, s14;
	[dreg:$0x18] =	wrdreg s22  }
0x24: {  	s25 =	sadd.s32 $0xA000, s14;
	s8 =	sadd.s32 s12, s5;
	[dreg:$0x17] =	wrdreg s23  }
0x25: {  	s12 =	sadd.s32 $0x48000, s14;
	s24 =	sor.u32 s6, s13;
	[dreg:$0x15] =	wrdreg s25  }
0x26: {  	s6 =	sor.u32 s30, s13;
	s13 =	sadd.s32 $0x31000, s14;
	[smem:$0x7E4] =	sst s12  }
0x27: {  	s11 =	sadd.s32 s17, s5;
	s15 =	sadd.s32 $0x39000, s14;
	[smem:$0x7F1] =	sst s13  }
0x28: {  	s5 =	sadd.s32 s18, s5;
	s18 =	sadd.s32 $0x49000, s14;
	[dreg:$0x1e] =	wrdreg s15  }
0x29: {  	s30 =	sadd.s32 $0x1A000, s14;
	[dreg:$0x1c] =	wrdreg s18  }
0x2a: {  	s7 =	sadd.s32 $0x42000, s14;
	[dreg:$0x13] =	wrdreg s30  }
0x2b: {  	s9 =	sadd.s32 $0x52000, s14;
	[dreg:$0xe] =	wrdreg s7  }
0x2c: {  	s10 =	sadd.s32 $0x5A000, s14;
	[dreg:$0xc] =	wrdreg s9  }
0x2d: {  	s16 =	sadd.s32 $0xB000, s14;
	[dreg:$0xb] =	wrdreg s10  }
0x2e: {  	s20 =	sadd.s32 $0x23000, s14;
	[smem:$0x7F2] =	sst s16  }
0x2f: {  	s29 =	simm.s32 $0x1;
	s21 =	sadd.s32 $0x2B000, s14;
	[smem:$0x7F5] =	sst s20  }
0x30: {  	s31 =	simm.s32 $0x9800;
	s22 =	sadd.s32 $0x33000, s14;
	[smem:$0x7F6] =	sst s21  }
0x31: {  	p0 =	por $0x0, $0x0;
	s23 =	sadd.s32 $0x3B000, s14;
	[smem:$0x7F7] =	sst s22  }
0x32: {  	s1 =	sshrl.u32 s1, $0x3;
	s25 =	sadd.s32 $0x4B000, s14;
	[smem:$0x7F8] =	sst s23  }
0x33: {  	s19 =	sshrl.u32 s11, $0x3;
	s11 =	sadd.s32 $0x21000, s14;
	[smem:$0x7FA] =	sst s25  }
0x34: {  	s28 =	sadd.s32 $0x7B000, s14;
	s12 =	sadd.s32 $0x29000, s14;
	[smem:$0x7EF] =	sst s11  }
0x35: {  	s26 =	sshrl.u32 s24, $0x3;
	s24 =	sadd.s32 $0x79000, s14;
	[smem:$0x7F0] =	sst s12  }
0x36: {  	s17 =	sadd.s32 s0, s1;
	s13 =	sadd.s32 $0x72000, s14;
	[dreg:$0x16] =	wrdreg s24  }
0x37: {  	s8 =	sshrl.u32 s8, $0x3;
	s15 =	sadd.s32 $0x7A000, s14;
	[dreg:$0x8] =	wrdreg s13  }
0x38: {  	s5 =	sshrl.u32 s5, $0x3;
	s18 =	sadd.s32 $0x13000, s14;
	[dreg:$0x7] =	wrdreg s15  }
0x39: {  	s30 =	sadd.s32 $0x5B000, s14;
	s7 =	simm.s32 $0x3C00;
	[smem:$0x7F3] =	sst s18  }
0x3a: {  	s25 =	simm.s32 $0x2800;
	s22 =	simm.s32 $0xA400;
	[smem:$0x7FC] =	sst s30  }
0x3b: {  	s9 =	simm.s32 $0xA000;
	s8 =	sadd.s32 s4, s8;
	s15 =	rddreg [dreg:$0x3]  }
0x3c: {  	s20 =	simm.s32 $0x9C00;
	s11 =	sadd.s32 $0x62000, s14;
	[dreg:$0x4] =	wrdreg s8  }
0x3d: {  	s21 =	simm.s32 $0x9400;
	s12 =	sadd.s32 $0x6A000, s14;
	[dreg:$0xa] =	wrdreg s11  }
0x3e: {  	s23 =	simm.s32 $0x18400;
	s24 =	sadd.s32 $0x43000, s14;
	[dreg:$0x9] =	wrdreg s12  }
0x3f: {  	s10 =	simm.s32 $0xFC00;
	s8 =	sadd.s32 s4, s19;
	[smem:$0x7F9] =	sst s24  }
0x40: {  	s18 =	simm.s32 $0x8800;
	s4 =	sadd.s32 s4, s5;
	[dreg:$0x5] =	wrdreg s8  }
0x41: {  	s19 =	sadd.s32 $0x51000, s14;
	s5 =	sadd.s32 $0x32000, s14;
	[dreg:$0x6] =	wrdreg s4  }
0x42: {  	s11 =	simm.s32 $0xB800;
	s12 =	simm.s32 $0xF800;
	[dreg:$0x1b] =	wrdreg s19  }
0x43: {  	s24 =	simm.s32 $0x18000;
	s4 =	sadd.s32 s0, s26;
	[dreg:$0x10] =	wrdreg s5  }
0x44: {  	s8 =	smax.u32 s3, $0x1;
	s26 =	sadd.s32 $0x12000, s14;
	[smem:$0x7EB] =	sst s4  }
0x45: {  	s3 =	sadd.s32 $0x22000, s14;
	s19 =	sadd.s32 $0x1B000, s14;
	[dreg:$0x14] =	wrdreg s26  }
0x46: {  	s4 =	sshrl.u32 s6, $0x3;
	p1 =	sne.s32 s8, $0x1;
	[dreg:$0x12] =	wrdreg s3  }
0x47: {  	s1 =	sadd.s32 $0xFFFFFFFF, s8;
	s6 =	sadd.s32 $0x3A000, s14;
	[smem:$0x7F4] =	sst s19  }
0x48: {  	s8 =	sadd.s32 $0x4A000, s14;
	s26 =	sadd.s32 $0x53000, s14;
	[dreg:$0xf] =	wrdreg s6  }
.Ltmp0:
0x49: {  	s19 =	simm.s32 $0x8C00;
	[dreg:$0xd] =	wrdreg s8;
	(pc) =	sbr.rel @!p1 .LBB2_1-.Ltmp0, $4  }
0x4a: {  	s3 =	simm.s32 $0x8400;
	s4 =	sadd.s32 s0, s4;
	[smem:$0x7FB] =	sst s26  }
0x4b: {  	s6 =	sadd.s32 $0x63000, s14;
	s8 =	sadd.s32 $0x6B000, s14;
	s26 =	sadd.s32 $0x73000, s14  }
0x4c: {  	s0 =	simm.s32 $0x8000;
	[dreg:$0x1f] =	wrdreg s4;
	s4 =	sadd.s32 $0x2A000, s14  }
0x4d: {  	s14 =	simm.s32 $0x2;
	[dreg:$0x11] =	wrdreg s4;
	s4 =	simm.s32 $0x3  }
0x4e: {  	[tilespmem:s2], [sflag:$0x1] =	stream.linear.gather [hbm4b:s15+s2], $0xF800, $0x38;
	[tilespmem:$0x1F000] =	vst v63  }
0x4f: {  	_ =	swait.ge [sflag:s29], $0xF800  }
0x50: {  	s16 =	sld [smem:$0x7FD]  }
0x51: {  	[sflag:s29] =	ssyncset.done $0x0  }
0x52: {  	[sflag:s29] =	ssyncadd.s32 $0xFFFF0800  }
0x53: {  	[hbm4b:s16+s2] =	stream.linear.scatter [tilespmem:s7], [sflag:$0x2], $0x4000, $0x38;
	[tilespmem:$0x1F000] =	vst v63  }
0x54: {  	s30 =	sld [smem:$0x7DC];
	s15 =	sadd.s32 $0x800, s16  }
0x55: {  	[hbm4b:s15+s2] =	stream.linear.scatter [tilespmem:s11], [sflag:$0x2], $0x4000, $0x38;
	[tilespmem:$0x1F000] =	vst v63  }
0x56: {  	s5 =	simm.s32 $0x3800;
	s16 =	sld [smem:$0x7DD]  }
0x57: {  	[hbm4b:s30+s2] =	stream.linear.scatter [tilespmem:s5], [sflag:$0x2], $0x4000, $0x38;
	[tilespmem:$0x1F000] =	vst v63  }
0x58: {  	s13 =	simm.s32 $0xB400;
	[smem:$0x796] =	sst s15;
	s15 =	sadd.s32 $0x800, s30  }
0x59: {  	[hbm4b:s15+s2] =	stream.linear.scatter [tilespmem:s13], [sflag:$0x2], $0x4000, $0x38;
	[tilespmem:$0x1F000] =	vst v63  }
0x5a: {  	s30 =	simm.s32 $0x3400;
	s13 =	sadd.s32 $0x800, s16  }
0x5b: {  	[hbm4b:s16+s2] =	stream.linear.scatter [tilespmem:s30], [sflag:$0x2], $0x4000, $0x38;
	[tilespmem:$0x1F000] =	vst v63  }
0x5c: {  	[smem:$0x798] =	sst s13;
	s16 =	simm.s32 $0xB000  }
0x5d: {  	[hbm4b:s13+s2] =	stream.linear.scatter [tilespmem:s16], [sflag:$0x2], $0x4000, $0x38;
	[tilespmem:$0x1F000] =	vst v63  }
0x5e: {  	s13 =	sld [smem:$0x7DE];
	_ =	sdelay $0x1  }
0x5f: {  	s30 =	simm.s32 $0x3000  }
0x60: {  	[hbm4b:s13+s2] =	stream.linear.scatter [tilespmem:s30], [sflag:$0x2], $0x4000, $0x38;
	[tilespmem:$0x1F000] =	vst v63  }
0x61: {  	[smem:$0x797] =	sst s15;
	s15 =	sadd.s32 $0x800, s13  }
0x62: {  	s30 =	simm.s32 $0xAC00;
	[smem:$0x799] =	sst s15  }
0x63: {  	[hbm4b:s15+s2] =	stream.linear.scatter [tilespmem:s30], [sflag:$0x2], $0x4000, $0x38;
	[tilespmem:$0x1F000] =	vst v63  }
0x64: {  	s15 =	sld [smem:$0x7DF];
	_ =	sdelay $0x1  }
0x65: {  	[smem:$0x7DB] =	sst s1;
	s13 =	simm.s32 $0x2C00  }
0x66: {  	[hbm4b:s15+s2] =	stream.linear.scatter [tilespmem:s13], [sflag:$0x2], $0x4000, $0x38;
	[tilespmem:$0x1F000] =	vst v63  }
0x67: {  	s1 =	sld [smem:$0x7E0];
	s15 =	sadd.s32 $0x800, s15;
	s13 =	simm.s32 $0xA800  }
0x68: {  	[hbm4b:s15+s2] =	stream.linear.scatter [tilespmem:s13], [sflag:$0x2], $0x4000, $0x38;
	[tilespmem:$0x1F000] =	vst v63  }
0x69: {  	[smem:$0x79A] =	sst s15  }
0x6a: {  	[hbm4b:s1+s2] =	stream.linear.scatter [tilespmem:s25], [sflag:$0x2], $0x4000, $0x38;
	[tilespmem:$0x1F000] =	vst v63  }
0x6b: {  	s15 =	sadd.s32 $0x800, s1;
	s1 =	sld [smem:$0x7E1]  }
0x6c: {  	[hbm4b:s15+s2] =	stream.linear.scatter [tilespmem:s22], [sflag:$0x2], $0x4000, $0x38;
	[tilespmem:$0x1F000] =	vst v63  }
0x6d: {  	[smem:$0x79B] =	sst s15;
	s25 =	simm.s32 $0x2400  }
0x6e: {  	[hbm4b:s1+s2] =	stream.linear.scatter [tilespmem:s25], [sflag:$0x2], $0x4000, $0x38;
	[tilespmem:$0x1F000] =	vst v63  }
0x6f: {  	s15 =	sadd.s32 $0x800, s1;
	s1 =	sld [smem:$0x7E2]  }
0x70: {  	[hbm4b:s15+s2] =	stream.linear.scatter [tilespmem:s9], [sflag:$0x2], $0x4000, $0x38;
	[tilespmem:$0x1F000] =	vst v63  }
0x71: {  	[smem:$0x79C] =	sst s15;
	s15 =	simm.s32 $0x2000  }
0x72: {  	[hbm4b:s1+s2] =	stream.linear.scatter [tilespmem:s15], [sflag:$0x2], $0x4000, $0x38;
	[tilespmem:$0x1F000] =	vst v63  }
0x73: {  	s1 =	sadd.s32 $0x800, s1;
	s15 =	sld [smem:$0x7E3]  }
0x74: {  	[hbm4b:s1+s2] =	stream.linear.scatter [tilespmem:s20], [sflag:$0x2], $0x4000, $0x38;
	[tilespmem:$0x1F000] =	vst v63  }
0x75: {  	[smem:$0x79D] =	sst s1;
	s1 =	simm.s32 $0x1C00  }
0x76: {  	[hbm4b:s15+s2] =	stream.linear.scatter [tilespmem:s1], [sflag:$0x2], $0x4000, $0x38;
	[tilespmem:$0x1F000] =	vst v63  }
0x77: {  	s15 =	sadd.s32 $0x800, s15  }
0x78: {  	[smem:$0x79E] =	sst s15  }
0x79: {  	[hbm4b:s15+s2] =	stream.linear.scatter [tilespmem:s31], [sflag:$0x2], $0x4000, $0x38;
	[tilespmem:$0x1F000] =	vst v63  }
0x7a: {  	s15 =	sld [smem:$0x7E4];
	_ =	sdelay $0x1  }
0x7b: {  	s1 =	simm.s32 $0x1800  }
0x7c: {  	[hbm4b:s15+s2] =	stream.linear.scatter [tilespmem:s1], [sflag:$0x2], $0x4000, $0x38;
	[tilespmem:$0x1F000] =	vst v63  }
0x7d: {  	s15 =	sadd.s32 $0x800, s15  }
0x7e: {  	[smem:$0x79F] =	sst s15  }
0x7f: {  	[hbm4b:s15+s2] =	stream.linear.scatter [tilespmem:s21], [sflag:$0x2], $0x4000, $0x38;
	[tilespmem:$0x1F000] =	vst v63  }
0x80: {  	s15 =	sld [smem:$0x7E5];
	_ =	sdelay $0x1  }
0x81: {  	s1 =	simm.s32 $0x1400  }
0x82: {  	[hbm4b:s15+s2] =	stream.linear.scatter [tilespmem:s1], [sflag:$0x2], $0x4000, $0x38;
	[tilespmem:$0x1F000] =	vst v63  }
0x83: {  	s15 =	sadd.s32 $0x800, s15;
	s1 =	simm.s32 $0x9000  }
0x84: {  	[hbm4b:s15+s2] =	stream.linear.scatter [tilespmem:s1], [sflag:$0x2], $0x4000, $0x38;
	[tilespmem:$0x1F000] =	vst v63  }
0x85: {  	s1 =	sld [smem:$0x7E6];
	_ =	sdelay $0x1  }
0x86: {  	s5 =	simm.s32 $0x1000  }
0x87: {  	[hbm4b:s1+s2] =	stream.linear.scatter [tilespmem:s5], [sflag:$0x2], $0x4000, $0x38;
	[tilespmem:$0x1F000] =	vst v63  }
0x88: {  	[smem:$0x7A0] =	sst s15;
	s15 =	sadd.s32 $0x800, s1  }
0x89: {  	[smem:$0x7A1] =	sst s15  }
0x8a: {  	[hbm4b:s15+s2] =	stream.linear.scatter [tilespmem:s19], [sflag:$0x2], $0x4000, $0x38;
	[tilespmem:$0x1F000] =	vst v63  }
0x8b: {  	s15 =	sld [smem:$0x7E7];
	_ =	sdelay $0x1  }
0x8c: {  	s5 =	simm.s32 $0xC00  }
0x8d: {  	[hbm4b:s15+s2] =	stream.linear.scatter [tilespmem:s5], [sflag:$0x2], $0x4000, $0x38;
	[tilespmem:$0x1F000] =	vst v63  }
0x8e: {  	s15 =	sadd.s32 $0x800, s15  }
0x8f: {  	[smem:$0x7A2] =	sst s15  }
0x90: {  	[hbm4b:s15+s2] =	stream.linear.scatter [tilespmem:s18], [sflag:$0x2], $0x4000, $0x38;
	[tilespmem:$0x1F000] =	vst v63  }
0x91: {  	s15 =	sld [smem:$0x7E8];
	_ =	sdelay $0x1  }
0x92: {  	s5 =	simm.s32 $0x800  }
0x93: {  	[hbm4b:s15+s2] =	stream.linear.scatter [tilespmem:s5], [sflag:$0x2], $0x4000, $0x38;
	[tilespmem:$0x1F000] =	vst v63  }
0x94: {  	s15 =	sadd.s32 $0x800, s15  }
0x95: {  	[smem:$0x7A3] =	sst s15  }
0x96: {  	[hbm4b:s15+s2] =	stream.linear.scatter [tilespmem:s3], [sflag:$0x2], $0x4000, $0x38;
	[tilespmem:$0x1F000] =	vst v63  }
0x97: {  	s15 =	sld [smem:$0x7E9];
	_ =	sdelay $0x1  }
0x98: {  	s5 =	simm.s32 $0x400  }
0x99: {  	[hbm4b:s15+s2] =	stream.linear.scatter [tilespmem:s5], [sflag:$0x2], $0x4000, $0x38;
	[tilespmem:$0x1F000] =	vst v63  }
0x9a: {  	s15 =	sadd.s32 $0x800, s15;
	s5 =	sld [smem:$0x7EA]  }
0x9b: {  	[hbm4b:s15+s2] =	stream.linear.scatter [tilespmem:s0], [sflag:$0x2], $0x4000, $0x38;
	[tilespmem:$0x1F000] =	vst v63  }
0x9c: {  	[smem:$0x7A4] =	sst s15;
	s15 =	smov.u32 s8;
	s8 =	smov.u32 s6  }
0x9d: {  	[hbm4b:s5+s2] =	stream.linear.scatter [tilespmem:s2], [sflag:$0x2], $0x4000, $0x38;
	[tilespmem:$0x1F000] =	vst v63  }
0x9e: {  	s0 =	rddreg [dreg:$0x4];
	s6 =	simm.s32 $0x7C00;
	s5 =	sadd.s32 $0x800, s5  }
0x9f: {  	[hbm4b:s5+s2] =	stream.linear.scatter [tilespmem:s6], [sflag:$0x2], $0x4000, $0x38;
	[tilespmem:$0x1F000] =	vst v63  }
0xa0: {  	[smem:$0x7A5] =	sst s5  }
0xa1: {  	[tilespmem:s12], [sflag:$0x1] =	stream.linear.gather [hbm4b:s0+s2], $0xF800, $0x38;
	[tilespmem:$0x1F000] =	vst v63  }
0xa2: {  	_ =	swait.ge [sflag:s29], $0xF800  }
0xa3: {  	s6 =	sld [smem:$0x7EB]  }
0xa4: {  	[sflag:s29] =	ssyncset.done $0x0  }
0xa5: {  	s1 =	smov.u32 s17;
	s5 =	simm.s32 $0x13400;
	[sflag:s29] =	ssyncadd.s32 $0xFFFF0800  }
0xa6: {  	[hbm4b:s6+s2] =	stream.linear.scatter [tilespmem:s5], [sflag:$0x3], $0x4000, $0x38;
	[tilespmem:$0x1F000] =	vst v63  }
0xa7: {  	s17 =	simm.s32 $0x1B000;
	s12 =	sadd.s32 $0x800, s6;
	s6 =	sld [smem:$0x7EC]  }
0xa8: {  	[hbm4b:s12+s2] =	stream.linear.scatter [tilespmem:s17], [sflag:$0x3], $0x4000, $0x38;
	[tilespmem:$0x1F000] =	vst v63  }
0xa9: {  	s17 =	simm.s32 $0x13000  }
0xaa: {  	[hbm4b:s6+s2] =	stream.linear.scatter [tilespmem:s17], [sflag:$0x3], $0x4000, $0x38;
	[tilespmem:$0x1F000] =	vst v63  }
0xab: {  	s0 =	sadd.s32 $0x800, s6;
	s6 =	simm.s32 $0x1AC00;
	s17 =	sld [smem:$0x7ED]  }
0xac: {  	[hbm4b:s0+s2] =	stream.linear.scatter [tilespmem:s6], [sflag:$0x3], $0x4000, $0x38;
	[tilespmem:$0x1F000] =	vst v63  }
0xad: {  	[smem:$0x7A7] =	sst s0;
	s6 =	simm.s32 $0x12C00  }
0xae: {  	[hbm4b:s17+s2] =	stream.linear.scatter [tilespmem:s6], [sflag:$0x3], $0x4000, $0x38;
	[tilespmem:$0x1F000] =	vst v63  }
0xaf: {  	s0 =	sadd.s32 $0x800, s17;
	s17 =	simm.s32 $0x1A800;
	s6 =	sld [smem:$0x7EE]  }
0xb0: {  	[hbm4b:s0+s2] =	stream.linear.scatter [tilespmem:s17], [sflag:$0x3], $0x4000, $0x38;
	[tilespmem:$0x1F000] =	vst v63  }
0xb1: {  	[smem:$0x7A8] =	sst s0;
	s17 =	simm.s32 $0x12800  }
0xb2: {  	[hbm4b:s6+s2] =	stream.linear.scatter [tilespmem:s17], [sflag:$0x3], $0x4000, $0x38;
	[tilespmem:$0x1F000] =	vst v63  }
0xb3: {  	s0 =	sadd.s32 $0x800, s6;
	s6 =	simm.s32 $0x1A400;
	s17 =	sld [smem:$0x7EF]  }
0xb4: {  	[hbm4b:s0+s2] =	stream.linear.scatter [tilespmem:s6], [sflag:$0x3], $0x4000, $0x38;
	[tilespmem:$0x1F000] =	vst v63  }
0xb5: {  	[smem:$0x7A9] =	sst s0;
	s6 =	simm.s32 $0x12400  }
0xb6: {  	[hbm4b:s17+s2] =	stream.linear.scatter [tilespmem:s6], [sflag:$0x3], $0x4000, $0x38;
	[tilespmem:$0x1F000] =	vst v63  }
0xb7: {  	s0 =	sadd.s32 $0x800, s17;
	s17 =	simm.s32 $0x1A000;
	s6 =	sld [smem:$0x7F0]  }
0xb8: {  	[hbm4b:s0+s2] =	stream.linear.scatter [tilespmem:s17], [sflag:$0x3], $0x4000, $0x38;
	[tilespmem:$0x1F000] =	vst v63  }
0xb9: {  	s5 =	rddreg [dreg:$0x19];
	s17 =	simm.s32 $0x12000  }
0xba: {  	[hbm4b:s6+s2] =	stream.linear.scatter [tilespmem:s17], [sflag:$0x3], $0x4000, $0x38;
	[tilespmem:$0x1F000] =	vst v63  }
0xbb: {  	s17 =	sld [smem:$0x7F1]  }
0xbc: {  	[smem:$0x7AA] =	sst s0;
	s0 =	sadd.s32 $0x800, s6;
	s6 =	simm.s32 $0x19C00  }
0xbd: {  	[hbm4b:s0+s2] =	stream.linear.scatter [tilespmem:s6], [sflag:$0x3], $0x4000, $0x38;
	[tilespmem:$0x1F000] =	vst v63  }
0xbe: {  	[smem:$0x7AB] =	sst s0;
	s6 =	simm.s32 $0x11C00;
	s0 =	sadd.s32 $0x800, s17  }
0xbf: {  	[hbm4b:s17+s2] =	stream.linear.scatter [tilespmem:s6], [sflag:$0x3], $0x4000, $0x38;
	[tilespmem:$0x1F000] =	vst v63  }
0xc0: {  	s17 =	simm.s32 $0x19800;
	[smem:$0x7AC] =	sst s0  }
0xc1: {  	[hbm4b:s0+s2] =	stream.linear.scatter [tilespmem:s17], [sflag:$0x3], $0x4000, $0x38;
	[tilespmem:$0x1F000] =	vst v63  }
0xc2: {  	s6 =	rddreg [dreg:$0x1e];
	s17 =	simm.s32 $0x11800  }
0xc3: {  	[hbm4b:s6+s2] =	stream.linear.scatter [tilespmem:s17], [sflag:$0x3], $0x4000, $0x38;
	[tilespmem:$0x1F000] =	vst v63  }
0xc4: {  	s0 =	sadd.s32 $0x800, s6;
	s6 =	simm.s32 $0x19400;
	s17 =	rddreg [dreg:$0x1d]  }
0xc5: {  	[hbm4b:s0+s2] =	stream.linear.scatter [tilespmem:s6], [sflag:$0x3], $0x4000, $0x38;
	[tilespmem:$0x1F000] =	vst v63  }
0xc6: {  	[smem:$0x7AD] =	sst s0;
	s6 =	simm.s32 $0x11400;
	s0 =	sadd.s32 $0x800, s17  }
0xc7: {  	[hbm4b:s17+s2] =	stream.linear.scatter [tilespmem:s6], [sflag:$0x3], $0x4000, $0x38;
	[tilespmem:$0x1F000] =	vst v63  }
0xc8: {  	[smem:$0x7AE] =	sst s0;
	s17 =	simm.s32 $0x19000  }
0xc9: {  	[hbm4b:s0+s2] =	stream.linear.scatter [tilespmem:s17], [sflag:$0x3], $0x4000, $0x38;
	[tilespmem:$0x1F000] =	vst v63  }
0xca: {  	s6 =	rddreg [dreg:$0x1c];
	s17 =	simm.s32 $0x11000  }
0xcb: {  	[hbm4b:s6+s2] =	stream.linear.scatter [tilespmem:s17], [sflag:$0x3], $0x4000, $0x38;
	[tilespmem:$0x1F000] =	vst v63  }
0xcc: {  	s0 =	sadd.s32 $0x800, s6;
	s6 =	simm.s32 $0x18C00;
	s17 =	rddreg [dreg:$0x1b]  }
0xcd: {  	[hbm4b:s0+s2] =	stream.linear.scatter [tilespmem:s6], [sflag:$0x3], $0x4000, $0x38;
	[tilespmem:$0x1F000] =	vst v63  }
0xce: {  	[smem:$0x7AF] =	sst s0;
	s6 =	simm.s32 $0x10C00;
	s0 =	sadd.s32 $0x800, s17  }
0xcf: {  	[hbm4b:s17+s2] =	stream.linear.scatter [tilespmem:s6], [sflag:$0x3], $0x4000, $0x38;
	[tilespmem:$0x1F000] =	vst v63  }
0xd0: {  	[smem:$0x7B0] =	sst s0;
	s17 =	simm.s32 $0x18800  }
0xd1: {  	[hbm4b:s0+s2] =	stream.linear.scatter [tilespmem:s17], [sflag:$0x3], $0x4000, $0x38;
	[tilespmem:$0x1F000] =	vst v63  }
0xd2: {  	s0 =	rddreg [dreg:$0x1a];
	s17 =	simm.s32 $0x10800  }
0xd3: {  	[hbm4b:s0+s2] =	stream.linear.scatter [tilespmem:s17], [sflag:$0x3], $0x4000, $0x38;
	[tilespmem:$0x1F000] =	vst v63  }
0xd4: {  	[smem:$0x7A6] =	sst s12;
	s0 =	sadd.s32 $0x800, s0  }
0xd5: {  	[hbm4b:s0+s2] =	stream.linear.scatter [tilespmem:s23], [sflag:$0x3], $0x4000, $0x38;
	[tilespmem:$0x1F000] =	vst v63  }
0xd6: {  	s17 =	rddreg [dreg:$0x18];
	s23 =	simm.s32 $0x10400  }
0xd7: {  	[hbm4b:s5+s2] =	stream.linear.scatter [tilespmem:s23], [sflag:$0x3], $0x4000, $0x38;
	[tilespmem:$0x1F000] =	vst v63  }
0xd8: {  	[smem:$0x7B1] =	sst s0;
	s0 =	sadd.s32 $0x800, s5  }
0xd9: {  	[hbm4b:s0+s2] =	stream.linear.scatter [tilespmem:s24], [sflag:$0x3], $0x4000, $0x38;
	[tilespmem:$0x1F000] =	vst v63  }
0xda: {  	[smem:$0x7B2] =	sst s0;
	s24 =	simm.s32 $0x10000  }
0xdb: {  	[hbm4b:s17+s2] =	stream.linear.scatter [tilespmem:s24], [sflag:$0x3], $0x4000, $0x38;
	[tilespmem:$0x1F000] =	vst v63  }
0xdc: {  	s5 =	rddreg [dreg:$0x17];
	s0 =	sadd.s32 $0x800, s17;
	s24 =	simm.s32 $0x17C00  }
0xdd: {  	[hbm4b:s0+s2] =	stream.linear.scatter [tilespmem:s24], [sflag:$0x3], $0x4000, $0x38;
	[tilespmem:$0x1F000] =	vst v63  }
0xde: {  	[smem:$0x7B3] =	sst s0  }
0xdf: {  	[hbm4b:s5+s2] =	stream.linear.scatter [tilespmem:s10], [sflag:$0x3], $0x4000, $0x38;
	[tilespmem:$0x1F000] =	vst v63  }
0xe0: {  	s17 =	simm.s32 $0x17800;
	s0 =	sadd.s32 $0x800, s5;
	s5 =	rddreg [dreg:$0x16]  }
0xe1: {  	[hbm4b:s0+s2] =	stream.linear.scatter [tilespmem:s17], [sflag:$0x3], $0x4000, $0x38;
	[tilespmem:$0x1F000] =	vst v63  }
0xe2: {  	s12 =	simm.s32 $0xF800;
	[smem:$0x7B4] =	sst s0;
	s0 =	sadd.s32 $0x800, s5  }
0xe3: {  	[hbm4b:s5+s2] =	stream.linear.scatter [tilespmem:s12], [sflag:$0x3], $0x4000, $0x38;
	[tilespmem:$0x1F000] =	vst v63  }
0xe4: {  	s6 =	simm.s32 $0x17400;
	[smem:$0x7B5] =	sst s0  }
0xe5: {  	[hbm4b:s0+s2] =	stream.linear.scatter [tilespmem:s6], [sflag:$0x3], $0x4000, $0x38;
	[tilespmem:$0x1F000] =	vst v63  }
0xe6: {  	_ =	swait.ge [sflag:s14], $0x8000  }
0xe7: {  	[sflag:s14] =	ssyncset.done $0x0  }
0xe8: {  	[sflag:s14] =	ssyncadd.s32 $0xFFFF8000  }
0xe9: {  	_ =	swait.ge [sflag:s14], $0x8000  }
0xea: {  	[sflag:s14] =	ssyncset.done $0x0  }
0xeb: {  	[sflag:s14] =	ssyncadd.s32 $0xFFFF8000  }
0xec: {  	_ =	swait.ge [sflag:s14], $0x8000  }
0xed: {  	[sflag:s14] =	ssyncset.done $0x0  }
0xee: {  	[sflag:s14] =	ssyncadd.s32 $0xFFFF8000  }
0xef: {  	_ =	swait.ge [sflag:s14], $0x8000  }
0xf0: {  	[sflag:s14] =	ssyncset.done $0x0  }
0xf1: {  	[sflag:s14] =	ssyncadd.s32 $0xFFFF8000  }
0xf2: {  	_ =	swait.ge [sflag:s14], $0x8000  }
0xf3: {  	[sflag:s14] =	ssyncset.done $0x0  }
0xf4: {  	[sflag:s14] =	ssyncadd.s32 $0xFFFF8000  }
0xf5: {  	_ =	swait.ge [sflag:s14], $0x8000  }
0xf6: {  	[sflag:s14] =	ssyncset.done $0x0  }
0xf7: {  	[sflag:s14] =	ssyncadd.s32 $0xFFFF8000  }
0xf8: {  	_ =	swait.ge [sflag:s14], $0x8000  }
0xf9: {  	[sflag:s14] =	ssyncset.done $0x0  }
0xfa: {  	[sflag:s14] =	ssyncadd.s32 $0xFFFF8000  }
0xfb: {  	_ =	swait.ge [sflag:s14], $0x8000  }
0xfc: {  	[sflag:s14] =	ssyncset.done $0x0  }
0xfd: {  	[sflag:s14] =	ssyncadd.s32 $0xFFFF8000  }
0xfe: {  	_ =	swait.ge [sflag:s14], $0x8000  }
0xff: {  	[sflag:s14] =	ssyncset.done $0x0  }
0x100: {  	[sflag:s14] =	ssyncadd.s32 $0xFFFF8000  }
0x101: {  	_ =	swait.ge [sflag:s14], $0x8000  }
0x102: {  	[sflag:s14] =	ssyncset.done $0x0  }
0x103: {  	[sflag:s14] =	ssyncadd.s32 $0xFFFF8000  }
0x104: {  	_ =	swait.ge [sflag:s14], $0x8000  }
0x105: {  	[sflag:s14] =	ssyncset.done $0x0  }
0x106: {  	[sflag:s14] =	ssyncadd.s32 $0xFFFF8000  }
0x107: {  	_ =	swait.ge [sflag:s14], $0x8000  }
0x108: {  	[sflag:s14] =	ssyncset.done $0x0  }
0x109: {  	[sflag:s14] =	ssyncadd.s32 $0xFFFF8000  }
0x10a: {  	_ =	swait.ge [sflag:s14], $0x8000  }
0x10b: {  	[sflag:s14] =	ssyncset.done $0x0  }
0x10c: {  	[sflag:s14] =	ssyncadd.s32 $0xFFFF8000  }
0x10d: {  	_ =	swait.ge [sflag:s14], $0x8000  }
0x10e: {  	[sflag:s14] =	ssyncset.done $0x0  }
0x10f: {  	[sflag:s14] =	ssyncadd.s32 $0xFFFF8000  }
0x110: {  	_ =	swait.ge [sflag:s14], $0x8000  }
0x111: {  	[sflag:s14] =	ssyncset.done $0x0  }
0x112: {  	[sflag:s14] =	ssyncadd.s32 $0xFFFF8000  }
0x113: {  	_ =	swait.ge [sflag:s14], $0x8000  }
0x114: {  	[sflag:s14] =	ssyncset.done $0x0  }
0x115: {  	s6 =	rddreg [dreg:$0x5];
	[sflag:s14] =	ssyncadd.s32 $0xFFFF8000  }
0x116: {  	[tilespmem:s2], [sflag:$0x1] =	stream.linear.gather [hbm4b:s6+s2], $0xF800, $0x38;
	[tilespmem:$0x1F000] =	vst v63  }
0x117: {  	_ =	swait.ge [sflag:s29], $0xF800  }
0x118: {  	[sflag:s29] =	ssyncset.done $0x0  }
0x119: {  	s10 =	rddreg [dreg:$0x1f];
	[sflag:s29] =	ssyncadd.s32 $0xFFFF0800  }
0x11a: {  	[hbm4b:s10+s2] =	stream.linear.scatter [tilespmem:s7], [sflag:$0x2], $0x4000, $0x38;
	[tilespmem:$0x1F000] =	vst v63  }
0x11b: {  	s17 =	rddreg [dreg:$0x15];
	s0 =	sadd.s32 $0x800, s10  }
0x11c: {  	[hbm4b:s0+s2] =	stream.linear.scatter [tilespmem:s11], [sflag:$0x2], $0x4000, $0x38;
	[tilespmem:$0x1F000] =	vst v63  }
0x11d: {  	s6 =	simm.s32 $0x3800;
	[smem:$0x7B6] =	sst s0  }
0x11e: {  	[hbm4b:s17+s2] =	stream.linear.scatter [tilespmem:s6], [sflag:$0x2], $0x4000, $0x38;
	[tilespmem:$0x1F000] =	vst v63  }
0x11f: {  	s7 =	simm.s32 $0xB400;
	s10 =	rddreg [dreg:$0x14];
	s0 =	sadd.s32 $0x800, s17  }
0x120: {  	[hbm4b:s0+s2] =	stream.linear.scatter [tilespmem:s7], [sflag:$0x2], $0x4000, $0x38;
	[tilespmem:$0x1F000] =	vst v63  }
0x121: {  	s11 =	simm.s32 $0x3400;
	[smem:$0x7B7] =	sst s0  }
0x122: {  	[hbm4b:s10+s2] =	stream.linear.scatter [tilespmem:s11], [sflag:$0x2], $0x4000, $0x38;
	[tilespmem:$0x1F000] =	vst v63  }
0x123: {  	s17 =	rddreg [dreg:$0x13];
	s0 =	sadd.s32 $0x800, s10  }
0x124: {  	[hbm4b:s0+s2] =	stream.linear.scatter [tilespmem:s16], [sflag:$0x2], $0x4000, $0x38;
	[tilespmem:$0x1F000] =	vst v63  }
0x125: {  	s6 =	simm.s32 $0x3000;
	s7 =	rddreg [dreg:$0x12]  }
0x126: {  	[hbm4b:s17+s2] =	stream.linear.scatter [tilespmem:s6], [sflag:$0x2], $0x4000, $0x38;
	[tilespmem:$0x1F000] =	vst v63  }
0x127: {  	[smem:$0x7B8] =	sst s0;
	s0 =	sadd.s32 $0x800, s17  }
0x128: {  	[hbm4b:s0+s2] =	stream.linear.scatter [tilespmem:s30], [sflag:$0x2], $0x4000, $0x38;
	[tilespmem:$0x1F000] =	vst v63  }
0x129: {  	s10 =	simm.s32 $0x2C00;
	s11 =	rddreg [dreg:$0x11]  }
0x12a: {  	[hbm4b:s7+s2] =	stream.linear.scatter [tilespmem:s10], [sflag:$0x2], $0x4000, $0x38;
	[tilespmem:$0x1F000] =	vst v63  }
0x12b: {  	[smem:$0x7B9] =	sst s0;
	s0 =	sadd.s32 $0x800, s7  }
0x12c: {  	[hbm4b:s0+s2] =	stream.linear.scatter [tilespmem:s13], [sflag:$0x2], $0x4000, $0x38;
	[tilespmem:$0x1F000] =	vst v63  }
0x12d: {  	s16 =	rddreg [dreg:$0x10];
	s13 =	simm.s32 $0x2800  }
0x12e: {  	[hbm4b:s11+s2] =	stream.linear.scatter [tilespmem:s13], [sflag:$0x2], $0x4000, $0x38;
	[tilespmem:$0x1F000] =	vst v63  }
0x12f: {  	[smem:$0x7BA] =	sst s0;
	s0 =	sadd.s32 $0x800, s11  }
0x130: {  	[hbm4b:s0+s2] =	stream.linear.scatter [tilespmem:s22], [sflag:$0x2], $0x4000, $0x38;
	[tilespmem:$0x1F000] =	vst v63  }
0x131: {  	s17 =	rddreg [dreg:$0xf]  }
0x132: {  	[hbm4b:s16+s2] =	stream.linear.scatter [tilespmem:s25], [sflag:$0x2], $0x4000, $0x38;
	[tilespmem:$0x1F000] =	vst v63  }
0x133: {  	[smem:$0x7BB] =	sst s0;
	s0 =	sadd.s32 $0x800, s16  }
0x134: {  	[hbm4b:s0+s2] =	stream.linear.scatter [tilespmem:s9], [sflag:$0x2], $0x4000, $0x38;
	[tilespmem:$0x1F000] =	vst v63  }
0x135: {  	s6 =	rddreg [dreg:$0xd];
	s22 =	simm.s32 $0x2000  }
0x136: {  	[hbm4b:s17+s2] =	stream.linear.scatter [tilespmem:s22], [sflag:$0x2], $0x4000, $0x38;
	[tilespmem:$0x1F000] =	vst v63  }
0x137: {  	[smem:$0x7BC] =	sst s0;
	s0 =	sadd.s32 $0x800, s17  }
0x138: {  	[hbm4b:s0+s2] =	stream.linear.scatter [tilespmem:s20], [sflag:$0x2], $0x4000, $0x38;
	[tilespmem:$0x1F000] =	vst v63  }
0x139: {  	s30 =	simm.s32 $0x1C00;
	s25 =	rddreg [dreg:$0xe]  }
0x13a: {  	[hbm4b:s25+s2] =	stream.linear.scatter [tilespmem:s30], [sflag:$0x2], $0x4000, $0x38;
	[tilespmem:$0x1F000] =	vst v63  }
0x13b: {  	[smem:$0x7BD] =	sst s0;
	s0 =	sadd.s32 $0x800, s25  }
0x13c: {  	[hbm4b:s0+s2] =	stream.linear.scatter [tilespmem:s31], [sflag:$0x2], $0x4000, $0x38;
	[tilespmem:$0x1F000] =	vst v63  }
0x13d: {  	s7 =	simm.s32 $0x1800;
	s9 =	rddreg [dreg:$0xc]  }
0x13e: {  	[hbm4b:s6+s2] =	stream.linear.scatter [tilespmem:s7], [sflag:$0x2], $0x4000, $0x38;
	[tilespmem:$0x1F000] =	vst v63  }
0x13f: {  	[smem:$0x7BE] =	sst s0;
	s0 =	sadd.s32 $0x800, s6  }
0x140: {  	[hbm4b:s0+s2] =	stream.linear.scatter [tilespmem:s21], [sflag:$0x2], $0x4000, $0x38;
	[tilespmem:$0x1F000] =	vst v63  }
0x141: {  	s10 =	simm.s32 $0x1400;
	s16 =	rddreg [dreg:$0xb];
	s11 =	sadd.s32 $0x800, s9  }
0x142: {  	[hbm4b:s9+s2] =	stream.linear.scatter [tilespmem:s10], [sflag:$0x2], $0x4000, $0x38;
	[tilespmem:$0x1F000] =	vst v63  }
0x143: {  	s13 =	simm.s32 $0x9000;
	[smem:$0x7C0] =	sst s11  }
0x144: {  	[hbm4b:s11+s2] =	stream.linear.scatter [tilespmem:s13], [sflag:$0x2], $0x4000, $0x38;
	[tilespmem:$0x1F000] =	vst v63  }
0x145: {  	s17 =	simm.s32 $0x1000;
	s25 =	rddreg [dreg:$0x8]  }
0x146: {  	[hbm4b:s16+s2] =	stream.linear.scatter [tilespmem:s17], [sflag:$0x2], $0x4000, $0x38;
	[tilespmem:$0x1F000] =	vst v63  }
0x147: {  	[smem:$0x7BF] =	sst s0;
	s0 =	sadd.s32 $0x800, s16  }
0x148: {  	[hbm4b:s0+s2] =	stream.linear.scatter [tilespmem:s19], [sflag:$0x2], $0x4000, $0x38;
	[tilespmem:$0x1F000] =	vst v63  }
0x149: {  	s20 =	simm.s32 $0xC00;
	s19 =	rddreg [dreg:$0xa]  }
0x14a: {  	[hbm4b:s19+s2] =	stream.linear.scatter [tilespmem:s20], [sflag:$0x2], $0x4000, $0x38;
	[tilespmem:$0x1F000] =	vst v63  }
0x14b: {  	[smem:$0x7C1] =	sst s0;
	s0 =	sadd.s32 $0x800, s19  }
0x14c: {  	[hbm4b:s0+s2] =	stream.linear.scatter [tilespmem:s18], [sflag:$0x2], $0x4000, $0x38;
	[tilespmem:$0x1F000] =	vst v63  }
0x14d: {  	s22 =	simm.s32 $0x800;
	s21 =	rddreg [dreg:$0x9]  }
0x14e: {  	[hbm4b:s21+s2] =	stream.linear.scatter [tilespmem:s22], [sflag:$0x2], $0x4000, $0x38;
	[tilespmem:$0x1F000] =	vst v63  }
0x14f: {  	[smem:$0x7C2] =	sst s0;
	s0 =	sadd.s32 $0x800, s21  }
0x150: {  	[hbm4b:s0+s2] =	stream.linear.scatter [tilespmem:s3], [sflag:$0x2], $0x4000, $0x38;
	[tilespmem:$0x1F000] =	vst v63  }
0x151: {  	s30 =	simm.s32 $0x400;
	[smem:$0x7C3] =	sst s0  }
0x152: {  	[hbm4b:s25+s2] =	stream.linear.scatter [tilespmem:s30], [sflag:$0x2], $0x4000, $0x38;
	[tilespmem:$0x1F000] =	vst v63  }
0x153: {  	s31 =	simm.s32 $0x8000;
	s0 =	sadd.s32 $0x800, s25;
	s3 =	rddreg [dreg:$0x7]  }
0x154: {  	[hbm4b:s0+s2] =	stream.linear.scatter [tilespmem:s31], [sflag:$0x2], $0x4000, $0x38;
	[tilespmem:$0x1F000] =	vst v63  }
0x155: {  	[smem:$0x7C4] =	sst s0;
	s0 =	sadd.s32 $0x800, s3  }
0x156: {  	[hbm4b:s3+s2] =	stream.linear.scatter [tilespmem:s2], [sflag:$0x2], $0x4000, $0x38;
	[tilespmem:$0x1F000] =	vst v63  }
0x157: {  	s5 =	simm.s32 $0x7C00;
	[smem:$0x7C5] =	sst s0  }
0x158: {  	[hbm4b:s0+s2] =	stream.linear.scatter [tilespmem:s5], [sflag:$0x2], $0x4000, $0x38;
	[tilespmem:$0x1F000] =	vst v63  }
0x159: {  	_ =	swait.ge [sflag:s4], $0x8000  }
0x15a: {  	[sflag:s4] =	ssyncset.done $0x0  }
0x15b: {  	[sflag:s4] =	ssyncadd.s32 $0xFFFF8000  }
0x15c: {  	_ =	swait.ge [sflag:s4], $0x8000  }
0x15d: {  	[sflag:s4] =	ssyncset.done $0x0  }
0x15e: {  	[sflag:s4] =	ssyncadd.s32 $0xFFFF8000  }
0x15f: {  	_ =	swait.ge [sflag:s4], $0x8000  }
0x160: {  	[sflag:s4] =	ssyncset.done $0x0  }
0x161: {  	[sflag:s4] =	ssyncadd.s32 $0xFFFF8000  }
0x162: {  	_ =	swait.ge [sflag:s4], $0x8000  }
0x163: {  	[sflag:s4] =	ssyncset.done $0x0  }
0x164: {  	[sflag:s4] =	ssyncadd.s32 $0xFFFF8000  }
0x165: {  	_ =	swait.ge [sflag:s4], $0x8000  }
0x166: {  	[sflag:s4] =	ssyncset.done $0x0  }
0x167: {  	[sflag:s4] =	ssyncadd.s32 $0xFFFF8000  }
0x168: {  	_ =	swait.ge [sflag:s4], $0x8000  }
0x169: {  	[sflag:s4] =	ssyncset.done $0x0  }
0x16a: {  	[sflag:s4] =	ssyncadd.s32 $0xFFFF8000  }
0x16b: {  	_ =	swait.ge [sflag:s4], $0x8000  }
0x16c: {  	[sflag:s4] =	ssyncset.done $0x0  }
0x16d: {  	[sflag:s4] =	ssyncadd.s32 $0xFFFF8000  }
0x16e: {  	_ =	swait.ge [sflag:s4], $0x8000  }
0x16f: {  	[sflag:s4] =	ssyncset.done $0x0  }
0x170: {  	[sflag:s4] =	ssyncadd.s32 $0xFFFF8000  }
0x171: {  	_ =	swait.ge [sflag:s4], $0x8000  }
0x172: {  	[sflag:s4] =	ssyncset.done $0x0  }
0x173: {  	[sflag:s4] =	ssyncadd.s32 $0xFFFF8000  }
0x174: {  	_ =	swait.ge [sflag:s4], $0x8000  }
0x175: {  	[sflag:s4] =	ssyncset.done $0x0  }
0x176: {  	[sflag:s4] =	ssyncadd.s32 $0xFFFF8000  }
0x177: {  	_ =	swait.ge [sflag:s4], $0x8000  }
0x178: {  	[sflag:s4] =	ssyncset.done $0x0  }
0x179: {  	[sflag:s4] =	ssyncadd.s32 $0xFFFF8000  }
0x17a: {  	_ =	swait.ge [sflag:s4], $0x8000  }
0x17b: {  	[sflag:s4] =	ssyncset.done $0x0  }
0x17c: {  	[sflag:s4] =	ssyncadd.s32 $0xFFFF8000  }
0x17d: {  	_ =	swait.ge [sflag:s4], $0x8000  }
0x17e: {  	[sflag:s4] =	ssyncset.done $0x0  }
0x17f: {  	[sflag:s4] =	ssyncadd.s32 $0xFFFF8000  }
0x180: {  	_ =	swait.ge [sflag:s4], $0x8000  }
0x181: {  	[sflag:s4] =	ssyncset.done $0x0  }
0x182: {  	[sflag:s4] =	ssyncadd.s32 $0xFFFF8000  }
0x183: {  	_ =	swait.ge [sflag:s4], $0x8000  }
0x184: {  	[sflag:s4] =	ssyncset.done $0x0  }
0x185: {  	[sflag:s4] =	ssyncadd.s32 $0xFFFF8000  }
0x186: {  	_ =	swait.ge [sflag:s4], $0x8000  }
0x187: {  	[sflag:s4] =	ssyncset.done $0x0  }
0x188: {  	s6 =	rddreg [dreg:$0x6];
	[sflag:s4] =	ssyncadd.s32 $0xFFFF8000  }
0x189: {  	[tilespmem:s12], [sflag:$0x1] =	stream.linear.gather [hbm4b:s6+s2], $0xF800, $0x38;
	[tilespmem:$0x1F000] =	vst v63  }
0x18a: {  	_ =	swait.ge [sflag:s29], $0xF800  }
0x18b: {  	s9 =	sadd.s32 $0x800, s1;
	[sflag:s29] =	ssyncset.done $0x0  }
0x18c: {  	s7 =	simm.s32 $0x13400;
	[smem:$0x7C6] =	sst s9;
	[sflag:s29] =	ssyncadd.s32 $0xFFFF0800  }
0x18d: {  	[hbm4b:s1+s2] =	stream.linear.scatter [tilespmem:s7], [sflag:$0x3], $0x4000, $0x38;
	[tilespmem:$0x1F000] =	vst v63  }
0x18e: {  	s10 =	simm.s32 $0x1B000;
	s11 =	sld [smem:$0x7F2]  }
0x18f: {  	[hbm4b:s9+s2] =	stream.linear.scatter [tilespmem:s10], [sflag:$0x3], $0x4000, $0x38;
	[tilespmem:$0x1F000] =	vst v63  }
0x190: {  	s13 =	simm.s32 $0x13000;
	s18 =	sld [smem:$0x7F3]  }
0x191: {  	[hbm4b:s11+s2] =	stream.linear.scatter [tilespmem:s13], [sflag:$0x3], $0x4000, $0x38;
	[tilespmem:$0x1F000] =	vst v63  }
0x192: {  	s17 =	simm.s32 $0x1AC00;
	s22 =	sld [smem:$0x7F4];
	s16 =	sadd.s32 $0x800, s11  }
0x193: {  	[hbm4b:s16+s2] =	stream.linear.scatter [tilespmem:s17], [sflag:$0x3], $0x4000, $0x38;
	[tilespmem:$0x1F000] =	vst v63  }
0x194: {  	s19 =	simm.s32 $0x12C00;
	s3 =	sld [smem:$0x7F5]  }
0x195: {  	[hbm4b:s18+s2] =	stream.linear.scatter [tilespmem:s19], [sflag:$0x3], $0x4000, $0x38;
	[tilespmem:$0x1F000] =	vst v63  }
0x196: {  	s21 =	simm.s32 $0x1A800;
	[smem:$0x7CE] =	sst s1;
	s20 =	sadd.s32 $0x800, s18  }
0x197: {  	[hbm4b:s20+s2] =	stream.linear.scatter [tilespmem:s21], [sflag:$0x3], $0x4000, $0x38;
	[tilespmem:$0x1F000] =	vst v63  }
0x198: {  	s25 =	simm.s32 $0x12800;
	[smem:$0x7D3] =	sst s8  }
0x199: {  	[hbm4b:s22+s2] =	stream.linear.scatter [tilespmem:s25], [sflag:$0x3], $0x4000, $0x38;
	[tilespmem:$0x1F000] =	vst v63  }
0x19a: {  	s31 =	simm.s32 $0x1A400;
	[smem:$0x7D5] =	sst s15;
	s30 =	sadd.s32 $0x800, s22  }
0x19b: {  	[hbm4b:s30+s2] =	stream.linear.scatter [tilespmem:s31], [sflag:$0x3], $0x4000, $0x38;
	[tilespmem:$0x1F000] =	vst v63  }
0x19c: {  	s5 =	simm.s32 $0x12400;
	[smem:$0x7C7] =	sst s16  }
0x19d: {  	[hbm4b:s3+s2] =	stream.linear.scatter [tilespmem:s5], [sflag:$0x3], $0x4000, $0x38;
	[tilespmem:$0x1F000] =	vst v63  }
0x19e: {  	s7 =	simm.s32 $0x1A000;
	s6 =	sadd.s32 $0x800, s3;
	s9 =	sld [smem:$0x7F6]  }
0x19f: {  	[hbm4b:s6+s2] =	stream.linear.scatter [tilespmem:s7], [sflag:$0x3], $0x4000, $0x38;
	[tilespmem:$0x1F000] =	vst v63  }
0x1a0: {  	[smem:$0x7C8] =	sst s20;
	s10 =	simm.s32 $0x12000  }
0x1a1: {  	[hbm4b:s9+s2] =	stream.linear.scatter [tilespmem:s10], [sflag:$0x3], $0x4000, $0x38;
	[tilespmem:$0x1F000] =	vst v63  }
0x1a2: {  	s13 =	simm.s32 $0x19C00;
	s11 =	sadd.s32 $0x800, s9;
	s16 =	sld [smem:$0x7F7]  }
0x1a3: {  	[hbm4b:s11+s2] =	stream.linear.scatter [tilespmem:s13], [sflag:$0x3], $0x4000, $0x38;
	[tilespmem:$0x1F000] =	vst v63  }
0x1a4: {  	[smem:$0x7C9] =	sst s30;
	s17 =	simm.s32 $0x11C00  }
0x1a5: {  	[hbm4b:s16+s2] =	stream.linear.scatter [tilespmem:s17], [sflag:$0x3], $0x4000, $0x38;
	[tilespmem:$0x1F000] =	vst v63  }
0x1a6: {  	s19 =	simm.s32 $0x19800;
	s18 =	sadd.s32 $0x800, s16;
	s20 =	sld [smem:$0x7F8]  }
0x1a7: {  	[hbm4b:s18+s2] =	stream.linear.scatter [tilespmem:s19], [sflag:$0x3], $0x4000, $0x38;
	[tilespmem:$0x1F000] =	vst v63  }
0x1a8: {  	[smem:$0x7CA] =	sst s6;
	s21 =	simm.s32 $0x11800  }
0x1a9: {  	[hbm4b:s20+s2] =	stream.linear.scatter [tilespmem:s21], [sflag:$0x3], $0x4000, $0x38;
	[tilespmem:$0x1F000] =	vst v63  }
0x1aa: {  	s25 =	simm.s32 $0x19400;
	s22 =	sadd.s32 $0x800, s20;
	s30 =	sld [smem:$0x7F9]  }
0x1ab: {  	[hbm4b:s22+s2] =	stream.linear.scatter [tilespmem:s25], [sflag:$0x3], $0x4000, $0x38;
	[tilespmem:$0x1F000] =	vst v63  }
0x1ac: {  	[smem:$0x7CB] =	sst s11;
	s31 =	simm.s32 $0x11400  }
0x1ad: {  	[hbm4b:s30+s2] =	stream.linear.scatter [tilespmem:s31], [sflag:$0x3], $0x4000, $0x38;
	[tilespmem:$0x1F000] =	vst v63  }
0x1ae: {  	s3 =	simm.s32 $0x19000;
	s5 =	sld [smem:$0x7FA];
	s0 =	sadd.s32 $0x800, s30  }
0x1af: {  	[hbm4b:s0+s2] =	stream.linear.scatter [tilespmem:s3], [sflag:$0x3], $0x4000, $0x38;
	[tilespmem:$0x1F000] =	vst v63  }
0x1b0: {  	[smem:$0x7CF] =	sst s0;
	s6 =	simm.s32 $0x11000  }
0x1b1: {  	[hbm4b:s5+s2] =	stream.linear.scatter [tilespmem:s6], [sflag:$0x3], $0x4000, $0x38;
	[tilespmem:$0x1F000] =	vst v63  }
0x1b2: {  	s10 =	simm.s32 $0x18C00;
	s11 =	sld [smem:$0x7FB];
	s0 =	sadd.s32 $0x800, s5  }
0x1b3: {  	[hbm4b:s0+s2] =	stream.linear.scatter [tilespmem:s10], [sflag:$0x3], $0x4000, $0x38;
	[tilespmem:$0x1F000] =	vst v63  }
0x1b4: {  	s13 =	simm.s32 $0x10C00;
	s17 =	sld [smem:$0x7FC]  }
0x1b5: {  	[hbm4b:s11+s2] =	stream.linear.scatter [tilespmem:s13], [sflag:$0x3], $0x4000, $0x38;
	[tilespmem:$0x1F000] =	vst v63  }
0x1b6: {  	s16 =	simm.s32 $0x18800;
	[smem:$0x7D0] =	sst s0;
	s0 =	sadd.s32 $0x800, s11  }
0x1b7: {  	[hbm4b:s0+s2] =	stream.linear.scatter [tilespmem:s16], [sflag:$0x3], $0x4000, $0x38;
	[tilespmem:$0x1F000] =	vst v63  }
0x1b8: {  	[smem:$0x7CC] =	sst s18;
	s18 =	simm.s32 $0x10800  }
0x1b9: {  	[hbm4b:s17+s2] =	stream.linear.scatter [tilespmem:s18], [sflag:$0x3], $0x4000, $0x38;
	[tilespmem:$0x1F000] =	vst v63  }
0x1ba: {  	s9 =	simm.s32 $0x18400;
	[smem:$0x7D1] =	sst s0;
	s0 =	sadd.s32 $0x800, s17  }
0x1bb: {  	[hbm4b:s0+s2] =	stream.linear.scatter [tilespmem:s9], [sflag:$0x3], $0x4000, $0x38;
	[tilespmem:$0x1F000] =	vst v63  }
0x1bc: {  	[smem:$0x7D7] =	sst s26  }
0x1bd: {  	[hbm4b:s8+s2] =	stream.linear.scatter [tilespmem:s23], [sflag:$0x3], $0x4000, $0x38;
	[tilespmem:$0x1F000] =	vst v63  }
0x1be: {  	[smem:$0x7CD] =	sst s22;
	s7 =	simm.s32 $0x18000;
	s22 =	sadd.s32 $0x800, s8  }
0x1bf: {  	[hbm4b:s22+s2] =	stream.linear.scatter [tilespmem:s7], [sflag:$0x3], $0x4000, $0x38;
	[tilespmem:$0x1F000] =	vst v63  }
0x1c0: {  	[smem:$0x7D9] =	sst s28;
	s20 =	simm.s32 $0x10000  }
0x1c1: {  	[hbm4b:s15+s2] =	stream.linear.scatter [tilespmem:s20], [sflag:$0x3], $0x4000, $0x38;
	[tilespmem:$0x1F000] =	vst v63  }
0x1c2: {  	s25 =	sadd.s32 $0x800, s26;
	[smem:$0x7D4] =	sst s22;
	s23 =	sadd.s32 $0x800, s15  }
0x1c3: {  	[hbm4b:s23+s2] =	stream.linear.scatter [tilespmem:s24], [sflag:$0x3], $0x4000, $0x38;
	[tilespmem:$0x1F000] =	vst v63  }
0x1c4: {  	s21 =	simm.s32 $0xFC00;
	[smem:$0x7D8] =	sst s25;
	s30 =	sadd.s32 $0x800, s28  }
0x1c5: {  	[hbm4b:s26+s2] =	stream.linear.scatter [tilespmem:s21], [sflag:$0x3], $0x4000, $0x38;
	[tilespmem:$0x1F000] =	vst v63  }
0x1c6: {  	[smem:$0x7DA] =	sst s30;
	s26 =	simm.s32 $0x17800  }
0x1c7: {  	[hbm4b:s25+s2] =	stream.linear.scatter [tilespmem:s26], [sflag:$0x3], $0x4000, $0x38;
	[tilespmem:$0x1F000] =	vst v63  }
0x1c8: {  	s12 =	simm.s32 $0xF800;
	[smem:$0x7D2] =	sst s0  }
0x1c9: {  	[hbm4b:s28+s2] =	stream.linear.scatter [tilespmem:s12], [sflag:$0x3], $0x4000, $0x38;
	[tilespmem:$0x1F000] =	vst v63  }
0x1ca: {  	s19 =	simm.s32 $0x17400;
	[smem:$0x7D6] =	sst s23  }
0x1cb: {  	[hbm4b:s30+s2] =	stream.linear.scatter [tilespmem:s19], [sflag:$0x3], $0x4000, $0x38;
	[tilespmem:$0x1F000] =	vst v63  }
0x1cc: {  	_ =	swait.ge [sflag:s14], $0x8000  }
0x1cd: {  	[sflag:s14] =	ssyncset.done $0x0  }
0x1ce: {  	[sflag:s14] =	ssyncadd.s32 $0xFFFF8000  }
0x1cf: {  	_ =	swait.ge [sflag:s14], $0x8000  }
0x1d0: {  	[sflag:s14] =	ssyncset.done $0x0  }
0x1d1: {  	[sflag:s14] =	ssyncadd.s32 $0xFFFF8000  }
0x1d2: {  	_ =	swait.ge [sflag:s14], $0x8000  }
0x1d3: {  	[sflag:s14] =	ssyncset.done $0x0  }
0x1d4: {  	[sflag:s14] =	ssyncadd.s32 $0xFFFF8000  }
0x1d5: {  	_ =	swait.ge [sflag:s14], $0x8000  }
0x1d6: {  	[sflag:s14] =	ssyncset.done $0x0  }
0x1d7: {  	[sflag:s14] =	ssyncadd.s32 $0xFFFF8000  }
0x1d8: {  	_ =	swait.ge [sflag:s14], $0x8000  }
0x1d9: {  	[sflag:s14] =	ssyncset.done $0x0  }
0x1da: {  	[sflag:s14] =	ssyncadd.s32 $0xFFFF8000  }
0x1db: {  	_ =	swait.ge [sflag:s14], $0x8000  }
0x1dc: {  	[sflag:s14] =	ssyncset.done $0x0  }
0x1dd: {  	[sflag:s14] =	ssyncadd.s32 $0xFFFF8000  }
0x1de: {  	_ =	swait.ge [sflag:s14], $0x8000  }
0x1df: {  	[sflag:s14] =	ssyncset.done $0x0  }
0x1e0: {  	[sflag:s14] =	ssyncadd.s32 $0xFFFF8000  }
0x1e1: {  	_ =	swait.ge [sflag:s14], $0x8000  }
0x1e2: {  	[sflag:s14] =	ssyncset.done $0x0  }
0x1e3: {  	[sflag:s14] =	ssyncadd.s32 $0xFFFF8000  }
0x1e4: {  	_ =	swait.ge [sflag:s14], $0x8000  }
0x1e5: {  	[sflag:s14] =	ssyncset.done $0x0  }
0x1e6: {  	[sflag:s14] =	ssyncadd.s32 $0xFFFF8000  }
0x1e7: {  	_ =	swait.ge [sflag:s14], $0x8000  }
0x1e8: {  	[sflag:s14] =	ssyncset.done $0x0  }
0x1e9: {  	[sflag:s14] =	ssyncadd.s32 $0xFFFF8000  }
0x1ea: {  	_ =	swait.ge [sflag:s14], $0x8000  }
0x1eb: {  	[sflag:s14] =	ssyncset.done $0x0  }
0x1ec: {  	[sflag:s14] =	ssyncadd.s32 $0xFFFF8000  }
0x1ed: {  	_ =	swait.ge [sflag:s14], $0x8000  }
0x1ee: {  	[sflag:s14] =	ssyncset.done $0x0  }
0x1ef: {  	[sflag:s14] =	ssyncadd.s32 $0xFFFF8000  }
0x1f0: {  	_ =	swait.ge [sflag:s14], $0x8000  }
0x1f1: {  	[sflag:s14] =	ssyncset.done $0x0  }
0x1f2: {  	[sflag:s14] =	ssyncadd.s32 $0xFFFF8000  }
0x1f3: {  	_ =	swait.ge [sflag:s14], $0x8000  }
0x1f4: {  	[sflag:s14] =	ssyncset.done $0x0  }
0x1f5: {  	[sflag:s14] =	ssyncadd.s32 $0xFFFF8000  }
0x1f6: {  	_ =	swait.ge [sflag:s14], $0x8000  }
0x1f7: {  	[sflag:s14] =	ssyncset.done $0x0  }
0x1f8: {  	[sflag:s14] =	ssyncadd.s32 $0xFFFF8000  }
0x1f9: {  	_ =	swait.ge [sflag:s14], $0x8000  }
0x1fa: {  	[sflag:s14] =	ssyncset.done $0x0  }
0x1fb: {  	[sflag:s14] =	ssyncadd.s32 $0xFFFF8000  }
0x1fc: {  	_ =	swait.ge [sflag:s4], $0x8000  }
0x1fd: {  	[sflag:s4] =	ssyncset.done $0x0  }
0x1fe: {  	[sflag:s4] =	ssyncadd.s32 $0xFFFF8000  }
0x1ff: {  	_ =	swait.ge [sflag:s4], $0x8000  }
0x200: {  	[sflag:s4] =	ssyncset.done $0x0  }
0x201: {  	[sflag:s4] =	ssyncadd.s32 $0xFFFF8000  }
0x202: {  	_ =	swait.ge [sflag:s4], $0x8000  }
0x203: {  	[sflag:s4] =	ssyncset.done $0x0  }
0x204: {  	[sflag:s4] =	ssyncadd.s32 $0xFFFF8000  }
0x205: {  	_ =	swait.ge [sflag:s4], $0x8000  }
0x206: {  	[sflag:s4] =	ssyncset.done $0x0  }
0x207: {  	[sflag:s4] =	ssyncadd.s32 $0xFFFF8000  }
0x208: {  	_ =	swait.ge [sflag:s4], $0x8000  }
0x209: {  	[sflag:s4] =	ssyncset.done $0x0  }
0x20a: {  	[sflag:s4] =	ssyncadd.s32 $0xFFFF8000  }
0x20b: {  	_ =	swait.ge [sflag:s4], $0x8000  }
0x20c: {  	[sflag:s4] =	ssyncset.done $0x0  }
0x20d: {  	[sflag:s4] =	ssyncadd.s32 $0xFFFF8000  }
0x20e: {  	_ =	swait.ge [sflag:s4], $0x8000  }
0x20f: {  	[sflag:s4] =	ssyncset.done $0x0  }
0x210: {  	[sflag:s4] =	ssyncadd.s32 $0xFFFF8000  }
0x211: {  	_ =	swait.ge [sflag:s4], $0x8000  }
0x212: {  	[sflag:s4] =	ssyncset.done $0x0  }
0x213: {  	[sflag:s4] =	ssyncadd.s32 $0xFFFF8000  }
0x214: {  	_ =	swait.ge [sflag:s4], $0x8000  }
0x215: {  	[sflag:s4] =	ssyncset.done $0x0  }
0x216: {  	[sflag:s4] =	ssyncadd.s32 $0xFFFF8000  }
0x217: {  	_ =	swait.ge [sflag:s4], $0x8000  }
0x218: {  	[sflag:s4] =	ssyncset.done $0x0  }
0x219: {  	[sflag:s4] =	ssyncadd.s32 $0xFFFF8000  }
0x21a: {  	_ =	swait.ge [sflag:s4], $0x8000  }
0x21b: {  	[sflag:s4] =	ssyncset.done $0x0  }
0x21c: {  	[sflag:s4] =	ssyncadd.s32 $0xFFFF8000  }
0x21d: {  	_ =	swait.ge [sflag:s4], $0x8000  }
0x21e: {  	[sflag:s4] =	ssyncset.done $0x0  }
0x21f: {  	[sflag:s4] =	ssyncadd.s32 $0xFFFF8000  }
0x220: {  	_ =	swait.ge [sflag:s4], $0x8000  }
0x221: {  	[sflag:s4] =	ssyncset.done $0x0  }
0x222: {  	[sflag:s4] =	ssyncadd.s32 $0xFFFF8000  }
0x223: {  	_ =	swait.ge [sflag:s4], $0x8000  }
0x224: {  	[sflag:s4] =	ssyncset.done $0x0  }
0x225: {  	[sflag:s4] =	ssyncadd.s32 $0xFFFF8000  }
0x226: {  	_ =	swait.ge [sflag:s4], $0x8000  }
0x227: {  	s31 =	sld [smem:$0x7DB];
	_ =	sdelay $0x2  }
0x228: {  	p1 =	sne.s32 s31, $0x1  }
.Ltmp1:
0x229: {  	_ = 	snop;
	(pc) =	sbr.rel @!p1 .LBB2_7-.Ltmp1, $4  }
0x22a: {  	[sflag:s4] =	ssyncset.done $0x0  }
0x22b: {  	[sflag:s4] =	ssyncadd.s32 $0xFFFF8000  }
0x22c: {  	p0 =	por $0x1, $0x1;
	_ =	swait.ge [sflag:s4], $0x8000  }
0x22d: {  	s13 =	sadd.s32 $0xFFFFFFFF, s31;
	[sflag:s4] =	ssyncset.done $0x0;
	s15 =	rddreg [dreg:$0x3]  }
0x22e: {  	s3 =	simm.s32 $0xB800;
	s20 =	simm.s32 $0x3800;
	s7 =	simm.s32 $0xB400  }
0x22f: {  	s28 =	simm.s32 $0x3400;
	s18 =	simm.s32 $0xB000;
	s11 =	simm.s32 $0x3000  }
0x230: {  	s17 =	simm.s32 $0xAC00;
	s24 =	simm.s32 $0x2C00;
	s22 =	simm.s32 $0xA800  }
0x231: {  	s9 =	simm.s32 $0x2800;
	s16 =	simm.s32 $0xA400;
	s21 =	simm.s32 $0x2400  }
0x232: {  	s19 =	simm.s32 $0xA000;
	s23 =	simm.s32 $0x2000;
	s30 =	simm.s32 $0x1C00  }
0x233: {  	s25 =	simm.s32 $0x9800;
	s26 =	simm.s32 $0x9400;
	s31 =	simm.s32 $0x8C00  }
.LBB2_4:
0x234: {  	[sflag:s4] =	ssyncadd.s32 $0xFFFF8000  }
0x235: {  	[tilespmem:s2], [sflag:$0x1] =	stream.linear.gather [hbm4b:s15+s2], $0xF800, $0x38;
	[tilespmem:$0x1F000] =	vst v63  }
0x236: {  	_ =	swait.ge [sflag:s29], $0xF800  }
0x237: {  	s5 =	sld [smem:$0x7FD]  }
0x238: {  	[sflag:s29] =	ssyncset.done $0x0  }
0x239: {  	s1 =	simm.s32 $0x3C00;
	s0 =	sld [smem:$0x796];
	[sflag:s29] =	ssyncadd.s32 $0xFFFF0800  }
0x23a: {  	[hbm4b:s5+s2] =	stream.linear.scatter [tilespmem:s1], [sflag:$0x2], $0x4000, $0x38;
	[tilespmem:$0x1F000] =	vst v63  }
0x23b: {  	s6 =	sld [smem:$0x7DC]  }
0x23c: {  	[hbm4b:s0+s2] =	stream.linear.scatter [tilespmem:s3], [sflag:$0x2], $0x4000, $0x38;
	[tilespmem:$0x1F000] =	vst v63  }
0x23d: {  	s8 =	sld [smem:$0x797]  }
0x23e: {  	[hbm4b:s6+s2] =	stream.linear.scatter [tilespmem:s20], [sflag:$0x2], $0x4000, $0x38;
	[tilespmem:$0x1F000] =	vst v63  }
0x23f: {  	s10 =	sld [smem:$0x7DD]  }
0x240: {  	[hbm4b:s8+s2] =	stream.linear.scatter [tilespmem:s7], [sflag:$0x2], $0x4000, $0x38;
	[tilespmem:$0x1F000] =	vst v63  }
0x241: {  	s15 =	sld [smem:$0x798]  }
0x242: {  	[hbm4b:s10+s2] =	stream.linear.scatter [tilespmem:s28], [sflag:$0x2], $0x4000, $0x38;
	[tilespmem:$0x1F000] =	vst v63  }
0x243: {  	s5 =	sld [smem:$0x7DE]  }
0x244: {  	[hbm4b:s15+s2] =	stream.linear.scatter [tilespmem:s18], [sflag:$0x2], $0x4000, $0x38;
	[tilespmem:$0x1F000] =	vst v63  }
0x245: {  	s6 =	sld [smem:$0x799]  }
0x246: {  	[hbm4b:s5+s2] =	stream.linear.scatter [tilespmem:s11], [sflag:$0x2], $0x4000, $0x38;
	[tilespmem:$0x1F000] =	vst v63  }
0x247: {  	s8 =	sld [smem:$0x7DF]  }
0x248: {  	[hbm4b:s6+s2] =	stream.linear.scatter [tilespmem:s17], [sflag:$0x2], $0x4000, $0x38;
	[tilespmem:$0x1F000] =	vst v63  }
0x249: {  	s5 =	sld [smem:$0x79A]  }
0x24a: {  	[hbm4b:s8+s2] =	stream.linear.scatter [tilespmem:s24], [sflag:$0x2], $0x4000, $0x38;
	[tilespmem:$0x1F000] =	vst v63  }
0x24b: {  	s10 =	sld [smem:$0x7E0]  }
0x24c: {  	[hbm4b:s5+s2] =	stream.linear.scatter [tilespmem:s22], [sflag:$0x2], $0x4000, $0x38;
	[tilespmem:$0x1F000] =	vst v63  }
0x24d: {  	s0 =	sld [smem:$0x79B]  }
0x24e: {  	[hbm4b:s10+s2] =	stream.linear.scatter [tilespmem:s9], [sflag:$0x2], $0x4000, $0x38;
	[tilespmem:$0x1F000] =	vst v63  }
0x24f: {  	s6 =	sld [smem:$0x7E1]  }
0x250: {  	[hbm4b:s0+s2] =	stream.linear.scatter [tilespmem:s16], [sflag:$0x2], $0x4000, $0x38;
	[tilespmem:$0x1F000] =	vst v63  }
0x251: {  	s8 =	sld [smem:$0x79C]  }
0x252: {  	[hbm4b:s6+s2] =	stream.linear.scatter [tilespmem:s21], [sflag:$0x2], $0x4000, $0x38;
	[tilespmem:$0x1F000] =	vst v63  }
0x253: {  	s10 =	sld [smem:$0x7E2]  }
0x254: {  	[hbm4b:s8+s2] =	stream.linear.scatter [tilespmem:s19], [sflag:$0x2], $0x4000, $0x38;
	[tilespmem:$0x1F000] =	vst v63  }
0x255: {  	s15 =	sld [smem:$0x79D]  }
0x256: {  	[hbm4b:s10+s2] =	stream.linear.scatter [tilespmem:s23], [sflag:$0x2], $0x4000, $0x38;
	[tilespmem:$0x1F000] =	vst v63  }
0x257: {  	s29 =	simm.s32 $0x9C00;
	s5 =	sld [smem:$0x7E3]  }
0x258: {  	[hbm4b:s15+s2] =	stream.linear.scatter [tilespmem:s29], [sflag:$0x2], $0x4000, $0x38;
	[tilespmem:$0x1F000] =	vst v63  }
0x259: {  	s6 =	sld [smem:$0x79E]  }
0x25a: {  	[hbm4b:s5+s2] =	stream.linear.scatter [tilespmem:s30], [sflag:$0x2], $0x4000, $0x38;
	[tilespmem:$0x1F000] =	vst v63  }
0x25b: {  	s8 =	sld [smem:$0x7E4]  }
0x25c: {  	[hbm4b:s6+s2] =	stream.linear.scatter [tilespmem:s25], [sflag:$0x2], $0x4000, $0x38;
	[tilespmem:$0x1F000] =	vst v63  }
0x25d: {  	s10 =	simm.s32 $0x1800;
	s6 =	sld [smem:$0x79F]  }
0x25e: {  	[hbm4b:s8+s2] =	stream.linear.scatter [tilespmem:s10], [sflag:$0x2], $0x4000, $0x38;
	[tilespmem:$0x1F000] =	vst v63  }
0x25f: {  	s8 =	sld [smem:$0x7E5]  }
0x260: {  	[hbm4b:s6+s2] =	stream.linear.scatter [tilespmem:s26], [sflag:$0x2], $0x4000, $0x38;
	[tilespmem:$0x1F000] =	vst v63  }
0x261: {  	s10 =	simm.s32 $0x1400;
	s6 =	sld [smem:$0x7A0]  }
0x262: {  	[hbm4b:s8+s2] =	stream.linear.scatter [tilespmem:s10], [sflag:$0x2], $0x4000, $0x38;
	[tilespmem:$0x1F000] =	vst v63  }
0x263: {  	s15 =	simm.s32 $0x9000;
	s8 =	sld [smem:$0x7E6]  }
0x264: {  	[hbm4b:s6+s2] =	stream.linear.scatter [tilespmem:s15], [sflag:$0x2], $0x4000, $0x38;
	[tilespmem:$0x1F000] =	vst v63  }
0x265: {  	s5 =	sld [smem:$0x7A1];
	s10 =	simm.s32 $0x1000  }
0x266: {  	[hbm4b:s8+s2] =	stream.linear.scatter [tilespmem:s10], [sflag:$0x2], $0x4000, $0x38;
	[tilespmem:$0x1F000] =	vst v63  }
0x267: {  	s6 =	sld [smem:$0x7E7]  }
0x268: {  	[hbm4b:s5+s2] =	stream.linear.scatter [tilespmem:s31], [sflag:$0x2], $0x4000, $0x38;
	[tilespmem:$0x1F000] =	vst v63  }
0x269: {  	s8 =	simm.s32 $0xC00;
	s10 =	sld [smem:$0x7A2]  }
0x26a: {  	[hbm4b:s6+s2] =	stream.linear.scatter [tilespmem:s8], [sflag:$0x2], $0x4000, $0x38;
	[tilespmem:$0x1F000] =	vst v63  }
0x26b: {  	s15 =	simm.s32 $0x8800;
	s5 =	sld [smem:$0x7E8]  }
0x26c: {  	[hbm4b:s10+s2] =	stream.linear.scatter [tilespmem:s15], [sflag:$0x2], $0x4000, $0x38;
	[tilespmem:$0x1F000] =	vst v63  }
0x26d: {  	s6 =	simm.s32 $0x800;
	s8 =	sld [smem:$0x7A3]  }
0x26e: {  	[hbm4b:s5+s2] =	stream.linear.scatter [tilespmem:s6], [sflag:$0x2], $0x4000, $0x38;
	[tilespmem:$0x1F000] =	vst v63  }
0x26f: {  	s5 =	simm.s32 $0x8400  }
0x270: {  	[hbm4b:s8+s2] =	stream.linear.scatter [tilespmem:s5], [sflag:$0x2], $0x4000, $0x38;
	[tilespmem:$0x1F000] =	vst v63  }
0x271: {  	s8 =	sld [smem:$0x7E9];
	_ =	sdelay $0x1  }
0x272: {  	s10 =	simm.s32 $0x400;
	s15 =	sld [smem:$0x7A4]  }
0x273: {  	[hbm4b:s8+s2] =	stream.linear.scatter [tilespmem:s10], [sflag:$0x2], $0x4000, $0x38;
	[tilespmem:$0x1F000] =	vst v63  }
0x274: {  	s10 =	simm.s32 $0x8000;
	s8 =	sld [smem:$0x7EA]  }
0x275: {  	[hbm4b:s15+s2] =	stream.linear.scatter [tilespmem:s10], [sflag:$0x2], $0x4000, $0x38;
	[tilespmem:$0x1F000] =	vst v63  }
0x276: {  	s10 =	sld [smem:$0x7A5]  }
0x277: {  	[hbm4b:s8+s2] =	stream.linear.scatter [tilespmem:s2], [sflag:$0x2], $0x4000, $0x38;
	[tilespmem:$0x1F000] =	vst v63  }
0x278: {  	s8 =	simm.s32 $0x7C00  }
0x279: {  	[hbm4b:s10+s2] =	stream.linear.scatter [tilespmem:s8], [sflag:$0x2], $0x4000, $0x38;
	[tilespmem:$0x1F000] =	vst v63  }
0x27a: {  	s0 =	simm.s32 $0x1;
	s15 =	rddreg [dreg:$0x4]  }
0x27b: {  	[tilespmem:s12], [sflag:$0x1] =	stream.linear.gather [hbm4b:s15+s2], $0xF800, $0x38;
	[tilespmem:$0x1F000] =	vst v63  }
0x27c: {  	_ =	swait.ge [sflag:s0], $0xF800  }
0x27d: {  	s15 =	sld [smem:$0x7EB]  }
0x27e: {  	[sflag:s0] =	ssyncset.done $0x0  }
0x27f: {  	s10 =	simm.s32 $0x13400;
	[sflag:s0] =	ssyncadd.s32 $0xFFFF0800  }
0x280: {  	[hbm4b:s15+s2] =	stream.linear.scatter [tilespmem:s10], [sflag:$0x3], $0x4000, $0x38;
	[tilespmem:$0x1F000] =	vst v63  }
0x281: {  	s15 =	sld [smem:$0x7A6];
	_ =	sdelay $0x1  }
0x282: {  	s12 =	simm.s32 $0x1B000;
	s10 =	sld [smem:$0x7EC]  }
0x283: {  	[hbm4b:s15+s2] =	stream.linear.scatter [tilespmem:s12], [sflag:$0x3], $0x4000, $0x38;
	[tilespmem:$0x1F000] =	vst v63  }
0x284: {  	s12 =	simm.s32 $0x13000;
	s15 =	sld [smem:$0x7A7]  }
0x285: {  	[hbm4b:s10+s2] =	stream.linear.scatter [tilespmem:s12], [sflag:$0x3], $0x4000, $0x38;
	[tilespmem:$0x1F000] =	vst v63  }
0x286: {  	s12 =	simm.s32 $0x1AC00;
	s10 =	sld [smem:$0x7ED]  }
0x287: {  	[hbm4b:s15+s2] =	stream.linear.scatter [tilespmem:s12], [sflag:$0x3], $0x4000, $0x38;
	[tilespmem:$0x1F000] =	vst v63  }
0x288: {  	s12 =	simm.s32 $0x12C00;
	s15 =	sld [smem:$0x7A8]  }
0x289: {  	[hbm4b:s10+s2] =	stream.linear.scatter [tilespmem:s12], [sflag:$0x3], $0x4000, $0x38;
	[tilespmem:$0x1F000] =	vst v63  }
0x28a: {  	s12 =	simm.s32 $0x1A800;
	s10 =	sld [smem:$0x7EE]  }
0x28b: {  	[hbm4b:s15+s2] =	stream.linear.scatter [tilespmem:s12], [sflag:$0x3], $0x4000, $0x38;
	[tilespmem:$0x1F000] =	vst v63  }
0x28c: {  	s12 =	simm.s32 $0x12800;
	s15 =	sld [smem:$0x7A9]  }
0x28d: {  	[hbm4b:s10+s2] =	stream.linear.scatter [tilespmem:s12], [sflag:$0x3], $0x4000, $0x38;
	[tilespmem:$0x1F000] =	vst v63  }
0x28e: {  	s12 =	simm.s32 $0x1A400;
	s10 =	sld [smem:$0x7EF]  }
0x28f: {  	[hbm4b:s15+s2] =	stream.linear.scatter [tilespmem:s12], [sflag:$0x3], $0x4000, $0x38;
	[tilespmem:$0x1F000] =	vst v63  }
0x290: {  	s12 =	simm.s32 $0x12400;
	s15 =	sld [smem:$0x7AA]  }
0x291: {  	[hbm4b:s10+s2] =	stream.linear.scatter [tilespmem:s12], [sflag:$0x3], $0x4000, $0x38;
	[tilespmem:$0x1F000] =	vst v63  }
0x292: {  	s12 =	simm.s32 $0x1A000;
	s10 =	sld [smem:$0x7F0]  }
0x293: {  	[hbm4b:s15+s2] =	stream.linear.scatter [tilespmem:s12], [sflag:$0x3], $0x4000, $0x38;
	[tilespmem:$0x1F000] =	vst v63  }
0x294: {  	s12 =	simm.s32 $0x12000  }
0x295: {  	[hbm4b:s10+s2] =	stream.linear.scatter [tilespmem:s12], [sflag:$0x3], $0x4000, $0x38;
	[tilespmem:$0x1F000] =	vst v63  }
0x296: {  	s12 =	sld [smem:$0x7AB];
	_ =	sdelay $0x1  }
0x297: {  	s15 =	simm.s32 $0x19C00;
	s10 =	sld [smem:$0x7F1]  }
0x298: {  	[hbm4b:s12+s2] =	stream.linear.scatter [tilespmem:s15], [sflag:$0x3], $0x4000, $0x38;
	[tilespmem:$0x1F000] =	vst v63  }
0x299: {  	s12 =	simm.s32 $0x11C00  }
0x29a: {  	[hbm4b:s10+s2] =	stream.linear.scatter [tilespmem:s12], [sflag:$0x3], $0x4000, $0x38;
	[tilespmem:$0x1F000] =	vst v63  }
0x29b: {  	s12 =	sld [smem:$0x7AC];
	_ =	sdelay $0x1  }
0x29c: {  	s15 =	simm.s32 $0x19800  }
0x29d: {  	[hbm4b:s12+s2] =	stream.linear.scatter [tilespmem:s15], [sflag:$0x3], $0x4000, $0x38;
	[tilespmem:$0x1F000] =	vst v63  }
0x29e: {  	s10 =	rddreg [dreg:$0x1e];
	s12 =	simm.s32 $0x11800  }
0x29f: {  	[hbm4b:s10+s2] =	stream.linear.scatter [tilespmem:s12], [sflag:$0x3], $0x4000, $0x38;
	[tilespmem:$0x1F000] =	vst v63  }
0x2a0: {  	s12 =	sld [smem:$0x7AD];
	_ =	sdelay $0x1  }
0x2a1: {  	s15 =	simm.s32 $0x19400  }
0x2a2: {  	[hbm4b:s12+s2] =	stream.linear.scatter [tilespmem:s15], [sflag:$0x3], $0x4000, $0x38;
	[tilespmem:$0x1F000] =	vst v63  }
0x2a3: {  	s10 =	rddreg [dreg:$0x1d];
	s12 =	simm.s32 $0x11400  }
0x2a4: {  	[hbm4b:s10+s2] =	stream.linear.scatter [tilespmem:s12], [sflag:$0x3], $0x4000, $0x38;
	[tilespmem:$0x1F000] =	vst v63  }
0x2a5: {  	s12 =	sld [smem:$0x7AE];
	_ =	sdelay $0x1  }
0x2a6: {  	s15 =	simm.s32 $0x19000  }
0x2a7: {  	[hbm4b:s12+s2] =	stream.linear.scatter [tilespmem:s15], [sflag:$0x3], $0x4000, $0x38;
	[tilespmem:$0x1F000] =	vst v63  }
0x2a8: {  	s10 =	rddreg [dreg:$0x1c];
	s12 =	simm.s32 $0x11000  }
0x2a9: {  	[hbm4b:s10+s2] =	stream.linear.scatter [tilespmem:s12], [sflag:$0x3], $0x4000, $0x38;
	[tilespmem:$0x1F000] =	vst v63  }
0x2aa: {  	s12 =	sld [smem:$0x7AF];
	_ =	sdelay $0x1  }
0x2ab: {  	s15 =	simm.s32 $0x18C00  }
0x2ac: {  	[hbm4b:s12+s2] =	stream.linear.scatter [tilespmem:s15], [sflag:$0x3], $0x4000, $0x38;
	[tilespmem:$0x1F000] =	vst v63  }
0x2ad: {  	s10 =	rddreg [dreg:$0x1b];
	s12 =	simm.s32 $0x10C00  }
0x2ae: {  	[hbm4b:s10+s2] =	stream.linear.scatter [tilespmem:s12], [sflag:$0x3], $0x4000, $0x38;
	[tilespmem:$0x1F000] =	vst v63  }
0x2af: {  	s12 =	sld [smem:$0x7B0];
	_ =	sdelay $0x1  }
0x2b0: {  	s15 =	simm.s32 $0x18800  }
0x2b1: {  	[hbm4b:s12+s2] =	stream.linear.scatter [tilespmem:s15], [sflag:$0x3], $0x4000, $0x38;
	[tilespmem:$0x1F000] =	vst v63  }
0x2b2: {  	s10 =	rddreg [dreg:$0x1a];
	s12 =	simm.s32 $0x10800  }
0x2b3: {  	[hbm4b:s10+s2] =	stream.linear.scatter [tilespmem:s12], [sflag:$0x3], $0x4000, $0x38;
	[tilespmem:$0x1F000] =	vst v63  }
0x2b4: {  	s10 =	sld [smem:$0x7B1];
	_ =	sdelay $0x1  }
0x2b5: {  	s12 =	simm.s32 $0x18400  }
0x2b6: {  	[hbm4b:s10+s2] =	stream.linear.scatter [tilespmem:s12], [sflag:$0x3], $0x4000, $0x38;
	[tilespmem:$0x1F000] =	vst v63  }
0x2b7: {  	s10 =	rddreg [dreg:$0x19];
	s12 =	simm.s32 $0x10400  }
0x2b8: {  	[hbm4b:s10+s2] =	stream.linear.scatter [tilespmem:s12], [sflag:$0x3], $0x4000, $0x38;
	[tilespmem:$0x1F000] =	vst v63  }
0x2b9: {  	s10 =	sld [smem:$0x7B2];
	_ =	sdelay $0x1  }
0x2ba: {  	s12 =	simm.s32 $0x18000  }
0x2bb: {  	[hbm4b:s10+s2] =	stream.linear.scatter [tilespmem:s12], [sflag:$0x3], $0x4000, $0x38;
	[tilespmem:$0x1F000] =	vst v63  }
0x2bc: {  	s10 =	rddreg [dreg:$0x18];
	s12 =	simm.s32 $0x10000  }
0x2bd: {  	[hbm4b:s10+s2] =	stream.linear.scatter [tilespmem:s12], [sflag:$0x3], $0x4000, $0x38;
	[tilespmem:$0x1F000] =	vst v63  }
0x2be: {  	s10 =	sld [smem:$0x7B3];
	_ =	sdelay $0x1  }
0x2bf: {  	s12 =	simm.s32 $0x17C00  }
0x2c0: {  	[hbm4b:s10+s2] =	stream.linear.scatter [tilespmem:s12], [sflag:$0x3], $0x4000, $0x38;
	[tilespmem:$0x1F000] =	vst v63  }
0x2c1: {  	s10 =	rddreg [dreg:$0x17];
	s12 =	simm.s32 $0xFC00  }
0x2c2: {  	[hbm4b:s10+s2] =	stream.linear.scatter [tilespmem:s12], [sflag:$0x3], $0x4000, $0x38;
	[tilespmem:$0x1F000] =	vst v63  }
0x2c3: {  	s12 =	sld [smem:$0x7B4];
	_ =	sdelay $0x1  }
0x2c4: {  	s10 =	simm.s32 $0x17800  }
0x2c5: {  	[hbm4b:s12+s2] =	stream.linear.scatter [tilespmem:s10], [sflag:$0x3], $0x4000, $0x38;
	[tilespmem:$0x1F000] =	vst v63  }
0x2c6: {  	s15 =	rddreg [dreg:$0x16];
	s12 =	simm.s32 $0xF800  }
0x2c7: {  	[hbm4b:s15+s2] =	stream.linear.scatter [tilespmem:s12], [sflag:$0x3], $0x4000, $0x38;
	[tilespmem:$0x1F000] =	vst v63  }
0x2c8: {  	s15 =	sld [smem:$0x7B5];
	_ =	sdelay $0x1  }
0x2c9: {  	s12 =	simm.s32 $0x17400  }
0x2ca: {  	[hbm4b:s15+s2] =	stream.linear.scatter [tilespmem:s12], [sflag:$0x3], $0x4000, $0x38;
	[tilespmem:$0x1F000] =	vst v63  }
0x2cb: {  	_ =	swait.ge [sflag:s14], $0x8000  }
0x2cc: {  	[sflag:s14] =	ssyncset.done $0x0  }
0x2cd: {  	[sflag:s14] =	ssyncadd.s32 $0xFFFF8000  }
0x2ce: {  	_ =	swait.ge [sflag:s14], $0x8000  }
0x2cf: {  	[sflag:s14] =	ssyncset.done $0x0  }
0x2d0: {  	[sflag:s14] =	ssyncadd.s32 $0xFFFF8000  }
0x2d1: {  	_ =	swait.ge [sflag:s14], $0x8000  }
0x2d2: {  	[sflag:s14] =	ssyncset.done $0x0  }
0x2d3: {  	[sflag:s14] =	ssyncadd.s32 $0xFFFF8000  }
0x2d4: {  	_ =	swait.ge [sflag:s14], $0x8000  }
0x2d5: {  	[sflag:s14] =	ssyncset.done $0x0  }
0x2d6: {  	[sflag:s14] =	ssyncadd.s32 $0xFFFF8000  }
0x2d7: {  	_ =	swait.ge [sflag:s14], $0x8000  }
0x2d8: {  	[sflag:s14] =	ssyncset.done $0x0  }
0x2d9: {  	[sflag:s14] =	ssyncadd.s32 $0xFFFF8000  }
0x2da: {  	_ =	swait.ge [sflag:s14], $0x8000  }
0x2db: {  	[sflag:s14] =	ssyncset.done $0x0  }
0x2dc: {  	[sflag:s14] =	ssyncadd.s32 $0xFFFF8000  }
0x2dd: {  	_ =	swait.ge [sflag:s14], $0x8000  }
0x2de: {  	[sflag:s14] =	ssyncset.done $0x0  }
0x2df: {  	[sflag:s14] =	ssyncadd.s32 $0xFFFF8000  }
0x2e0: {  	_ =	swait.ge [sflag:s14], $0x8000  }
0x2e1: {  	[sflag:s14] =	ssyncset.done $0x0  }
0x2e2: {  	[sflag:s14] =	ssyncadd.s32 $0xFFFF8000  }
0x2e3: {  	_ =	swait.ge [sflag:s14], $0x8000  }
0x2e4: {  	[sflag:s14] =	ssyncset.done $0x0  }
0x2e5: {  	[sflag:s14] =	ssyncadd.s32 $0xFFFF8000  }
0x2e6: {  	_ =	swait.ge [sflag:s14], $0x8000  }
0x2e7: {  	[sflag:s14] =	ssyncset.done $0x0  }
0x2e8: {  	[sflag:s14] =	ssyncadd.s32 $0xFFFF8000  }
0x2e9: {  	_ =	swait.ge [sflag:s14], $0x8000  }
0x2ea: {  	[sflag:s14] =	ssyncset.done $0x0  }
0x2eb: {  	[sflag:s14] =	ssyncadd.s32 $0xFFFF8000  }
0x2ec: {  	_ =	swait.ge [sflag:s14], $0x8000  }
0x2ed: {  	[sflag:s14] =	ssyncset.done $0x0  }
0x2ee: {  	[sflag:s14] =	ssyncadd.s32 $0xFFFF8000  }
0x2ef: {  	_ =	swait.ge [sflag:s14], $0x8000  }
0x2f0: {  	[sflag:s14] =	ssyncset.done $0x0  }
0x2f1: {  	[sflag:s14] =	ssyncadd.s32 $0xFFFF8000  }
0x2f2: {  	_ =	swait.ge [sflag:s14], $0x8000  }
0x2f3: {  	[sflag:s14] =	ssyncset.done $0x0  }
0x2f4: {  	[sflag:s14] =	ssyncadd.s32 $0xFFFF8000  }
0x2f5: {  	_ =	swait.ge [sflag:s14], $0x8000  }
0x2f6: {  	[sflag:s14] =	ssyncset.done $0x0  }
0x2f7: {  	[sflag:s14] =	ssyncadd.s32 $0xFFFF8000  }
0x2f8: {  	_ =	swait.ge [sflag:s14], $0x8000  }
0x2f9: {  	[sflag:s14] =	ssyncset.done $0x0  }
0x2fa: {  	s12 =	rddreg [dreg:$0x5];
	[sflag:s14] =	ssyncadd.s32 $0xFFFF8000  }
0x2fb: {  	[tilespmem:s2], [sflag:$0x1] =	stream.linear.gather [hbm4b:s12+s2], $0xF800, $0x38;
	[tilespmem:$0x1F000] =	vst v63  }
0x2fc: {  	_ =	swait.ge [sflag:s0], $0xF800  }
0x2fd: {  	[sflag:s0] =	ssyncset.done $0x0;
	s12 =	sld [smem:$0x7B6]  }
0x2fe: {  	[sflag:s0] =	ssyncadd.s32 $0xFFFF0800;
	s0 =	rddreg [dreg:$0x1f]  }
0x2ff: {  	[hbm4b:s0+s2] =	stream.linear.scatter [tilespmem:s1], [sflag:$0x2], $0x4000, $0x38;
	[tilespmem:$0x1F000] =	vst v63  }
0x300: {  	s0 =	rddreg [dreg:$0x15]  }
0x301: {  	[hbm4b:s12+s2] =	stream.linear.scatter [tilespmem:s3], [sflag:$0x2], $0x4000, $0x38;
	[tilespmem:$0x1F000] =	vst v63  }
0x302: {  	s1 =	sld [smem:$0x7B7]  }
0x303: {  	[hbm4b:s0+s2] =	stream.linear.scatter [tilespmem:s20], [sflag:$0x2], $0x4000, $0x38;
	[tilespmem:$0x1F000] =	vst v63  }
0x304: {  	s12 =	rddreg [dreg:$0x14]  }
0x305: {  	[hbm4b:s1+s2] =	stream.linear.scatter [tilespmem:s7], [sflag:$0x2], $0x4000, $0x38;
	[tilespmem:$0x1F000] =	vst v63  }
0x306: {  	s0 =	sld [smem:$0x7B8]  }
0x307: {  	[hbm4b:s12+s2] =	stream.linear.scatter [tilespmem:s28], [sflag:$0x2], $0x4000, $0x38;
	[tilespmem:$0x1F000] =	vst v63  }
0x308: {  	s12 =	rddreg [dreg:$0x13]  }
0x309: {  	[hbm4b:s0+s2] =	stream.linear.scatter [tilespmem:s18], [sflag:$0x2], $0x4000, $0x38;
	[tilespmem:$0x1F000] =	vst v63  }
0x30a: {  	s0 =	sld [smem:$0x7B9]  }
0x30b: {  	[hbm4b:s12+s2] =	stream.linear.scatter [tilespmem:s11], [sflag:$0x2], $0x4000, $0x38;
	[tilespmem:$0x1F000] =	vst v63  }
0x30c: {  	s15 =	sld [smem:$0x7BA]  }
0x30d: {  	[hbm4b:s0+s2] =	stream.linear.scatter [tilespmem:s17], [sflag:$0x2], $0x4000, $0x38;
	[tilespmem:$0x1F000] =	vst v63  }
0x30e: {  	s12 =	rddreg [dreg:$0x12]  }
0x30f: {  	[hbm4b:s12+s2] =	stream.linear.scatter [tilespmem:s24], [sflag:$0x2], $0x4000, $0x38;
	[tilespmem:$0x1F000] =	vst v63  }
0x310: {  	s1 =	sld [smem:$0x7BB]  }
0x311: {  	[hbm4b:s15+s2] =	stream.linear.scatter [tilespmem:s22], [sflag:$0x2], $0x4000, $0x38;
	[tilespmem:$0x1F000] =	vst v63  }
0x312: {  	s0 =	rddreg [dreg:$0x11]  }
0x313: {  	[hbm4b:s0+s2] =	stream.linear.scatter [tilespmem:s9], [sflag:$0x2], $0x4000, $0x38;
	[tilespmem:$0x1F000] =	vst v63  }
0x314: {  	s12 =	rddreg [dreg:$0x10]  }
0x315: {  	[hbm4b:s1+s2] =	stream.linear.scatter [tilespmem:s16], [sflag:$0x2], $0x4000, $0x38;
	[tilespmem:$0x1F000] =	vst v63  }
0x316: {  	s15 =	sld [smem:$0x7BC]  }
0x317: {  	[hbm4b:s12+s2] =	stream.linear.scatter [tilespmem:s21], [sflag:$0x2], $0x4000, $0x38;
	[tilespmem:$0x1F000] =	vst v63  }
0x318: {  	s0 =	rddreg [dreg:$0xf]  }
0x319: {  	[hbm4b:s15+s2] =	stream.linear.scatter [tilespmem:s19], [sflag:$0x2], $0x4000, $0x38;
	[tilespmem:$0x1F000] =	vst v63  }
0x31a: {  	s1 =	sld [smem:$0x7BD]  }
0x31b: {  	[hbm4b:s0+s2] =	stream.linear.scatter [tilespmem:s23], [sflag:$0x2], $0x4000, $0x38;
	[tilespmem:$0x1F000] =	vst v63  }
0x31c: {  	s12 =	rddreg [dreg:$0xe]  }
0x31d: {  	[hbm4b:s1+s2] =	stream.linear.scatter [tilespmem:s29], [sflag:$0x2], $0x4000, $0x38;
	[tilespmem:$0x1F000] =	vst v63  }
0x31e: {  	s15 =	sld [smem:$0x7BE]  }
0x31f: {  	[hbm4b:s12+s2] =	stream.linear.scatter [tilespmem:s30], [sflag:$0x2], $0x4000, $0x38;
	[tilespmem:$0x1F000] =	vst v63  }
0x320: {  	_ = 	snop  }
0x321: {  	[hbm4b:s15+s2] =	stream.linear.scatter [tilespmem:s25], [sflag:$0x2], $0x4000, $0x38;
	[tilespmem:$0x1F000] =	vst v63  }
0x322: {  	s1 =	rddreg [dreg:$0xd];
	s12 =	simm.s32 $0x1800  }
0x323: {  	[hbm4b:s1+s2] =	stream.linear.scatter [tilespmem:s12], [sflag:$0x2], $0x4000, $0x38;
	[tilespmem:$0x1F000] =	vst v63  }
0x324: {  	s1 =	sld [smem:$0x7BF];
	_ =	sdelay $0x2  }
0x325: {  	[hbm4b:s1+s2] =	stream.linear.scatter [tilespmem:s26], [sflag:$0x2], $0x4000, $0x38;
	[tilespmem:$0x1F000] =	vst v63  }
0x326: {  	s15 =	simm.s32 $0x1400;
	s12 =	rddreg [dreg:$0xc]  }
0x327: {  	[hbm4b:s12+s2] =	stream.linear.scatter [tilespmem:s15], [sflag:$0x2], $0x4000, $0x38;
	[tilespmem:$0x1F000] =	vst v63  }
0x328: {  	s12 =	sld [smem:$0x7C0];
	_ =	sdelay $0x1  }
0x329: {  	s1 =	rddreg [dreg:$0xb];
	s15 =	simm.s32 $0x9000  }
0x32a: {  	[hbm4b:s12+s2] =	stream.linear.scatter [tilespmem:s15], [sflag:$0x2], $0x4000, $0x38;
	[tilespmem:$0x1F000] =	vst v63  }
0x32b: {  	s12 =	simm.s32 $0x1000;
	s15 =	sld [smem:$0x7C1]  }
0x32c: {  	[hbm4b:s1+s2] =	stream.linear.scatter [tilespmem:s12], [sflag:$0x2], $0x4000, $0x38;
	[tilespmem:$0x1F000] =	vst v63  }
0x32d: {  	s0 =	rddreg [dreg:$0xa]  }
0x32e: {  	[hbm4b:s15+s2] =	stream.linear.scatter [tilespmem:s31], [sflag:$0x2], $0x4000, $0x38;
	[tilespmem:$0x1F000] =	vst v63  }
0x32f: {  	s1 =	simm.s32 $0xC00;
	s12 =	sld [smem:$0x7C2]  }
0x330: {  	[hbm4b:s0+s2] =	stream.linear.scatter [tilespmem:s1], [sflag:$0x2], $0x4000, $0x38;
	[tilespmem:$0x1F000] =	vst v63  }
0x331: {  	s15 =	simm.s32 $0x8800  }
0x332: {  	[hbm4b:s12+s2] =	stream.linear.scatter [tilespmem:s15], [sflag:$0x2], $0x4000, $0x38;
	[tilespmem:$0x1F000] =	vst v63  }
0x333: {  	s12 =	rddreg [dreg:$0x9]  }
0x334: {  	s15 =	sld [smem:$0x7C3]  }
0x335: {  	[hbm4b:s12+s2] =	stream.linear.scatter [tilespmem:s6], [sflag:$0x2], $0x4000, $0x38;
	[tilespmem:$0x1F000] =	vst v63  }
0x336: {  	s0 =	rddreg [dreg:$0x8]  }
0x337: {  	[hbm4b:s15+s2] =	stream.linear.scatter [tilespmem:s5], [sflag:$0x2], $0x4000, $0x38;
	[tilespmem:$0x1F000] =	vst v63  }
0x338: {  	s1 =	simm.s32 $0x400;
	s5 =	sld [smem:$0x7C4]  }
0x339: {  	[hbm4b:s0+s2] =	stream.linear.scatter [tilespmem:s1], [sflag:$0x2], $0x4000, $0x38;
	[tilespmem:$0x1F000] =	vst v63  }
0x33a: {  	s6 =	simm.s32 $0x8000;
	s12 =	rddreg [dreg:$0x7]  }
0x33b: {  	[hbm4b:s5+s2] =	stream.linear.scatter [tilespmem:s6], [sflag:$0x2], $0x4000, $0x38;
	[tilespmem:$0x1F000] =	vst v63  }
0x33c: {  	s15 =	sld [smem:$0x7C5]  }
0x33d: {  	[hbm4b:s12+s2] =	stream.linear.scatter [tilespmem:s2], [sflag:$0x2], $0x4000, $0x38;
	[tilespmem:$0x1F000] =	vst v63  }
0x33e: {  	_ = 	snop  }
0x33f: {  	[hbm4b:s15+s2] =	stream.linear.scatter [tilespmem:s8], [sflag:$0x2], $0x4000, $0x38;
	[tilespmem:$0x1F000] =	vst v63  }
0x340: {  	_ =	swait.ge [sflag:s4], $0x8000  }
0x341: {  	[sflag:s4] =	ssyncset.done $0x0  }
0x342: {  	[sflag:s4] =	ssyncadd.s32 $0xFFFF8000  }
0x343: {  	_ =	swait.ge [sflag:s4], $0x8000  }
0x344: {  	[sflag:s4] =	ssyncset.done $0x0  }
0x345: {  	[sflag:s4] =	ssyncadd.s32 $0xFFFF8000  }
0x346: {  	_ =	swait.ge [sflag:s4], $0x8000  }
0x347: {  	[sflag:s4] =	ssyncset.done $0x0  }
0x348: {  	[sflag:s4] =	ssyncadd.s32 $0xFFFF8000  }
0x349: {  	_ =	swait.ge [sflag:s4], $0x8000  }
0x34a: {  	[sflag:s4] =	ssyncset.done $0x0  }
0x34b: {  	[sflag:s4] =	ssyncadd.s32 $0xFFFF8000  }
0x34c: {  	_ =	swait.ge [sflag:s4], $0x8000  }
0x34d: {  	[sflag:s4] =	ssyncset.done $0x0  }
0x34e: {  	[sflag:s4] =	ssyncadd.s32 $0xFFFF8000  }
0x34f: {  	_ =	swait.ge [sflag:s4], $0x8000  }
0x350: {  	[sflag:s4] =	ssyncset.done $0x0  }
0x351: {  	[sflag:s4] =	ssyncadd.s32 $0xFFFF8000  }
0x352: {  	_ =	swait.ge [sflag:s4], $0x8000  }
0x353: {  	[sflag:s4] =	ssyncset.done $0x0  }
0x354: {  	[sflag:s4] =	ssyncadd.s32 $0xFFFF8000  }
0x355: {  	_ =	swait.ge [sflag:s4], $0x8000  }
0x356: {  	[sflag:s4] =	ssyncset.done $0x0  }
0x357: {  	[sflag:s4] =	ssyncadd.s32 $0xFFFF8000  }
0x358: {  	_ =	swait.ge [sflag:s4], $0x8000  }
0x359: {  	[sflag:s4] =	ssyncset.done $0x0  }
0x35a: {  	[sflag:s4] =	ssyncadd.s32 $0xFFFF8000  }
0x35b: {  	_ =	swait.ge [sflag:s4], $0x8000  }
0x35c: {  	[sflag:s4] =	ssyncset.done $0x0  }
0x35d: {  	[sflag:s4] =	ssyncadd.s32 $0xFFFF8000  }
0x35e: {  	_ =	swait.ge [sflag:s4], $0x8000  }
0x35f: {  	[sflag:s4] =	ssyncset.done $0x0  }
0x360: {  	[sflag:s4] =	ssyncadd.s32 $0xFFFF8000  }
0x361: {  	_ =	swait.ge [sflag:s4], $0x8000  }
0x362: {  	[sflag:s4] =	ssyncset.done $0x0  }
0x363: {  	[sflag:s4] =	ssyncadd.s32 $0xFFFF8000  }
0x364: {  	_ =	swait.ge [sflag:s4], $0x8000  }
0x365: {  	[sflag:s4] =	ssyncset.done $0x0  }
0x366: {  	[sflag:s4] =	ssyncadd.s32 $0xFFFF8000  }
0x367: {  	_ =	swait.ge [sflag:s4], $0x8000  }
0x368: {  	[sflag:s4] =	ssyncset.done $0x0  }
0x369: {  	[sflag:s4] =	ssyncadd.s32 $0xFFFF8000  }
0x36a: {  	_ =	swait.ge [sflag:s4], $0x8000  }
0x36b: {  	[sflag:s4] =	ssyncset.done $0x0  }
0x36c: {  	[sflag:s4] =	ssyncadd.s32 $0xFFFF8000  }
0x36d: {  	_ =	swait.ge [sflag:s4], $0x8000  }
0x36e: {  	s29 =	simm.s32 $0x1;
	[sflag:s4] =	ssyncset.done $0x0  }
0x36f: {  	s5 =	simm.s32 $0xF800;
	s1 =	rddreg [dreg:$0x6];
	[sflag:s4] =	ssyncadd.s32 $0xFFFF8000  }
0x370: {  	[tilespmem:s5], [sflag:$0x1] =	stream.linear.gather [hbm4b:s1+s2], $0xF800, $0x38;
	[tilespmem:$0x1F000] =	vst v63  }
0x371: {  	_ =	swait.ge [sflag:s29], $0xF800  }
0x372: {  	s6 =	sld [smem:$0x7CE]  }
0x373: {  	[sflag:s29] =	ssyncset.done $0x0  }
0x374: {  	s8 =	simm.s32 $0x13400;
	s12 =	sld [smem:$0x7C6];
	[sflag:s29] =	ssyncadd.s32 $0xFFFF0800  }
0x375: {  	[hbm4b:s6+s2] =	stream.linear.scatter [tilespmem:s8], [sflag:$0x3], $0x4000, $0x38;
	[tilespmem:$0x1F000] =	vst v63  }
0x376: {  	s15 =	simm.s32 $0x1B000;
	s5 =	sld [smem:$0x7F2]  }
0x377: {  	[hbm4b:s12+s2] =	stream.linear.scatter [tilespmem:s15], [sflag:$0x3], $0x4000, $0x38;
	[tilespmem:$0x1F000] =	vst v63  }
0x378: {  	s6 =	simm.s32 $0x13000;
	s8 =	sld [smem:$0x7C7]  }
0x379: {  	[hbm4b:s5+s2] =	stream.linear.scatter [tilespmem:s6], [sflag:$0x3], $0x4000, $0x38;
	[tilespmem:$0x1F000] =	vst v63  }
0x37a: {  	s15 =	simm.s32 $0x1AC00;
	s5 =	sld [smem:$0x7F3]  }
0x37b: {  	[hbm4b:s8+s2] =	stream.linear.scatter [tilespmem:s15], [sflag:$0x3], $0x4000, $0x38;
	[tilespmem:$0x1F000] =	vst v63  }
0x37c: {  	s6 =	simm.s32 $0x12C00;
	s8 =	sld [smem:$0x7C8]  }
0x37d: {  	[hbm4b:s5+s2] =	stream.linear.scatter [tilespmem:s6], [sflag:$0x3], $0x4000, $0x38;
	[tilespmem:$0x1F000] =	vst v63  }
0x37e: {  	s15 =	simm.s32 $0x1A800;
	s5 =	sld [smem:$0x7F4]  }
0x37f: {  	[hbm4b:s8+s2] =	stream.linear.scatter [tilespmem:s15], [sflag:$0x3], $0x4000, $0x38;
	[tilespmem:$0x1F000] =	vst v63  }
0x380: {  	s6 =	simm.s32 $0x12800;
	s8 =	sld [smem:$0x7C9]  }
0x381: {  	[hbm4b:s5+s2] =	stream.linear.scatter [tilespmem:s6], [sflag:$0x3], $0x4000, $0x38;
	[tilespmem:$0x1F000] =	vst v63  }
0x382: {  	s15 =	simm.s32 $0x1A400;
	s5 =	sld [smem:$0x7F5]  }
0x383: {  	[hbm4b:s8+s2] =	stream.linear.scatter [tilespmem:s15], [sflag:$0x3], $0x4000, $0x38;
	[tilespmem:$0x1F000] =	vst v63  }
0x384: {  	s6 =	simm.s32 $0x12400;
	s8 =	sld [smem:$0x7CA]  }
0x385: {  	[hbm4b:s5+s2] =	stream.linear.scatter [tilespmem:s6], [sflag:$0x3], $0x4000, $0x38;
	[tilespmem:$0x1F000] =	vst v63  }
0x386: {  	s15 =	simm.s32 $0x1A000;
	s5 =	sld [smem:$0x7F6]  }
0x387: {  	[hbm4b:s8+s2] =	stream.linear.scatter [tilespmem:s15], [sflag:$0x3], $0x4000, $0x38;
	[tilespmem:$0x1F000] =	vst v63  }
0x388: {  	s6 =	simm.s32 $0x12000;
	s8 =	sld [smem:$0x7CB]  }
0x389: {  	[hbm4b:s5+s2] =	stream.linear.scatter [tilespmem:s6], [sflag:$0x3], $0x4000, $0x38;
	[tilespmem:$0x1F000] =	vst v63  }
0x38a: {  	s15 =	simm.s32 $0x19C00;
	s5 =	sld [smem:$0x7F7]  }
0x38b: {  	[hbm4b:s8+s2] =	stream.linear.scatter [tilespmem:s15], [sflag:$0x3], $0x4000, $0x38;
	[tilespmem:$0x1F000] =	vst v63  }
0x38c: {  	s6 =	simm.s32 $0x11C00;
	s8 =	sld [smem:$0x7CC]  }
0x38d: {  	[hbm4b:s5+s2] =	stream.linear.scatter [tilespmem:s6], [sflag:$0x3], $0x4000, $0x38;
	[tilespmem:$0x1F000] =	vst v63  }
0x38e: {  	s15 =	simm.s32 $0x19800;
	s5 =	sld [smem:$0x7F8]  }
0x38f: {  	[hbm4b:s8+s2] =	stream.linear.scatter [tilespmem:s15], [sflag:$0x3], $0x4000, $0x38;
	[tilespmem:$0x1F000] =	vst v63  }
0x390: {  	s6 =	simm.s32 $0x11800;
	s8 =	sld [smem:$0x7CD]  }
0x391: {  	[hbm4b:s5+s2] =	stream.linear.scatter [tilespmem:s6], [sflag:$0x3], $0x4000, $0x38;
	[tilespmem:$0x1F000] =	vst v63  }
0x392: {  	s15 =	simm.s32 $0x19400;
	s5 =	sld [smem:$0x7F9]  }
0x393: {  	[hbm4b:s8+s2] =	stream.linear.scatter [tilespmem:s15], [sflag:$0x3], $0x4000, $0x38;
	[tilespmem:$0x1F000] =	vst v63  }
0x394: {  	s6 =	simm.s32 $0x11400;
	s8 =	sld [smem:$0x7CF]  }
0x395: {  	[hbm4b:s5+s2] =	stream.linear.scatter [tilespmem:s6], [sflag:$0x3], $0x4000, $0x38;
	[tilespmem:$0x1F000] =	vst v63  }
0x396: {  	s15 =	simm.s32 $0x19000;
	s5 =	sld [smem:$0x7FA]  }
0x397: {  	[hbm4b:s8+s2] =	stream.linear.scatter [tilespmem:s15], [sflag:$0x3], $0x4000, $0x38;
	[tilespmem:$0x1F000] =	vst v63  }
0x398: {  	s6 =	simm.s32 $0x11000;
	s8 =	sld [smem:$0x7D0]  }
0x399: {  	[hbm4b:s5+s2] =	stream.linear.scatter [tilespmem:s6], [sflag:$0x3], $0x4000, $0x38;
	[tilespmem:$0x1F000] =	vst v63  }
0x39a: {  	s15 =	simm.s32 $0x18C00;
	s5 =	sld [smem:$0x7FB]  }
0x39b: {  	[hbm4b:s8+s2] =	stream.linear.scatter [tilespmem:s15], [sflag:$0x3], $0x4000, $0x38;
	[tilespmem:$0x1F000] =	vst v63  }
0x39c: {  	s6 =	simm.s32 $0x10C00;
	s8 =	sld [smem:$0x7D1]  }
0x39d: {  	[hbm4b:s5+s2] =	stream.linear.scatter [tilespmem:s6], [sflag:$0x3], $0x4000, $0x38;
	[tilespmem:$0x1F000] =	vst v63  }
0x39e: {  	s15 =	simm.s32 $0x18800;
	s5 =	sld [smem:$0x7FC]  }
0x39f: {  	[hbm4b:s8+s2] =	stream.linear.scatter [tilespmem:s15], [sflag:$0x3], $0x4000, $0x38;
	[tilespmem:$0x1F000] =	vst v63  }
0x3a0: {  	s6 =	simm.s32 $0x10800;
	s8 =	sld [smem:$0x7D2]  }
0x3a1: {  	[hbm4b:s5+s2] =	stream.linear.scatter [tilespmem:s6], [sflag:$0x3], $0x4000, $0x38;
	[tilespmem:$0x1F000] =	vst v63  }
0x3a2: {  	s15 =	simm.s32 $0x18400;
	s5 =	sld [smem:$0x7D3]  }
0x3a3: {  	[hbm4b:s8+s2] =	stream.linear.scatter [tilespmem:s15], [sflag:$0x3], $0x4000, $0x38;
	[tilespmem:$0x1F000] =	vst v63  }
0x3a4: {  	s6 =	simm.s32 $0x10400;
	s8 =	sld [smem:$0x7D4]  }
0x3a5: {  	[hbm4b:s5+s2] =	stream.linear.scatter [tilespmem:s6], [sflag:$0x3], $0x4000, $0x38;
	[tilespmem:$0x1F000] =	vst v63  }
0x3a6: {  	s15 =	simm.s32 $0x18000;
	s5 =	sld [smem:$0x7D5]  }
0x3a7: {  	[hbm4b:s8+s2] =	stream.linear.scatter [tilespmem:s15], [sflag:$0x3], $0x4000, $0x38;
	[tilespmem:$0x1F000] =	vst v63  }
0x3a8: {  	s6 =	simm.s32 $0x10000;
	s8 =	sld [smem:$0x7D6]  }
0x3a9: {  	[hbm4b:s5+s2] =	stream.linear.scatter [tilespmem:s6], [sflag:$0x3], $0x4000, $0x38;
	[tilespmem:$0x1F000] =	vst v63  }
0x3aa: {  	s1 =	sld [smem:$0x7D7];
	s15 =	simm.s32 $0x17C00  }
0x3ab: {  	[hbm4b:s8+s2] =	stream.linear.scatter [tilespmem:s15], [sflag:$0x3], $0x4000, $0x38;
	[tilespmem:$0x1F000] =	vst v63  }
0x3ac: {  	s5 =	simm.s32 $0xFC00;
	s6 =	sld [smem:$0x7D8]  }
0x3ad: {  	[hbm4b:s1+s2] =	stream.linear.scatter [tilespmem:s5], [sflag:$0x3], $0x4000, $0x38;
	[tilespmem:$0x1F000] =	vst v63  }
0x3ae: {  	s8 =	sld [smem:$0x7D9]  }
0x3af: {  	[hbm4b:s6+s2] =	stream.linear.scatter [tilespmem:s10], [sflag:$0x3], $0x4000, $0x38;
	[tilespmem:$0x1F000] =	vst v63  }
0x3b0: {  	s12 =	simm.s32 $0xF800;
	s10 =	sld [smem:$0x7DA]  }
0x3b1: {  	[hbm4b:s8+s2] =	stream.linear.scatter [tilespmem:s12], [sflag:$0x3], $0x4000, $0x38;
	[tilespmem:$0x1F000] =	vst v63  }
0x3b2: {  	s15 =	simm.s32 $0x17400  }
0x3b3: {  	[hbm4b:s10+s2] =	stream.linear.scatter [tilespmem:s15], [sflag:$0x3], $0x4000, $0x38;
	[tilespmem:$0x1F000] =	vst v63  }
0x3b4: {  	_ =	swait.ge [sflag:s14], $0x8000  }
0x3b5: {  	[sflag:s14] =	ssyncset.done $0x0  }
0x3b6: {  	[sflag:s14] =	ssyncadd.s32 $0xFFFF8000  }
0x3b7: {  	_ =	swait.ge [sflag:s14], $0x8000  }
0x3b8: {  	[sflag:s14] =	ssyncset.done $0x0  }
0x3b9: {  	[sflag:s14] =	ssyncadd.s32 $0xFFFF8000  }
0x3ba: {  	_ =	swait.ge [sflag:s14], $0x8000  }
0x3bb: {  	[sflag:s14] =	ssyncset.done $0x0  }
0x3bc: {  	[sflag:s14] =	ssyncadd.s32 $0xFFFF8000  }
0x3bd: {  	_ =	swait.ge [sflag:s14], $0x8000  }
0x3be: {  	[sflag:s14] =	ssyncset.done $0x0  }
0x3bf: {  	[sflag:s14] =	ssyncadd.s32 $0xFFFF8000  }
0x3c0: {  	_ =	swait.ge [sflag:s14], $0x8000  }
0x3c1: {  	[sflag:s14] =	ssyncset.done $0x0  }
0x3c2: {  	[sflag:s14] =	ssyncadd.s32 $0xFFFF8000  }
0x3c3: {  	_ =	swait.ge [sflag:s14], $0x8000  }
0x3c4: {  	[sflag:s14] =	ssyncset.done $0x0  }
0x3c5: {  	[sflag:s14] =	ssyncadd.s32 $0xFFFF8000  }
0x3c6: {  	_ =	swait.ge [sflag:s14], $0x8000  }
0x3c7: {  	[sflag:s14] =	ssyncset.done $0x0  }
0x3c8: {  	[sflag:s14] =	ssyncadd.s32 $0xFFFF8000  }
0x3c9: {  	_ =	swait.ge [sflag:s14], $0x8000  }
0x3ca: {  	[sflag:s14] =	ssyncset.done $0x0  }
0x3cb: {  	[sflag:s14] =	ssyncadd.s32 $0xFFFF8000  }
0x3cc: {  	_ =	swait.ge [sflag:s14], $0x8000  }
0x3cd: {  	[sflag:s14] =	ssyncset.done $0x0  }
0x3ce: {  	[sflag:s14] =	ssyncadd.s32 $0xFFFF8000  }
0x3cf: {  	_ =	swait.ge [sflag:s14], $0x8000  }
0x3d0: {  	[sflag:s14] =	ssyncset.done $0x0  }
0x3d1: {  	[sflag:s14] =	ssyncadd.s32 $0xFFFF8000  }
0x3d2: {  	_ =	swait.ge [sflag:s14], $0x8000  }
0x3d3: {  	[sflag:s14] =	ssyncset.done $0x0  }
0x3d4: {  	[sflag:s14] =	ssyncadd.s32 $0xFFFF8000  }
0x3d5: {  	_ =	swait.ge [sflag:s14], $0x8000  }
0x3d6: {  	[sflag:s14] =	ssyncset.done $0x0  }
0x3d7: {  	[sflag:s14] =	ssyncadd.s32 $0xFFFF8000  }
0x3d8: {  	_ =	swait.ge [sflag:s14], $0x8000  }
0x3d9: {  	[sflag:s14] =	ssyncset.done $0x0  }
0x3da: {  	[sflag:s14] =	ssyncadd.s32 $0xFFFF8000  }
0x3db: {  	_ =	swait.ge [sflag:s14], $0x8000  }
0x3dc: {  	[sflag:s14] =	ssyncset.done $0x0  }
0x3dd: {  	[sflag:s14] =	ssyncadd.s32 $0xFFFF8000  }
0x3de: {  	_ =	swait.ge [sflag:s14], $0x8000  }
0x3df: {  	[sflag:s14] =	ssyncset.done $0x0  }
0x3e0: {  	[sflag:s14] =	ssyncadd.s32 $0xFFFF8000  }
0x3e1: {  	_ =	swait.ge [sflag:s14], $0x8000  }
0x3e2: {  	[sflag:s14] =	ssyncset.done $0x0  }
0x3e3: {  	[sflag:s14] =	ssyncadd.s32 $0xFFFF8000  }
0x3e4: {  	_ =	swait.ge [sflag:s4], $0x8000  }
0x3e5: {  	[sflag:s4] =	ssyncset.done $0x0  }
0x3e6: {  	[sflag:s4] =	ssyncadd.s32 $0xFFFF8000  }
0x3e7: {  	_ =	swait.ge [sflag:s4], $0x8000  }
0x3e8: {  	[sflag:s4] =	ssyncset.done $0x0  }
0x3e9: {  	[sflag:s4] =	ssyncadd.s32 $0xFFFF8000  }
0x3ea: {  	_ =	swait.ge [sflag:s4], $0x8000  }
0x3eb: {  	[sflag:s4] =	ssyncset.done $0x0  }
0x3ec: {  	[sflag:s4] =	ssyncadd.s32 $0xFFFF8000  }
0x3ed: {  	_ =	swait.ge [sflag:s4], $0x8000  }
0x3ee: {  	[sflag:s4] =	ssyncset.done $0x0  }
0x3ef: {  	[sflag:s4] =	ssyncadd.s32 $0xFFFF8000  }
0x3f0: {  	_ =	swait.ge [sflag:s4], $0x8000  }
0x3f1: {  	[sflag:s4] =	ssyncset.done $0x0  }
0x3f2: {  	[sflag:s4] =	ssyncadd.s32 $0xFFFF8000  }
0x3f3: {  	_ =	swait.ge [sflag:s4], $0x8000  }
0x3f4: {  	[sflag:s4] =	ssyncset.done $0x0  }
0x3f5: {  	[sflag:s4] =	ssyncadd.s32 $0xFFFF8000  }
0x3f6: {  	_ =	swait.ge [sflag:s4], $0x8000  }
0x3f7: {  	[sflag:s4] =	ssyncset.done $0x0  }
0x3f8: {  	[sflag:s4] =	ssyncadd.s32 $0xFFFF8000  }
0x3f9: {  	_ =	swait.ge [sflag:s4], $0x8000  }
0x3fa: {  	[sflag:s4] =	ssyncset.done $0x0  }
0x3fb: {  	[sflag:s4] =	ssyncadd.s32 $0xFFFF8000  }
0x3fc: {  	_ =	swait.ge [sflag:s4], $0x8000  }
0x3fd: {  	[sflag:s4] =	ssyncset.done $0x0  }
0x3fe: {  	[sflag:s4] =	ssyncadd.s32 $0xFFFF8000  }
0x3ff: {  	_ =	swait.ge [sflag:s4], $0x8000  }
0x400: {  	[sflag:s4] =	ssyncset.done $0x0  }
0x401: {  	[sflag:s4] =	ssyncadd.s32 $0xFFFF8000  }
0x402: {  	_ =	swait.ge [sflag:s4], $0x8000  }
0x403: {  	[sflag:s4] =	ssyncset.done $0x0  }
0x404: {  	[sflag:s4] =	ssyncadd.s32 $0xFFFF8000  }
0x405: {  	_ =	swait.ge [sflag:s4], $0x8000  }
0x406: {  	[sflag:s4] =	ssyncset.done $0x0  }
0x407: {  	[sflag:s4] =	ssyncadd.s32 $0xFFFF8000  }
0x408: {  	_ =	swait.ge [sflag:s4], $0x8000  }
0x409: {  	[sflag:s4] =	ssyncset.done $0x0  }
0x40a: {  	[sflag:s4] =	ssyncadd.s32 $0xFFFF8000  }
0x40b: {  	_ =	swait.ge [sflag:s4], $0x8000  }
0x40c: {  	[sflag:s4] =	ssyncset.done $0x0  }
0x40d: {  	p1 =	sne.s32 s13, $0x1;
	[sflag:s4] =	ssyncadd.s32 $0xFFFF8000  }
.Ltmp2:
0x40e: {  	_ =	swait.ge [sflag:s4], $0x8000;
	(pc) =	sbr.rel @p1 .LBB2_4-.Ltmp2, $4  }
0x40f: {  	[sflag:s4] =	ssyncset.done $0x0  }
0x410: {  	[sflag:s4] =	ssyncadd.s32 $0xFFFF8000  }
0x411: {  	_ =	swait.ge [sflag:s4], $0x8000  }
0x412: {  	s13 =	sadd.s32 $0xFFFFFFFF, s13;
	s15 =	rddreg [dreg:$0x3];
	[sflag:s4] =	ssyncset.done $0x0  }
0x413: {  	s0 =	sld [smem:$0x7FD]  }
0x414: {  	s16 =	sld [smem:$0x7DC]  }
0x415: {  	s25 =	sld [smem:$0x7DD]  }
0x416: {  	s13 =	sld [smem:$0x7E2]  }
0x417: {  	s1 =	sld [smem:$0x7E3]  }
0x418: {  	s17 =	sld [smem:$0x7CE]  }
0x419: {  	s28 =	sld [smem:$0x7D9]  }
0x41a: {  	s26 =	sld [smem:$0x7D7]  }
0x41b: {  	s8 =	sld [smem:$0x7D5]  }
0x41c: {  	s6 =	sld [smem:$0x7D3];
	s10 =	simm.s32 $0xFC00  }
0x41d: {  	s24 =	simm.s32 $0x18000;
	s23 =	simm.s32 $0x18400;
	s3 =	simm.s32 $0x8400  }
0x41e: {  	s18 =	simm.s32 $0x8800;
	s19 =	simm.s32 $0x8C00;
	s21 =	simm.s32 $0x9400  }
0x41f: {  	s31 =	simm.s32 $0x9800;
	s20 =	simm.s32 $0x9C00;
	s9 =	simm.s32 $0xA000  }
0x420: {  	s22 =	simm.s32 $0xA400;
	s11 =	simm.s32 $0xB800;
	s7 =	simm.s32 $0x3C00  }
.LBB2_6:
0x421: {  	[sflag:s4] =	ssyncadd.s32 @p0 $0xFFFF8000  }
0x422: {  	[tilespmem:s2], [sflag:$0x1] =	stream.linear.gather [hbm4b:s15+s2], $0xF800, $0x38;
	[tilespmem:$0x1F000] =	vst v63  }
0x423: {  	_ =	swait.ge [sflag:s29], $0xF800  }
0x424: {  	[sflag:s29] =	ssyncset.done $0x0  }
0x425: {  	[sflag:s29] =	ssyncadd.s32 $0xFFFF0800  }
0x426: {  	[hbm4b:s0+s2] =	stream.linear.scatter [tilespmem:s7], [sflag:$0x2], $0x4000, $0x38;
	[tilespmem:$0x1F000] =	vst v63  }
0x427: {  	s15 =	sadd.s32 $0x800, s0  }
0x428: {  	[hbm4b:s15+s2] =	stream.linear.scatter [tilespmem:s11], [sflag:$0x2], $0x4000, $0x38;
	[tilespmem:$0x1F000] =	vst v63  }
0x429: {  	s7 =	simm.s32 $0x3800  }
0x42a: {  	[hbm4b:s16+s2] =	stream.linear.scatter [tilespmem:s7], [sflag:$0x2], $0x4000, $0x38;
	[tilespmem:$0x1F000] =	vst v63  }
0x42b: {  	s30 =	simm.s32 $0xB400;
	s16 =	sadd.s32 $0x800, s16  }
0x42c: {  	[hbm4b:s16+s2] =	stream.linear.scatter [tilespmem:s30], [sflag:$0x2], $0x4000, $0x38;
	[tilespmem:$0x1F000] =	vst v63  }
0x42d: {  	s11 =	simm.s32 $0x3400  }
0x42e: {  	[hbm4b:s25+s2] =	stream.linear.scatter [tilespmem:s11], [sflag:$0x2], $0x4000, $0x38;
	[tilespmem:$0x1F000] =	vst v63  }
0x42f: {  	s5 =	sadd.s32 $0x800, s25;
	s15 =	sld [smem:$0x7DE];
	s25 =	simm.s32 $0xB000  }
0x430: {  	[hbm4b:s5+s2] =	stream.linear.scatter [tilespmem:s25], [sflag:$0x2], $0x4000, $0x38;
	[tilespmem:$0x1F000] =	vst v63  }
0x431: {  	s16 =	simm.s32 $0x3000  }
0x432: {  	[hbm4b:s15+s2] =	stream.linear.scatter [tilespmem:s16], [sflag:$0x2], $0x4000, $0x38;
	[tilespmem:$0x1F000] =	vst v63  }
0x433: {  	s0 =	sadd.s32 $0x800, s15;
	s15 =	simm.s32 $0xAC00  }
0x434: {  	[hbm4b:s0+s2] =	stream.linear.scatter [tilespmem:s15], [sflag:$0x2], $0x4000, $0x38;
	[tilespmem:$0x1F000] =	vst v63  }
0x435: {  	s0 =	sld [smem:$0x7DF];
	_ =	sdelay $0x1  }
0x436: {  	s5 =	simm.s32 $0x2C00  }
0x437: {  	[hbm4b:s0+s2] =	stream.linear.scatter [tilespmem:s5], [sflag:$0x2], $0x4000, $0x38;
	[tilespmem:$0x1F000] =	vst v63  }
0x438: {  	s0 =	sadd.s32 $0x800, s0;
	s5 =	simm.s32 $0xA800  }
0x439: {  	[hbm4b:s0+s2] =	stream.linear.scatter [tilespmem:s5], [sflag:$0x2], $0x4000, $0x38;
	[tilespmem:$0x1F000] =	vst v63  }
0x43a: {  	s0 =	sld [smem:$0x7E0];
	_ =	sdelay $0x1  }
0x43b: {  	s5 =	simm.s32 $0x2800  }
0x43c: {  	[hbm4b:s0+s2] =	stream.linear.scatter [tilespmem:s5], [sflag:$0x2], $0x4000, $0x38;
	[tilespmem:$0x1F000] =	vst v63  }
0x43d: {  	s0 =	sadd.s32 $0x800, s0;
	s5 =	sld [smem:$0x7E1]  }
0x43e: {  	[hbm4b:s0+s2] =	stream.linear.scatter [tilespmem:s22], [sflag:$0x2], $0x4000, $0x38;
	[tilespmem:$0x1F000] =	vst v63  }
0x43f: {  	s22 =	simm.s32 $0x2400  }
0x440: {  	[hbm4b:s5+s2] =	stream.linear.scatter [tilespmem:s22], [sflag:$0x2], $0x4000, $0x38;
	[tilespmem:$0x1F000] =	vst v63  }
0x441: {  	s0 =	sadd.s32 $0x800, s5  }
0x442: {  	[hbm4b:s0+s2] =	stream.linear.scatter [tilespmem:s9], [sflag:$0x2], $0x4000, $0x38;
	[tilespmem:$0x1F000] =	vst v63  }
0x443: {  	s9 =	simm.s32 $0x2000  }
0x444: {  	[hbm4b:s13+s2] =	stream.linear.scatter [tilespmem:s9], [sflag:$0x2], $0x4000, $0x38;
	[tilespmem:$0x1F000] =	vst v63  }
0x445: {  	s5 =	sadd.s32 $0x800, s13  }
0x446: {  	[hbm4b:s5+s2] =	stream.linear.scatter [tilespmem:s20], [sflag:$0x2], $0x4000, $0x38;
	[tilespmem:$0x1F000] =	vst v63  }
0x447: {  	s20 =	simm.s32 $0x1C00  }
0x448: {  	[hbm4b:s1+s2] =	stream.linear.scatter [tilespmem:s20], [sflag:$0x2], $0x4000, $0x38;
	[tilespmem:$0x1F000] =	vst v63  }
0x449: {  	s0 =	sld [smem:$0x7E4];
	s13 =	sadd.s32 $0x800, s1  }
0x44a: {  	[hbm4b:s13+s2] =	stream.linear.scatter [tilespmem:s31], [sflag:$0x2], $0x4000, $0x38;
	[tilespmem:$0x1F000] =	vst v63  }
0x44b: {  	s31 =	simm.s32 $0x1800  }
0x44c: {  	[hbm4b:s0+s2] =	stream.linear.scatter [tilespmem:s31], [sflag:$0x2], $0x4000, $0x38;
	[tilespmem:$0x1F000] =	vst v63  }
0x44d: {  	s5 =	sld [smem:$0x7E5];
	s1 =	sadd.s32 $0x800, s0  }
0x44e: {  	[hbm4b:s1+s2] =	stream.linear.scatter [tilespmem:s21], [sflag:$0x2], $0x4000, $0x38;
	[tilespmem:$0x1F000] =	vst v63  }
0x44f: {  	s21 =	simm.s32 $0x1400  }
0x450: {  	[hbm4b:s5+s2] =	stream.linear.scatter [tilespmem:s21], [sflag:$0x2], $0x4000, $0x38;
	[tilespmem:$0x1F000] =	vst v63  }
0x451: {  	s13 =	simm.s32 $0x9000;
	s0 =	sadd.s32 $0x800, s5;
	s5 =	sld [smem:$0x7E6]  }
0x452: {  	[hbm4b:s0+s2] =	stream.linear.scatter [tilespmem:s13], [sflag:$0x2], $0x4000, $0x38;
	[tilespmem:$0x1F000] =	vst v63  }
0x453: {  	s0 =	simm.s32 $0x1000  }
0x454: {  	[hbm4b:s5+s2] =	stream.linear.scatter [tilespmem:s0], [sflag:$0x2], $0x4000, $0x38;
	[tilespmem:$0x1F000] =	vst v63  }
0x455: {  	s13 =	sld [smem:$0x7E7];
	s0 =	sadd.s32 $0x800, s5  }
0x456: {  	[hbm4b:s0+s2] =	stream.linear.scatter [tilespmem:s19], [sflag:$0x2], $0x4000, $0x38;
	[tilespmem:$0x1F000] =	vst v63  }
0x457: {  	s19 =	simm.s32 $0xC00  }
0x458: {  	[hbm4b:s13+s2] =	stream.linear.scatter [tilespmem:s19], [sflag:$0x2], $0x4000, $0x38;
	[tilespmem:$0x1F000] =	vst v63  }
0x459: {  	s1 =	sld [smem:$0x7E8];
	s0 =	sadd.s32 $0x800, s13  }
0x45a: {  	[hbm4b:s0+s2] =	stream.linear.scatter [tilespmem:s18], [sflag:$0x2], $0x4000, $0x38;
	[tilespmem:$0x1F000] =	vst v63  }
0x45b: {  	s18 =	simm.s32 $0x800  }
0x45c: {  	[hbm4b:s1+s2] =	stream.linear.scatter [tilespmem:s18], [sflag:$0x2], $0x4000, $0x38;
	[tilespmem:$0x1F000] =	vst v63  }
0x45d: {  	s5 =	sld [smem:$0x7E9];
	s0 =	sadd.s32 $0x800, s1  }
0x45e: {  	[hbm4b:s0+s2] =	stream.linear.scatter [tilespmem:s3], [sflag:$0x2], $0x4000, $0x38;
	[tilespmem:$0x1F000] =	vst v63  }
0x45f: {  	s3 =	simm.s32 $0x400  }
0x460: {  	[hbm4b:s5+s2] =	stream.linear.scatter [tilespmem:s3], [sflag:$0x2], $0x4000, $0x38;
	[tilespmem:$0x1F000] =	vst v63  }
0x461: {  	s13 =	simm.s32 $0x8000;
	s1 =	sld [smem:$0x7EA];
	s0 =	sadd.s32 $0x800, s5  }
0x462: {  	[hbm4b:s0+s2] =	stream.linear.scatter [tilespmem:s13], [sflag:$0x2], $0x4000, $0x38;
	[tilespmem:$0x1F000] =	vst v63  }
0x463: {  	_ = 	snop  }
0x464: {  	[hbm4b:s1+s2] =	stream.linear.scatter [tilespmem:s2], [sflag:$0x2], $0x4000, $0x38;
	[tilespmem:$0x1F000] =	vst v63  }
0x465: {  	s5 =	simm.s32 $0x7C00;
	s0 =	sadd.s32 $0x800, s1  }
0x466: {  	[hbm4b:s0+s2] =	stream.linear.scatter [tilespmem:s5], [sflag:$0x2], $0x4000, $0x38;
	[tilespmem:$0x1F000] =	vst v63  }
0x467: {  	s1 =	rddreg [dreg:$0x4]  }
0x468: {  	[tilespmem:s12], [sflag:$0x1] =	stream.linear.gather [hbm4b:s1+s2], $0xF800, $0x38;
	[tilespmem:$0x1F000] =	vst v63  }
0x469: {  	_ =	swait.ge [sflag:s29], $0xF800  }
0x46a: {  	s1 =	sld [smem:$0x7EB]  }
0x46b: {  	[sflag:s29] =	ssyncset.done $0x0  }
0x46c: {  	s13 =	simm.s32 $0x13400;
	[sflag:s29] =	ssyncadd.s32 $0xFFFF0800  }
0x46d: {  	[hbm4b:s1+s2] =	stream.linear.scatter [tilespmem:s13], [sflag:$0x3], $0x4000, $0x38;
	[tilespmem:$0x1F000] =	vst v63  }
0x46e: {  	s5 =	sadd.s32 $0x800, s1;
	s13 =	simm.s32 $0x1B000  }
0x46f: {  	[hbm4b:s5+s2] =	stream.linear.scatter [tilespmem:s13], [sflag:$0x3], $0x4000, $0x38;
	[tilespmem:$0x1F000] =	vst v63  }
0x470: {  	s5 =	sld [smem:$0x7EC];
	_ =	sdelay $0x1  }
0x471: {  	s0 =	simm.s32 $0x13000  }
0x472: {  	[hbm4b:s5+s2] =	stream.linear.scatter [tilespmem:s0], [sflag:$0x3], $0x4000, $0x38;
	[tilespmem:$0x1F000] =	vst v63  }
0x473: {  	s13 =	simm.s32 $0x1AC00;
	s0 =	sadd.s32 $0x800, s5;
	s5 =	sld [smem:$0x7ED]  }
0x474: {  	[hbm4b:s0+s2] =	stream.linear.scatter [tilespmem:s13], [sflag:$0x3], $0x4000, $0x38;
	[tilespmem:$0x1F000] =	vst v63  }
0x475: {  	s0 =	simm.s32 $0x12C00  }
0x476: {  	[hbm4b:s5+s2] =	stream.linear.scatter [tilespmem:s0], [sflag:$0x3], $0x4000, $0x38;
	[tilespmem:$0x1F000] =	vst v63  }
0x477: {  	s13 =	simm.s32 $0x1A800;
	s0 =	sadd.s32 $0x800, s5;
	s5 =	sld [smem:$0x7EE]  }
0x478: {  	[hbm4b:s0+s2] =	stream.linear.scatter [tilespmem:s13], [sflag:$0x3], $0x4000, $0x38;
	[tilespmem:$0x1F000] =	vst v63  }
0x479: {  	s0 =	simm.s32 $0x12800  }
0x47a: {  	[hbm4b:s5+s2] =	stream.linear.scatter [tilespmem:s0], [sflag:$0x3], $0x4000, $0x38;
	[tilespmem:$0x1F000] =	vst v63  }
0x47b: {  	s13 =	simm.s32 $0x1A400;
	s0 =	sadd.s32 $0x800, s5;
	s5 =	sld [smem:$0x7EF]  }
0x47c: {  	[hbm4b:s0+s2] =	stream.linear.scatter [tilespmem:s13], [sflag:$0x3], $0x4000, $0x38;
	[tilespmem:$0x1F000] =	vst v63  }
0x47d: {  	s0 =	simm.s32 $0x12400  }
0x47e: {  	[hbm4b:s5+s2] =	stream.linear.scatter [tilespmem:s0], [sflag:$0x3], $0x4000, $0x38;
	[tilespmem:$0x1F000] =	vst v63  }
0x47f: {  	s13 =	simm.s32 $0x1A000;
	s0 =	sadd.s32 $0x800, s5  }
0x480: {  	[hbm4b:s0+s2] =	stream.linear.scatter [tilespmem:s13], [sflag:$0x3], $0x4000, $0x38;
	[tilespmem:$0x1F000] =	vst v63  }
0x481: {  	s13 =	sld [smem:$0x7F0];
	_ =	sdelay $0x1  }
0x482: {  	s5 =	simm.s32 $0x12000  }
0x483: {  	[hbm4b:s13+s2] =	stream.linear.scatter [tilespmem:s5], [sflag:$0x3], $0x4000, $0x38;
	[tilespmem:$0x1F000] =	vst v63  }
0x484: {  	s1 =	sld [smem:$0x7F1];
	s0 =	sadd.s32 $0x800, s13;
	s5 =	simm.s32 $0x19C00  }
0x485: {  	[hbm4b:s0+s2] =	stream.linear.scatter [tilespmem:s5], [sflag:$0x3], $0x4000, $0x38;
	[tilespmem:$0x1F000] =	vst v63  }
0x486: {  	s13 =	simm.s32 $0x11C00  }
0x487: {  	[hbm4b:s1+s2] =	stream.linear.scatter [tilespmem:s13], [sflag:$0x3], $0x4000, $0x38;
	[tilespmem:$0x1F000] =	vst v63  }
0x488: {  	s5 =	sadd.s32 $0x800, s1;
	s13 =	simm.s32 $0x19800  }
0x489: {  	[hbm4b:s5+s2] =	stream.linear.scatter [tilespmem:s13], [sflag:$0x3], $0x4000, $0x38;
	[tilespmem:$0x1F000] =	vst v63  }
0x48a: {  	s0 =	simm.s32 $0x11800;
	s5 =	rddreg [dreg:$0x1e]  }
0x48b: {  	[hbm4b:s5+s2] =	stream.linear.scatter [tilespmem:s0], [sflag:$0x3], $0x4000, $0x38;
	[tilespmem:$0x1F000] =	vst v63  }
0x48c: {  	s13 =	simm.s32 $0x19400;
	s0 =	sadd.s32 $0x800, s5  }
0x48d: {  	[hbm4b:s0+s2] =	stream.linear.scatter [tilespmem:s13], [sflag:$0x3], $0x4000, $0x38;
	[tilespmem:$0x1F000] =	vst v63  }
0x48e: {  	s5 =	rddreg [dreg:$0x1d];
	s0 =	simm.s32 $0x11400  }
0x48f: {  	[hbm4b:s5+s2] =	stream.linear.scatter [tilespmem:s0], [sflag:$0x3], $0x4000, $0x38;
	[tilespmem:$0x1F000] =	vst v63  }
0x490: {  	s13 =	simm.s32 $0x19000;
	s0 =	sadd.s32 $0x800, s5  }
0x491: {  	[hbm4b:s0+s2] =	stream.linear.scatter [tilespmem:s13], [sflag:$0x3], $0x4000, $0x38;
	[tilespmem:$0x1F000] =	vst v63  }
0x492: {  	s5 =	rddreg [dreg:$0x1c];
	s0 =	simm.s32 $0x11000  }
0x493: {  	[hbm4b:s5+s2] =	stream.linear.scatter [tilespmem:s0], [sflag:$0x3], $0x4000, $0x38;
	[tilespmem:$0x1F000] =	vst v63  }
0x494: {  	s13 =	simm.s32 $0x18C00;
	s0 =	sadd.s32 $0x800, s5  }
0x495: {  	[hbm4b:s0+s2] =	stream.linear.scatter [tilespmem:s13], [sflag:$0x3], $0x4000, $0x38;
	[tilespmem:$0x1F000] =	vst v63  }
0x496: {  	s5 =	rddreg [dreg:$0x1b];
	s0 =	simm.s32 $0x10C00  }
0x497: {  	[hbm4b:s5+s2] =	stream.linear.scatter [tilespmem:s0], [sflag:$0x3], $0x4000, $0x38;
	[tilespmem:$0x1F000] =	vst v63  }
0x498: {  	s13 =	simm.s32 $0x18800;
	s0 =	sadd.s32 $0x800, s5  }
0x499: {  	[hbm4b:s0+s2] =	stream.linear.scatter [tilespmem:s13], [sflag:$0x3], $0x4000, $0x38;
	[tilespmem:$0x1F000] =	vst v63  }
0x49a: {  	s5 =	simm.s32 $0x10800;
	s13 =	rddreg [dreg:$0x1a]  }
0x49b: {  	[hbm4b:s13+s2] =	stream.linear.scatter [tilespmem:s5], [sflag:$0x3], $0x4000, $0x38;
	[tilespmem:$0x1F000] =	vst v63  }
0x49c: {  	s0 =	sadd.s32 $0x800, s13  }
0x49d: {  	[hbm4b:s0+s2] =	stream.linear.scatter [tilespmem:s23], [sflag:$0x3], $0x4000, $0x38;
	[tilespmem:$0x1F000] =	vst v63  }
0x49e: {  	s5 =	rddreg [dreg:$0x19];
	s0 =	simm.s32 $0x10400  }
0x49f: {  	[hbm4b:s5+s2] =	stream.linear.scatter [tilespmem:s0], [sflag:$0x3], $0x4000, $0x38;
	[tilespmem:$0x1F000] =	vst v63  }
0x4a0: {  	s0 =	sadd.s32 $0x800, s5  }
0x4a1: {  	[hbm4b:s0+s2] =	stream.linear.scatter [tilespmem:s24], [sflag:$0x3], $0x4000, $0x38;
	[tilespmem:$0x1F000] =	vst v63  }
0x4a2: {  	s1 =	simm.s32 $0x10000;
	s13 =	rddreg [dreg:$0x18]  }
0x4a3: {  	[hbm4b:s13+s2] =	stream.linear.scatter [tilespmem:s1], [sflag:$0x3], $0x4000, $0x38;
	[tilespmem:$0x1F000] =	vst v63  }
0x4a4: {  	s5 =	simm.s32 $0x17C00;
	s0 =	sadd.s32 $0x800, s13  }
0x4a5: {  	[hbm4b:s0+s2] =	stream.linear.scatter [tilespmem:s5], [sflag:$0x3], $0x4000, $0x38;
	[tilespmem:$0x1F000] =	vst v63  }
0x4a6: {  	s13 =	rddreg [dreg:$0x17]  }
0x4a7: {  	[hbm4b:s13+s2] =	stream.linear.scatter [tilespmem:s10], [sflag:$0x3], $0x4000, $0x38;
	[tilespmem:$0x1F000] =	vst v63  }
0x4a8: {  	s0 =	sadd.s32 $0x800, s13;
	s5 =	simm.s32 $0x17800  }
0x4a9: {  	[hbm4b:s0+s2] =	stream.linear.scatter [tilespmem:s5], [sflag:$0x3], $0x4000, $0x38;
	[tilespmem:$0x1F000] =	vst v63  }
0x4aa: {  	s5 =	rddreg [dreg:$0x16]  }
0x4ab: {  	[hbm4b:s5+s2] =	stream.linear.scatter [tilespmem:s12], [sflag:$0x3], $0x4000, $0x38;
	[tilespmem:$0x1F000] =	vst v63  }
0x4ac: {  	s0 =	sadd.s32 $0x800, s5;
	s5 =	simm.s32 $0x17400  }
0x4ad: {  	[hbm4b:s0+s2] =	stream.linear.scatter [tilespmem:s5], [sflag:$0x3], $0x4000, $0x38;
	[tilespmem:$0x1F000] =	vst v63  }
0x4ae: {  	_ =	swait.ge [sflag:s14], $0x8000  }
0x4af: {  	[sflag:s14] =	ssyncset.done $0x0  }
0x4b0: {  	[sflag:s14] =	ssyncadd.s32 $0xFFFF8000  }
0x4b1: {  	_ =	swait.ge [sflag:s14], $0x8000  }
0x4b2: {  	[sflag:s14] =	ssyncset.done $0x0  }
0x4b3: {  	[sflag:s14] =	ssyncadd.s32 $0xFFFF8000  }
0x4b4: {  	_ =	swait.ge [sflag:s14], $0x8000  }
0x4b5: {  	[sflag:s14] =	ssyncset.done $0x0  }
0x4b6: {  	[sflag:s14] =	ssyncadd.s32 $0xFFFF8000  }
0x4b7: {  	_ =	swait.ge [sflag:s14], $0x8000  }
0x4b8: {  	[sflag:s14] =	ssyncset.done $0x0  }
0x4b9: {  	[sflag:s14] =	ssyncadd.s32 $0xFFFF8000  }
0x4ba: {  	_ =	swait.ge [sflag:s14], $0x8000  }
0x4bb: {  	[sflag:s14] =	ssyncset.done $0x0  }
0x4bc: {  	[sflag:s14] =	ssyncadd.s32 $0xFFFF8000  }
0x4bd: {  	_ =	swait.ge [sflag:s14], $0x8000  }
0x4be: {  	[sflag:s14] =	ssyncset.done $0x0  }
0x4bf: {  	[sflag:s14] =	ssyncadd.s32 $0xFFFF8000  }
0x4c0: {  	_ =	swait.ge [sflag:s14], $0x8000  }
0x4c1: {  	[sflag:s14] =	ssyncset.done $0x0  }
0x4c2: {  	[sflag:s14] =	ssyncadd.s32 $0xFFFF8000  }
0x4c3: {  	_ =	swait.ge [sflag:s14], $0x8000  }
0x4c4: {  	[sflag:s14] =	ssyncset.done $0x0  }
0x4c5: {  	[sflag:s14] =	ssyncadd.s32 $0xFFFF8000  }
0x4c6: {  	_ =	swait.ge [sflag:s14], $0x8000  }
0x4c7: {  	[sflag:s14] =	ssyncset.done $0x0  }
0x4c8: {  	[sflag:s14] =	ssyncadd.s32 $0xFFFF8000  }
0x4c9: {  	_ =	swait.ge [sflag:s14], $0x8000  }
0x4ca: {  	[sflag:s14] =	ssyncset.done $0x0  }
0x4cb: {  	[sflag:s14] =	ssyncadd.s32 $0xFFFF8000  }
0x4cc: {  	_ =	swait.ge [sflag:s14], $0x8000  }
0x4cd: {  	[sflag:s14] =	ssyncset.done $0x0  }
0x4ce: {  	[sflag:s14] =	ssyncadd.s32 $0xFFFF8000  }
0x4cf: {  	_ =	swait.ge [sflag:s14], $0x8000  }
0x4d0: {  	[sflag:s14] =	ssyncset.done $0x0  }
0x4d1: {  	[sflag:s14] =	ssyncadd.s32 $0xFFFF8000  }
0x4d2: {  	_ =	swait.ge [sflag:s14], $0x8000  }
0x4d3: {  	[sflag:s14] =	ssyncset.done $0x0  }
0x4d4: {  	[sflag:s14] =	ssyncadd.s32 $0xFFFF8000  }
0x4d5: {  	_ =	swait.ge [sflag:s14], $0x8000  }
0x4d6: {  	[sflag:s14] =	ssyncset.done $0x0  }
0x4d7: {  	[sflag:s14] =	ssyncadd.s32 $0xFFFF8000  }
0x4d8: {  	_ =	swait.ge [sflag:s14], $0x8000  }
0x4d9: {  	[sflag:s14] =	ssyncset.done $0x0  }
0x4da: {  	[sflag:s14] =	ssyncadd.s32 $0xFFFF8000  }
0x4db: {  	_ =	swait.ge [sflag:s14], $0x8000  }
0x4dc: {  	[sflag:s14] =	ssyncset.done $0x0  }
0x4dd: {  	s13 =	rddreg [dreg:$0x5];
	[sflag:s14] =	ssyncadd.s32 $0xFFFF8000  }
0x4de: {  	[tilespmem:s2], [sflag:$0x1] =	stream.linear.gather [hbm4b:s13+s2], $0xF800, $0x38;
	[tilespmem:$0x1F000] =	vst v63  }
0x4df: {  	_ =	swait.ge [sflag:s29], $0xF800  }
0x4e0: {  	[sflag:s29] =	ssyncset.done $0x0  }
0x4e1: {  	s0 =	simm.s32 $0x3C00;
	s13 =	rddreg [dreg:$0x1f];
	[sflag:s29] =	ssyncadd.s32 $0xFFFF0800  }
0x4e2: {  	[hbm4b:s13+s2] =	stream.linear.scatter [tilespmem:s0], [sflag:$0x2], $0x4000, $0x38;
	[tilespmem:$0x1F000] =	vst v63  }
0x4e3: {  	s0 =	sadd.s32 $0x800, s13;
	s13 =	simm.s32 $0xB800  }
0x4e4: {  	[hbm4b:s0+s2] =	stream.linear.scatter [tilespmem:s13], [sflag:$0x2], $0x4000, $0x38;
	[tilespmem:$0x1F000] =	vst v63  }
0x4e5: {  	s13 =	rddreg [dreg:$0x15]  }
0x4e6: {  	[hbm4b:s13+s2] =	stream.linear.scatter [tilespmem:s7], [sflag:$0x2], $0x4000, $0x38;
	[tilespmem:$0x1F000] =	vst v63  }
0x4e7: {  	s0 =	sadd.s32 $0x800, s13  }
0x4e8: {  	[hbm4b:s0+s2] =	stream.linear.scatter [tilespmem:s30], [sflag:$0x2], $0x4000, $0x38;
	[tilespmem:$0x1F000] =	vst v63  }
0x4e9: {  	s7 =	rddreg [dreg:$0x14]  }
0x4ea: {  	[hbm4b:s7+s2] =	stream.linear.scatter [tilespmem:s11], [sflag:$0x2], $0x4000, $0x38;
	[tilespmem:$0x1F000] =	vst v63  }
0x4eb: {  	s0 =	sadd.s32 $0x800, s7  }
0x4ec: {  	[hbm4b:s0+s2] =	stream.linear.scatter [tilespmem:s25], [sflag:$0x2], $0x4000, $0x38;
	[tilespmem:$0x1F000] =	vst v63  }
0x4ed: {  	s13 =	rddreg [dreg:$0x13]  }
0x4ee: {  	[hbm4b:s13+s2] =	stream.linear.scatter [tilespmem:s16], [sflag:$0x2], $0x4000, $0x38;
	[tilespmem:$0x1F000] =	vst v63  }
0x4ef: {  	s0 =	sadd.s32 $0x800, s13  }
0x4f0: {  	[hbm4b:s0+s2] =	stream.linear.scatter [tilespmem:s15], [sflag:$0x2], $0x4000, $0x38;
	[tilespmem:$0x1F000] =	vst v63  }
0x4f1: {  	s25 =	simm.s32 $0x2C00;
	s16 =	rddreg [dreg:$0x12]  }
0x4f2: {  	[hbm4b:s16+s2] =	stream.linear.scatter [tilespmem:s25], [sflag:$0x2], $0x4000, $0x38;
	[tilespmem:$0x1F000] =	vst v63  }
0x4f3: {  	s30 =	simm.s32 $0xA800;
	s0 =	sadd.s32 $0x800, s16  }
0x4f4: {  	[hbm4b:s0+s2] =	stream.linear.scatter [tilespmem:s30], [sflag:$0x2], $0x4000, $0x38;
	[tilespmem:$0x1F000] =	vst v63  }
0x4f5: {  	s11 =	rddreg [dreg:$0x11];
	s13 =	simm.s32 $0x2800  }
0x4f6: {  	[hbm4b:s11+s2] =	stream.linear.scatter [tilespmem:s13], [sflag:$0x2], $0x4000, $0x38;
	[tilespmem:$0x1F000] =	vst v63  }
0x4f7: {  	s15 =	simm.s32 $0xA400;
	s0 =	sadd.s32 $0x800, s11  }
0x4f8: {  	[hbm4b:s0+s2] =	stream.linear.scatter [tilespmem:s15], [sflag:$0x2], $0x4000, $0x38;
	[tilespmem:$0x1F000] =	vst v63  }
0x4f9: {  	s16 =	rddreg [dreg:$0x10]  }
0x4fa: {  	[hbm4b:s16+s2] =	stream.linear.scatter [tilespmem:s22], [sflag:$0x2], $0x4000, $0x38;
	[tilespmem:$0x1F000] =	vst v63  }
0x4fb: {  	s0 =	sadd.s32 $0x800, s16;
	s22 =	simm.s32 $0xA000  }
0x4fc: {  	[hbm4b:s0+s2] =	stream.linear.scatter [tilespmem:s22], [sflag:$0x2], $0x4000, $0x38;
	[tilespmem:$0x1F000] =	vst v63  }
0x4fd: {  	s25 =	rddreg [dreg:$0xf]  }
0x4fe: {  	[hbm4b:s25+s2] =	stream.linear.scatter [tilespmem:s9], [sflag:$0x2], $0x4000, $0x38;
	[tilespmem:$0x1F000] =	vst v63  }
0x4ff: {  	s30 =	simm.s32 $0x9C00;
	s0 =	sadd.s32 $0x800, s25  }
0x500: {  	[hbm4b:s0+s2] =	stream.linear.scatter [tilespmem:s30], [sflag:$0x2], $0x4000, $0x38;
	[tilespmem:$0x1F000] =	vst v63  }
0x501: {  	s9 =	rddreg [dreg:$0xe]  }
0x502: {  	[hbm4b:s9+s2] =	stream.linear.scatter [tilespmem:s20], [sflag:$0x2], $0x4000, $0x38;
	[tilespmem:$0x1F000] =	vst v63  }
0x503: {  	s11 =	simm.s32 $0x9800;
	s0 =	sadd.s32 $0x800, s9  }
0x504: {  	[hbm4b:s0+s2] =	stream.linear.scatter [tilespmem:s11], [sflag:$0x2], $0x4000, $0x38;
	[tilespmem:$0x1F000] =	vst v63  }
0x505: {  	s13 =	rddreg [dreg:$0xd]  }
0x506: {  	[hbm4b:s13+s2] =	stream.linear.scatter [tilespmem:s31], [sflag:$0x2], $0x4000, $0x38;
	[tilespmem:$0x1F000] =	vst v63  }
0x507: {  	s15 =	simm.s32 $0x9400;
	s0 =	sadd.s32 $0x800, s13  }
0x508: {  	[hbm4b:s0+s2] =	stream.linear.scatter [tilespmem:s15], [sflag:$0x2], $0x4000, $0x38;
	[tilespmem:$0x1F000] =	vst v63  }
0x509: {  	s16 =	rddreg [dreg:$0xc]  }
0x50a: {  	[hbm4b:s16+s2] =	stream.linear.scatter [tilespmem:s21], [sflag:$0x2], $0x4000, $0x38;
	[tilespmem:$0x1F000] =	vst v63  }
0x50b: {  	s20 =	simm.s32 $0x9000;
	s0 =	sadd.s32 $0x800, s16  }
0x50c: {  	[hbm4b:s0+s2] =	stream.linear.scatter [tilespmem:s20], [sflag:$0x2], $0x4000, $0x38;
	[tilespmem:$0x1F000] =	vst v63  }
0x50d: {  	s22 =	simm.s32 $0x1000;
	s21 =	rddreg [dreg:$0xb]  }
0x50e: {  	[hbm4b:s21+s2] =	stream.linear.scatter [tilespmem:s22], [sflag:$0x2], $0x4000, $0x38;
	[tilespmem:$0x1F000] =	vst v63  }
0x50f: {  	s25 =	simm.s32 $0x8C00;
	s0 =	sadd.s32 $0x800, s21  }
0x510: {  	[hbm4b:s0+s2] =	stream.linear.scatter [tilespmem:s25], [sflag:$0x2], $0x4000, $0x38;
	[tilespmem:$0x1F000] =	vst v63  }
0x511: {  	s30 =	rddreg [dreg:$0xa]  }
0x512: {  	[hbm4b:s30+s2] =	stream.linear.scatter [tilespmem:s19], [sflag:$0x2], $0x4000, $0x38;
	[tilespmem:$0x1F000] =	vst v63  }
0x513: {  	s31 =	simm.s32 $0x8800;
	s0 =	sadd.s32 $0x800, s30  }
0x514: {  	[hbm4b:s0+s2] =	stream.linear.scatter [tilespmem:s31], [sflag:$0x2], $0x4000, $0x38;
	[tilespmem:$0x1F000] =	vst v63  }
0x515: {  	s7 =	rddreg [dreg:$0x9]  }
0x516: {  	[hbm4b:s7+s2] =	stream.linear.scatter [tilespmem:s18], [sflag:$0x2], $0x4000, $0x38;
	[tilespmem:$0x1F000] =	vst v63  }
0x517: {  	s9 =	simm.s32 $0x8400;
	s0 =	sadd.s32 $0x800, s7  }
0x518: {  	[hbm4b:s0+s2] =	stream.linear.scatter [tilespmem:s9], [sflag:$0x2], $0x4000, $0x38;
	[tilespmem:$0x1F000] =	vst v63  }
0x519: {  	s11 =	rddreg [dreg:$0x8]  }
0x51a: {  	[hbm4b:s11+s2] =	stream.linear.scatter [tilespmem:s3], [sflag:$0x2], $0x4000, $0x38;
	[tilespmem:$0x1F000] =	vst v63  }
0x51b: {  	s13 =	simm.s32 $0x8000;
	s0 =	sadd.s32 $0x800, s11  }
0x51c: {  	[hbm4b:s0+s2] =	stream.linear.scatter [tilespmem:s13], [sflag:$0x2], $0x4000, $0x38;
	[tilespmem:$0x1F000] =	vst v63  }
0x51d: {  	s15 =	rddreg [dreg:$0x7]  }
0x51e: {  	[hbm4b:s15+s2] =	stream.linear.scatter [tilespmem:s2], [sflag:$0x2], $0x4000, $0x38;
	[tilespmem:$0x1F000] =	vst v63  }
0x51f: {  	s16 =	simm.s32 $0x7C00;
	s0 =	sadd.s32 $0x800, s15  }
0x520: {  	[hbm4b:s0+s2] =	stream.linear.scatter [tilespmem:s16], [sflag:$0x2], $0x4000, $0x38;
	[tilespmem:$0x1F000] =	vst v63  }
0x521: {  	_ =	swait.ge [sflag:s4], $0x8000  }
0x522: {  	[sflag:s4] =	ssyncset.done $0x0  }
0x523: {  	[sflag:s4] =	ssyncadd.s32 $0xFFFF8000  }
0x524: {  	_ =	swait.ge [sflag:s4], $0x8000  }
0x525: {  	[sflag:s4] =	ssyncset.done $0x0  }
0x526: {  	[sflag:s4] =	ssyncadd.s32 $0xFFFF8000  }
0x527: {  	_ =	swait.ge [sflag:s4], $0x8000  }
0x528: {  	[sflag:s4] =	ssyncset.done $0x0  }
0x529: {  	[sflag:s4] =	ssyncadd.s32 $0xFFFF8000  }
0x52a: {  	_ =	swait.ge [sflag:s4], $0x8000  }
0x52b: {  	[sflag:s4] =	ssyncset.done $0x0  }
0x52c: {  	[sflag:s4] =	ssyncadd.s32 $0xFFFF8000  }
0x52d: {  	_ =	swait.ge [sflag:s4], $0x8000  }
0x52e: {  	[sflag:s4] =	ssyncset.done $0x0  }
0x52f: {  	[sflag:s4] =	ssyncadd.s32 $0xFFFF8000  }
0x530: {  	_ =	swait.ge [sflag:s4], $0x8000  }
0x531: {  	[sflag:s4] =	ssyncset.done $0x0  }
0x532: {  	[sflag:s4] =	ssyncadd.s32 $0xFFFF8000  }
0x533: {  	_ =	swait.ge [sflag:s4], $0x8000  }
0x534: {  	[sflag:s4] =	ssyncset.done $0x0  }
0x535: {  	[sflag:s4] =	ssyncadd.s32 $0xFFFF8000  }
0x536: {  	_ =	swait.ge [sflag:s4], $0x8000  }
0x537: {  	[sflag:s4] =	ssyncset.done $0x0  }
0x538: {  	[sflag:s4] =	ssyncadd.s32 $0xFFFF8000  }
0x539: {  	_ =	swait.ge [sflag:s4], $0x8000  }
0x53a: {  	[sflag:s4] =	ssyncset.done $0x0  }
0x53b: {  	[sflag:s4] =	ssyncadd.s32 $0xFFFF8000  }
0x53c: {  	_ =	swait.ge [sflag:s4], $0x8000  }
0x53d: {  	[sflag:s4] =	ssyncset.done $0x0  }
0x53e: {  	[sflag:s4] =	ssyncadd.s32 $0xFFFF8000  }
0x53f: {  	_ =	swait.ge [sflag:s4], $0x8000  }
0x540: {  	[sflag:s4] =	ssyncset.done $0x0  }
0x541: {  	[sflag:s4] =	ssyncadd.s32 $0xFFFF8000  }
0x542: {  	_ =	swait.ge [sflag:s4], $0x8000  }
0x543: {  	[sflag:s4] =	ssyncset.done $0x0  }
0x544: {  	[sflag:s4] =	ssyncadd.s32 $0xFFFF8000  }
0x545: {  	_ =	swait.ge [sflag:s4], $0x8000  }
0x546: {  	[sflag:s4] =	ssyncset.done $0x0  }
0x547: {  	[sflag:s4] =	ssyncadd.s32 $0xFFFF8000  }
0x548: {  	_ =	swait.ge [sflag:s4], $0x8000  }
0x549: {  	[sflag:s4] =	ssyncset.done $0x0  }
0x54a: {  	[sflag:s4] =	ssyncadd.s32 $0xFFFF8000  }
0x54b: {  	_ =	swait.ge [sflag:s4], $0x8000  }
0x54c: {  	[sflag:s4] =	ssyncset.done $0x0  }
0x54d: {  	[sflag:s4] =	ssyncadd.s32 $0xFFFF8000  }
0x54e: {  	_ =	swait.ge [sflag:s4], $0x8000  }
0x54f: {  	[sflag:s4] =	ssyncset.done $0x0  }
0x550: {  	s18 =	rddreg [dreg:$0x6];
	[sflag:s4] =	ssyncadd.s32 $0xFFFF8000  }
0x551: {  	[tilespmem:s12], [sflag:$0x1] =	stream.linear.gather [hbm4b:s18+s2], $0xF800, $0x38;
	[tilespmem:$0x1F000] =	vst v63  }
0x552: {  	_ =	swait.ge [sflag:s29], $0xF800  }
0x553: {  	[sflag:s29] =	ssyncset.done $0x0  }
0x554: {  	s19 =	simm.s32 $0x13400;
	[sflag:s29] =	ssyncadd.s32 $0xFFFF0800  }
0x555: {  	[hbm4b:s17+s2] =	stream.linear.scatter [tilespmem:s19], [sflag:$0x3], $0x4000, $0x38;
	[tilespmem:$0x1F000] =	vst v63  }
0x556: {  	s20 =	sadd.s32 $0x800, s17;
	s21 =	simm.s32 $0x1B000;
	s22 =	sld [smem:$0x7F2]  }
0x557: {  	[hbm4b:s20+s2] =	stream.linear.scatter [tilespmem:s21], [sflag:$0x3], $0x4000, $0x38;
	[tilespmem:$0x1F000] =	vst v63  }
0x558: {  	s25 =	simm.s32 $0x13000  }
0x559: {  	[hbm4b:s22+s2] =	stream.linear.scatter [tilespmem:s25], [sflag:$0x3], $0x4000, $0x38;
	[tilespmem:$0x1F000] =	vst v63  }
0x55a: {  	s30 =	sld [smem:$0x7F3];
	s29 =	simm.s32 $0x1AC00;
	s0 =	sadd.s32 $0x800, s22  }
0x55b: {  	[hbm4b:s0+s2] =	stream.linear.scatter [tilespmem:s29], [sflag:$0x3], $0x4000, $0x38;
	[tilespmem:$0x1F000] =	vst v63  }
0x55c: {  	s31 =	simm.s32 $0x12C00  }
0x55d: {  	[hbm4b:s30+s2] =	stream.linear.scatter [tilespmem:s31], [sflag:$0x3], $0x4000, $0x38;
	[tilespmem:$0x1F000] =	vst v63  }
0x55e: {  	s7 =	simm.s32 $0x1A800;
	s9 =	sld [smem:$0x7F4];
	s0 =	sadd.s32 $0x800, s30  }
0x55f: {  	[hbm4b:s0+s2] =	stream.linear.scatter [tilespmem:s7], [sflag:$0x3], $0x4000, $0x38;
	[tilespmem:$0x1F000] =	vst v63  }
0x560: {  	s11 =	simm.s32 $0x12800  }
0x561: {  	[hbm4b:s9+s2] =	stream.linear.scatter [tilespmem:s11], [sflag:$0x3], $0x4000, $0x38;
	[tilespmem:$0x1F000] =	vst v63  }
0x562: {  	s13 =	simm.s32 $0x1A400;
	s15 =	sld [smem:$0x7F5];
	s0 =	sadd.s32 $0x800, s9  }
0x563: {  	[hbm4b:s0+s2] =	stream.linear.scatter [tilespmem:s13], [sflag:$0x3], $0x4000, $0x38;
	[tilespmem:$0x1F000] =	vst v63  }
0x564: {  	s16 =	simm.s32 $0x12400  }
0x565: {  	[hbm4b:s15+s2] =	stream.linear.scatter [tilespmem:s16], [sflag:$0x3], $0x4000, $0x38;
	[tilespmem:$0x1F000] =	vst v63  }
0x566: {  	s18 =	sld [smem:$0x7F6];
	s17 =	simm.s32 $0x1A000;
	s0 =	sadd.s32 $0x800, s15  }
0x567: {  	[hbm4b:s0+s2] =	stream.linear.scatter [tilespmem:s17], [sflag:$0x3], $0x4000, $0x38;
	[tilespmem:$0x1F000] =	vst v63  }
0x568: {  	s19 =	simm.s32 $0x12000  }
0x569: {  	[hbm4b:s18+s2] =	stream.linear.scatter [tilespmem:s19], [sflag:$0x3], $0x4000, $0x38;
	[tilespmem:$0x1F000] =	vst v63  }
0x56a: {  	s20 =	simm.s32 $0x19C00;
	s21 =	sld [smem:$0x7F7];
	s0 =	sadd.s32 $0x800, s18  }
0x56b: {  	[hbm4b:s0+s2] =	stream.linear.scatter [tilespmem:s20], [sflag:$0x3], $0x4000, $0x38;
	[tilespmem:$0x1F000] =	vst v63  }
0x56c: {  	s22 =	simm.s32 $0x11C00  }
0x56d: {  	[hbm4b:s21+s2] =	stream.linear.scatter [tilespmem:s22], [sflag:$0x3], $0x4000, $0x38;
	[tilespmem:$0x1F000] =	vst v63  }
0x56e: {  	s25 =	simm.s32 $0x19800;
	s29 =	sld [smem:$0x7F8];
	s0 =	sadd.s32 $0x800, s21  }
0x56f: {  	[hbm4b:s0+s2] =	stream.linear.scatter [tilespmem:s25], [sflag:$0x3], $0x4000, $0x38;
	[tilespmem:$0x1F000] =	vst v63  }
0x570: {  	s30 =	simm.s32 $0x11800  }
0x571: {  	[hbm4b:s29+s2] =	stream.linear.scatter [tilespmem:s30], [sflag:$0x3], $0x4000, $0x38;
	[tilespmem:$0x1F000] =	vst v63  }
0x572: {  	s31 =	simm.s32 $0x19400;
	s7 =	sld [smem:$0x7F9];
	s0 =	sadd.s32 $0x800, s29  }
0x573: {  	[hbm4b:s0+s2] =	stream.linear.scatter [tilespmem:s31], [sflag:$0x3], $0x4000, $0x38;
	[tilespmem:$0x1F000] =	vst v63  }
0x574: {  	s9 =	simm.s32 $0x11400  }
0x575: {  	[hbm4b:s7+s2] =	stream.linear.scatter [tilespmem:s9], [sflag:$0x3], $0x4000, $0x38;
	[tilespmem:$0x1F000] =	vst v63  }
0x576: {  	s11 =	simm.s32 $0x19000;
	s13 =	sld [smem:$0x7FA];
	s0 =	sadd.s32 $0x800, s7  }
0x577: {  	[hbm4b:s0+s2] =	stream.linear.scatter [tilespmem:s11], [sflag:$0x3], $0x4000, $0x38;
	[tilespmem:$0x1F000] =	vst v63  }
0x578: {  	s15 =	simm.s32 $0x11000  }
0x579: {  	[hbm4b:s13+s2] =	stream.linear.scatter [tilespmem:s15], [sflag:$0x3], $0x4000, $0x38;
	[tilespmem:$0x1F000] =	vst v63  }
0x57a: {  	s16 =	simm.s32 $0x18C00;
	s17 =	sld [smem:$0x7FB];
	s0 =	sadd.s32 $0x800, s13  }
0x57b: {  	[hbm4b:s0+s2] =	stream.linear.scatter [tilespmem:s16], [sflag:$0x3], $0x4000, $0x38;
	[tilespmem:$0x1F000] =	vst v63  }
0x57c: {  	s18 =	simm.s32 $0x10C00  }
0x57d: {  	[hbm4b:s17+s2] =	stream.linear.scatter [tilespmem:s18], [sflag:$0x3], $0x4000, $0x38;
	[tilespmem:$0x1F000] =	vst v63  }
0x57e: {  	s19 =	simm.s32 $0x18800;
	s20 =	sld [smem:$0x7FC];
	s0 =	sadd.s32 $0x800, s17  }
0x57f: {  	[hbm4b:s0+s2] =	stream.linear.scatter [tilespmem:s19], [sflag:$0x3], $0x4000, $0x38;
	[tilespmem:$0x1F000] =	vst v63  }
0x580: {  	s21 =	simm.s32 $0x10800  }
0x581: {  	[hbm4b:s20+s2] =	stream.linear.scatter [tilespmem:s21], [sflag:$0x3], $0x4000, $0x38;
	[tilespmem:$0x1F000] =	vst v63  }
0x582: {  	s0 =	sadd.s32 $0x800, s20  }
0x583: {  	[hbm4b:s0+s2] =	stream.linear.scatter [tilespmem:s23], [sflag:$0x3], $0x4000, $0x38;
	[tilespmem:$0x1F000] =	vst v63  }
0x584: {  	s22 =	simm.s32 $0x10400  }
0x585: {  	[hbm4b:s6+s2] =	stream.linear.scatter [tilespmem:s22], [sflag:$0x3], $0x4000, $0x38;
	[tilespmem:$0x1F000] =	vst v63  }
0x586: {  	s23 =	sadd.s32 $0x800, s6  }
0x587: {  	[hbm4b:s23+s2] =	stream.linear.scatter [tilespmem:s24], [sflag:$0x3], $0x4000, $0x38;
	[tilespmem:$0x1F000] =	vst v63  }
0x588: {  	_ = 	snop  }
0x589: {  	[hbm4b:s8+s2] =	stream.linear.scatter [tilespmem:s1], [sflag:$0x3], $0x4000, $0x38;
	[tilespmem:$0x1F000] =	vst v63  }
0x58a: {  	s25 =	simm.s32 $0x17C00;
	s24 =	sadd.s32 $0x800, s8  }
0x58b: {  	[hbm4b:s24+s2] =	stream.linear.scatter [tilespmem:s25], [sflag:$0x3], $0x4000, $0x38;
	[tilespmem:$0x1F000] =	vst v63  }
0x58c: {  	_ = 	snop  }
0x58d: {  	[hbm4b:s26+s2] =	stream.linear.scatter [tilespmem:s10], [sflag:$0x3], $0x4000, $0x38;
	[tilespmem:$0x1F000] =	vst v63  }
0x58e: {  	s29 =	simm.s32 $0x17800;
	s26 =	sadd.s32 $0x800, s26  }
0x58f: {  	[hbm4b:s26+s2] =	stream.linear.scatter [tilespmem:s29], [sflag:$0x3], $0x4000, $0x38;
	[tilespmem:$0x1F000] =	vst v63  }
0x590: {  	_ = 	snop  }
0x591: {  	[hbm4b:s28+s2] =	stream.linear.scatter [tilespmem:s12], [sflag:$0x3], $0x4000, $0x38;
	[tilespmem:$0x1F000] =	vst v63  }
0x592: {  	s30 =	sadd.s32 $0x800, s28  }
0x593: {  	[hbm4b:s30+s2] =	stream.linear.scatter [tilespmem:s5], [sflag:$0x3], $0x4000, $0x38;
	[tilespmem:$0x1F000] =	vst v63  }
0x594: {  	_ =	swait.ge [sflag:s14], $0x8000  }
0x595: {  	[sflag:s14] =	ssyncset.done $0x0  }
0x596: {  	[sflag:s14] =	ssyncadd.s32 $0xFFFF8000  }
0x597: {  	_ =	swait.ge [sflag:s14], $0x8000  }
0x598: {  	[sflag:s14] =	ssyncset.done $0x0  }
0x599: {  	[sflag:s14] =	ssyncadd.s32 $0xFFFF8000  }
0x59a: {  	_ =	swait.ge [sflag:s14], $0x8000  }
0x59b: {  	[sflag:s14] =	ssyncset.done $0x0  }
0x59c: {  	[sflag:s14] =	ssyncadd.s32 $0xFFFF8000  }
0x59d: {  	_ =	swait.ge [sflag:s14], $0x8000  }
0x59e: {  	[sflag:s14] =	ssyncset.done $0x0  }
0x59f: {  	[sflag:s14] =	ssyncadd.s32 $0xFFFF8000  }
0x5a0: {  	_ =	swait.ge [sflag:s14], $0x8000  }
0x5a1: {  	[sflag:s14] =	ssyncset.done $0x0  }
0x5a2: {  	[sflag:s14] =	ssyncadd.s32 $0xFFFF8000  }
0x5a3: {  	_ =	swait.ge [sflag:s14], $0x8000  }
0x5a4: {  	[sflag:s14] =	ssyncset.done $0x0  }
0x5a5: {  	[sflag:s14] =	ssyncadd.s32 $0xFFFF8000  }
0x5a6: {  	_ =	swait.ge [sflag:s14], $0x8000  }
0x5a7: {  	[sflag:s14] =	ssyncset.done $0x0  }
0x5a8: {  	[sflag:s14] =	ssyncadd.s32 $0xFFFF8000  }
0x5a9: {  	_ =	swait.ge [sflag:s14], $0x8000  }
0x5aa: {  	[sflag:s14] =	ssyncset.done $0x0  }
0x5ab: {  	[sflag:s14] =	ssyncadd.s32 $0xFFFF8000  }
0x5ac: {  	_ =	swait.ge [sflag:s14], $0x8000  }
0x5ad: {  	[sflag:s14] =	ssyncset.done $0x0  }
0x5ae: {  	[sflag:s14] =	ssyncadd.s32 $0xFFFF8000  }
0x5af: {  	_ =	swait.ge [sflag:s14], $0x8000  }
0x5b0: {  	[sflag:s14] =	ssyncset.done $0x0  }
0x5b1: {  	[sflag:s14] =	ssyncadd.s32 $0xFFFF8000  }
0x5b2: {  	_ =	swait.ge [sflag:s14], $0x8000  }
0x5b3: {  	[sflag:s14] =	ssyncset.done $0x0  }
0x5b4: {  	[sflag:s14] =	ssyncadd.s32 $0xFFFF8000  }
0x5b5: {  	_ =	swait.ge [sflag:s14], $0x8000  }
0x5b6: {  	[sflag:s14] =	ssyncset.done $0x0  }
0x5b7: {  	[sflag:s14] =	ssyncadd.s32 $0xFFFF8000  }
0x5b8: {  	_ =	swait.ge [sflag:s14], $0x8000  }
0x5b9: {  	[sflag:s14] =	ssyncset.done $0x0  }
0x5ba: {  	[sflag:s14] =	ssyncadd.s32 $0xFFFF8000  }
0x5bb: {  	_ =	swait.ge [sflag:s14], $0x8000  }
0x5bc: {  	[sflag:s14] =	ssyncset.done $0x0  }
0x5bd: {  	[sflag:s14] =	ssyncadd.s32 $0xFFFF8000  }
0x5be: {  	_ =	swait.ge [sflag:s14], $0x8000  }
0x5bf: {  	[sflag:s14] =	ssyncset.done $0x0  }
0x5c0: {  	[sflag:s14] =	ssyncadd.s32 $0xFFFF8000  }
0x5c1: {  	_ =	swait.ge [sflag:s14], $0x8000  }
0x5c2: {  	[sflag:s14] =	ssyncset.done $0x0  }
0x5c3: {  	[sflag:s14] =	ssyncadd.s32 $0xFFFF8000  }
0x5c4: {  	_ =	swait.ge [sflag:s4], $0x8000  }
0x5c5: {  	[sflag:s4] =	ssyncset.done $0x0  }
0x5c6: {  	[sflag:s4] =	ssyncadd.s32 $0xFFFF8000  }
0x5c7: {  	_ =	swait.ge [sflag:s4], $0x8000  }
0x5c8: {  	[sflag:s4] =	ssyncset.done $0x0  }
0x5c9: {  	[sflag:s4] =	ssyncadd.s32 $0xFFFF8000  }
0x5ca: {  	_ =	swait.ge [sflag:s4], $0x8000  }
0x5cb: {  	[sflag:s4] =	ssyncset.done $0x0  }
0x5cc: {  	[sflag:s4] =	ssyncadd.s32 $0xFFFF8000  }
0x5cd: {  	_ =	swait.ge [sflag:s4], $0x8000  }
0x5ce: {  	[sflag:s4] =	ssyncset.done $0x0  }
0x5cf: {  	[sflag:s4] =	ssyncadd.s32 $0xFFFF8000  }
0x5d0: {  	_ =	swait.ge [sflag:s4], $0x8000  }
0x5d1: {  	[sflag:s4] =	ssyncset.done $0x0  }
0x5d2: {  	[sflag:s4] =	ssyncadd.s32 $0xFFFF8000  }
0x5d3: {  	_ =	swait.ge [sflag:s4], $0x8000  }
0x5d4: {  	[sflag:s4] =	ssyncset.done $0x0  }
0x5d5: {  	[sflag:s4] =	ssyncadd.s32 $0xFFFF8000  }
0x5d6: {  	_ =	swait.ge [sflag:s4], $0x8000  }
0x5d7: {  	[sflag:s4] =	ssyncset.done $0x0  }
0x5d8: {  	[sflag:s4] =	ssyncadd.s32 $0xFFFF8000  }
0x5d9: {  	_ =	swait.ge [sflag:s4], $0x8000  }
0x5da: {  	[sflag:s4] =	ssyncset.done $0x0  }
0x5db: {  	[sflag:s4] =	ssyncadd.s32 $0xFFFF8000  }
0x5dc: {  	_ =	swait.ge [sflag:s4], $0x8000  }
0x5dd: {  	[sflag:s4] =	ssyncset.done $0x0  }
0x5de: {  	[sflag:s4] =	ssyncadd.s32 $0xFFFF8000  }
0x5df: {  	_ =	swait.ge [sflag:s4], $0x8000  }
0x5e0: {  	[sflag:s4] =	ssyncset.done $0x0  }
0x5e1: {  	[sflag:s4] =	ssyncadd.s32 $0xFFFF8000  }
0x5e2: {  	_ =	swait.ge [sflag:s4], $0x8000  }
0x5e3: {  	[sflag:s4] =	ssyncset.done $0x0  }
0x5e4: {  	[sflag:s4] =	ssyncadd.s32 $0xFFFF8000  }
0x5e5: {  	_ =	swait.ge [sflag:s4], $0x8000  }
0x5e6: {  	[sflag:s4] =	ssyncset.done $0x0  }
0x5e7: {  	[sflag:s4] =	ssyncadd.s32 $0xFFFF8000  }
0x5e8: {  	_ =	swait.ge [sflag:s4], $0x8000  }
0x5e9: {  	[sflag:s4] =	ssyncset.done $0x0  }
0x5ea: {  	[sflag:s4] =	ssyncadd.s32 $0xFFFF8000  }
0x5eb: {  	_ =	swait.ge [sflag:s4], $0x8000  }
0x5ec: {  	[sflag:s4] =	ssyncset.done $0x0  }
0x5ed: {  	[sflag:s4] =	ssyncadd.s32 $0xFFFF8000  }
0x5ee: {  	_ =	swait.ge [sflag:s4], $0x8000  }
0x5ef: {  	[sflag:s4] =	ssyncset.done $0x0  }
0x5f0: {  	[sflag:s4] =	ssyncadd.s32 $0xFFFF8000  }
0x5f1: {  	_ =	swait.ge [sflag:s4], $0x8000  }
0x5f2: {  	[sflag:s4] =	ssyncset.done $0x0  }
0x5f3: {  	[sflag:s4] =	ssyncadd.s32 $0xFFFF8000  }
0x5f4: {  	_ =	sfence.sel $0x180000  }
0x5f5: {  	[bflag:$0x0] =	sbarrier.arrive $0xFFFF  }
0x5f6: {  	_ =	strace $0x90000047  }
0x5f7: {  	s31 =	stileid.u32;
	[bflag:$0x2] =	sbarrier.arrive $0xFFFF  }
0x5f8: {  	p0 =	sne.s32 s31, $0x0;
	s0 =	rddreg [dreg:$0x2]  }
0x5f9: {  	s0 =	sadd.s32 @!p0 $0x100000, s0  }
0x5fa: {  	[sflag:s0] =	ssyncadd.tile.s32 @!p0 $0x1;
	_ =	shalt  }
.LBB2_1:
.Ltmp3:
0x5fb: {  	s0 =	sld [smem:$0x7FD];
	(pc) =	sbr.rel .LBB2_6-.Ltmp3, $4  }
0x5fc: {  	s16 =	sld [smem:$0x7DC]  }
0x5fd: {  	s25 =	sld [smem:$0x7DD]  }
0x5fe: {  	s13 =	sld [smem:$0x7E2]  }
0x5ff: {  	s1 =	sld [smem:$0x7E3]  }
.LBB2_7:
0x600: {  	s0 =	sld [smem:$0x7FD]  }
0x601: {  	s16 =	sld [smem:$0x7DC]  }
0x602: {  	s25 =	sld [smem:$0x7DD]  }
0x603: {  	s13 =	sld [smem:$0x7E2]  }
0x604: {  	s1 =	sld [smem:$0x7E3]  }
0x605: {  	s17 =	sld [smem:$0x7CE]  }
0x606: {  	s28 =	sld [smem:$0x7D9]  }
0x607: {  	s26 =	sld [smem:$0x7D7]  }
0x608: {  	s8 =	sld [smem:$0x7D5]  }
.Ltmp4:
0x609: {  	s6 =	sld [smem:$0x7D3];
	s10 =	simm.s32 $0xFC00;
	(pc) =	sbr.rel .LBB2_6-.Ltmp4, $4  }
0x60a: {  	s24 =	simm.s32 $0x18000;
	s23 =	simm.s32 $0x18400;
	s3 =	simm.s32 $0x8400  }
0x60b: {  	s18 =	simm.s32 $0x8800;
	s19 =	simm.s32 $0x8C00;
	s21 =	simm.s32 $0x9400  }
0x60c: {  	s31 =	simm.s32 $0x9800;
	s20 =	simm.s32 $0x9C00;
	s9 =	simm.s32 $0xA000  }
0x60d: {  	s22 =	simm.s32 $0xA400;
	s11 =	simm.s32 $0xB800;
	s7 =	simm.s32 $0x3C00  }
.Lfunc_end2:
_tile_overlayer_lowered:
.L_overlay_start_2:
0x60e: {  	(tag) =	ssettag $0x2  }
0x60f: {  	s0 =	rddreg [dreg:$0x0];
	s2 =	stileid.u32  }
0x610: {  	s1 =	rddreg [dreg:$0x1];
	p0 =	sne.s32 s2, $0x0  }
0x611: {  	s3 =	rddreg [dreg:$0x2];
	[bflag:$0x3] =	sbarrier.arrive $0xFFFF;
	s2 =	simm.s32 @!p0 $0x1C04  }
0x612: {  	[timem:s3], [sflag:s2] =	dma.local @!p0 [hbm:s0], s1  }
0x613: {  	s0 =	simm.s32 @!p0 $0x4  }
0x614: {  	_ =	swait.ge @!p0 [sflag:s0], s1  }
0x615: {  	s1 =	ssub.s32 @!p0 $0x0, s1;
	[sflag:s0] =	ssyncset.done @!p0 $0x0  }
0x616: {  	[sflag:s0] =	ssyncadd.s32 @!p0 s1  }
0x617: {  	[bflag:$0x3] =	sbarrier.arrive $0xFFFF  }
0x618: {  	_ =	shalt  }

</sc_bundles>
